<compile_context>
chip_gen: v7x
topology: tpu7x:2x2x1
jax: 0.10.2.dev20260603
libtpu: 0.0.44.dev20260713+nightly
codegen_flags: <defaults>
</compile_context>

<pallas_src>
import functools

import jax
import jax.numpy as jnp
from jax import lax
from jax.experimental import pallas as pl
from jax.experimental.pallas import tpu as pltpu
from jax.experimental.pallas import tpu_sc as plsc

N = 10000
E = 160000
IN_DIM = 256
HIDDEN = 512
OUT_DIM = 256

LANE = 128
NC, NS = 2, 16
EB = 128
NACC = 10112
ROWS_Z = NACC // NS
ROWS_O = N // NS

NB = 80
E_PAD = NS * NB * EB
NBD = 40
E_PADD = NC * NS * NBD * EB

BM = 2000



def _deg_body(dst2_hbm, zdeg_hbm, out_hbm, dacc, idx_v, ones_v, dbuf):
    cid = lax.axis_index("c")
    sid = lax.axis_index("s")
    wid = cid * NS + sid
    pltpu.sync_copy(zdeg_hbm.at[pl.ds(sid * ROWS_Z, ROWS_Z)], dbuf)
    pltpu.sync_copy(dbuf, dacc.at[pl.ds(sid * ROWS_Z, ROWS_Z)])
    for k in range(EB // 16):
        ones_v[pl.ds(16 * k, 16)] = jnp.ones((16,), jnp.float32)
    pltpu.sync_copy(dst2_hbm.at[pl.ds(wid * NBD, NBD)], idx_v)
    plsc.subcore_barrier()

    def step(j, carry):
        pltpu.sync_copy(ones_v, dacc.at[idx_v.at[j]], add=True)
        return carry

    lax.fori_loop(0, NBD, step, 0)
    plsc.subcore_barrier()
    pltpu.sync_copy(dacc.at[pl.ds(sid * ROWS_Z, ROWS_Z)], dbuf)
    pltpu.sync_copy(dbuf, out_hbm.at[pl.ds(cid * NACC + sid * ROWS_Z, ROWS_Z)])


_deg_kernel = functools.partial(
    pl.kernel,
    out_type=jax.ShapeDtypeStruct((NC * NACC,), jnp.float32),
    mesh=plsc.VectorSubcoreMesh(core_axis_name="c", subcore_axis_name="s", num_cores=NC, num_subcores=NS),
    scratch_types=[
        pltpu.VMEM_SHARED((NACC,), jnp.float32),
        pltpu.VMEM((NBD, EB), jnp.int32),
        pltpu.VMEM((EB,), jnp.float32),
        pltpu.VMEM((ROWS_Z,), jnp.float32),
    ],
)(_deg_body)


def _make_agg(C):
    cpc = C // NC

    pieces = [(o, min(EB, ROWS_Z - o)) for o in range(0, ROWS_Z, EB)]

    def body(g2d_hbm, src3_hbm, dst2_hbm, z2d_hbm, out_hbm,
             acc, sidx, didx, rows):
        cid = lax.axis_index("c")
        sid = lax.axis_index("s")
        for i in range(cpc):
            ck = cid + NC * i
            for off, sz in pieces:
                pltpu.sync_copy(z2d_hbm.at[pl.ds(0, sz)],
                                rows.at[pl.ds(0, sz)])
                pltpu.sync_copy(rows.at[pl.ds(0, sz)],
                                acc.at[pl.ds(sid * ROWS_Z + off, sz)])
            pltpu.sync_copy(src3_hbm.at[ck, pl.ds(sid * NB, NB)], sidx)
            pltpu.sync_copy(dst2_hbm.at[pl.ds(sid * NB, NB)], didx)
            plsc.subcore_barrier()

            def step(j, carry):
                pltpu.sync_copy(g2d_hbm.at[sidx.at[j]], rows)
                pltpu.sync_copy(rows, acc.at[didx.at[j]], add=True)
                return carry

            lax.fori_loop(0, NB, step, 0)
            plsc.subcore_barrier()
            for off, sz in pieces:
                pltpu.sync_copy(acc.at[pl.ds(sid * ROWS_Z + off, sz)],
                                rows.at[pl.ds(0, sz)])
                pltpu.sync_copy(rows.at[pl.ds(0, sz)],
                                out_hbm.at[ck, pl.ds(sid * ROWS_Z + off, sz)])
            plsc.subcore_barrier()

    return functools.partial(
        pl.kernel,
        out_type=jax.ShapeDtypeStruct((C, NACC, LANE), jnp.float32),
        mesh=plsc.VectorSubcoreMesh(core_axis_name="c", subcore_axis_name="s", num_cores=NC, num_subcores=NS),
        scratch_types=[
            pltpu.VMEM_SHARED((NACC, LANE), jnp.float32),
            pltpu.VMEM((NB, EB), jnp.int32),
            pltpu.VMEM((NB, EB), jnp.int32),
            pltpu.VMEM((EB, LANE), jnp.float32),
        ],
    )(body)


_agg4 = _make_agg(4)
_agg2 = _make_agg(2)



def _dis_of(degt_ref):
    return lax.rsqrt(degt_ref[:, 0:1] + degt_ref[:, 1:2] + 1.0)


def _tc1_body(degt_ref, x_ref, w_ref, o_ref):
    dis = _dis_of(degt_ref)
    h = jnp.dot(x_ref[...], w_ref[...], preferred_element_type=jnp.float32)
    o_ref[0] = dis * h


def _tc2_body(degt_ref, agg_ref, g_ref, b_ref, w_ref, o_ref):
    dis = _dis_of(degt_ref)
    acc = jnp.zeros((BM, LANE), jnp.float32)
    for c in range(HIDDEN // LANE):
        h = dis * (agg_ref[c] + g_ref[c]) + b_ref[c]
        h = jnp.maximum(h, 0.0)
        acc = acc + jnp.dot(h, w_ref[c], preferred_element_type=jnp.float32)
    o_ref[0] = dis * acc


def _tc3_body(degt_ref, agg_ref, g_ref, b_ref, o_ref):
    dis = _dis_of(degt_ref)
    left = dis * (agg_ref[0] + g_ref[0]) + b_ref[0]
    right = dis * (agg_ref[1] + g_ref[1]) + b_ref[1]
    o_ref[...] = jnp.concatenate([left, right], axis=1)


_C1 = HIDDEN // LANE
_C2 = OUT_DIM // LANE
_GM = N // BM

_tc1 = pl.pallas_call(
    _tc1_body,
    grid=(_GM, _C1),
    in_specs=[
        pl.BlockSpec((BM, 2), lambda i, j: (i, 0)),
        pl.BlockSpec((BM, IN_DIM), lambda i, j: (i, 0)),
        pl.BlockSpec((IN_DIM, LANE), lambda i, j: (0, j)),
    ],
    out_specs=pl.BlockSpec((1, BM, LANE), lambda i, j: (j, i, 0)),
    out_shape=jax.ShapeDtypeStruct((_C1, N, LANE), jnp.float32),
)

_tc2 = pl.pallas_call(
    _tc2_body,
    grid=(_GM, _C2),
    in_specs=[
        pl.BlockSpec((BM, 2), lambda i, j: (i, 0)),
        pl.BlockSpec((_C1, BM, LANE), lambda i, j: (0, i, 0)),
        pl.BlockSpec((_C1, BM, LANE), lambda i, j: (0, i, 0)),
        pl.BlockSpec((_C1, 1, LANE), lambda i, j: (0, 0, 0)),
        pl.BlockSpec((_C1, LANE, LANE), lambda i, j: (0, 0, j)),
    ],
    out_specs=pl.BlockSpec((1, BM, LANE), lambda i, j: (j, i, 0)),
    out_shape=jax.ShapeDtypeStruct((_C2, N, LANE), jnp.float32),
)

_tc3 = pl.pallas_call(
    _tc3_body,
    grid=(_GM,),
    in_specs=[
        pl.BlockSpec((BM, 2), lambda i: (i, 0)),
        pl.BlockSpec((_C2, BM, LANE), lambda i: (0, i, 0)),
        pl.BlockSpec((_C2, BM, LANE), lambda i: (0, i, 0)),
        pl.BlockSpec((_C2, 1, LANE), lambda i: (0, 0, 0)),
    ],
    out_specs=pl.BlockSpec((BM, OUT_DIM), lambda i: (i, 0)),
    out_shape=jax.ShapeDtypeStruct((N, OUT_DIM), jnp.float32),
)



def kernel(x, edge_index, W1, b1, W2, b2):
    src = edge_index[0].astype(jnp.int32)
    dst = edge_index[1].astype(jnp.int32)

    dstd = jnp.concatenate(
        [dst, jnp.full((E_PADD - E,), N, jnp.int32)]).reshape(-1, EB)
    zdeg = jnp.zeros((NACC,), jnp.float32)
    degp = _deg_kernel(dstd, zdeg).reshape(NC, NACC)
    degt = degp[:, :N].T

    srcp = jnp.concatenate([src, jnp.zeros((E_PAD - E,), jnp.int32)])
    dst2 = jnp.concatenate(
        [dst, jnp.full((E_PAD - E,), N, jnp.int32)]).reshape(-1, EB)
    off1 = (jnp.arange(_C1, dtype=jnp.int32) * N)[:, None]
    off2 = (jnp.arange(_C2, dtype=jnp.int32) * N)[:, None]
    src31 = (srcp[None, :] + off1).reshape(_C1, -1, EB)
    src32 = (srcp[None, :] + off2).reshape(_C2, -1, EB)
    z2d = jnp.zeros((EB, LANE), jnp.float32)

    g1 = _tc1(degt, x, W1)
    agg1 = _agg4(g1.reshape(_C1 * N, LANE), src31, dst2, z2d)
    g2 = _tc2(degt, agg1, g1, b1.reshape(_C1, 1, LANE),
              W2.reshape(_C1, LANE, OUT_DIM))
    agg2 = _agg2(g2.reshape(_C2 * N, LANE), src32, dst2, z2d)
    out = _tc3(degt, agg2, g2, b2.reshape(_C2, 1, LANE))
    return out

# --- scband reference (transcript-rebuilt; emitter-appended) ---
"""Pipeline reference for scband-simple-gcn-56727928046174 (READ-ONLY COPY).

The authoritative reference and input builder live on the scoring server;
editing this copy changes nothing except your own understanding.
"""

import jax, jax.numpy as jnp
import numpy as np

N = 10000
E = 160000
IN_DIM = 256
HIDDEN = 512
OUT_DIM = 256


def setup_inputs(seed: int = 0) -> dict:
    key = jax.random.key(seed)
    k1, k2, k3, k4 = jax.random.split(key, 4)
    x = jax.random.normal(k1, (N, IN_DIM), dtype=jnp.float32)
    edge_index = jax.random.randint(k2, (2, E), 0, N, dtype=jnp.int32)
    # GCNConv learned params (glorot-like scale); PyG GCNConv has bias by default
    W1 = jax.random.normal(k3, (IN_DIM, HIDDEN), dtype=jnp.float32) * (1.0 / np.sqrt(IN_DIM))
    b1 = jnp.zeros((HIDDEN,), dtype=jnp.float32)
    W2 = jax.random.normal(k4, (HIDDEN, OUT_DIM), dtype=jnp.float32) * (1.0 / np.sqrt(HIDDEN))
    b2 = jnp.zeros((OUT_DIM,), dtype=jnp.float32)
    return {"x": x, "edge_index": edge_index, "W1": W1, "b1": b1, "W2": W2, "b2": b2}


def _gcn_layer(x, src, dst, W, b, n):
    # GCNConv: x' = D^{-1/2} (A + I) D^{-1/2} X W + b  (symmetric norm, self-loops)
    h = x @ W
    loop = jnp.arange(n, dtype=src.dtype)
    s = jnp.concatenate([src, loop])
    d = jnp.concatenate([dst, loop])
    deg = jnp.zeros((n,), dtype=x.dtype).at[d].add(1.0)
    deg_inv_sqrt = jnp.where(deg > 0, jax.lax.rsqrt(jnp.maximum(deg, 1e-12)), 0.0)
    norm = deg_inv_sqrt[s] * deg_inv_sqrt[d]
    msgs = h[s] * norm[:, None]
    out = jnp.zeros((n, W.shape[1]), dtype=x.dtype).at[d].add(msgs)
    return out + b


def reference(x, edge_index, W1, b1, W2, b2):
    src = edge_index[0]
    dst = edge_index[1]
    n = x.shape[0]
    h = _gcn_layer(x, src, dst, W1, b1, n)
    h = jax.nn.relu(h)
    out = _gcn_layer(h, src, dst, W2, b2, n)
    return out

if __name__ == "__main__":
    import jax
    _d = setup_inputs()
    print(jax.jit(kernel)(*tuple(_d.values())))

</pallas_src>

<mosaic_0001>
#map = affine_map<(d0, d1) -> (0, 0)>
#map1 = affine_map<(d0, d1) -> (0)>
module attributes {stable_mosaic.version = 14 : i64} {
  func.func @_deg_body(%arg0: i32, %arg1: i32, %arg2: memref<1280x128xi32, #tpu.memory_space<hbm>>, %arg3: memref<10112xf32, #tpu.memory_space<hbm>>, %arg4: memref<20224xf32, #tpu.memory_space<hbm>>, %arg5: memref<10112xf32, #tpu.memory_space<vmem_shared>>, %arg6: memref<40x128xi32, #tpu.memory_space<vmem>>, %arg7: memref<128xf32, #tpu.memory_space<vmem>>, %arg8: memref<632xf32, #tpu.memory_space<vmem>>) attributes {dimension_semantics = [#tpu.dimension_semantics<core_parallel>, #tpu.dimension_semantics<subcore_parallel>], iteration_bounds = array<i64: 2, 16>, scalar_prefetch = 0 : i64, scratch_operands = 4 : i64, tpu.core_type = #tpu.core_type<sc_vector_subcore>, window_params = [{transform_indices = #map}, {transform_indices = #map1}, {transform_indices = #map1}]} {
    %mul3A = arith.constant 16 : i32
    %mul3A_0 = arith.muli %arg0, %mul3A : i32
    %add3A = arith.addi %mul3A_0, %arg1 : i32
    %mul3A_1 = arith.constant 632 : i32
    %mul3A_2 = arith.muli %arg1, %mul3A_1 : i32
    "tpu.region"() ({
      %run_scoped3A = tpu.sem_alloc : memref<!tpu.dma_semaphore, #tpu.memory_space<semaphore_mem>>
      %dma_start3A = tpu.memref_slice %arg3[%mul3A_2] : memref<10112xf32, #tpu.memory_space<hbm>> -> memref<632xf32, #tpu.memory_space<hbm>>
      %dma_start3A_66 = tpu.memref_slice %arg3[%mul3A_2] : memref<10112xf32, #tpu.memory_space<hbm>> -> memref<632xf32, #tpu.memory_space<hbm>>
      tpu.enqueue_dma source(%dma_start3A_66 : memref<632xf32, #tpu.memory_space<hbm>>) target(%arg8 : memref<632xf32, #tpu.memory_space<vmem>>) target_semaphore(%run_scoped3A : memref<!tpu.dma_semaphore, #tpu.memory_space<semaphore_mem>>)
      %dma_wait3A = tpu.memref_slice %arg3[%mul3A_2] : memref<10112xf32, #tpu.memory_space<hbm>> -> memref<632xf32, #tpu.memory_space<hbm>>
      %dma_wait3A_67 = tpu.memref_slice %arg3[%mul3A_2] : memref<10112xf32, #tpu.memory_space<hbm>> -> memref<632xf32, #tpu.memory_space<hbm>>
      tpu.wait_dma2 semaphore(%run_scoped3A : memref<!tpu.dma_semaphore, #tpu.memory_space<semaphore_mem>>) src(%dma_wait3A_67 : memref<632xf32, #tpu.memory_space<hbm>>) dst(%arg8 : memref<632xf32, #tpu.memory_space<vmem>>)
      tpu.yield
    }) : () -> ()
    %mul3A_3 = arith.constant 632 : i32
    %mul3A_4 = arith.muli %arg1, %mul3A_3 : i32
    "tpu.region"() ({
      %run_scoped3A = tpu.sem_alloc : memref<!tpu.dma_semaphore, #tpu.memory_space<semaphore_mem>>
      %dma_start3A = tpu.memref_slice %arg5[%mul3A_4] : memref<10112xf32, #tpu.memory_space<vmem_shared>> -> memref<632xf32, #tpu.memory_space<vmem_shared>>
      %dma_start3A_66 = tpu.memref_slice %arg5[%mul3A_4] : memref<10112xf32, #tpu.memory_space<vmem_shared>> -> memref<632xf32, #tpu.memory_space<vmem_shared>>
      tpu.enqueue_dma source(%arg8 : memref<632xf32, #tpu.memory_space<vmem>>) target(%dma_start3A_66 : memref<632xf32, #tpu.memory_space<vmem_shared>>) target_semaphore(%run_scoped3A : memref<!tpu.dma_semaphore, #tpu.memory_space<semaphore_mem>>)
      %dma_wait3A = tpu.memref_slice %arg5[%mul3A_4] : memref<10112xf32, #tpu.memory_space<vmem_shared>> -> memref<632xf32, #tpu.memory_space<vmem_shared>>
      %dma_wait3A_67 = tpu.memref_slice %arg5[%mul3A_4] : memref<10112xf32, #tpu.memory_space<vmem_shared>> -> memref<632xf32, #tpu.memory_space<vmem_shared>>
      tpu.wait_dma2 semaphore(%run_scoped3A : memref<!tpu.dma_semaphore, #tpu.memory_space<semaphore_mem>>) src(%arg8 : memref<632xf32, #tpu.memory_space<vmem>>) dst(%dma_wait3A_67 : memref<632xf32, #tpu.memory_space<vmem_shared>>)
      tpu.yield
    }) : () -> ()
    %broadcast_in_dim3A = arith.constant 1.000000e+00 : f32
    %broadcast_in_dim3A_5 = vector.broadcast %broadcast_in_dim3A : f32 to vector<16xf32>
    %swap3A = arith.constant 0 : index
    %swap3A_6 = tpu.vector_load %arg7[%swap3A] {strides = array<i32>} : memref<128xf32, #tpu.memory_space<vmem>>, vector<16xf32>,
    %swap3A_7 = vector.shape_cast %swap3A_6 : vector<16xf32> to vector<16xf32>
    %swap3A_8 = vector.shape_cast %broadcast_in_dim3A_5 : vector<16xf32> to vector<16xf32>
    tpu.vector_store %arg7[%swap3A], %swap3A_8 {strides = array<i32>} : memref<128xf32, #tpu.memory_space<vmem>>, vector<16xf32>,
    %broadcast_in_dim3A_9 = arith.constant 1.000000e+00 : f32
    %broadcast_in_dim3A_10 = vector.broadcast %broadcast_in_dim3A_9 : f32 to vector<16xf32>
    %swap3A_11 = arith.constant 16 : index
    %swap3A_12 = tpu.vector_load %arg7[%swap3A_11] {strides = array<i32>} : memref<128xf32, #tpu.memory_space<vmem>>, vector<16xf32>,
    %swap3A_13 = vector.shape_cast %swap3A_12 : vector<16xf32> to vector<16xf32>
    %swap3A_14 = vector.shape_cast %broadcast_in_dim3A_10 : vector<16xf32> to vector<16xf32>
    tpu.vector_store %arg7[%swap3A_11], %swap3A_14 {strides = array<i32>} : memref<128xf32, #tpu.memory_space<vmem>>, vector<16xf32>,
    %broadcast_in_dim3A_15 = arith.constant 1.000000e+00 : f32
    %broadcast_in_dim3A_16 = vector.broadcast %broadcast_in_dim3A_15 : f32 to vector<16xf32>
    %swap3A_17 = arith.constant 32 : index
    %swap3A_18 = tpu.vector_load %arg7[%swap3A_17] {strides = array<i32>} : memref<128xf32, #tpu.memory_space<vmem>>, vector<16xf32>,
    %swap3A_19 = vector.shape_cast %swap3A_18 : vector<16xf32> to vector<16xf32>
    %swap3A_20 = vector.shape_cast %broadcast_in_dim3A_16 : vector<16xf32> to vector<16xf32>
    tpu.vector_store %arg7[%swap3A_17], %swap3A_20 {strides = array<i32>} : memref<128xf32, #tpu.memory_space<vmem>>, vector<16xf32>,
    %broadcast_in_dim3A_21 = arith.constant 1.000000e+00 : f32
    %broadcast_in_dim3A_22 = vector.broadcast %broadcast_in_dim3A_21 : f32 to vector<16xf32>
    %swap3A_23 = arith.constant 48 : index
    %swap3A_24 = tpu.vector_load %arg7[%swap3A_23] {strides = array<i32>} : memref<128xf32, #tpu.memory_space<vmem>>, vector<16xf32>,
    %swap3A_25 = vector.shape_cast %swap3A_24 : vector<16xf32> to vector<16xf32>
    %swap3A_26 = vector.shape_cast %broadcast_in_dim3A_22 : vector<16xf32> to vector<16xf32>
    tpu.vector_store %arg7[%swap3A_23], %swap3A_26 {strides = array<i32>} : memref<128xf32, #tpu.memory_space<vmem>>, vector<16xf32>,
    %broadcast_in_dim3A_27 = arith.constant 1.000000e+00 : f32
    %broadcast_in_dim3A_28 = vector.broadcast %broadcast_in_dim3A_27 : f32 to vector<16xf32>
    %swap3A_29 = arith.constant 64 : index
    %swap3A_30 = tpu.vector_load %arg7[%swap3A_29] {strides = array<i32>} : memref<128xf32, #tpu.memory_space<vmem>>, vector<16xf32>,
    %swap3A_31 = vector.shape_cast %swap3A_30 : vector<16xf32> to vector<16xf32>
    %swap3A_32 = vector.shape_cast %broadcast_in_dim3A_28 : vector<16xf32> to vector<16xf32>
    tpu.vector_store %arg7[%swap3A_29], %swap3A_32 {strides = array<i32>} : memref<128xf32, #tpu.memory_space<vmem>>, vector<16xf32>,
    %broadcast_in_dim3A_33 = arith.constant 1.000000e+00 : f32
    %broadcast_in_dim3A_34 = vector.broadcast %broadcast_in_dim3A_33 : f32 to vector<16xf32>
    %swap3A_35 = arith.constant 80 : index
    %swap3A_36 = tpu.vector_load %arg7[%swap3A_35] {strides = array<i32>} : memref<128xf32, #tpu.memory_space<vmem>>, vector<16xf32>,
    %swap3A_37 = vector.shape_cast %swap3A_36 : vector<16xf32> to vector<16xf32>
    %swap3A_38 = vector.shape_cast %broadcast_in_dim3A_34 : vector<16xf32> to vector<16xf32>
    tpu.vector_store %arg7[%swap3A_35], %swap3A_38 {strides = array<i32>} : memref<128xf32, #tpu.memory_space<vmem>>, vector<16xf32>,
    %broadcast_in_dim3A_39 = arith.constant 1.000000e+00 : f32
    %broadcast_in_dim3A_40 = vector.broadcast %broadcast_in_dim3A_39 : f32 to vector<16xf32>
    %swap3A_41 = arith.constant 96 : index
    %swap3A_42 = tpu.vector_load %arg7[%swap3A_41] {strides = array<i32>} : memref<128xf32, #tpu.memory_space<vmem>>, vector<16xf32>,
    %swap3A_43 = vector.shape_cast %swap3A_42 : vector<16xf32> to vector<16xf32>
    %swap3A_44 = vector.shape_cast %broadcast_in_dim3A_40 : vector<16xf32> to vector<16xf32>
    tpu.vector_store %arg7[%swap3A_41], %swap3A_44 {strides = array<i32>} : memref<128xf32, #tpu.memory_space<vmem>>, vector<16xf32>,
    %broadcast_in_dim3A_45 = arith.constant 1.000000e+00 : f32
    %broadcast_in_dim3A_46 = vector.broadcast %broadcast_in_dim3A_45 : f32 to vector<16xf32>
    %swap3A_47 = arith.constant 112 : index
    %swap3A_48 = tpu.vector_load %arg7[%swap3A_47] {strides = array<i32>} : memref<128xf32, #tpu.memory_space<vmem>>, vector<16xf32>,
    %swap3A_49 = vector.shape_cast %swap3A_48 : vector<16xf32> to vector<16xf32>
    %swap3A_50 = vector.shape_cast %broadcast_in_dim3A_46 : vector<16xf32> to vector<16xf32>
    tpu.vector_store %arg7[%swap3A_47], %swap3A_50 {strides = array<i32>} : memref<128xf32, #tpu.memory_space<vmem>>, vector<16xf32>,
    %mul3A_51 = arith.constant 40 : i32
    %mul3A_52 = arith.muli %add3A, %mul3A_51 : i32
    "tpu.region"() ({
      %run_scoped3A = tpu.sem_alloc : memref<!tpu.dma_semaphore, #tpu.memory_space<semaphore_mem>>
      %dma_start3A = arith.constant 0 : i32
      %dma_start3A_66 = tpu.memref_slice %arg2[%mul3A_52, %dma_start3A] : memref<1280x128xi32, #tpu.memory_space<hbm>> -> memref<40x128xi32, #tpu.memory_space<hbm>>
      %dma_start3A_67 = arith.constant 0 : i32
      %dma_start3A_68 = tpu.memref_slice %arg2[%mul3A_52, %dma_start3A_67] : memref<1280x128xi32, #tpu.memory_space<hbm>> -> memref<40x128xi32, #tpu.memory_space<hbm>>
      tpu.enqueue_dma source(%dma_start3A_68 : memref<40x128xi32, #tpu.memory_space<hbm>>) target(%arg6 : memref<40x128xi32, #tpu.memory_space<vmem>>) target_semaphore(%run_scoped3A : memref<!tpu.dma_semaphore, #tpu.memory_space<semaphore_mem>>)
      %dma_wait3A = arith.constant 0 : i32
      %dma_wait3A_69 = tpu.memref_slice %arg2[%mul3A_52, %dma_wait3A] : memref<1280x128xi32, #tpu.memory_space<hbm>> -> memref<40x128xi32, #tpu.memory_space<hbm>>
      %dma_wait3A_70 = arith.constant 0 : i32
      %dma_wait3A_71 = tpu.memref_slice %arg2[%mul3A_52, %dma_wait3A_70] : memref<1280x128xi32, #tpu.memory_space<hbm>> -> memref<40x128xi32, #tpu.memory_space<hbm>>
      tpu.wait_dma2 semaphore(%run_scoped3A : memref<!tpu.dma_semaphore, #tpu.memory_space<semaphore_mem>>) src(%dma_wait3A_71 : memref<40x128xi32, #tpu.memory_space<hbm>>) dst(%arg6 : memref<40x128xi32, #tpu.memory_space<vmem>>)
      tpu.yield
    }) : () -> ()
    %barrier3A = arith.constant 0 : index
    tpu.barrier barrier_id(%barrier3A)
    %scan3A = arith.constant 0 : i32
    %scan3A_53 = arith.constant 0 : i32
    %scan3A_54 = arith.constant 40 : i32
    %scan3A_55 = arith.addi %scan3A_53, %scan3A_54 : i32
    %scan3A_56 = arith.constant 1 : i32
    scf.for %scan3A_66 = %scan3A_53 to %scan3A_55 step %scan3A_56  : i32 {
      "tpu.region"() ({
        %run_scoped3A = tpu.sem_alloc : memref<!tpu.dma_semaphore, #tpu.memory_space<semaphore_mem>>
        %dma_start3A = arith.constant 0 : i32
        %dma_start3A_67 = tpu.memref_slice %arg6[%scan3A_66, %dma_start3A] : memref<40x128xi32, #tpu.memory_space<vmem>> -> memref<1x128xi32, #tpu.memory_space<vmem>>
        %dma_start3A_68 = tpu.memref_squeeze %dma_start3A_67 : memref<1x128xi32, #tpu.memory_space<vmem>> -> memref<128xi32, #tpu.memory_space<vmem>>
        %dma_start3A_69 = arith.constant 0 : i32
        %dma_start3A_70 = tpu.memref_slice %arg5[%dma_start3A_69] : memref<10112xf32, #tpu.memory_space<vmem_shared>> -> memref<10112xf32, #tpu.memory_space<vmem_shared>>
        tpu.enqueue_indirect_dma source(%arg7 : memref<128xf32, #tpu.memory_space<vmem>>) target(%dma_start3A_70 : memref<10112xf32, #tpu.memory_space<vmem_shared>>) offsets(%dma_start3A_68 : memref<128xi32, #tpu.memory_space<vmem>>) semaphore(%run_scoped3A : memref<!tpu.dma_semaphore, #tpu.memory_space<semaphore_mem>>) {add = true}
        %dma_wait3A = arith.constant 0 : i32
        %dma_wait3A_71 = tpu.memref_slice %arg6[%scan3A_66, %dma_wait3A] : memref<40x128xi32, #tpu.memory_space<vmem>> -> memref<1x128xi32, #tpu.memory_space<vmem>>
        %dma_wait3A_72 = tpu.memref_squeeze %dma_wait3A_71 : memref<1x128xi32, #tpu.memory_space<vmem>> -> memref<128xi32, #tpu.memory_space<vmem>>
        %dma_wait3A_73 = arith.constant 0 : i32
        %dma_wait3A_74 = tpu.memref_slice %arg5[%dma_wait3A_73] : memref<10112xf32, #tpu.memory_space<vmem_shared>> -> memref<10112xf32, #tpu.memory_space<vmem_shared>>
        tpu.wait_indirect_dma semaphore(%run_scoped3A : memref<!tpu.dma_semaphore, #tpu.memory_space<semaphore_mem>>) src(%arg7 : memref<128xf32, #tpu.memory_space<vmem>>) dst(%dma_wait3A_74 : memref<10112xf32, #tpu.memory_space<vmem_shared>>)
        tpu.yield
      }) : () -> ()
    }
    %scan3A_57 = arith.constant 40 : i32
    %barrier3A_58 = arith.constant 0 : index
    tpu.barrier barrier_id(%barrier3A_58)
    %mul3A_59 = arith.constant 632 : i32
    %mul3A_60 = arith.muli %arg1, %mul3A_59 : i32
    "tpu.region"() ({
      %run_scoped3A = tpu.sem_alloc : memref<!tpu.dma_semaphore, #tpu.memory_space<semaphore_mem>>
      %dma_start3A = tpu.memref_slice %arg5[%mul3A_60] : memref<10112xf32, #tpu.memory_space<vmem_shared>> -> memref<632xf32, #tpu.memory_space<vmem_shared>>
      %dma_start3A_66 = tpu.memref_slice %arg5[%mul3A_60] : memref<10112xf32, #tpu.memory_space<vmem_shared>> -> memref<632xf32, #tpu.memory_space<vmem_shared>>
      tpu.enqueue_dma source(%dma_start3A_66 : memref<632xf32, #tpu.memory_space<vmem_shared>>) target(%arg8 : memref<632xf32, #tpu.memory_space<vmem>>) target_semaphore(%run_scoped3A : memref<!tpu.dma_semaphore, #tpu.memory_space<semaphore_mem>>)
      %dma_wait3A = tpu.memref_slice %arg5[%mul3A_60] : memref<10112xf32, #tpu.memory_space<vmem_shared>> -> memref<632xf32, #tpu.memory_space<vmem_shared>>
      %dma_wait3A_67 = tpu.memref_slice %arg5[%mul3A_60] : memref<10112xf32, #tpu.memory_space<vmem_shared>> -> memref<632xf32, #tpu.memory_space<vmem_shared>>
      tpu.wait_dma2 semaphore(%run_scoped3A : memref<!tpu.dma_semaphore, #tpu.memory_space<semaphore_mem>>) src(%dma_wait3A_67 : memref<632xf32, #tpu.memory_space<vmem_shared>>) dst(%arg8 : memref<632xf32, #tpu.memory_space<vmem>>)
      tpu.yield
    }) : () -> ()
    %mul3A_61 = arith.constant 10112 : i32
    %mul3A_62 = arith.muli %arg0, %mul3A_61 : i32
    %mul3A_63 = arith.constant 632 : i32
    %mul3A_64 = arith.muli %arg1, %mul3A_63 : i32
    %add3A_65 = arith.addi %mul3A_62, %mul3A_64 : i32
    "tpu.region"() ({
      %run_scoped3A = tpu.sem_alloc : memref<!tpu.dma_semaphore, #tpu.memory_space<semaphore_mem>>
      %dma_start3A = tpu.memref_slice %arg4[%add3A_65] : memref<20224xf32, #tpu.memory_space<hbm>> -> memref<632xf32, #tpu.memory_space<hbm>>
      %dma_start3A_66 = tpu.memref_slice %arg4[%add3A_65] : memref<20224xf32, #tpu.memory_space<hbm>> -> memref<632xf32, #tpu.memory_space<hbm>>
      tpu.enqueue_dma source(%arg8 : memref<632xf32, #tpu.memory_space<vmem>>) target(%dma_start3A_66 : memref<632xf32, #tpu.memory_space<hbm>>) target_semaphore(%run_scoped3A : memref<!tpu.dma_semaphore, #tpu.memory_space<semaphore_mem>>)
      %dma_wait3A = tpu.memref_slice %arg4[%add3A_65] : memref<20224xf32, #tpu.memory_space<hbm>> -> memref<632xf32, #tpu.memory_space<hbm>>
      %dma_wait3A_67 = tpu.memref_slice %arg4[%add3A_65] : memref<20224xf32, #tpu.memory_space<hbm>> -> memref<632xf32, #tpu.memory_space<hbm>>
      tpu.wait_dma2 semaphore(%run_scoped3A : memref<!tpu.dma_semaphore, #tpu.memory_space<semaphore_mem>>) src(%arg8 : memref<632xf32, #tpu.memory_space<vmem>>) dst(%dma_wait3A_67 : memref<632xf32, #tpu.memory_space<hbm>>)
      tpu.yield
    }) : () -> ()
    return
  }
}

#map = affine_map<(d0, d1) -> (0, 0)>
#map1 = affine_map<(d0, d1) -> (0, 0, 0)>
module attributes {stable_mosaic.version = 14 : i64} {
  func.func @body(%arg0: i32, %arg1: i32, %arg2: memref<20000x128xf32, #tpu.memory_space<hbm>>, %arg3: memref<2x1280x128xi32, #tpu.memory_space<hbm>>, %arg4: memref<1280x128xi32, #tpu.memory_space<hbm>>, %arg5: memref<128x128xf32, #tpu.memory_space<hbm>>, %arg6: memref<2x10112x128xf32, #tpu.memory_space<hbm>>, %arg7: memref<10112x128xf32, #tpu.memory_space<vmem_shared>>, %arg8: memref<80x128xi32, #tpu.memory_space<vmem>>, %arg9: memref<80x128xi32, #tpu.memory_space<vmem>>, %arg10: memref<128x128xf32, #tpu.memory_space<vmem>>) attributes {dimension_semantics = [#tpu.dimension_semantics<core_parallel>, #tpu.dimension_semantics<subcore_parallel>], iteration_bounds = array<i64: 2, 16>, scalar_prefetch = 0 : i64, scratch_operands = 4 : i64, tpu.core_type = #tpu.core_type<sc_vector_subcore>, window_params = [{transform_indices = #map}, {transform_indices = #map1}, {transform_indices = #map}, {transform_indices = #map}, {transform_indices = #map1}]} {
    %add3A = arith.constant 0 : i32
    %add3A_0 = arith.addi %arg0, %add3A : i32
    "tpu.region"() ({
      %run_scoped3A = tpu.sem_alloc : memref<!tpu.dma_semaphore, #tpu.memory_space<semaphore_mem>>
      %dma_start3A = arith.constant 0 : i32
      %dma_start3A_71 = arith.constant 0 : i32
      %dma_start3A_72 = tpu.memref_slice %arg10[%dma_start3A, %dma_start3A_71] : memref<128x128xf32, #tpu.memory_space<vmem>> -> memref<128x128xf32, #tpu.memory_space<vmem>>
      %dma_start3A_73 = arith.constant 0 : i32
      %dma_start3A_74 = arith.constant 0 : i32
      %dma_start3A_75 = tpu.memref_slice %arg5[%dma_start3A_73, %dma_start3A_74] : memref<128x128xf32, #tpu.memory_space<hbm>> -> memref<128x128xf32, #tpu.memory_space<hbm>>
      %dma_start3A_76 = arith.constant 0 : i32
      %dma_start3A_77 = arith.constant 0 : i32
      %dma_start3A_78 = tpu.memref_slice %arg10[%dma_start3A_76, %dma_start3A_77] : memref<128x128xf32, #tpu.memory_space<vmem>> -> memref<128x128xf32, #tpu.memory_space<vmem>>
      %dma_start3A_79 = arith.constant 0 : i32
      %dma_start3A_80 = arith.constant 0 : i32
      %dma_start3A_81 = tpu.memref_slice %arg5[%dma_start3A_79, %dma_start3A_80] : memref<128x128xf32, #tpu.memory_space<hbm>> -> memref<128x128xf32, #tpu.memory_space<hbm>>
      tpu.enqueue_dma source(%dma_start3A_81 : memref<128x128xf32, #tpu.memory_space<hbm>>) target(%dma_start3A_78 : memref<128x128xf32, #tpu.memory_space<vmem>>) target_semaphore(%run_scoped3A : memref<!tpu.dma_semaphore, #tpu.memory_space<semaphore_mem>>)
      %dma_wait3A = arith.constant 0 : i32
      %dma_wait3A_82 = arith.constant 0 : i32
      %dma_wait3A_83 = tpu.memref_slice %arg10[%dma_wait3A, %dma_wait3A_82] : memref<128x128xf32, #tpu.memory_space<vmem>> -> memref<128x128xf32, #tpu.memory_space<vmem>>
      %dma_wait3A_84 = arith.constant 0 : i32
      %dma_wait3A_85 = arith.constant 0 : i32
      %dma_wait3A_86 = tpu.memref_slice %arg5[%dma_wait3A_84, %dma_wait3A_85] : memref<128x128xf32, #tpu.memory_space<hbm>> -> memref<128x128xf32, #tpu.memory_space<hbm>>
      %dma_wait3A_87 = arith.constant 0 : i32
      %dma_wait3A_88 = arith.constant 0 : i32
      %dma_wait3A_89 = tpu.memref_slice %arg10[%dma_wait3A_87, %dma_wait3A_88] : memref<128x128xf32, #tpu.memory_space<vmem>> -> memref<128x128xf32, #tpu.memory_space<vmem>>
      %dma_wait3A_90 = arith.constant 0 : i32
      %dma_wait3A_91 = arith.constant 0 : i32
      %dma_wait3A_92 = tpu.memref_slice %arg5[%dma_wait3A_90, %dma_wait3A_91] : memref<128x128xf32, #tpu.memory_space<hbm>> -> memref<128x128xf32, #tpu.memory_space<hbm>>
      tpu.wait_dma2 semaphore(%run_scoped3A : memref<!tpu.dma_semaphore, #tpu.memory_space<semaphore_mem>>) src(%dma_wait3A_92 : memref<128x128xf32, #tpu.memory_space<hbm>>) dst(%dma_wait3A_89 : memref<128x128xf32, #tpu.memory_space<vmem>>)
      tpu.yield
    }) : () -> ()
    %mul3A = arith.constant 632 : i32
    %mul3A_1 = arith.muli %arg1, %mul3A : i32
    %add3A_2 = arith.constant 0 : i32
    %add3A_3 = arith.addi %mul3A_1, %add3A_2 : i32
    "tpu.region"() ({
      %run_scoped3A = tpu.sem_alloc : memref<!tpu.dma_semaphore, #tpu.memory_space<semaphore_mem>>
      %dma_start3A = arith.constant 0 : i32
      %dma_start3A_71 = arith.constant 0 : i32
      %dma_start3A_72 = tpu.memref_slice %arg10[%dma_start3A, %dma_start3A_71] : memref<128x128xf32, #tpu.memory_space<vmem>> -> memref<128x128xf32, #tpu.memory_space<vmem>>
      %dma_start3A_73 = arith.constant 0 : i32
      %dma_start3A_74 = tpu.memref_slice %arg7[%add3A_3, %dma_start3A_73] : memref<10112x128xf32, #tpu.memory_space<vmem_shared>> -> memref<128x128xf32, #tpu.memory_space<vmem_shared>>
      %dma_start3A_75 = arith.constant 0 : i32
      %dma_start3A_76 = tpu.memref_slice %arg7[%add3A_3, %dma_start3A_75] : memref<10112x128xf32, #tpu.memory_space<vmem_shared>> -> memref<128x128xf32, #tpu.memory_space<vmem_shared>>
      %dma_start3A_77 = arith.constant 0 : i32
      %dma_start3A_78 = arith.constant 0 : i32
      %dma_start3A_79 = tpu.memref_slice %arg10[%dma_start3A_77, %dma_start3A_78] : memref<128x128xf32, #tpu.memory_space<vmem>> -> memref<128x128xf32, #tpu.memory_space<vmem>>
      tpu.enqueue_dma source(%dma_start3A_79 : memref<128x128xf32, #tpu.memory_space<vmem>>) target(%dma_start3A_76 : memref<128x128xf32, #tpu.memory_space<vmem_shared>>) target_semaphore(%run_scoped3A : memref<!tpu.dma_semaphore, #tpu.memory_space<semaphore_mem>>)
      %dma_wait3A = arith.constant 0 : i32
      %dma_wait3A_80 = arith.constant 0 : i32
      %dma_wait3A_81 = tpu.memref_slice %arg10[%dma_wait3A, %dma_wait3A_80] : memref<128x128xf32, #tpu.memory_space<vmem>> -> memref<128x128xf32, #tpu.memory_space<vmem>>
      %dma_wait3A_82 = arith.constant 0 : i32
      %dma_wait3A_83 = tpu.memref_slice %arg7[%add3A_3, %dma_wait3A_82] : memref<10112x128xf32, #tpu.memory_space<vmem_shared>> -> memref<128x128xf32, #tpu.memory_space<vmem_shared>>
      %dma_wait3A_84 = arith.constant 0 : i32
      %dma_wait3A_85 = tpu.memref_slice %arg7[%add3A_3, %dma_wait3A_84] : memref<10112x128xf32, #tpu.memory_space<vmem_shared>> -> memref<128x128xf32, #tpu.memory_space<vmem_shared>>
      %dma_wait3A_86 = arith.constant 0 : i32
      %dma_wait3A_87 = arith.constant 0 : i32
      %dma_wait3A_88 = tpu.memref_slice %arg10[%dma_wait3A_86, %dma_wait3A_87] : memref<128x128xf32, #tpu.memory_space<vmem>> -> memref<128x128xf32, #tpu.memory_space<vmem>>
      tpu.wait_dma2 semaphore(%run_scoped3A : memref<!tpu.dma_semaphore, #tpu.memory_space<semaphore_mem>>) src(%dma_wait3A_88 : memref<128x128xf32, #tpu.memory_space<vmem>>) dst(%dma_wait3A_85 : memref<128x128xf32, #tpu.memory_space<vmem_shared>>)
      tpu.yield
    }) : () -> ()
    "tpu.region"() ({
      %run_scoped3A = tpu.sem_alloc : memref<!tpu.dma_semaphore, #tpu.memory_space<semaphore_mem>>
      %dma_start3A = arith.constant 0 : i32
      %dma_start3A_71 = arith.constant 0 : i32
      %dma_start3A_72 = tpu.memref_slice %arg10[%dma_start3A, %dma_start3A_71] : memref<128x128xf32, #tpu.memory_space<vmem>> -> memref<128x128xf32, #tpu.memory_space<vmem>>
      %dma_start3A_73 = arith.constant 0 : i32
      %dma_start3A_74 = arith.constant 0 : i32
      %dma_start3A_75 = tpu.memref_slice %arg5[%dma_start3A_73, %dma_start3A_74] : memref<128x128xf32, #tpu.memory_space<hbm>> -> memref<128x128xf32, #tpu.memory_space<hbm>>
      %dma_start3A_76 = arith.constant 0 : i32
      %dma_start3A_77 = arith.constant 0 : i32
      %dma_start3A_78 = tpu.memref_slice %arg10[%dma_start3A_76, %dma_start3A_77] : memref<128x128xf32, #tpu.memory_space<vmem>> -> memref<128x128xf32, #tpu.memory_space<vmem>>
      %dma_start3A_79 = arith.constant 0 : i32
      %dma_start3A_80 = arith.constant 0 : i32
      %dma_start3A_81 = tpu.memref_slice %arg5[%dma_start3A_79, %dma_start3A_80] : memref<128x128xf32, #tpu.memory_space<hbm>> -> memref<128x128xf32, #tpu.memory_space<hbm>>
      tpu.enqueue_dma source(%dma_start3A_81 : memref<128x128xf32, #tpu.memory_space<hbm>>) target(%dma_start3A_78 : memref<128x128xf32, #tpu.memory_space<vmem>>) target_semaphore(%run_scoped3A : memref<!tpu.dma_semaphore, #tpu.memory_space<semaphore_mem>>)
      %dma_wait3A = arith.constant 0 : i32
      %dma_wait3A_82 = arith.constant 0 : i32
      %dma_wait3A_83 = tpu.memref_slice %arg10[%dma_wait3A, %dma_wait3A_82] : memref<128x128xf32, #tpu.memory_space<vmem>> -> memref<128x128xf32, #tpu.memory_space<vmem>>
      %dma_wait3A_84 = arith.constant 0 : i32
      %dma_wait3A_85 = arith.constant 0 : i32
      %dma_wait3A_86 = tpu.memref_slice %arg5[%dma_wait3A_84, %dma_wait3A_85] : memref<128x128xf32, #tpu.memory_space<hbm>> -> memref<128x128xf32, #tpu.memory_space<hbm>>
      %dma_wait3A_87 = arith.constant 0 : i32
      %dma_wait3A_88 = arith.constant 0 : i32
      %dma_wait3A_89 = tpu.memref_slice %arg10[%dma_wait3A_87, %dma_wait3A_88] : memref<128x128xf32, #tpu.memory_space<vmem>> -> memref<128x128xf32, #tpu.memory_space<vmem>>
      %dma_wait3A_90 = arith.constant 0 : i32
      %dma_wait3A_91 = arith.constant 0 : i32
      %dma_wait3A_92 = tpu.memref_slice %arg5[%dma_wait3A_90, %dma_wait3A_91] : memref<128x128xf32, #tpu.memory_space<hbm>> -> memref<128x128xf32, #tpu.memory_space<hbm>>
      tpu.wait_dma2 semaphore(%run_scoped3A : memref<!tpu.dma_semaphore, #tpu.memory_space<semaphore_mem>>) src(%dma_wait3A_92 : memref<128x128xf32, #tpu.memory_space<hbm>>) dst(%dma_wait3A_89 : memref<128x128xf32, #tpu.memory_space<vmem>>)
      tpu.yield
    }) : () -> ()
    %mul3A_4 = arith.constant 632 : i32
    %mul3A_5 = arith.muli %arg1, %mul3A_4 : i32
    %add3A_6 = arith.constant 128 : i32
    %add3A_7 = arith.addi %mul3A_5, %add3A_6 : i32
    "tpu.region"() ({
      %run_scoped3A = tpu.sem_alloc : memref<!tpu.dma_semaphore, #tpu.memory_space<semaphore_mem>>
      %dma_start3A = arith.constant 0 : i32
      %dma_start3A_71 = arith.constant 0 : i32
      %dma_start3A_72 = tpu.memref_slice %arg10[%dma_start3A, %dma_start3A_71] : memref<128x128xf32, #tpu.memory_space<vmem>> -> memref<128x128xf32, #tpu.memory_space<vmem>>
      %dma_start3A_73 = arith.constant 0 : i32
      %dma_start3A_74 = tpu.memref_slice %arg7[%add3A_7, %dma_start3A_73] : memref<10112x128xf32, #tpu.memory_space<vmem_shared>> -> memref<128x128xf32, #tpu.memory_space<vmem_shared>>
      %dma_start3A_75 = arith.constant 0 : i32
      %dma_start3A_76 = tpu.memref_slice %arg7[%add3A_7, %dma_start3A_75] : memref<10112x128xf32, #tpu.memory_space<vmem_shared>> -> memref<128x128xf32, #tpu.memory_space<vmem_shared>>
      %dma_start3A_77 = arith.constant 0 : i32
      %dma_start3A_78 = arith.constant 0 : i32
      %dma_start3A_79 = tpu.memref_slice %arg10[%dma_start3A_77, %dma_start3A_78] : memref<128x128xf32, #tpu.memory_space<vmem>> -> memref<128x128xf32, #tpu.memory_space<vmem>>
      tpu.enqueue_dma source(%dma_start3A_79 : memref<128x128xf32, #tpu.memory_space<vmem>>) target(%dma_start3A_76 : memref<128x128xf32, #tpu.memory_space<vmem_shared>>) target_semaphore(%run_scoped3A : memref<!tpu.dma_semaphore, #tpu.memory_space<semaphore_mem>>)
      %dma_wait3A = arith.constant 0 : i32
      %dma_wait3A_80 = arith.constant 0 : i32
      %dma_wait3A_81 = tpu.memref_slice %arg10[%dma_wait3A, %dma_wait3A_80] : memref<128x128xf32, #tpu.memory_space<vmem>> -> memref<128x128xf32, #tpu.memory_space<vmem>>
      %dma_wait3A_82 = arith.constant 0 : i32
      %dma_wait3A_83 = tpu.memref_slice %arg7[%add3A_7, %dma_wait3A_82] : memref<10112x128xf32, #tpu.memory_space<vmem_shared>> -> memref<128x128xf32, #tpu.memory_space<vmem_shared>>
      %dma_wait3A_84 = arith.constant 0 : i32
      %dma_wait3A_85 = tpu.memref_slice %arg7[%add3A_7, %dma_wait3A_84] : memref<10112x128xf32, #tpu.memory_space<vmem_shared>> -> memref<128x128xf32, #tpu.memory_space<vmem_shared>>
      %dma_wait3A_86 = arith.constant 0 : i32
      %dma_wait3A_87 = arith.constant 0 : i32
      %dma_wait3A_88 = tpu.memref_slice %arg10[%dma_wait3A_86, %dma_wait3A_87] : memref<128x128xf32, #tpu.memory_space<vmem>> -> memref<128x128xf32, #tpu.memory_space<vmem>>
      tpu.wait_dma2 semaphore(%run_scoped3A : memref<!tpu.dma_semaphore, #tpu.memory_space<semaphore_mem>>) src(%dma_wait3A_88 : memref<128x128xf32, #tpu.memory_space<vmem>>) dst(%dma_wait3A_85 : memref<128x128xf32, #tpu.memory_space<vmem_shared>>)
      tpu.yield
    }) : () -> ()
    "tpu.region"() ({
      %run_scoped3A = tpu.sem_alloc : memref<!tpu.dma_semaphore, #tpu.memory_space<semaphore_mem>>
      %dma_start3A = arith.constant 0 : i32
      %dma_start3A_71 = arith.constant 0 : i32
      %dma_start3A_72 = tpu.memref_slice %arg10[%dma_start3A, %dma_start3A_71] : memref<128x128xf32, #tpu.memory_space<vmem>> -> memref<128x128xf32, #tpu.memory_space<vmem>>
      %dma_start3A_73 = arith.constant 0 : i32
      %dma_start3A_74 = arith.constant 0 : i32
      %dma_start3A_75 = tpu.memref_slice %arg5[%dma_start3A_73, %dma_start3A_74] : memref<128x128xf32, #tpu.memory_space<hbm>> -> memref<128x128xf32, #tpu.memory_space<hbm>>
      %dma_start3A_76 = arith.constant 0 : i32
      %dma_start3A_77 = arith.constant 0 : i32
      %dma_start3A_78 = tpu.memref_slice %arg10[%dma_start3A_76, %dma_start3A_77] : memref<128x128xf32, #tpu.memory_space<vmem>> -> memref<128x128xf32, #tpu.memory_space<vmem>>
      %dma_start3A_79 = arith.constant 0 : i32
      %dma_start3A_80 = arith.constant 0 : i32
      %dma_start3A_81 = tpu.memref_slice %arg5[%dma_start3A_79, %dma_start3A_80] : memref<128x128xf32, #tpu.memory_space<hbm>> -> memref<128x128xf32, #tpu.memory_space<hbm>>
      tpu.enqueue_dma source(%dma_start3A_81 : memref<128x128xf32, #tpu.memory_space<hbm>>) target(%dma_start3A_78 : memref<128x128xf32, #tpu.memory_space<vmem>>) target_semaphore(%run_scoped3A : memref<!tpu.dma_semaphore, #tpu.memory_space<semaphore_mem>>)
      %dma_wait3A = arith.constant 0 : i32
      %dma_wait3A_82 = arith.constant 0 : i32
      %dma_wait3A_83 = tpu.memref_slice %arg10[%dma_wait3A, %dma_wait3A_82] : memref<128x128xf32, #tpu.memory_space<vmem>> -> memref<128x128xf32, #tpu.memory_space<vmem>>
      %dma_wait3A_84 = arith.constant 0 : i32
      %dma_wait3A_85 = arith.constant 0 : i32
      %dma_wait3A_86 = tpu.memref_slice %arg5[%dma_wait3A_84, %dma_wait3A_85] : memref<128x128xf32, #tpu.memory_space<hbm>> -> memref<128x128xf32, #tpu.memory_space<hbm>>
      %dma_wait3A_87 = arith.constant 0 : i32
      %dma_wait3A_88 = arith.constant 0 : i32
      %dma_wait3A_89 = tpu.memref_slice %arg10[%dma_wait3A_87, %dma_wait3A_88] : memref<128x128xf32, #tpu.memory_space<vmem>> -> memref<128x128xf32, #tpu.memory_space<vmem>>
      %dma_wait3A_90 = arith.constant 0 : i32
      %dma_wait3A_91 = arith.constant 0 : i32
      %dma_wait3A_92 = tpu.memref_slice %arg5[%dma_wait3A_90, %dma_wait3A_91] : memref<128x128xf32, #tpu.memory_space<hbm>> -> memref<128x128xf32, #tpu.memory_space<hbm>>
      tpu.wait_dma2 semaphore(%run_scoped3A : memref<!tpu.dma_semaphore, #tpu.memory_space<semaphore_mem>>) src(%dma_wait3A_92 : memref<128x128xf32, #tpu.memory_space<hbm>>) dst(%dma_wait3A_89 : memref<128x128xf32, #tpu.memory_space<vmem>>)
      tpu.yield
    }) : () -> ()
    %mul3A_8 = arith.constant 632 : i32
    %mul3A_9 = arith.muli %arg1, %mul3A_8 : i32
    %add3A_10 = arith.constant 256 : i32
    %add3A_11 = arith.addi %mul3A_9, %add3A_10 : i32
    "tpu.region"() ({
      %run_scoped3A = tpu.sem_alloc : memref<!tpu.dma_semaphore, #tpu.memory_space<semaphore_mem>>
      %dma_start3A = arith.constant 0 : i32
      %dma_start3A_71 = arith.constant 0 : i32
      %dma_start3A_72 = tpu.memref_slice %arg10[%dma_start3A, %dma_start3A_71] : memref<128x128xf32, #tpu.memory_space<vmem>> -> memref<128x128xf32, #tpu.memory_space<vmem>>
      %dma_start3A_73 = arith.constant 0 : i32
      %dma_start3A_74 = tpu.memref_slice %arg7[%add3A_11, %dma_start3A_73] : memref<10112x128xf32, #tpu.memory_space<vmem_shared>> -> memref<128x128xf32, #tpu.memory_space<vmem_shared>>
      %dma_start3A_75 = arith.constant 0 : i32
      %dma_start3A_76 = tpu.memref_slice %arg7[%add3A_11, %dma_start3A_75] : memref<10112x128xf32, #tpu.memory_space<vmem_shared>> -> memref<128x128xf32, #tpu.memory_space<vmem_shared>>
      %dma_start3A_77 = arith.constant 0 : i32
      %dma_start3A_78 = arith.constant 0 : i32
      %dma_start3A_79 = tpu.memref_slice %arg10[%dma_start3A_77, %dma_start3A_78] : memref<128x128xf32, #tpu.memory_space<vmem>> -> memref<128x128xf32, #tpu.memory_space<vmem>>
      tpu.enqueue_dma source(%dma_start3A_79 : memref<128x128xf32, #tpu.memory_space<vmem>>) target(%dma_start3A_76 : memref<128x128xf32, #tpu.memory_space<vmem_shared>>) target_semaphore(%run_scoped3A : memref<!tpu.dma_semaphore, #tpu.memory_space<semaphore_mem>>)
      %dma_wait3A = arith.constant 0 : i32
      %dma_wait3A_80 = arith.constant 0 : i32
      %dma_wait3A_81 = tpu.memref_slice %arg10[%dma_wait3A, %dma_wait3A_80] : memref<128x128xf32, #tpu.memory_space<vmem>> -> memref<128x128xf32, #tpu.memory_space<vmem>>
      %dma_wait3A_82 = arith.constant 0 : i32
      %dma_wait3A_83 = tpu.memref_slice %arg7[%add3A_11, %dma_wait3A_82] : memref<10112x128xf32, #tpu.memory_space<vmem_shared>> -> memref<128x128xf32, #tpu.memory_space<vmem_shared>>
      %dma_wait3A_84 = arith.constant 0 : i32
      %dma_wait3A_85 = tpu.memref_slice %arg7[%add3A_11, %dma_wait3A_84] : memref<10112x128xf32, #tpu.memory_space<vmem_shared>> -> memref<128x128xf32, #tpu.memory_space<vmem_shared>>
      %dma_wait3A_86 = arith.constant 0 : i32
      %dma_wait3A_87 = arith.constant 0 : i32
      %dma_wait3A_88 = tpu.memref_slice %arg10[%dma_wait3A_86, %dma_wait3A_87] : memref<128x128xf32, #tpu.memory_space<vmem>> -> memref<128x128xf32, #tpu.memory_space<vmem>>
      tpu.wait_dma2 semaphore(%run_scoped3A : memref<!tpu.dma_semaphore, #tpu.memory_space<semaphore_mem>>) src(%dma_wait3A_88 : memref<128x128xf32, #tpu.memory_space<vmem>>) dst(%dma_wait3A_85 : memref<128x128xf32, #tpu.memory_space<vmem_shared>>)
      tpu.yield
    }) : () -> ()
    "tpu.region"() ({
      %run_scoped3A = tpu.sem_alloc : memref<!tpu.dma_semaphore, #tpu.memory_space<semaphore_mem>>
      %dma_start3A = arith.constant 0 : i32
      %dma_start3A_71 = arith.constant 0 : i32
      %dma_start3A_72 = tpu.memref_slice %arg10[%dma_start3A, %dma_start3A_71] : memref<128x128xf32, #tpu.memory_space<vmem>> -> memref<128x128xf32, #tpu.memory_space<vmem>>
      %dma_start3A_73 = arith.constant 0 : i32
      %dma_start3A_74 = arith.constant 0 : i32
      %dma_start3A_75 = tpu.memref_slice %arg5[%dma_start3A_73, %dma_start3A_74] : memref<128x128xf32, #tpu.memory_space<hbm>> -> memref<128x128xf32, #tpu.memory_space<hbm>>
      %dma_start3A_76 = arith.constant 0 : i32
      %dma_start3A_77 = arith.constant 0 : i32
      %dma_start3A_78 = tpu.memref_slice %arg10[%dma_start3A_76, %dma_start3A_77] : memref<128x128xf32, #tpu.memory_space<vmem>> -> memref<128x128xf32, #tpu.memory_space<vmem>>
      %dma_start3A_79 = arith.constant 0 : i32
      %dma_start3A_80 = arith.constant 0 : i32
      %dma_start3A_81 = tpu.memref_slice %arg5[%dma_start3A_79, %dma_start3A_80] : memref<128x128xf32, #tpu.memory_space<hbm>> -> memref<128x128xf32, #tpu.memory_space<hbm>>
      tpu.enqueue_dma source(%dma_start3A_81 : memref<128x128xf32, #tpu.memory_space<hbm>>) target(%dma_start3A_78 : memref<128x128xf32, #tpu.memory_space<vmem>>) target_semaphore(%run_scoped3A : memref<!tpu.dma_semaphore, #tpu.memory_space<semaphore_mem>>)
      %dma_wait3A = arith.constant 0 : i32
      %dma_wait3A_82 = arith.constant 0 : i32
      %dma_wait3A_83 = tpu.memref_slice %arg10[%dma_wait3A, %dma_wait3A_82] : memref<128x128xf32, #tpu.memory_space<vmem>> -> memref<128x128xf32, #tpu.memory_space<vmem>>
      %dma_wait3A_84 = arith.constant 0 : i32
      %dma_wait3A_85 = arith.constant 0 : i32
      %dma_wait3A_86 = tpu.memref_slice %arg5[%dma_wait3A_84, %dma_wait3A_85] : memref<128x128xf32, #tpu.memory_space<hbm>> -> memref<128x128xf32, #tpu.memory_space<hbm>>
      %dma_wait3A_87 = arith.constant 0 : i32
      %dma_wait3A_88 = arith.constant 0 : i32
      %dma_wait3A_89 = tpu.memref_slice %arg10[%dma_wait3A_87, %dma_wait3A_88] : memref<128x128xf32, #tpu.memory_space<vmem>> -> memref<128x128xf32, #tpu.memory_space<vmem>>
      %dma_wait3A_90 = arith.constant 0 : i32
      %dma_wait3A_91 = arith.constant 0 : i32
      %dma_wait3A_92 = tpu.memref_slice %arg5[%dma_wait3A_90, %dma_wait3A_91] : memref<128x128xf32, #tpu.memory_space<hbm>> -> memref<128x128xf32, #tpu.memory_space<hbm>>
      tpu.wait_dma2 semaphore(%run_scoped3A : memref<!tpu.dma_semaphore, #tpu.memory_space<semaphore_mem>>) src(%dma_wait3A_92 : memref<128x128xf32, #tpu.memory_space<hbm>>) dst(%dma_wait3A_89 : memref<128x128xf32, #tpu.memory_space<vmem>>)
      tpu.yield
    }) : () -> ()
    %mul3A_12 = arith.constant 632 : i32
    %mul3A_13 = arith.muli %arg1, %mul3A_12 : i32
    %add3A_14 = arith.constant 384 : i32
    %add3A_15 = arith.addi %mul3A_13, %add3A_14 : i32
    "tpu.region"() ({
      %run_scoped3A = tpu.sem_alloc : memref<!tpu.dma_semaphore, #tpu.memory_space<semaphore_mem>>
      %dma_start3A = arith.constant 0 : i32
      %dma_start3A_71 = arith.constant 0 : i32
      %dma_start3A_72 = tpu.memref_slice %arg10[%dma_start3A, %dma_start3A_71] : memref<128x128xf32, #tpu.memory_space<vmem>> -> memref<128x128xf32, #tpu.memory_space<vmem>>
      %dma_start3A_73 = arith.constant 0 : i32
      %dma_start3A_74 = tpu.memref_slice %arg7[%add3A_15, %dma_start3A_73] : memref<10112x128xf32, #tpu.memory_space<vmem_shared>> -> memref<128x128xf32, #tpu.memory_space<vmem_shared>>
      %dma_start3A_75 = arith.constant 0 : i32
      %dma_start3A_76 = tpu.memref_slice %arg7[%add3A_15, %dma_start3A_75] : memref<10112x128xf32, #tpu.memory_space<vmem_shared>> -> memref<128x128xf32, #tpu.memory_space<vmem_shared>>
      %dma_start3A_77 = arith.constant 0 : i32
      %dma_start3A_78 = arith.constant 0 : i32
      %dma_start3A_79 = tpu.memref_slice %arg10[%dma_start3A_77, %dma_start3A_78] : memref<128x128xf32, #tpu.memory_space<vmem>> -> memref<128x128xf32, #tpu.memory_space<vmem>>
      tpu.enqueue_dma source(%dma_start3A_79 : memref<128x128xf32, #tpu.memory_space<vmem>>) target(%dma_start3A_76 : memref<128x128xf32, #tpu.memory_space<vmem_shared>>) target_semaphore(%run_scoped3A : memref<!tpu.dma_semaphore, #tpu.memory_space<semaphore_mem>>)
      %dma_wait3A = arith.constant 0 : i32
      %dma_wait3A_80 = arith.constant 0 : i32
      %dma_wait3A_81 = tpu.memref_slice %arg10[%dma_wait3A, %dma_wait3A_80] : memref<128x128xf32, #tpu.memory_space<vmem>> -> memref<128x128xf32, #tpu.memory_space<vmem>>
      %dma_wait3A_82 = arith.constant 0 : i32
      %dma_wait3A_83 = tpu.memref_slice %arg7[%add3A_15, %dma_wait3A_82] : memref<10112x128xf32, #tpu.memory_space<vmem_shared>> -> memref<128x128xf32, #tpu.memory_space<vmem_shared>>
      %dma_wait3A_84 = arith.constant 0 : i32
      %dma_wait3A_85 = tpu.memref_slice %arg7[%add3A_15, %dma_wait3A_84] : memref<10112x128xf32, #tpu.memory_space<vmem_shared>> -> memref<128x128xf32, #tpu.memory_space<vmem_shared>>
      %dma_wait3A_86 = arith.constant 0 : i32
      %dma_wait3A_87 = arith.constant 0 : i32
      %dma_wait3A_88 = tpu.memref_slice %arg10[%dma_wait3A_86, %dma_wait3A_87] : memref<128x128xf32, #tpu.memory_space<vmem>> -> memref<128x128xf32, #tpu.memory_space<vmem>>
      tpu.wait_dma2 semaphore(%run_scoped3A : memref<!tpu.dma_semaphore, #tpu.memory_space<semaphore_mem>>) src(%dma_wait3A_88 : memref<128x128xf32, #tpu.memory_space<vmem>>) dst(%dma_wait3A_85 : memref<128x128xf32, #tpu.memory_space<vmem_shared>>)
      tpu.yield
    }) : () -> ()
    "tpu.region"() ({
      %run_scoped3A = tpu.sem_alloc : memref<!tpu.dma_semaphore, #tpu.memory_space<semaphore_mem>>
      %dma_start3A = arith.constant 0 : i32
      %dma_start3A_71 = arith.constant 0 : i32
      %dma_start3A_72 = tpu.memref_slice %arg10[%dma_start3A, %dma_start3A_71] : memref<128x128xf32, #tpu.memory_space<vmem>> -> memref<120x128xf32, #tpu.memory_space<vmem>>
      %dma_start3A_73 = arith.constant 0 : i32
      %dma_start3A_74 = arith.constant 0 : i32
      %dma_start3A_75 = tpu.memref_slice %arg5[%dma_start3A_73, %dma_start3A_74] : memref<128x128xf32, #tpu.memory_space<hbm>> -> memref<120x128xf32, #tpu.memory_space<hbm>>
      %dma_start3A_76 = arith.constant 0 : i32
      %dma_start3A_77 = arith.constant 0 : i32
      %dma_start3A_78 = tpu.memref_slice %arg10[%dma_start3A_76, %dma_start3A_77] : memref<128x128xf32, #tpu.memory_space<vmem>> -> memref<120x128xf32, #tpu.memory_space<vmem>>
      %dma_start3A_79 = arith.constant 0 : i32
      %dma_start3A_80 = arith.constant 0 : i32
      %dma_start3A_81 = tpu.memref_slice %arg5[%dma_start3A_79, %dma_start3A_80] : memref<128x128xf32, #tpu.memory_space<hbm>> -> memref<120x128xf32, #tpu.memory_space<hbm>>
      tpu.enqueue_dma source(%dma_start3A_81 : memref<120x128xf32, #tpu.memory_space<hbm>>) target(%dma_start3A_78 : memref<120x128xf32, #tpu.memory_space<vmem>>) target_semaphore(%run_scoped3A : memref<!tpu.dma_semaphore, #tpu.memory_space<semaphore_mem>>)
      %dma_wait3A = arith.constant 0 : i32
      %dma_wait3A_82 = arith.constant 0 : i32
      %dma_wait3A_83 = tpu.memref_slice %arg10[%dma_wait3A, %dma_wait3A_82] : memref<128x128xf32, #tpu.memory_space<vmem>> -> memref<120x128xf32, #tpu.memory_space<vmem>>
      %dma_wait3A_84 = arith.constant 0 : i32
      %dma_wait3A_85 = arith.constant 0 : i32
      %dma_wait3A_86 = tpu.memref_slice %arg5[%dma_wait3A_84, %dma_wait3A_85] : memref<128x128xf32, #tpu.memory_space<hbm>> -> memref<120x128xf32, #tpu.memory_space<hbm>>
      %dma_wait3A_87 = arith.constant 0 : i32
      %dma_wait3A_88 = arith.constant 0 : i32
      %dma_wait3A_89 = tpu.memref_slice %arg10[%dma_wait3A_87, %dma_wait3A_88] : memref<128x128xf32, #tpu.memory_space<vmem>> -> memref<120x128xf32, #tpu.memory_space<vmem>>
      %dma_wait3A_90 = arith.constant 0 : i32
      %dma_wait3A_91 = arith.constant 0 : i32
      %dma_wait3A_92 = tpu.memref_slice %arg5[%dma_wait3A_90, %dma_wait3A_91] : memref<128x128xf32, #tpu.memory_space<hbm>> -> memref<120x128xf32, #tpu.memory_space<hbm>>
      tpu.wait_dma2 semaphore(%run_scoped3A : memref<!tpu.dma_semaphore, #tpu.memory_space<semaphore_mem>>) src(%dma_wait3A_92 : memref<120x128xf32, #tpu.memory_space<hbm>>) dst(%dma_wait3A_89 : memref<120x128xf32, #tpu.memory_space<vmem>>)
      tpu.yield
    }) : () -> ()
    %mul3A_16 = arith.constant 632 : i32
    %mul3A_17 = arith.muli %arg1, %mul3A_16 : i32
    %add3A_18 = arith.constant 512 : i32
    %add3A_19 = arith.addi %mul3A_17, %add3A_18 : i32
    "tpu.region"() ({
      %run_scoped3A = tpu.sem_alloc : memref<!tpu.dma_semaphore, #tpu.memory_space<semaphore_mem>>
      %dma_start3A = arith.constant 0 : i32
      %dma_start3A_71 = arith.constant 0 : i32
      %dma_start3A_72 = tpu.memref_slice %arg10[%dma_start3A, %dma_start3A_71] : memref<128x128xf32, #tpu.memory_space<vmem>> -> memref<120x128xf32, #tpu.memory_space<vmem>>
      %dma_start3A_73 = arith.constant 0 : i32
      %dma_start3A_74 = tpu.memref_slice %arg7[%add3A_19, %dma_start3A_73] : memref<10112x128xf32, #tpu.memory_space<vmem_shared>> -> memref<120x128xf32, #tpu.memory_space<vmem_shared>>
      %dma_start3A_75 = arith.constant 0 : i32
      %dma_start3A_76 = tpu.memref_slice %arg7[%add3A_19, %dma_start3A_75] : memref<10112x128xf32, #tpu.memory_space<vmem_shared>> -> memref<120x128xf32, #tpu.memory_space<vmem_shared>>
      %dma_start3A_77 = arith.constant 0 : i32
      %dma_start3A_78 = arith.constant 0 : i32
      %dma_start3A_79 = tpu.memref_slice %arg10[%dma_start3A_77, %dma_start3A_78] : memref<128x128xf32, #tpu.memory_space<vmem>> -> memref<120x128xf32, #tpu.memory_space<vmem>>
      tpu.enqueue_dma source(%dma_start3A_79 : memref<120x128xf32, #tpu.memory_space<vmem>>) target(%dma_start3A_76 : memref<120x128xf32, #tpu.memory_space<vmem_shared>>) target_semaphore(%run_scoped3A : memref<!tpu.dma_semaphore, #tpu.memory_space<semaphore_mem>>)
      %dma_wait3A = arith.constant 0 : i32
      %dma_wait3A_80 = arith.constant 0 : i32
      %dma_wait3A_81 = tpu.memref_slice %arg10[%dma_wait3A, %dma_wait3A_80] : memref<128x128xf32, #tpu.memory_space<vmem>> -> memref<120x128xf32, #tpu.memory_space<vmem>>
      %dma_wait3A_82 = arith.constant 0 : i32
      %dma_wait3A_83 = tpu.memref_slice %arg7[%add3A_19, %dma_wait3A_82] : memref<10112x128xf32, #tpu.memory_space<vmem_shared>> -> memref<120x128xf32, #tpu.memory_space<vmem_shared>>
      %dma_wait3A_84 = arith.constant 0 : i32
      %dma_wait3A_85 = tpu.memref_slice %arg7[%add3A_19, %dma_wait3A_84] : memref<10112x128xf32, #tpu.memory_space<vmem_shared>> -> memref<120x128xf32, #tpu.memory_space<vmem_shared>>
      %dma_wait3A_86 = arith.constant 0 : i32
      %dma_wait3A_87 = arith.constant 0 : i32
      %dma_wait3A_88 = tpu.memref_slice %arg10[%dma_wait3A_86, %dma_wait3A_87] : memref<128x128xf32, #tpu.memory_space<vmem>> -> memref<120x128xf32, #tpu.memory_space<vmem>>
      tpu.wait_dma2 semaphore(%run_scoped3A : memref<!tpu.dma_semaphore, #tpu.memory_space<semaphore_mem>>) src(%dma_wait3A_88 : memref<120x128xf32, #tpu.memory_space<vmem>>) dst(%dma_wait3A_85 : memref<120x128xf32, #tpu.memory_space<vmem_shared>>)
      tpu.yield
    }) : () -> ()
    %mul3A_20 = arith.constant 80 : i32
    %mul3A_21 = arith.muli %arg1, %mul3A_20 : i32
    "tpu.region"() ({
      %run_scoped3A = tpu.sem_alloc : memref<!tpu.dma_semaphore, #tpu.memory_space<semaphore_mem>>
      %dma_start3A = arith.constant 0 : i32
      %dma_start3A_71 = tpu.memref_slice %arg3[%add3A_0, %mul3A_21, %dma_start3A] : memref<2x1280x128xi32, #tpu.memory_space<hbm>> -> memref<1x80x128xi32, #tpu.memory_space<hbm>>
      %dma_start3A_72 = tpu.memref_squeeze %dma_start3A_71 : memref<1x80x128xi32, #tpu.memory_space<hbm>> -> memref<80x128xi32, #tpu.memory_space<hbm>>
      %dma_start3A_73 = arith.constant 0 : i32
      %dma_start3A_74 = tpu.memref_slice %arg3[%add3A_0, %mul3A_21, %dma_start3A_73] : memref<2x1280x128xi32, #tpu.memory_space<hbm>> -> memref<1x80x128xi32, #tpu.memory_space<hbm>>
      %dma_start3A_75 = tpu.memref_squeeze %dma_start3A_74 : memref<1x80x128xi32, #tpu.memory_space<hbm>> -> memref<80x128xi32, #tpu.memory_space<hbm>>
      tpu.enqueue_dma source(%dma_start3A_75 : memref<80x128xi32, #tpu.memory_space<hbm>>) target(%arg8 : memref<80x128xi32, #tpu.memory_space<vmem>>) target_semaphore(%run_scoped3A : memref<!tpu.dma_semaphore, #tpu.memory_space<semaphore_mem>>)
      %dma_wait3A = arith.constant 0 : i32
      %dma_wait3A_76 = tpu.memref_slice %arg3[%add3A_0, %mul3A_21, %dma_wait3A] : memref<2x1280x128xi32, #tpu.memory_space<hbm>> -> memref<1x80x128xi32, #tpu.memory_space<hbm>>
      %dma_wait3A_77 = tpu.memref_squeeze %dma_wait3A_76 : memref<1x80x128xi32, #tpu.memory_space<hbm>> -> memref<80x128xi32, #tpu.memory_space<hbm>>
      %dma_wait3A_78 = arith.constant 0 : i32
      %dma_wait3A_79 = tpu.memref_slice %arg3[%add3A_0, %mul3A_21, %dma_wait3A_78] : memref<2x1280x128xi32, #tpu.memory_space<hbm>> -> memref<1x80x128xi32, #tpu.memory_space<hbm>>
      %dma_wait3A_80 = tpu.memref_squeeze %dma_wait3A_79 : memref<1x80x128xi32, #tpu.memory_space<hbm>> -> memref<80x128xi32, #tpu.memory_space<hbm>>
      tpu.wait_dma2 semaphore(%run_scoped3A : memref<!tpu.dma_semaphore, #tpu.memory_space<semaphore_mem>>) src(%dma_wait3A_80 : memref<80x128xi32, #tpu.memory_space<hbm>>) dst(%arg8 : memref<80x128xi32, #tpu.memory_space<vmem>>)
      tpu.yield
    }) : () -> ()
    %mul3A_22 = arith.constant 80 : i32
    %mul3A_23 = arith.muli %arg1, %mul3A_22 : i32
    "tpu.region"() ({
      %run_scoped3A = tpu.sem_alloc : memref<!tpu.dma_semaphore, #tpu.memory_space<semaphore_mem>>
      %dma_start3A = arith.constant 0 : i32
      %dma_start3A_71 = tpu.memref_slice %arg4[%mul3A_23, %dma_start3A] : memref<1280x128xi32, #tpu.memory_space<hbm>> -> memref<80x128xi32, #tpu.memory_space<hbm>>
      %dma_start3A_72 = arith.constant 0 : i32
      %dma_start3A_73 = tpu.memref_slice %arg4[%mul3A_23, %dma_start3A_72] : memref<1280x128xi32, #tpu.memory_space<hbm>> -> memref<80x128xi32, #tpu.memory_space<hbm>>
      tpu.enqueue_dma source(%dma_start3A_73 : memref<80x128xi32, #tpu.memory_space<hbm>>) target(%arg9 : memref<80x128xi32, #tpu.memory_space<vmem>>) target_semaphore(%run_scoped3A : memref<!tpu.dma_semaphore, #tpu.memory_space<semaphore_mem>>)
      %dma_wait3A = arith.constant 0 : i32
      %dma_wait3A_74 = tpu.memref_slice %arg4[%mul3A_23, %dma_wait3A] : memref<1280x128xi32, #tpu.memory_space<hbm>> -> memref<80x128xi32, #tpu.memory_space<hbm>>
      %dma_wait3A_75 = arith.constant 0 : i32
      %dma_wait3A_76 = tpu.memref_slice %arg4[%mul3A_23, %dma_wait3A_75] : memref<1280x128xi32, #tpu.memory_space<hbm>> -> memref<80x128xi32, #tpu.memory_space<hbm>>
      tpu.wait_dma2 semaphore(%run_scoped3A : memref<!tpu.dma_semaphore, #tpu.memory_space<semaphore_mem>>) src(%dma_wait3A_76 : memref<80x128xi32, #tpu.memory_space<hbm>>) dst(%arg9 : memref<80x128xi32, #tpu.memory_space<vmem>>)
      tpu.yield
    }) : () -> ()
    %barrier3A = arith.constant 0 : index
    tpu.barrier barrier_id(%barrier3A)
    %scan3A = arith.constant 0 : i32
    %scan3A_24 = arith.constant 0 : i32
    %scan3A_25 = arith.constant 80 : i32
    %scan3A_26 = arith.addi %scan3A_24, %scan3A_25 : i32
    %scan3A_27 = arith.constant 1 : i32
    scf.for %scan3A_71 = %scan3A_24 to %scan3A_26 step %scan3A_27  : i32 {
      "tpu.region"() ({
        %run_scoped3A = tpu.sem_alloc : memref<!tpu.dma_semaphore, #tpu.memory_space<semaphore_mem>>
        %dma_start3A = arith.constant 0 : i32
        %dma_start3A_72 = tpu.memref_slice %arg8[%scan3A_71, %dma_start3A] : memref<80x128xi32, #tpu.memory_space<vmem>> -> memref<1x128xi32, #tpu.memory_space<vmem>>
        %dma_start3A_73 = tpu.memref_squeeze %dma_start3A_72 : memref<1x128xi32, #tpu.memory_space<vmem>> -> memref<128xi32, #tpu.memory_space<vmem>>
        %dma_start3A_74 = arith.constant 0 : i32
        %dma_start3A_75 = arith.constant 0 : i32
        %dma_start3A_76 = tpu.memref_slice %arg2[%dma_start3A_74, %dma_start3A_75] : memref<20000x128xf32, #tpu.memory_space<hbm>> -> memref<20000x128xf32, #tpu.memory_space<hbm>>
        tpu.enqueue_indirect_dma source(%dma_start3A_76 : memref<20000x128xf32, #tpu.memory_space<hbm>>) target(%arg10 : memref<128x128xf32, #tpu.memory_space<vmem>>) offsets(%dma_start3A_73 : memref<128xi32, #tpu.memory_space<vmem>>) semaphore(%run_scoped3A : memref<!tpu.dma_semaphore, #tpu.memory_space<semaphore_mem>>)
        %dma_wait3A = arith.constant 0 : i32
        %dma_wait3A_77 = tpu.memref_slice %arg8[%scan3A_71, %dma_wait3A] : memref<80x128xi32, #tpu.memory_space<vmem>> -> memref<1x128xi32, #tpu.memory_space<vmem>>
        %dma_wait3A_78 = tpu.memref_squeeze %dma_wait3A_77 : memref<1x128xi32, #tpu.memory_space<vmem>> -> memref<128xi32, #tpu.memory_space<vmem>>
        %dma_wait3A_79 = arith.constant 0 : i32
        %dma_wait3A_80 = arith.constant 0 : i32
        %dma_wait3A_81 = tpu.memref_slice %arg2[%dma_wait3A_79, %dma_wait3A_80] : memref<20000x128xf32, #tpu.memory_space<hbm>> -> memref<20000x128xf32, #tpu.memory_space<hbm>>
        tpu.wait_indirect_dma semaphore(%run_scoped3A : memref<!tpu.dma_semaphore, #tpu.memory_space<semaphore_mem>>) src(%dma_wait3A_81 : memref<20000x128xf32, #tpu.memory_space<hbm>>) dst(%arg10 : memref<128x128xf32, #tpu.memory_space<vmem>>)
        tpu.yield
      }) : () -> ()
      "tpu.region"() ({
        %run_scoped3A = tpu.sem_alloc : memref<!tpu.dma_semaphore, #tpu.memory_space<semaphore_mem>>
        %dma_start3A = arith.constant 0 : i32
        %dma_start3A_72 = tpu.memref_slice %arg9[%scan3A_71, %dma_start3A] : memref<80x128xi32, #tpu.memory_space<vmem>> -> memref<1x128xi32, #tpu.memory_space<vmem>>
        %dma_start3A_73 = tpu.memref_squeeze %dma_start3A_72 : memref<1x128xi32, #tpu.memory_space<vmem>> -> memref<128xi32, #tpu.memory_space<vmem>>
        %dma_start3A_74 = arith.constant 0 : i32
        %dma_start3A_75 = arith.constant 0 : i32
        %dma_start3A_76 = tpu.memref_slice %arg7[%dma_start3A_74, %dma_start3A_75] : memref<10112x128xf32, #tpu.memory_space<vmem_shared>> -> memref<10112x128xf32, #tpu.memory_space<vmem_shared>>
        tpu.enqueue_indirect_dma source(%arg10 : memref<128x128xf32, #tpu.memory_space<vmem>>) target(%dma_start3A_76 : memref<10112x128xf32, #tpu.memory_space<vmem_shared>>) offsets(%dma_start3A_73 : memref<128xi32, #tpu.memory_space<vmem>>) semaphore(%run_scoped3A : memref<!tpu.dma_semaphore, #tpu.memory_space<semaphore_mem>>) {add = true}
        %dma_wait3A = arith.constant 0 : i32
        %dma_wait3A_77 = tpu.memref_slice %arg9[%scan3A_71, %dma_wait3A] : memref<80x128xi32, #tpu.memory_space<vmem>> -> memref<1x128xi32, #tpu.memory_space<vmem>>
        %dma_wait3A_78 = tpu.memref_squeeze %dma_wait3A_77 : memref<1x128xi32, #tpu.memory_space<vmem>> -> memref<128xi32, #tpu.memory_space<vmem>>
        %dma_wait3A_79 = arith.constant 0 : i32
        %dma_wait3A_80 = arith.constant 0 : i32
        %dma_wait3A_81 = tpu.memref_slice %arg7[%dma_wait3A_79, %dma_wait3A_80] : memref<10112x128xf32, #tpu.memory_space<vmem_shared>> -> memref<10112x128xf32, #tpu.memory_space<vmem_shared>>
        tpu.wait_indirect_dma semaphore(%run_scoped3A : memref<!tpu.dma_semaphore, #tpu.memory_space<semaphore_mem>>) src(%arg10 : memref<128x128xf32, #tpu.memory_space<vmem>>) dst(%dma_wait3A_81 : memref<10112x128xf32, #tpu.memory_space<vmem_shared>>)
        tpu.yield
      }) : () -> ()
    }
    %scan3A_28 = arith.constant 80 : i32
    %barrier3A_29 = arith.constant 0 : index
    tpu.barrier barrier_id(%barrier3A_29)
    %mul3A_30 = arith.constant 632 : i32
    %mul3A_31 = arith.muli %arg1, %mul3A_30 : i32
    %add3A_32 = arith.constant 0 : i32
    %add3A_33 = arith.addi %mul3A_31, %add3A_32 : i32
    "tpu.region"() ({
      %run_scoped3A = tpu.sem_alloc : memref<!tpu.dma_semaphore, #tpu.memory_space<semaphore_mem>>
      %dma_start3A = arith.constant 0 : i32
      %dma_start3A_71 = arith.constant 0 : i32
      %dma_start3A_72 = tpu.memref_slice %arg10[%dma_start3A, %dma_start3A_71] : memref<128x128xf32, #tpu.memory_space<vmem>> -> memref<128x128xf32, #tpu.memory_space<vmem>>
      %dma_start3A_73 = arith.constant 0 : i32
      %dma_start3A_74 = tpu.memref_slice %arg7[%add3A_33, %dma_start3A_73] : memref<10112x128xf32, #tpu.memory_space<vmem_shared>> -> memref<128x128xf32, #tpu.memory_space<vmem_shared>>
      %dma_start3A_75 = arith.constant 0 : i32
      %dma_start3A_76 = arith.constant 0 : i32
      %dma_start3A_77 = tpu.memref_slice %arg10[%dma_start3A_75, %dma_start3A_76] : memref<128x128xf32, #tpu.memory_space<vmem>> -> memref<128x128xf32, #tpu.memory_space<vmem>>
      %dma_start3A_78 = arith.constant 0 : i32
      %dma_start3A_79 = tpu.memref_slice %arg7[%add3A_33, %dma_start3A_78] : memref<10112x128xf32, #tpu.memory_space<vmem_shared>> -> memref<128x128xf32, #tpu.memory_space<vmem_shared>>
      tpu.enqueue_dma source(%dma_start3A_79 : memref<128x128xf32, #tpu.memory_space<vmem_shared>>) target(%dma_start3A_77 : memref<128x128xf32, #tpu.memory_space<vmem>>) target_semaphore(%run_scoped3A : memref<!tpu.dma_semaphore, #tpu.memory_space<semaphore_mem>>)
      %dma_wait3A = arith.constant 0 : i32
      %dma_wait3A_80 = arith.constant 0 : i32
      %dma_wait3A_81 = tpu.memref_slice %arg10[%dma_wait3A, %dma_wait3A_80] : memref<128x128xf32, #tpu.memory_space<vmem>> -> memref<128x128xf32, #tpu.memory_space<vmem>>
      %dma_wait3A_82 = arith.constant 0 : i32
      %dma_wait3A_83 = tpu.memref_slice %arg7[%add3A_33, %dma_wait3A_82] : memref<10112x128xf32, #tpu.memory_space<vmem_shared>> -> memref<128x128xf32, #tpu.memory_space<vmem_shared>>
      %dma_wait3A_84 = arith.constant 0 : i32
      %dma_wait3A_85 = arith.constant 0 : i32
      %dma_wait3A_86 = tpu.memref_slice %arg10[%dma_wait3A_84, %dma_wait3A_85] : memref<128x128xf32, #tpu.memory_space<vmem>> -> memref<128x128xf32, #tpu.memory_space<vmem>>
      %dma_wait3A_87 = arith.constant 0 : i32
      %dma_wait3A_88 = tpu.memref_slice %arg7[%add3A_33, %dma_wait3A_87] : memref<10112x128xf32, #tpu.memory_space<vmem_shared>> -> memref<128x128xf32, #tpu.memory_space<vmem_shared>>
      tpu.wait_dma2 semaphore(%run_scoped3A : memref<!tpu.dma_semaphore, #tpu.memory_space<semaphore_mem>>) src(%dma_wait3A_88 : memref<128x128xf32, #tpu.memory_space<vmem_shared>>) dst(%dma_wait3A_86 : memref<128x128xf32, #tpu.memory_space<vmem>>)
      tpu.yield
    }) : () -> ()
    %mul3A_34 = arith.constant 632 : i32
    %mul3A_35 = arith.muli %arg1, %mul3A_34 : i32
    %add3A_36 = arith.constant 0 : i32
    %add3A_37 = arith.addi %mul3A_35, %add3A_36 : i32
    "tpu.region"() ({
      %run_scoped3A = tpu.sem_alloc : memref<!tpu.dma_semaphore, #tpu.memory_space<semaphore_mem>>
      %dma_start3A = arith.constant 0 : i32
      %dma_start3A_71 = arith.constant 0 : i32
      %dma_start3A_72 = tpu.memref_slice %arg10[%dma_start3A, %dma_start3A_71] : memref<128x128xf32, #tpu.memory_space<vmem>> -> memref<128x128xf32, #tpu.memory_space<vmem>>
      %dma_start3A_73 = arith.constant 0 : i32
      %dma_start3A_74 = tpu.memref_slice %arg6[%add3A_0, %add3A_37, %dma_start3A_73] : memref<2x10112x128xf32, #tpu.memory_space<hbm>> -> memref<1x128x128xf32, #tpu.memory_space<hbm>>
      %dma_start3A_75 = tpu.memref_squeeze %dma_start3A_74 : memref<1x128x128xf32, #tpu.memory_space<hbm>> -> memref<128x128xf32, #tpu.memory_space<hbm>>
      %dma_start3A_76 = arith.constant 0 : i32
      %dma_start3A_77 = tpu.memref_slice %arg6[%add3A_0, %add3A_37, %dma_start3A_76] : memref<2x10112x128xf32, #tpu.memory_space<hbm>> -> memref<1x128x128xf32, #tpu.memory_space<hbm>>
      %dma_start3A_78 = tpu.memref_squeeze %dma_start3A_77 : memref<1x128x128xf32, #tpu.memory_space<hbm>> -> memref<128x128xf32, #tpu.memory_space<hbm>>
      %dma_start3A_79 = arith.constant 0 : i32
      %dma_start3A_80 = arith.constant 0 : i32
      %dma_start3A_81 = tpu.memref_slice %arg10[%dma_start3A_79, %dma_start3A_80] : memref<128x128xf32, #tpu.memory_space<vmem>> -> memref<128x128xf32, #tpu.memory_space<vmem>>
      tpu.enqueue_dma source(%dma_start3A_81 : memref<128x128xf32, #tpu.memory_space<vmem>>) target(%dma_start3A_78 : memref<128x128xf32, #tpu.memory_space<hbm>>) target_semaphore(%run_scoped3A : memref<!tpu.dma_semaphore, #tpu.memory_space<semaphore_mem>>)
      %dma_wait3A = arith.constant 0 : i32
      %dma_wait3A_82 = arith.constant 0 : i32
      %dma_wait3A_83 = tpu.memref_slice %arg10[%dma_wait3A, %dma_wait3A_82] : memref<128x128xf32, #tpu.memory_space<vmem>> -> memref<128x128xf32, #tpu.memory_space<vmem>>
      %dma_wait3A_84 = arith.constant 0 : i32
      %dma_wait3A_85 = tpu.memref_slice %arg6[%add3A_0, %add3A_37, %dma_wait3A_84] : memref<2x10112x128xf32, #tpu.memory_space<hbm>> -> memref<1x128x128xf32, #tpu.memory_space<hbm>>
      %dma_wait3A_86 = tpu.memref_squeeze %dma_wait3A_85 : memref<1x128x128xf32, #tpu.memory_space<hbm>> -> memref<128x128xf32, #tpu.memory_space<hbm>>
      %dma_wait3A_87 = arith.constant 0 : i32
      %dma_wait3A_88 = tpu.memref_slice %arg6[%add3A_0, %add3A_37, %dma_wait3A_87] : memref<2x10112x128xf32, #tpu.memory_space<hbm>> -> memref<1x128x128xf32, #tpu.memory_space<hbm>>
      %dma_wait3A_89 = tpu.memref_squeeze %dma_wait3A_88 : memref<1x128x128xf32, #tpu.memory_space<hbm>> -> memref<128x128xf32, #tpu.memory_space<hbm>>
      %dma_wait3A_90 = arith.constant 0 : i32
      %dma_wait3A_91 = arith.constant 0 : i32
      %dma_wait3A_92 = tpu.memref_slice %arg10[%dma_wait3A_90, %dma_wait3A_91] : memref<128x128xf32, #tpu.memory_space<vmem>> -> memref<128x128xf32, #tpu.memory_space<vmem>>
      tpu.wait_dma2 semaphore(%run_scoped3A : memref<!tpu.dma_semaphore, #tpu.memory_space<semaphore_mem>>) src(%dma_wait3A_92 : memref<128x128xf32, #tpu.memory_space<vmem>>) dst(%dma_wait3A_89 : memref<128x128xf32, #tpu.memory_space<hbm>>)
      tpu.yield
    }) : () -> ()
    %mul3A_38 = arith.constant 632 : i32
    %mul3A_39 = arith.muli %arg1, %mul3A_38 : i32
    %add3A_40 = arith.constant 128 : i32
    %add3A_41 = arith.addi %mul3A_39, %add3A_40 : i32
    "tpu.region"() ({
      %run_scoped3A = tpu.sem_alloc : memref<!tpu.dma_semaphore, #tpu.memory_space<semaphore_mem>>
      %dma_start3A = arith.constant 0 : i32
      %dma_start3A_71 = arith.constant 0 : i32
      %dma_start3A_72 = tpu.memref_slice %arg10[%dma_start3A, %dma_start3A_71] : memref<128x128xf32, #tpu.memory_space<vmem>> -> memref<128x128xf32, #tpu.memory_space<vmem>>
      %dma_start3A_73 = arith.constant 0 : i32
      %dma_start3A_74 = tpu.memref_slice %arg7[%add3A_41, %dma_start3A_73] : memref<10112x128xf32, #tpu.memory_space<vmem_shared>> -> memref<128x128xf32, #tpu.memory_space<vmem_shared>>
      %dma_start3A_75 = arith.constant 0 : i32
      %dma_start3A_76 = arith.constant 0 : i32
      %dma_start3A_77 = tpu.memref_slice %arg10[%dma_start3A_75, %dma_start3A_76] : memref<128x128xf32, #tpu.memory_space<vmem>> -> memref<128x128xf32, #tpu.memory_space<vmem>>
      %dma_start3A_78 = arith.constant 0 : i32
      %dma_start3A_79 = tpu.memref_slice %arg7[%add3A_41, %dma_start3A_78] : memref<10112x128xf32, #tpu.memory_space<vmem_shared>> -> memref<128x128xf32, #tpu.memory_space<vmem_shared>>
      tpu.enqueue_dma source(%dma_start3A_79 : memref<128x128xf32, #tpu.memory_space<vmem_shared>>) target(%dma_start3A_77 : memref<128x128xf32, #tpu.memory_space<vmem>>) target_semaphore(%run_scoped3A : memref<!tpu.dma_semaphore, #tpu.memory_space<semaphore_mem>>)
      %dma_wait3A = arith.constant 0 : i32
      %dma_wait3A_80 = arith.constant 0 : i32
      %dma_wait3A_81 = tpu.memref_slice %arg10[%dma_wait3A, %dma_wait3A_80] : memref<128x128xf32, #tpu.memory_space<vmem>> -> memref<128x128xf32, #tpu.memory_space<vmem>>
      %dma_wait3A_82 = arith.constant 0 : i32
      %dma_wait3A_83 = tpu.memref_slice %arg7[%add3A_41, %dma_wait3A_82] : memref<10112x128xf32, #tpu.memory_space<vmem_shared>> -> memref<128x128xf32, #tpu.memory_space<vmem_shared>>
      %dma_wait3A_84 = arith.constant 0 : i32
      %dma_wait3A_85 = arith.constant 0 : i32
      %dma_wait3A_86 = tpu.memref_slice %arg10[%dma_wait3A_84, %dma_wait3A_85] : memref<128x128xf32, #tpu.memory_space<vmem>> -> memref<128x128xf32, #tpu.memory_space<vmem>>
      %dma_wait3A_87 = arith.constant 0 : i32
      %dma_wait3A_88 = tpu.memref_slice %arg7[%add3A_41, %dma_wait3A_87] : memref<10112x128xf32, #tpu.memory_space<vmem_shared>> -> memref<128x128xf32, #tpu.memory_space<vmem_shared>>
      tpu.wait_dma2 semaphore(%run_scoped3A : memref<!tpu.dma_semaphore, #tpu.memory_space<semaphore_mem>>) src(%dma_wait3A_88 : memref<128x128xf32, #tpu.memory_space<vmem_shared>>) dst(%dma_wait3A_86 : memref<128x128xf32, #tpu.memory_space<vmem>>)
      tpu.yield
    }) : () -> ()
    %mul3A_42 = arith.constant 632 : i32
    %mul3A_43 = arith.muli %arg1, %mul3A_42 : i32
    %add3A_44 = arith.constant 128 : i32
    %add3A_45 = arith.addi %mul3A_43, %add3A_44 : i32
    "tpu.region"() ({
      %run_scoped3A = tpu.sem_alloc : memref<!tpu.dma_semaphore, #tpu.memory_space<semaphore_mem>>
      %dma_start3A = arith.constant 0 : i32
      %dma_start3A_71 = arith.constant 0 : i32
      %dma_start3A_72 = tpu.memref_slice %arg10[%dma_start3A, %dma_start3A_71] : memref<128x128xf32, #tpu.memory_space<vmem>> -> memref<128x128xf32, #tpu.memory_space<vmem>>
      %dma_start3A_73 = arith.constant 0 : i32
      %dma_start3A_74 = tpu.memref_slice %arg6[%add3A_0, %add3A_45, %dma_start3A_73] : memref<2x10112x128xf32, #tpu.memory_space<hbm>> -> memref<1x128x128xf32, #tpu.memory_space<hbm>>
      %dma_start3A_75 = tpu.memref_squeeze %dma_start3A_74 : memref<1x128x128xf32, #tpu.memory_space<hbm>> -> memref<128x128xf32, #tpu.memory_space<hbm>>
      %dma_start3A_76 = arith.constant 0 : i32
      %dma_start3A_77 = tpu.memref_slice %arg6[%add3A_0, %add3A_45, %dma_start3A_76] : memref<2x10112x128xf32, #tpu.memory_space<hbm>> -> memref<1x128x128xf32, #tpu.memory_space<hbm>>
      %dma_start3A_78 = tpu.memref_squeeze %dma_start3A_77 : memref<1x128x128xf32, #tpu.memory_space<hbm>> -> memref<128x128xf32, #tpu.memory_space<hbm>>
      %dma_start3A_79 = arith.constant 0 : i32
      %dma_start3A_80 = arith.constant 0 : i32
      %dma_start3A_81 = tpu.memref_slice %arg10[%dma_start3A_79, %dma_start3A_80] : memref<128x128xf32, #tpu.memory_space<vmem>> -> memref<128x128xf32, #tpu.memory_space<vmem>>
      tpu.enqueue_dma source(%dma_start3A_81 : memref<128x128xf32, #tpu.memory_space<vmem>>) target(%dma_start3A_78 : memref<128x128xf32, #tpu.memory_space<hbm>>) target_semaphore(%run_scoped3A : memref<!tpu.dma_semaphore, #tpu.memory_space<semaphore_mem>>)
      %dma_wait3A = arith.constant 0 : i32
      %dma_wait3A_82 = arith.constant 0 : i32
      %dma_wait3A_83 = tpu.memref_slice %arg10[%dma_wait3A, %dma_wait3A_82] : memref<128x128xf32, #tpu.memory_space<vmem>> -> memref<128x128xf32, #tpu.memory_space<vmem>>
      %dma_wait3A_84 = arith.constant 0 : i32
      %dma_wait3A_85 = tpu.memref_slice %arg6[%add3A_0, %add3A_45, %dma_wait3A_84] : memref<2x10112x128xf32, #tpu.memory_space<hbm>> -> memref<1x128x128xf32, #tpu.memory_space<hbm>>
      %dma_wait3A_86 = tpu.memref_squeeze %dma_wait3A_85 : memref<1x128x128xf32, #tpu.memory_space<hbm>> -> memref<128x128xf32, #tpu.memory_space<hbm>>
      %dma_wait3A_87 = arith.constant 0 : i32
      %dma_wait3A_88 = tpu.memref_slice %arg6[%add3A_0, %add3A_45, %dma_wait3A_87] : memref<2x10112x128xf32, #tpu.memory_space<hbm>> -> memref<1x128x128xf32, #tpu.memory_space<hbm>>
      %dma_wait3A_89 = tpu.memref_squeeze %dma_wait3A_88 : memref<1x128x128xf32, #tpu.memory_space<hbm>> -> memref<128x128xf32, #tpu.memory_space<hbm>>
      %dma_wait3A_90 = arith.constant 0 : i32
      %dma_wait3A_91 = arith.constant 0 : i32
      %dma_wait3A_92 = tpu.memref_slice %arg10[%dma_wait3A_90, %dma_wait3A_91] : memref<128x128xf32, #tpu.memory_space<vmem>> -> memref<128x128xf32, #tpu.memory_space<vmem>>
      tpu.wait_dma2 semaphore(%run_scoped3A : memref<!tpu.dma_semaphore, #tpu.memory_space<semaphore_mem>>) src(%dma_wait3A_92 : memref<128x128xf32, #tpu.memory_space<vmem>>) dst(%dma_wait3A_89 : memref<128x128xf32, #tpu.memory_space<hbm>>)
      tpu.yield
    }) : () -> ()
    %mul3A_46 = arith.constant 632 : i32
    %mul3A_47 = arith.muli %arg1, %mul3A_46 : i32
    %add3A_48 = arith.constant 256 : i32
    %add3A_49 = arith.addi %mul3A_47, %add3A_48 : i32
    "tpu.region"() ({
      %run_scoped3A = tpu.sem_alloc : memref<!tpu.dma_semaphore, #tpu.memory_space<semaphore_mem>>
      %dma_start3A = arith.constant 0 : i32
      %dma_start3A_71 = arith.constant 0 : i32
      %dma_start3A_72 = tpu.memref_slice %arg10[%dma_start3A, %dma_start3A_71] : memref<128x128xf32, #tpu.memory_space<vmem>> -> memref<128x128xf32, #tpu.memory_space<vmem>>
      %dma_start3A_73 = arith.constant 0 : i32
      %dma_start3A_74 = tpu.memref_slice %arg7[%add3A_49, %dma_start3A_73] : memref<10112x128xf32, #tpu.memory_space<vmem_shared>> -> memref<128x128xf32, #tpu.memory_space<vmem_shared>>
      %dma_start3A_75 = arith.constant 0 : i32
      %dma_start3A_76 = arith.constant 0 : i32
      %dma_start3A_77 = tpu.memref_slice %arg10[%dma_start3A_75, %dma_start3A_76] : memref<128x128xf32, #tpu.memory_space<vmem>> -> memref<128x128xf32, #tpu.memory_space<vmem>>
      %dma_start3A_78 = arith.constant 0 : i32
      %dma_start3A_79 = tpu.memref_slice %arg7[%add3A_49, %dma_start3A_78] : memref<10112x128xf32, #tpu.memory_space<vmem_shared>> -> memref<128x128xf32, #tpu.memory_space<vmem_shared>>
      tpu.enqueue_dma source(%dma_start3A_79 : memref<128x128xf32, #tpu.memory_space<vmem_shared>>) target(%dma_start3A_77 : memref<128x128xf32, #tpu.memory_space<vmem>>) target_semaphore(%run_scoped3A : memref<!tpu.dma_semaphore, #tpu.memory_space<semaphore_mem>>)
      %dma_wait3A = arith.constant 0 : i32
      %dma_wait3A_80 = arith.constant 0 : i32
      %dma_wait3A_81 = tpu.memref_slice %arg10[%dma_wait3A, %dma_wait3A_80] : memref<128x128xf32, #tpu.memory_space<vmem>> -> memref<128x128xf32, #tpu.memory_space<vmem>>
      %dma_wait3A_82 = arith.constant 0 : i32
      %dma_wait3A_83 = tpu.memref_slice %arg7[%add3A_49, %dma_wait3A_82] : memref<10112x128xf32, #tpu.memory_space<vmem_shared>> -> memref<128x128xf32, #tpu.memory_space<vmem_shared>>
      %dma_wait3A_84 = arith.constant 0 : i32
      %dma_wait3A_85 = arith.constant 0 : i32
      %dma_wait3A_86 = tpu.memref_slice %arg10[%dma_wait3A_84, %dma_wait3A_85] : memref<128x128xf32, #tpu.memory_space<vmem>> -> memref<128x128xf32, #tpu.memory_space<vmem>>
      %dma_wait3A_87 = arith.constant 0 : i32
      %dma_wait3A_88 = tpu.memref_slice %arg7[%add3A_49, %dma_wait3A_87] : memref<10112x128xf32, #tpu.memory_space<vmem_shared>> -> memref<128x128xf32, #tpu.memory_space<vmem_shared>>
      tpu.wait_dma2 semaphore(%run_scoped3A : memref<!tpu.dma_semaphore, #tpu.memory_space<semaphore_mem>>) src(%dma_wait3A_88 : memref<128x128xf32, #tpu.memory_space<vmem_shared>>) dst(%dma_wait3A_86 : memref<128x128xf32, #tpu.memory_space<vmem>>)
      tpu.yield
    }) : () -> ()
    %mul3A_50 = arith.constant 632 : i32
    %mul3A_51 = arith.muli %arg1, %mul3A_50 : i32
    %add3A_52 = arith.constant 256 : i32
    %add3A_53 = arith.addi %mul3A_51, %add3A_52 : i32
    "tpu.region"() ({
      %run_scoped3A = tpu.sem_alloc : memref<!tpu.dma_semaphore, #tpu.memory_space<semaphore_mem>>
      %dma_start3A = arith.constant 0 : i32
      %dma_start3A_71 = arith.constant 0 : i32
      %dma_start3A_72 = tpu.memref_slice %arg10[%dma_start3A, %dma_start3A_71] : memref<128x128xf32, #tpu.memory_space<vmem>> -> memref<128x128xf32, #tpu.memory_space<vmem>>
      %dma_start3A_73 = arith.constant 0 : i32
      %dma_start3A_74 = tpu.memref_slice %arg6[%add3A_0, %add3A_53, %dma_start3A_73] : memref<2x10112x128xf32, #tpu.memory_space<hbm>> -> memref<1x128x128xf32, #tpu.memory_space<hbm>>
      %dma_start3A_75 = tpu.memref_squeeze %dma_start3A_74 : memref<1x128x128xf32, #tpu.memory_space<hbm>> -> memref<128x128xf32, #tpu.memory_space<hbm>>
      %dma_start3A_76 = arith.constant 0 : i32
      %dma_start3A_77 = tpu.memref_slice %arg6[%add3A_0, %add3A_53, %dma_start3A_76] : memref<2x10112x128xf32, #tpu.memory_space<hbm>> -> memref<1x128x128xf32, #tpu.memory_space<hbm>>
      %dma_start3A_78 = tpu.memref_squeeze %dma_start3A_77 : memref<1x128x128xf32, #tpu.memory_space<hbm>> -> memref<128x128xf32, #tpu.memory_space<hbm>>
      %dma_start3A_79 = arith.constant 0 : i32
      %dma_start3A_80 = arith.constant 0 : i32
      %dma_start3A_81 = tpu.memref_slice %arg10[%dma_start3A_79, %dma_start3A_80] : memref<128x128xf32, #tpu.memory_space<vmem>> -> memref<128x128xf32, #tpu.memory_space<vmem>>
      tpu.enqueue_dma source(%dma_start3A_81 : memref<128x128xf32, #tpu.memory_space<vmem>>) target(%dma_start3A_78 : memref<128x128xf32, #tpu.memory_space<hbm>>) target_semaphore(%run_scoped3A : memref<!tpu.dma_semaphore, #tpu.memory_space<semaphore_mem>>)
      %dma_wait3A = arith.constant 0 : i32
      %dma_wait3A_82 = arith.constant 0 : i32
      %dma_wait3A_83 = tpu.memref_slice %arg10[%dma_wait3A, %dma_wait3A_82] : memref<128x128xf32, #tpu.memory_space<vmem>> -> memref<128x128xf32, #tpu.memory_space<vmem>>
      %dma_wait3A_84 = arith.constant 0 : i32
      %dma_wait3A_85 = tpu.memref_slice %arg6[%add3A_0, %add3A_53, %dma_wait3A_84] : memref<2x10112x128xf32, #tpu.memory_space<hbm>> -> memref<1x128x128xf32, #tpu.memory_space<hbm>>
      %dma_wait3A_86 = tpu.memref_squeeze %dma_wait3A_85 : memref<1x128x128xf32, #tpu.memory_space<hbm>> -> memref<128x128xf32, #tpu.memory_space<hbm>>
      %dma_wait3A_87 = arith.constant 0 : i32
      %dma_wait3A_88 = tpu.memref_slice %arg6[%add3A_0, %add3A_53, %dma_wait3A_87] : memref<2x10112x128xf32, #tpu.memory_space<hbm>> -> memref<1x128x128xf32, #tpu.memory_space<hbm>>
      %dma_wait3A_89 = tpu.memref_squeeze %dma_wait3A_88 : memref<1x128x128xf32, #tpu.memory_space<hbm>> -> memref<128x128xf32, #tpu.memory_space<hbm>>
      %dma_wait3A_90 = arith.constant 0 : i32
      %dma_wait3A_91 = arith.constant 0 : i32
      %dma_wait3A_92 = tpu.memref_slice %arg10[%dma_wait3A_90, %dma_wait3A_91] : memref<128x128xf32, #tpu.memory_space<vmem>> -> memref<128x128xf32, #tpu.memory_space<vmem>>
      tpu.wait_dma2 semaphore(%run_scoped3A : memref<!tpu.dma_semaphore, #tpu.memory_space<semaphore_mem>>) src(%dma_wait3A_92 : memref<128x128xf32, #tpu.memory_space<vmem>>) dst(%dma_wait3A_89 : memref<128x128xf32, #tpu.memory_space<hbm>>)
      tpu.yield
    }) : () -> ()
    %mul3A_54 = arith.constant 632 : i32
    %mul3A_55 = arith.muli %arg1, %mul3A_54 : i32
    %add3A_56 = arith.constant 384 : i32
    %add3A_57 = arith.addi %mul3A_55, %add3A_56 : i32
    "tpu.region"() ({
      %run_scoped3A = tpu.sem_alloc : memref<!tpu.dma_semaphore, #tpu.memory_space<semaphore_mem>>
      %dma_start3A = arith.constant 0 : i32
      %dma_start3A_71 = arith.constant 0 : i32
      %dma_start3A_72 = tpu.memref_slice %arg10[%dma_start3A, %dma_start3A_71] : memref<128x128xf32, #tpu.memory_space<vmem>> -> memref<128x128xf32, #tpu.memory_space<vmem>>
      %dma_start3A_73 = arith.constant 0 : i32
      %dma_start3A_74 = tpu.memref_slice %arg7[%add3A_57, %dma_start3A_73] : memref<10112x128xf32, #tpu.memory_space<vmem_shared>> -> memref<128x128xf32, #tpu.memory_space<vmem_shared>>
      %dma_start3A_75 = arith.constant 0 : i32
      %dma_start3A_76 = arith.constant 0 : i32
      %dma_start3A_77 = tpu.memref_slice %arg10[%dma_start3A_75, %dma_start3A_76] : memref<128x128xf32, #tpu.memory_space<vmem>> -> memref<128x128xf32, #tpu.memory_space<vmem>>
      %dma_start3A_78 = arith.constant 0 : i32
      %dma_start3A_79 = tpu.memref_slice %arg7[%add3A_57, %dma_start3A_78] : memref<10112x128xf32, #tpu.memory_space<vmem_shared>> -> memref<128x128xf32, #tpu.memory_space<vmem_shared>>
      tpu.enqueue_dma source(%dma_start3A_79 : memref<128x128xf32, #tpu.memory_space<vmem_shared>>) target(%dma_start3A_77 : memref<128x128xf32, #tpu.memory_space<vmem>>) target_semaphore(%run_scoped3A : memref<!tpu.dma_semaphore, #tpu.memory_space<semaphore_mem>>)
      %dma_wait3A = arith.constant 0 : i32
      %dma_wait3A_80 = arith.constant 0 : i32
      %dma_wait3A_81 = tpu.memref_slice %arg10[%dma_wait3A, %dma_wait3A_80] : memref<128x128xf32, #tpu.memory_space<vmem>> -> memref<128x128xf32, #tpu.memory_space<vmem>>
      %dma_wait3A_82 = arith.constant 0 : i32
      %dma_wait3A_83 = tpu.memref_slice %arg7[%add3A_57, %dma_wait3A_82] : memref<10112x128xf32, #tpu.memory_space<vmem_shared>> -> memref<128x128xf32, #tpu.memory_space<vmem_shared>>
      %dma_wait3A_84 = arith.constant 0 : i32
      %dma_wait3A_85 = arith.constant 0 : i32
      %dma_wait3A_86 = tpu.memref_slice %arg10[%dma_wait3A_84, %dma_wait3A_85] : memref<128x128xf32, #tpu.memory_space<vmem>> -> memref<128x128xf32, #tpu.memory_space<vmem>>
      %dma_wait3A_87 = arith.constant 0 : i32
      %dma_wait3A_88 = tpu.memref_slice %arg7[%add3A_57, %dma_wait3A_87] : memref<10112x128xf32, #tpu.memory_space<vmem_shared>> -> memref<128x128xf32, #tpu.memory_space<vmem_shared>>
      tpu.wait_dma2 semaphore(%run_scoped3A : memref<!tpu.dma_semaphore, #tpu.memory_space<semaphore_mem>>) src(%dma_wait3A_88 : memref<128x128xf32, #tpu.memory_space<vmem_shared>>) dst(%dma_wait3A_86 : memref<128x128xf32, #tpu.memory_space<vmem>>)
      tpu.yield
    }) : () -> ()
    %mul3A_58 = arith.constant 632 : i32
    %mul3A_59 = arith.muli %arg1, %mul3A_58 : i32
    %add3A_60 = arith.constant 384 : i32
    %add3A_61 = arith.addi %mul3A_59, %add3A_60 : i32
    "tpu.region"() ({
      %run_scoped3A = tpu.sem_alloc : memref<!tpu.dma_semaphore, #tpu.memory_space<semaphore_mem>>
      %dma_start3A = arith.constant 0 : i32
      %dma_start3A_71 = arith.constant 0 : i32
      %dma_start3A_72 = tpu.memref_slice %arg10[%dma_start3A, %dma_start3A_71] : memref<128x128xf32, #tpu.memory_space<vmem>> -> memref<128x128xf32, #tpu.memory_space<vmem>>
      %dma_start3A_73 = arith.constant 0 : i32
      %dma_start3A_74 = tpu.memref_slice %arg6[%add3A_0, %add3A_61, %dma_start3A_73] : memref<2x10112x128xf32, #tpu.memory_space<hbm>> -> memref<1x128x128xf32, #tpu.memory_space<hbm>>
      %dma_start3A_75 = tpu.memref_squeeze %dma_start3A_74 : memref<1x128x128xf32, #tpu.memory_space<hbm>> -> memref<128x128xf32, #tpu.memory_space<hbm>>
      %dma_start3A_76 = arith.constant 0 : i32
      %dma_start3A_77 = tpu.memref_slice %arg6[%add3A_0, %add3A_61, %dma_start3A_76] : memref<2x10112x128xf32, #tpu.memory_space<hbm>> -> memref<1x128x128xf32, #tpu.memory_space<hbm>>
      %dma_start3A_78 = tpu.memref_squeeze %dma_start3A_77 : memref<1x128x128xf32, #tpu.memory_space<hbm>> -> memref<128x128xf32, #tpu.memory_space<hbm>>
      %dma_start3A_79 = arith.constant 0 : i32
      %dma_start3A_80 = arith.constant 0 : i32
      %dma_start3A_81 = tpu.memref_slice %arg10[%dma_start3A_79, %dma_start3A_80] : memref<128x128xf32, #tpu.memory_space<vmem>> -> memref<128x128xf32, #tpu.memory_space<vmem>>
      tpu.enqueue_dma source(%dma_start3A_81 : memref<128x128xf32, #tpu.memory_space<vmem>>) target(%dma_start3A_78 : memref<128x128xf32, #tpu.memory_space<hbm>>) target_semaphore(%run_scoped3A : memref<!tpu.dma_semaphore, #tpu.memory_space<semaphore_mem>>)
      %dma_wait3A = arith.constant 0 : i32
      %dma_wait3A_82 = arith.constant 0 : i32
      %dma_wait3A_83 = tpu.memref_slice %arg10[%dma_wait3A, %dma_wait3A_82] : memref<128x128xf32, #tpu.memory_space<vmem>> -> memref<128x128xf32, #tpu.memory_space<vmem>>
      %dma_wait3A_84 = arith.constant 0 : i32
      %dma_wait3A_85 = tpu.memref_slice %arg6[%add3A_0, %add3A_61, %dma_wait3A_84] : memref<2x10112x128xf32, #tpu.memory_space<hbm>> -> memref<1x128x128xf32, #tpu.memory_space<hbm>>
      %dma_wait3A_86 = tpu.memref_squeeze %dma_wait3A_85 : memref<1x128x128xf32, #tpu.memory_space<hbm>> -> memref<128x128xf32, #tpu.memory_space<hbm>>
      %dma_wait3A_87 = arith.constant 0 : i32
      %dma_wait3A_88 = tpu.memref_slice %arg6[%add3A_0, %add3A_61, %dma_wait3A_87] : memref<2x10112x128xf32, #tpu.memory_space<hbm>> -> memref<1x128x128xf32, #tpu.memory_space<hbm>>
      %dma_wait3A_89 = tpu.memref_squeeze %dma_wait3A_88 : memref<1x128x128xf32, #tpu.memory_space<hbm>> -> memref<128x128xf32, #tpu.memory_space<hbm>>
      %dma_wait3A_90 = arith.constant 0 : i32
      %dma_wait3A_91 = arith.constant 0 : i32
      %dma_wait3A_92 = tpu.memref_slice %arg10[%dma_wait3A_90, %dma_wait3A_91] : memref<128x128xf32, #tpu.memory_space<vmem>> -> memref<128x128xf32, #tpu.memory_space<vmem>>
      tpu.wait_dma2 semaphore(%run_scoped3A : memref<!tpu.dma_semaphore, #tpu.memory_space<semaphore_mem>>) src(%dma_wait3A_92 : memref<128x128xf32, #tpu.memory_space<vmem>>) dst(%dma_wait3A_89 : memref<128x128xf32, #tpu.memory_space<hbm>>)
      tpu.yield
    }) : () -> ()
    %mul3A_62 = arith.constant 632 : i32
    %mul3A_63 = arith.muli %arg1, %mul3A_62 : i32
    %add3A_64 = arith.constant 512 : i32
    %add3A_65 = arith.addi %mul3A_63, %add3A_64 : i32
    "tpu.region"() ({
      %run_scoped3A = tpu.sem_alloc : memref<!tpu.dma_semaphore, #tpu.memory_space<semaphore_mem>>
      %dma_start3A = arith.constant 0 : i32
      %dma_start3A_71 = arith.constant 0 : i32
      %dma_start3A_72 = tpu.memref_slice %arg10[%dma_start3A, %dma_start3A_71] : memref<128x128xf32, #tpu.memory_space<vmem>> -> memref<120x128xf32, #tpu.memory_space<vmem>>
      %dma_start3A_73 = arith.constant 0 : i32
      %dma_start3A_74 = tpu.memref_slice %arg7[%add3A_65, %dma_start3A_73] : memref<10112x128xf32, #tpu.memory_space<vmem_shared>> -> memref<120x128xf32, #tpu.memory_space<vmem_shared>>
      %dma_start3A_75 = arith.constant 0 : i32
      %dma_start3A_76 = arith.constant 0 : i32
      %dma_start3A_77 = tpu.memref_slice %arg10[%dma_start3A_75, %dma_start3A_76] : memref<128x128xf32, #tpu.memory_space<vmem>> -> memref<120x128xf32, #tpu.memory_space<vmem>>
      %dma_start3A_78 = arith.constant 0 : i32
      %dma_start3A_79 = tpu.memref_slice %arg7[%add3A_65, %dma_start3A_78] : memref<10112x128xf32, #tpu.memory_space<vmem_shared>> -> memref<120x128xf32, #tpu.memory_space<vmem_shared>>
      tpu.enqueue_dma source(%dma_start3A_79 : memref<120x128xf32, #tpu.memory_space<vmem_shared>>) target(%dma_start3A_77 : memref<120x128xf32, #tpu.memory_space<vmem>>) target_semaphore(%run_scoped3A : memref<!tpu.dma_semaphore, #tpu.memory_space<semaphore_mem>>)
      %dma_wait3A = arith.constant 0 : i32
      %dma_wait3A_80 = arith.constant 0 : i32
      %dma_wait3A_81 = tpu.memref_slice %arg10[%dma_wait3A, %dma_wait3A_80] : memref<128x128xf32, #tpu.memory_space<vmem>> -> memref<120x128xf32, #tpu.memory_space<vmem>>
      %dma_wait3A_82 = arith.constant 0 : i32
      %dma_wait3A_83 = tpu.memref_slice %arg7[%add3A_65, %dma_wait3A_82] : memref<10112x128xf32, #tpu.memory_space<vmem_shared>> -> memref<120x128xf32, #tpu.memory_space<vmem_shared>>
      %dma_wait3A_84 = arith.constant 0 : i32
      %dma_wait3A_85 = arith.constant 0 : i32
      %dma_wait3A_86 = tpu.memref_slice %arg10[%dma_wait3A_84, %dma_wait3A_85] : memref<128x128xf32, #tpu.memory_space<vmem>> -> memref<120x128xf32, #tpu.memory_space<vmem>>
      %dma_wait3A_87 = arith.constant 0 : i32
      %dma_wait3A_88 = tpu.memref_slice %arg7[%add3A_65, %dma_wait3A_87] : memref<10112x128xf32, #tpu.memory_space<vmem_shared>> -> memref<120x128xf32, #tpu.memory_space<vmem_shared>>
      tpu.wait_dma2 semaphore(%run_scoped3A : memref<!tpu.dma_semaphore, #tpu.memory_space<semaphore_mem>>) src(%dma_wait3A_88 : memref<120x128xf32, #tpu.memory_space<vmem_shared>>) dst(%dma_wait3A_86 : memref<120x128xf32, #tpu.memory_space<vmem>>)
      tpu.yield
    }) : () -> ()
    %mul3A_66 = arith.constant 632 : i32
    %mul3A_67 = arith.muli %arg1, %mul3A_66 : i32
    %add3A_68 = arith.constant 512 : i32
    %add3A_69 = arith.addi %mul3A_67, %add3A_68 : i32
    "tpu.region"() ({
      %run_scoped3A = tpu.sem_alloc : memref<!tpu.dma_semaphore, #tpu.memory_space<semaphore_mem>>
      %dma_start3A = arith.constant 0 : i32
      %dma_start3A_71 = arith.constant 0 : i32
      %dma_start3A_72 = tpu.memref_slice %arg10[%dma_start3A, %dma_start3A_71] : memref<128x128xf32, #tpu.memory_space<vmem>> -> memref<120x128xf32, #tpu.memory_space<vmem>>
      %dma_start3A_73 = arith.constant 0 : i32
      %dma_start3A_74 = tpu.memref_slice %arg6[%add3A_0, %add3A_69, %dma_start3A_73] : memref<2x10112x128xf32, #tpu.memory_space<hbm>> -> memref<1x120x128xf32, #tpu.memory_space<hbm>>
      %dma_start3A_75 = tpu.memref_squeeze %dma_start3A_74 : memref<1x120x128xf32, #tpu.memory_space<hbm>> -> memref<120x128xf32, #tpu.memory_space<hbm>>
      %dma_start3A_76 = arith.constant 0 : i32
      %dma_start3A_77 = tpu.memref_slice %arg6[%add3A_0, %add3A_69, %dma_start3A_76] : memref<2x10112x128xf32, #tpu.memory_space<hbm>> -> memref<1x120x128xf32, #tpu.memory_space<hbm>>
      %dma_start3A_78 = tpu.memref_squeeze %dma_start3A_77 : memref<1x120x128xf32, #tpu.memory_space<hbm>> -> memref<120x128xf32, #tpu.memory_space<hbm>>
      %dma_start3A_79 = arith.constant 0 : i32
      %dma_start3A_80 = arith.constant 0 : i32
      %dma_start3A_81 = tpu.memref_slice %arg10[%dma_start3A_79, %dma_start3A_80] : memref<128x128xf32, #tpu.memory_space<vmem>> -> memref<120x128xf32, #tpu.memory_space<vmem>>
      tpu.enqueue_dma source(%dma_start3A_81 : memref<120x128xf32, #tpu.memory_space<vmem>>) target(%dma_start3A_78 : memref<120x128xf32, #tpu.memory_space<hbm>>) target_semaphore(%run_scoped3A : memref<!tpu.dma_semaphore, #tpu.memory_space<semaphore_mem>>)
      %dma_wait3A = arith.constant 0 : i32
      %dma_wait3A_82 = arith.constant 0 : i32
      %dma_wait3A_83 = tpu.memref_slice %arg10[%dma_wait3A, %dma_wait3A_82] : memref<128x128xf32, #tpu.memory_space<vmem>> -> memref<120x128xf32, #tpu.memory_space<vmem>>
      %dma_wait3A_84 = arith.constant 0 : i32
      %dma_wait3A_85 = tpu.memref_slice %arg6[%add3A_0, %add3A_69, %dma_wait3A_84] : memref<2x10112x128xf32, #tpu.memory_space<hbm>> -> memref<1x120x128xf32, #tpu.memory_space<hbm>>
      %dma_wait3A_86 = tpu.memref_squeeze %dma_wait3A_85 : memref<1x120x128xf32, #tpu.memory_space<hbm>> -> memref<120x128xf32, #tpu.memory_space<hbm>>
      %dma_wait3A_87 = arith.constant 0 : i32
      %dma_wait3A_88 = tpu.memref_slice %arg6[%add3A_0, %add3A_69, %dma_wait3A_87] : memref<2x10112x128xf32, #tpu.memory_space<hbm>> -> memref<1x120x128xf32, #tpu.memory_space<hbm>>
      %dma_wait3A_89 = tpu.memref_squeeze %dma_wait3A_88 : memref<1x120x128xf32, #tpu.memory_space<hbm>> -> memref<120x128xf32, #tpu.memory_space<hbm>>
      %dma_wait3A_90 = arith.constant 0 : i32
      %dma_wait3A_91 = arith.constant 0 : i32
      %dma_wait3A_92 = tpu.memref_slice %arg10[%dma_wait3A_90, %dma_wait3A_91] : memref<128x128xf32, #tpu.memory_space<vmem>> -> memref<120x128xf32, #tpu.memory_space<vmem>>
      tpu.wait_dma2 semaphore(%run_scoped3A : memref<!tpu.dma_semaphore, #tpu.memory_space<semaphore_mem>>) src(%dma_wait3A_92 : memref<120x128xf32, #tpu.memory_space<vmem>>) dst(%dma_wait3A_89 : memref<120x128xf32, #tpu.memory_space<hbm>>)
      tpu.yield
    }) : () -> ()
    %barrier3A_70 = arith.constant 0 : index
    tpu.barrier barrier_id(%barrier3A_70)
    return
  }
}

#map = affine_map<(d0, d1) -> (0, 0)>
#map1 = affine_map<(d0, d1) -> (0, 0, 0)>
module attributes {stable_mosaic.version = 14 : i64} {
  func.func @body(%arg0: i32, %arg1: i32, %arg2: memref<40000x128xf32, #tpu.memory_space<hbm>>, %arg3: memref<4x1280x128xi32, #tpu.memory_space<hbm>>, %arg4: memref<1280x128xi32, #tpu.memory_space<hbm>>, %arg5: memref<128x128xf32, #tpu.memory_space<hbm>>, %arg6: memref<4x10112x128xf32, #tpu.memory_space<hbm>>, %arg7: memref<10112x128xf32, #tpu.memory_space<vmem_shared>>, %arg8: memref<80x128xi32, #tpu.memory_space<vmem>>, %arg9: memref<80x128xi32, #tpu.memory_space<vmem>>, %arg10: memref<128x128xf32, #tpu.memory_space<vmem>>) attributes {dimension_semantics = [#tpu.dimension_semantics<core_parallel>, #tpu.dimension_semantics<subcore_parallel>], iteration_bounds = array<i64: 2, 16>, scalar_prefetch = 0 : i64, scratch_operands = 4 : i64, tpu.core_type = #tpu.core_type<sc_vector_subcore>, window_params = [{transform_indices = #map}, {transform_indices = #map1}, {transform_indices = #map}, {transform_indices = #map}, {transform_indices = #map1}]} {
    %add3A = arith.constant 0 : i32
    %add3A_0 = arith.addi %arg0, %add3A : i32
    "tpu.region"() ({
      %run_scoped3A = tpu.sem_alloc : memref<!tpu.dma_semaphore, #tpu.memory_space<semaphore_mem>>
      %dma_start3A = arith.constant 0 : i32
      %dma_start3A_146 = arith.constant 0 : i32
      %dma_start3A_147 = tpu.memref_slice %arg10[%dma_start3A, %dma_start3A_146] : memref<128x128xf32, #tpu.memory_space<vmem>> -> memref<128x128xf32, #tpu.memory_space<vmem>>
      %dma_start3A_148 = arith.constant 0 : i32
      %dma_start3A_149 = arith.constant 0 : i32
      %dma_start3A_150 = tpu.memref_slice %arg5[%dma_start3A_148, %dma_start3A_149] : memref<128x128xf32, #tpu.memory_space<hbm>> -> memref<128x128xf32, #tpu.memory_space<hbm>>
      %dma_start3A_151 = arith.constant 0 : i32
      %dma_start3A_152 = arith.constant 0 : i32
      %dma_start3A_153 = tpu.memref_slice %arg10[%dma_start3A_151, %dma_start3A_152] : memref<128x128xf32, #tpu.memory_space<vmem>> -> memref<128x128xf32, #tpu.memory_space<vmem>>
      %dma_start3A_154 = arith.constant 0 : i32
      %dma_start3A_155 = arith.constant 0 : i32
      %dma_start3A_156 = tpu.memref_slice %arg5[%dma_start3A_154, %dma_start3A_155] : memref<128x128xf32, #tpu.memory_space<hbm>> -> memref<128x128xf32, #tpu.memory_space<hbm>>
      tpu.enqueue_dma source(%dma_start3A_156 : memref<128x128xf32, #tpu.memory_space<hbm>>) target(%dma_start3A_153 : memref<128x128xf32, #tpu.memory_space<vmem>>) target_semaphore(%run_scoped3A : memref<!tpu.dma_semaphore, #tpu.memory_space<semaphore_mem>>)
      %dma_wait3A = arith.constant 0 : i32
      %dma_wait3A_157 = arith.constant 0 : i32
      %dma_wait3A_158 = tpu.memref_slice %arg10[%dma_wait3A, %dma_wait3A_157] : memref<128x128xf32, #tpu.memory_space<vmem>> -> memref<128x128xf32, #tpu.memory_space<vmem>>
      %dma_wait3A_159 = arith.constant 0 : i32
      %dma_wait3A_160 = arith.constant 0 : i32
      %dma_wait3A_161 = tpu.memref_slice %arg5[%dma_wait3A_159, %dma_wait3A_160] : memref<128x128xf32, #tpu.memory_space<hbm>> -> memref<128x128xf32, #tpu.memory_space<hbm>>
      %dma_wait3A_162 = arith.constant 0 : i32
      %dma_wait3A_163 = arith.constant 0 : i32
      %dma_wait3A_164 = tpu.memref_slice %arg10[%dma_wait3A_162, %dma_wait3A_163] : memref<128x128xf32, #tpu.memory_space<vmem>> -> memref<128x128xf32, #tpu.memory_space<vmem>>
      %dma_wait3A_165 = arith.constant 0 : i32
      %dma_wait3A_166 = arith.constant 0 : i32
      %dma_wait3A_167 = tpu.memref_slice %arg5[%dma_wait3A_165, %dma_wait3A_166] : memref<128x128xf32, #tpu.memory_space<hbm>> -> memref<128x128xf32, #tpu.memory_space<hbm>>
      tpu.wait_dma2 semaphore(%run_scoped3A : memref<!tpu.dma_semaphore, #tpu.memory_space<semaphore_mem>>) src(%dma_wait3A_167 : memref<128x128xf32, #tpu.memory_space<hbm>>) dst(%dma_wait3A_164 : memref<128x128xf32, #tpu.memory_space<vmem>>)
      tpu.yield
    }) : () -> ()
    %mul3A = arith.constant 632 : i32
    %mul3A_1 = arith.muli %arg1, %mul3A : i32
    %add3A_2 = arith.constant 0 : i32
    %add3A_3 = arith.addi %mul3A_1, %add3A_2 : i32
    "tpu.region"() ({
      %run_scoped3A = tpu.sem_alloc : memref<!tpu.dma_semaphore, #tpu.memory_space<semaphore_mem>>
      %dma_start3A = arith.constant 0 : i32
      %dma_start3A_146 = arith.constant 0 : i32
      %dma_start3A_147 = tpu.memref_slice %arg10[%dma_start3A, %dma_start3A_146] : memref<128x128xf32, #tpu.memory_space<vmem>> -> memref<128x128xf32, #tpu.memory_space<vmem>>
      %dma_start3A_148 = arith.constant 0 : i32
      %dma_start3A_149 = tpu.memref_slice %arg7[%add3A_3, %dma_start3A_148] : memref<10112x128xf32, #tpu.memory_space<vmem_shared>> -> memref<128x128xf32, #tpu.memory_space<vmem_shared>>
      %dma_start3A_150 = arith.constant 0 : i32
      %dma_start3A_151 = tpu.memref_slice %arg7[%add3A_3, %dma_start3A_150] : memref<10112x128xf32, #tpu.memory_space<vmem_shared>> -> memref<128x128xf32, #tpu.memory_space<vmem_shared>>
      %dma_start3A_152 = arith.constant 0 : i32
      %dma_start3A_153 = arith.constant 0 : i32
      %dma_start3A_154 = tpu.memref_slice %arg10[%dma_start3A_152, %dma_start3A_153] : memref<128x128xf32, #tpu.memory_space<vmem>> -> memref<128x128xf32, #tpu.memory_space<vmem>>
      tpu.enqueue_dma source(%dma_start3A_154 : memref<128x128xf32, #tpu.memory_space<vmem>>) target(%dma_start3A_151 : memref<128x128xf32, #tpu.memory_space<vmem_shared>>) target_semaphore(%run_scoped3A : memref<!tpu.dma_semaphore, #tpu.memory_space<semaphore_mem>>)
      %dma_wait3A = arith.constant 0 : i32
      %dma_wait3A_155 = arith.constant 0 : i32
      %dma_wait3A_156 = tpu.memref_slice %arg10[%dma_wait3A, %dma_wait3A_155] : memref<128x128xf32, #tpu.memory_space<vmem>> -> memref<128x128xf32, #tpu.memory_space<vmem>>
      %dma_wait3A_157 = arith.constant 0 : i32
      %dma_wait3A_158 = tpu.memref_slice %arg7[%add3A_3, %dma_wait3A_157] : memref<10112x128xf32, #tpu.memory_space<vmem_shared>> -> memref<128x128xf32, #tpu.memory_space<vmem_shared>>
      %dma_wait3A_159 = arith.constant 0 : i32
      %dma_wait3A_160 = tpu.memref_slice %arg7[%add3A_3, %dma_wait3A_159] : memref<10112x128xf32, #tpu.memory_space<vmem_shared>> -> memref<128x128xf32, #tpu.memory_space<vmem_shared>>
      %dma_wait3A_161 = arith.constant 0 : i32
      %dma_wait3A_162 = arith.constant 0 : i32
      %dma_wait3A_163 = tpu.memref_slice %arg10[%dma_wait3A_161, %dma_wait3A_162] : memref<128x128xf32, #tpu.memory_space<vmem>> -> memref<128x128xf32, #tpu.memory_space<vmem>>
      tpu.wait_dma2 semaphore(%run_scoped3A : memref<!tpu.dma_semaphore, #tpu.memory_space<semaphore_mem>>) src(%dma_wait3A_163 : memref<128x128xf32, #tpu.memory_space<vmem>>) dst(%dma_wait3A_160 : memref<128x128xf32, #tpu.memory_space<vmem_shared>>)
      tpu.yield
    }) : () -> ()
    "tpu.region"() ({
      %run_scoped3A = tpu.sem_alloc : memref<!tpu.dma_semaphore, #tpu.memory_space<semaphore_mem>>
      %dma_start3A = arith.constant 0 : i32
      %dma_start3A_146 = arith.constant 0 : i32
      %dma_start3A_147 = tpu.memref_slice %arg10[%dma_start3A, %dma_start3A_146] : memref<128x128xf32, #tpu.memory_space<vmem>> -> memref<128x128xf32, #tpu.memory_space<vmem>>
      %dma_start3A_148 = arith.constant 0 : i32
      %dma_start3A_149 = arith.constant 0 : i32
      %dma_start3A_150 = tpu.memref_slice %arg5[%dma_start3A_148, %dma_start3A_149] : memref<128x128xf32, #tpu.memory_space<hbm>> -> memref<128x128xf32, #tpu.memory_space<hbm>>
      %dma_start3A_151 = arith.constant 0 : i32
      %dma_start3A_152 = arith.constant 0 : i32
      %dma_start3A_153 = tpu.memref_slice %arg10[%dma_start3A_151, %dma_start3A_152] : memref<128x128xf32, #tpu.memory_space<vmem>> -> memref<128x128xf32, #tpu.memory_space<vmem>>
      %dma_start3A_154 = arith.constant 0 : i32
      %dma_start3A_155 = arith.constant 0 : i32
      %dma_start3A_156 = tpu.memref_slice %arg5[%dma_start3A_154, %dma_start3A_155] : memref<128x128xf32, #tpu.memory_space<hbm>> -> memref<128x128xf32, #tpu.memory_space<hbm>>
      tpu.enqueue_dma source(%dma_start3A_156 : memref<128x128xf32, #tpu.memory_space<hbm>>) target(%dma_start3A_153 : memref<128x128xf32, #tpu.memory_space<vmem>>) target_semaphore(%run_scoped3A : memref<!tpu.dma_semaphore, #tpu.memory_space<semaphore_mem>>)
      %dma_wait3A = arith.constant 0 : i32
      %dma_wait3A_157 = arith.constant 0 : i32
      %dma_wait3A_158 = tpu.memref_slice %arg10[%dma_wait3A, %dma_wait3A_157] : memref<128x128xf32, #tpu.memory_space<vmem>> -> memref<128x128xf32, #tpu.memory_space<vmem>>
      %dma_wait3A_159 = arith.constant 0 : i32
      %dma_wait3A_160 = arith.constant 0 : i32
      %dma_wait3A_161 = tpu.memref_slice %arg5[%dma_wait3A_159, %dma_wait3A_160] : memref<128x128xf32, #tpu.memory_space<hbm>> -> memref<128x128xf32, #tpu.memory_space<hbm>>
      %dma_wait3A_162 = arith.constant 0 : i32
      %dma_wait3A_163 = arith.constant 0 : i32
      %dma_wait3A_164 = tpu.memref_slice %arg10[%dma_wait3A_162, %dma_wait3A_163] : memref<128x128xf32, #tpu.memory_space<vmem>> -> memref<128x128xf32, #tpu.memory_space<vmem>>
      %dma_wait3A_165 = arith.constant 0 : i32
      %dma_wait3A_166 = arith.constant 0 : i32
      %dma_wait3A_167 = tpu.memref_slice %arg5[%dma_wait3A_165, %dma_wait3A_166] : memref<128x128xf32, #tpu.memory_space<hbm>> -> memref<128x128xf32, #tpu.memory_space<hbm>>
      tpu.wait_dma2 semaphore(%run_scoped3A : memref<!tpu.dma_semaphore, #tpu.memory_space<semaphore_mem>>) src(%dma_wait3A_167 : memref<128x128xf32, #tpu.memory_space<hbm>>) dst(%dma_wait3A_164 : memref<128x128xf32, #tpu.memory_space<vmem>>)
      tpu.yield
    }) : () -> ()
    %mul3A_4 = arith.constant 632 : i32
    %mul3A_5 = arith.muli %arg1, %mul3A_4 : i32
    %add3A_6 = arith.constant 128 : i32
    %add3A_7 = arith.addi %mul3A_5, %add3A_6 : i32
    "tpu.region"() ({
      %run_scoped3A = tpu.sem_alloc : memref<!tpu.dma_semaphore, #tpu.memory_space<semaphore_mem>>
      %dma_start3A = arith.constant 0 : i32
      %dma_start3A_146 = arith.constant 0 : i32
      %dma_start3A_147 = tpu.memref_slice %arg10[%dma_start3A, %dma_start3A_146] : memref<128x128xf32, #tpu.memory_space<vmem>> -> memref<128x128xf32, #tpu.memory_space<vmem>>
      %dma_start3A_148 = arith.constant 0 : i32
      %dma_start3A_149 = tpu.memref_slice %arg7[%add3A_7, %dma_start3A_148] : memref<10112x128xf32, #tpu.memory_space<vmem_shared>> -> memref<128x128xf32, #tpu.memory_space<vmem_shared>>
      %dma_start3A_150 = arith.constant 0 : i32
      %dma_start3A_151 = tpu.memref_slice %arg7[%add3A_7, %dma_start3A_150] : memref<10112x128xf32, #tpu.memory_space<vmem_shared>> -> memref<128x128xf32, #tpu.memory_space<vmem_shared>>
      %dma_start3A_152 = arith.constant 0 : i32
      %dma_start3A_153 = arith.constant 0 : i32
      %dma_start3A_154 = tpu.memref_slice %arg10[%dma_start3A_152, %dma_start3A_153] : memref<128x128xf32, #tpu.memory_space<vmem>> -> memref<128x128xf32, #tpu.memory_space<vmem>>
      tpu.enqueue_dma source(%dma_start3A_154 : memref<128x128xf32, #tpu.memory_space<vmem>>) target(%dma_start3A_151 : memref<128x128xf32, #tpu.memory_space<vmem_shared>>) target_semaphore(%run_scoped3A : memref<!tpu.dma_semaphore, #tpu.memory_space<semaphore_mem>>)
      %dma_wait3A = arith.constant 0 : i32
      %dma_wait3A_155 = arith.constant 0 : i32
      %dma_wait3A_156 = tpu.memref_slice %arg10[%dma_wait3A, %dma_wait3A_155] : memref<128x128xf32, #tpu.memory_space<vmem>> -> memref<128x128xf32, #tpu.memory_space<vmem>>
      %dma_wait3A_157 = arith.constant 0 : i32
      %dma_wait3A_158 = tpu.memref_slice %arg7[%add3A_7, %dma_wait3A_157] : memref<10112x128xf32, #tpu.memory_space<vmem_shared>> -> memref<128x128xf32, #tpu.memory_space<vmem_shared>>
      %dma_wait3A_159 = arith.constant 0 : i32
      %dma_wait3A_160 = tpu.memref_slice %arg7[%add3A_7, %dma_wait3A_159] : memref<10112x128xf32, #tpu.memory_space<vmem_shared>> -> memref<128x128xf32, #tpu.memory_space<vmem_shared>>
      %dma_wait3A_161 = arith.constant 0 : i32
      %dma_wait3A_162 = arith.constant 0 : i32
      %dma_wait3A_163 = tpu.memref_slice %arg10[%dma_wait3A_161, %dma_wait3A_162] : memref<128x128xf32, #tpu.memory_space<vmem>> -> memref<128x128xf32, #tpu.memory_space<vmem>>
      tpu.wait_dma2 semaphore(%run_scoped3A : memref<!tpu.dma_semaphore, #tpu.memory_space<semaphore_mem>>) src(%dma_wait3A_163 : memref<128x128xf32, #tpu.memory_space<vmem>>) dst(%dma_wait3A_160 : memref<128x128xf32, #tpu.memory_space<vmem_shared>>)
      tpu.yield
    }) : () -> ()
    "tpu.region"() ({
      %run_scoped3A = tpu.sem_alloc : memref<!tpu.dma_semaphore, #tpu.memory_space<semaphore_mem>>
      %dma_start3A = arith.constant 0 : i32
      %dma_start3A_146 = arith.constant 0 : i32
      %dma_start3A_147 = tpu.memref_slice %arg10[%dma_start3A, %dma_start3A_146] : memref<128x128xf32, #tpu.memory_space<vmem>> -> memref<128x128xf32, #tpu.memory_space<vmem>>
      %dma_start3A_148 = arith.constant 0 : i32
      %dma_start3A_149 = arith.constant 0 : i32
      %dma_start3A_150 = tpu.memref_slice %arg5[%dma_start3A_148, %dma_start3A_149] : memref<128x128xf32, #tpu.memory_space<hbm>> -> memref<128x128xf32, #tpu.memory_space<hbm>>
      %dma_start3A_151 = arith.constant 0 : i32
      %dma_start3A_152 = arith.constant 0 : i32
      %dma_start3A_153 = tpu.memref_slice %arg10[%dma_start3A_151, %dma_start3A_152] : memref<128x128xf32, #tpu.memory_space<vmem>> -> memref<128x128xf32, #tpu.memory_space<vmem>>
      %dma_start3A_154 = arith.constant 0 : i32
      %dma_start3A_155 = arith.constant 0 : i32
      %dma_start3A_156 = tpu.memref_slice %arg5[%dma_start3A_154, %dma_start3A_155] : memref<128x128xf32, #tpu.memory_space<hbm>> -> memref<128x128xf32, #tpu.memory_space<hbm>>
      tpu.enqueue_dma source(%dma_start3A_156 : memref<128x128xf32, #tpu.memory_space<hbm>>) target(%dma_start3A_153 : memref<128x128xf32, #tpu.memory_space<vmem>>) target_semaphore(%run_scoped3A : memref<!tpu.dma_semaphore, #tpu.memory_space<semaphore_mem>>)
      %dma_wait3A = arith.constant 0 : i32
      %dma_wait3A_157 = arith.constant 0 : i32
      %dma_wait3A_158 = tpu.memref_slice %arg10[%dma_wait3A, %dma_wait3A_157] : memref<128x128xf32, #tpu.memory_space<vmem>> -> memref<128x128xf32, #tpu.memory_space<vmem>>
      %dma_wait3A_159 = arith.constant 0 : i32
      %dma_wait3A_160 = arith.constant 0 : i32
      %dma_wait3A_161 = tpu.memref_slice %arg5[%dma_wait3A_159, %dma_wait3A_160] : memref<128x128xf32, #tpu.memory_space<hbm>> -> memref<128x128xf32, #tpu.memory_space<hbm>>
      %dma_wait3A_162 = arith.constant 0 : i32
      %dma_wait3A_163 = arith.constant 0 : i32
      %dma_wait3A_164 = tpu.memref_slice %arg10[%dma_wait3A_162, %dma_wait3A_163] : memref<128x128xf32, #tpu.memory_space<vmem>> -> memref<128x128xf32, #tpu.memory_space<vmem>>
      %dma_wait3A_165 = arith.constant 0 : i32
      %dma_wait3A_166 = arith.constant 0 : i32
      %dma_wait3A_167 = tpu.memref_slice %arg5[%dma_wait3A_165, %dma_wait3A_166] : memref<128x128xf32, #tpu.memory_space<hbm>> -> memref<128x128xf32, #tpu.memory_space<hbm>>
      tpu.wait_dma2 semaphore(%run_scoped3A : memref<!tpu.dma_semaphore, #tpu.memory_space<semaphore_mem>>) src(%dma_wait3A_167 : memref<128x128xf32, #tpu.memory_space<hbm>>) dst(%dma_wait3A_164 : memref<128x128xf32, #tpu.memory_space<vmem>>)
      tpu.yield
    }) : () -> ()
    %mul3A_8 = arith.constant 632 : i32
    %mul3A_9 = arith.muli %arg1, %mul3A_8 : i32
    %add3A_10 = arith.constant 256 : i32
    %add3A_11 = arith.addi %mul3A_9, %add3A_10 : i32
    "tpu.region"() ({
      %run_scoped3A = tpu.sem_alloc : memref<!tpu.dma_semaphore, #tpu.memory_space<semaphore_mem>>
      %dma_start3A = arith.constant 0 : i32
      %dma_start3A_146 = arith.constant 0 : i32
      %dma_start3A_147 = tpu.memref_slice %arg10[%dma_start3A, %dma_start3A_146] : memref<128x128xf32, #tpu.memory_space<vmem>> -> memref<128x128xf32, #tpu.memory_space<vmem>>
      %dma_start3A_148 = arith.constant 0 : i32
      %dma_start3A_149 = tpu.memref_slice %arg7[%add3A_11, %dma_start3A_148] : memref<10112x128xf32, #tpu.memory_space<vmem_shared>> -> memref<128x128xf32, #tpu.memory_space<vmem_shared>>
      %dma_start3A_150 = arith.constant 0 : i32
      %dma_start3A_151 = tpu.memref_slice %arg7[%add3A_11, %dma_start3A_150] : memref<10112x128xf32, #tpu.memory_space<vmem_shared>> -> memref<128x128xf32, #tpu.memory_space<vmem_shared>>
      %dma_start3A_152 = arith.constant 0 : i32
      %dma_start3A_153 = arith.constant 0 : i32
      %dma_start3A_154 = tpu.memref_slice %arg10[%dma_start3A_152, %dma_start3A_153] : memref<128x128xf32, #tpu.memory_space<vmem>> -> memref<128x128xf32, #tpu.memory_space<vmem>>
      tpu.enqueue_dma source(%dma_start3A_154 : memref<128x128xf32, #tpu.memory_space<vmem>>) target(%dma_start3A_151 : memref<128x128xf32, #tpu.memory_space<vmem_shared>>) target_semaphore(%run_scoped3A : memref<!tpu.dma_semaphore, #tpu.memory_space<semaphore_mem>>)
      %dma_wait3A = arith.constant 0 : i32
      %dma_wait3A_155 = arith.constant 0 : i32
      %dma_wait3A_156 = tpu.memref_slice %arg10[%dma_wait3A, %dma_wait3A_155] : memref<128x128xf32, #tpu.memory_space<vmem>> -> memref<128x128xf32, #tpu.memory_space<vmem>>
      %dma_wait3A_157 = arith.constant 0 : i32
      %dma_wait3A_158 = tpu.memref_slice %arg7[%add3A_11, %dma_wait3A_157] : memref<10112x128xf32, #tpu.memory_space<vmem_shared>> -> memref<128x128xf32, #tpu.memory_space<vmem_shared>>
      %dma_wait3A_159 = arith.constant 0 : i32
      %dma_wait3A_160 = tpu.memref_slice %arg7[%add3A_11, %dma_wait3A_159] : memref<10112x128xf32, #tpu.memory_space<vmem_shared>> -> memref<128x128xf32, #tpu.memory_space<vmem_shared>>
      %dma_wait3A_161 = arith.constant 0 : i32
      %dma_wait3A_162 = arith.constant 0 : i32
      %dma_wait3A_163 = tpu.memref_slice %arg10[%dma_wait3A_161, %dma_wait3A_162] : memref<128x128xf32, #tpu.memory_space<vmem>> -> memref<128x128xf32, #tpu.memory_space<vmem>>
      tpu.wait_dma2 semaphore(%run_scoped3A : memref<!tpu.dma_semaphore, #tpu.memory_space<semaphore_mem>>) src(%dma_wait3A_163 : memref<128x128xf32, #tpu.memory_space<vmem>>) dst(%dma_wait3A_160 : memref<128x128xf32, #tpu.memory_space<vmem_shared>>)
      tpu.yield
    }) : () -> ()
    "tpu.region"() ({
      %run_scoped3A = tpu.sem_alloc : memref<!tpu.dma_semaphore, #tpu.memory_space<semaphore_mem>>
      %dma_start3A = arith.constant 0 : i32
      %dma_start3A_146 = arith.constant 0 : i32
      %dma_start3A_147 = tpu.memref_slice %arg10[%dma_start3A, %dma_start3A_146] : memref<128x128xf32, #tpu.memory_space<vmem>> -> memref<128x128xf32, #tpu.memory_space<vmem>>
      %dma_start3A_148 = arith.constant 0 : i32
      %dma_start3A_149 = arith.constant 0 : i32
      %dma_start3A_150 = tpu.memref_slice %arg5[%dma_start3A_148, %dma_start3A_149] : memref<128x128xf32, #tpu.memory_space<hbm>> -> memref<128x128xf32, #tpu.memory_space<hbm>>
      %dma_start3A_151 = arith.constant 0 : i32
      %dma_start3A_152 = arith.constant 0 : i32
      %dma_start3A_153 = tpu.memref_slice %arg10[%dma_start3A_151, %dma_start3A_152] : memref<128x128xf32, #tpu.memory_space<vmem>> -> memref<128x128xf32, #tpu.memory_space<vmem>>
      %dma_start3A_154 = arith.constant 0 : i32
      %dma_start3A_155 = arith.constant 0 : i32
      %dma_start3A_156 = tpu.memref_slice %arg5[%dma_start3A_154, %dma_start3A_155] : memref<128x128xf32, #tpu.memory_space<hbm>> -> memref<128x128xf32, #tpu.memory_space<hbm>>
      tpu.enqueue_dma source(%dma_start3A_156 : memref<128x128xf32, #tpu.memory_space<hbm>>) target(%dma_start3A_153 : memref<128x128xf32, #tpu.memory_space<vmem>>) target_semaphore(%run_scoped3A : memref<!tpu.dma_semaphore, #tpu.memory_space<semaphore_mem>>)
      %dma_wait3A = arith.constant 0 : i32
      %dma_wait3A_157 = arith.constant 0 : i32
      %dma_wait3A_158 = tpu.memref_slice %arg10[%dma_wait3A, %dma_wait3A_157] : memref<128x128xf32, #tpu.memory_space<vmem>> -> memref<128x128xf32, #tpu.memory_space<vmem>>
      %dma_wait3A_159 = arith.constant 0 : i32
      %dma_wait3A_160 = arith.constant 0 : i32
      %dma_wait3A_161 = tpu.memref_slice %arg5[%dma_wait3A_159, %dma_wait3A_160] : memref<128x128xf32, #tpu.memory_space<hbm>> -> memref<128x128xf32, #tpu.memory_space<hbm>>
      %dma_wait3A_162 = arith.constant 0 : i32
      %dma_wait3A_163 = arith.constant 0 : i32
      %dma_wait3A_164 = tpu.memref_slice %arg10[%dma_wait3A_162, %dma_wait3A_163] : memref<128x128xf32, #tpu.memory_space<vmem>> -> memref<128x128xf32, #tpu.memory_space<vmem>>
      %dma_wait3A_165 = arith.constant 0 : i32
      %dma_wait3A_166 = arith.constant 0 : i32
      %dma_wait3A_167 = tpu.memref_slice %arg5[%dma_wait3A_165, %dma_wait3A_166] : memref<128x128xf32, #tpu.memory_space<hbm>> -> memref<128x128xf32, #tpu.memory_space<hbm>>
      tpu.wait_dma2 semaphore(%run_scoped3A : memref<!tpu.dma_semaphore, #tpu.memory_space<semaphore_mem>>) src(%dma_wait3A_167 : memref<128x128xf32, #tpu.memory_space<hbm>>) dst(%dma_wait3A_164 : memref<128x128xf32, #tpu.memory_space<vmem>>)
      tpu.yield
    }) : () -> ()
    %mul3A_12 = arith.constant 632 : i32
    %mul3A_13 = arith.muli %arg1, %mul3A_12 : i32
    %add3A_14 = arith.constant 384 : i32
    %add3A_15 = arith.addi %mul3A_13, %add3A_14 : i32
    "tpu.region"() ({
      %run_scoped3A = tpu.sem_alloc : memref<!tpu.dma_semaphore, #tpu.memory_space<semaphore_mem>>
      %dma_start3A = arith.constant 0 : i32
      %dma_start3A_146 = arith.constant 0 : i32
      %dma_start3A_147 = tpu.memref_slice %arg10[%dma_start3A, %dma_start3A_146] : memref<128x128xf32, #tpu.memory_space<vmem>> -> memref<128x128xf32, #tpu.memory_space<vmem>>
      %dma_start3A_148 = arith.constant 0 : i32
      %dma_start3A_149 = tpu.memref_slice %arg7[%add3A_15, %dma_start3A_148] : memref<10112x128xf32, #tpu.memory_space<vmem_shared>> -> memref<128x128xf32, #tpu.memory_space<vmem_shared>>
      %dma_start3A_150 = arith.constant 0 : i32
      %dma_start3A_151 = tpu.memref_slice %arg7[%add3A_15, %dma_start3A_150] : memref<10112x128xf32, #tpu.memory_space<vmem_shared>> -> memref<128x128xf32, #tpu.memory_space<vmem_shared>>
      %dma_start3A_152 = arith.constant 0 : i32
      %dma_start3A_153 = arith.constant 0 : i32
      %dma_start3A_154 = tpu.memref_slice %arg10[%dma_start3A_152, %dma_start3A_153] : memref<128x128xf32, #tpu.memory_space<vmem>> -> memref<128x128xf32, #tpu.memory_space<vmem>>
      tpu.enqueue_dma source(%dma_start3A_154 : memref<128x128xf32, #tpu.memory_space<vmem>>) target(%dma_start3A_151 : memref<128x128xf32, #tpu.memory_space<vmem_shared>>) target_semaphore(%run_scoped3A : memref<!tpu.dma_semaphore, #tpu.memory_space<semaphore_mem>>)
      %dma_wait3A = arith.constant 0 : i32
      %dma_wait3A_155 = arith.constant 0 : i32
      %dma_wait3A_156 = tpu.memref_slice %arg10[%dma_wait3A, %dma_wait3A_155] : memref<128x128xf32, #tpu.memory_space<vmem>> -> memref<128x128xf32, #tpu.memory_space<vmem>>
      %dma_wait3A_157 = arith.constant 0 : i32
      %dma_wait3A_158 = tpu.memref_slice %arg7[%add3A_15, %dma_wait3A_157] : memref<10112x128xf32, #tpu.memory_space<vmem_shared>> -> memref<128x128xf32, #tpu.memory_space<vmem_shared>>
      %dma_wait3A_159 = arith.constant 0 : i32
      %dma_wait3A_160 = tpu.memref_slice %arg7[%add3A_15, %dma_wait3A_159] : memref<10112x128xf32, #tpu.memory_space<vmem_shared>> -> memref<128x128xf32, #tpu.memory_space<vmem_shared>>
      %dma_wait3A_161 = arith.constant 0 : i32
      %dma_wait3A_162 = arith.constant 0 : i32
      %dma_wait3A_163 = tpu.memref_slice %arg10[%dma_wait3A_161, %dma_wait3A_162] : memref<128x128xf32, #tpu.memory_space<vmem>> -> memref<128x128xf32, #tpu.memory_space<vmem>>
      tpu.wait_dma2 semaphore(%run_scoped3A : memref<!tpu.dma_semaphore, #tpu.memory_space<semaphore_mem>>) src(%dma_wait3A_163 : memref<128x128xf32, #tpu.memory_space<vmem>>) dst(%dma_wait3A_160 : memref<128x128xf32, #tpu.memory_space<vmem_shared>>)
      tpu.yield
    }) : () -> ()
    "tpu.region"() ({
      %run_scoped3A = tpu.sem_alloc : memref<!tpu.dma_semaphore, #tpu.memory_space<semaphore_mem>>
      %dma_start3A = arith.constant 0 : i32
      %dma_start3A_146 = arith.constant 0 : i32
      %dma_start3A_147 = tpu.memref_slice %arg10[%dma_start3A, %dma_start3A_146] : memref<128x128xf32, #tpu.memory_space<vmem>> -> memref<120x128xf32, #tpu.memory_space<vmem>>
      %dma_start3A_148 = arith.constant 0 : i32
      %dma_start3A_149 = arith.constant 0 : i32
      %dma_start3A_150 = tpu.memref_slice %arg5[%dma_start3A_148, %dma_start3A_149] : memref<128x128xf32, #tpu.memory_space<hbm>> -> memref<120x128xf32, #tpu.memory_space<hbm>>
      %dma_start3A_151 = arith.constant 0 : i32
      %dma_start3A_152 = arith.constant 0 : i32
      %dma_start3A_153 = tpu.memref_slice %arg10[%dma_start3A_151, %dma_start3A_152] : memref<128x128xf32, #tpu.memory_space<vmem>> -> memref<120x128xf32, #tpu.memory_space<vmem>>
      %dma_start3A_154 = arith.constant 0 : i32
      %dma_start3A_155 = arith.constant 0 : i32
      %dma_start3A_156 = tpu.memref_slice %arg5[%dma_start3A_154, %dma_start3A_155] : memref<128x128xf32, #tpu.memory_space<hbm>> -> memref<120x128xf32, #tpu.memory_space<hbm>>
      tpu.enqueue_dma source(%dma_start3A_156 : memref<120x128xf32, #tpu.memory_space<hbm>>) target(%dma_start3A_153 : memref<120x128xf32, #tpu.memory_space<vmem>>) target_semaphore(%run_scoped3A : memref<!tpu.dma_semaphore, #tpu.memory_space<semaphore_mem>>)
      %dma_wait3A = arith.constant 0 : i32
      %dma_wait3A_157 = arith.constant 0 : i32
      %dma_wait3A_158 = tpu.memref_slice %arg10[%dma_wait3A, %dma_wait3A_157] : memref<128x128xf32, #tpu.memory_space<vmem>> -> memref<120x128xf32, #tpu.memory_space<vmem>>
      %dma_wait3A_159 = arith.constant 0 : i32
      %dma_wait3A_160 = arith.constant 0 : i32
      %dma_wait3A_161 = tpu.memref_slice %arg5[%dma_wait3A_159, %dma_wait3A_160] : memref<128x128xf32, #tpu.memory_space<hbm>> -> memref<120x128xf32, #tpu.memory_space<hbm>>
      %dma_wait3A_162 = arith.constant 0 : i32
      %dma_wait3A_163 = arith.constant 0 : i32
      %dma_wait3A_164 = tpu.memref_slice %arg10[%dma_wait3A_162, %dma_wait3A_163] : memref<128x128xf32, #tpu.memory_space<vmem>> -> memref<120x128xf32, #tpu.memory_space<vmem>>
      %dma_wait3A_165 = arith.constant 0 : i32
      %dma_wait3A_166 = arith.constant 0 : i32
      %dma_wait3A_167 = tpu.memref_slice %arg5[%dma_wait3A_165, %dma_wait3A_166] : memref<128x128xf32, #tpu.memory_space<hbm>> -> memref<120x128xf32, #tpu.memory_space<hbm>>
      tpu.wait_dma2 semaphore(%run_scoped3A : memref<!tpu.dma_semaphore, #tpu.memory_space<semaphore_mem>>) src(%dma_wait3A_167 : memref<120x128xf32, #tpu.memory_space<hbm>>) dst(%dma_wait3A_164 : memref<120x128xf32, #tpu.memory_space<vmem>>)
      tpu.yield
    }) : () -> ()
    %mul3A_16 = arith.constant 632 : i32
    %mul3A_17 = arith.muli %arg1, %mul3A_16 : i32
    %add3A_18 = arith.constant 512 : i32
    %add3A_19 = arith.addi %mul3A_17, %add3A_18 : i32
    "tpu.region"() ({
      %run_scoped3A = tpu.sem_alloc : memref<!tpu.dma_semaphore, #tpu.memory_space<semaphore_mem>>
      %dma_start3A = arith.constant 0 : i32
      %dma_start3A_146 = arith.constant 0 : i32
      %dma_start3A_147 = tpu.memref_slice %arg10[%dma_start3A, %dma_start3A_146] : memref<128x128xf32, #tpu.memory_space<vmem>> -> memref<120x128xf32, #tpu.memory_space<vmem>>
      %dma_start3A_148 = arith.constant 0 : i32
      %dma_start3A_149 = tpu.memref_slice %arg7[%add3A_19, %dma_start3A_148] : memref<10112x128xf32, #tpu.memory_space<vmem_shared>> -> memref<120x128xf32, #tpu.memory_space<vmem_shared>>
      %dma_start3A_150 = arith.constant 0 : i32
      %dma_start3A_151 = tpu.memref_slice %arg7[%add3A_19, %dma_start3A_150] : memref<10112x128xf32, #tpu.memory_space<vmem_shared>> -> memref<120x128xf32, #tpu.memory_space<vmem_shared>>
      %dma_start3A_152 = arith.constant 0 : i32
      %dma_start3A_153 = arith.constant 0 : i32
      %dma_start3A_154 = tpu.memref_slice %arg10[%dma_start3A_152, %dma_start3A_153] : memref<128x128xf32, #tpu.memory_space<vmem>> -> memref<120x128xf32, #tpu.memory_space<vmem>>
      tpu.enqueue_dma source(%dma_start3A_154 : memref<120x128xf32, #tpu.memory_space<vmem>>) target(%dma_start3A_151 : memref<120x128xf32, #tpu.memory_space<vmem_shared>>) target_semaphore(%run_scoped3A : memref<!tpu.dma_semaphore, #tpu.memory_space<semaphore_mem>>)
      %dma_wait3A = arith.constant 0 : i32
      %dma_wait3A_155 = arith.constant 0 : i32
      %dma_wait3A_156 = tpu.memref_slice %arg10[%dma_wait3A, %dma_wait3A_155] : memref<128x128xf32, #tpu.memory_space<vmem>> -> memref<120x128xf32, #tpu.memory_space<vmem>>
      %dma_wait3A_157 = arith.constant 0 : i32
      %dma_wait3A_158 = tpu.memref_slice %arg7[%add3A_19, %dma_wait3A_157] : memref<10112x128xf32, #tpu.memory_space<vmem_shared>> -> memref<120x128xf32, #tpu.memory_space<vmem_shared>>
      %dma_wait3A_159 = arith.constant 0 : i32
      %dma_wait3A_160 = tpu.memref_slice %arg7[%add3A_19, %dma_wait3A_159] : memref<10112x128xf32, #tpu.memory_space<vmem_shared>> -> memref<120x128xf32, #tpu.memory_space<vmem_shared>>
      %dma_wait3A_161 = arith.constant 0 : i32
      %dma_wait3A_162 = arith.constant 0 : i32
      %dma_wait3A_163 = tpu.memref_slice %arg10[%dma_wait3A_161, %dma_wait3A_162] : memref<128x128xf32, #tpu.memory_space<vmem>> -> memref<120x128xf32, #tpu.memory_space<vmem>>
      tpu.wait_dma2 semaphore(%run_scoped3A : memref<!tpu.dma_semaphore, #tpu.memory_space<semaphore_mem>>) src(%dma_wait3A_163 : memref<120x128xf32, #tpu.memory_space<vmem>>) dst(%dma_wait3A_160 : memref<120x128xf32, #tpu.memory_space<vmem_shared>>)
      tpu.yield
    }) : () -> ()
    %mul3A_20 = arith.constant 80 : i32
    %mul3A_21 = arith.muli %arg1, %mul3A_20 : i32
    "tpu.region"() ({
      %run_scoped3A = tpu.sem_alloc : memref<!tpu.dma_semaphore, #tpu.memory_space<semaphore_mem>>
      %dma_start3A = arith.constant 0 : i32
      %dma_start3A_146 = tpu.memref_slice %arg3[%add3A_0, %mul3A_21, %dma_start3A] : memref<4x1280x128xi32, #tpu.memory_space<hbm>> -> memref<1x80x128xi32, #tpu.memory_space<hbm>>
      %dma_start3A_147 = tpu.memref_squeeze %dma_start3A_146 : memref<1x80x128xi32, #tpu.memory_space<hbm>> -> memref<80x128xi32, #tpu.memory_space<hbm>>
      %dma_start3A_148 = arith.constant 0 : i32
      %dma_start3A_149 = tpu.memref_slice %arg3[%add3A_0, %mul3A_21, %dma_start3A_148] : memref<4x1280x128xi32, #tpu.memory_space<hbm>> -> memref<1x80x128xi32, #tpu.memory_space<hbm>>
      %dma_start3A_150 = tpu.memref_squeeze %dma_start3A_149 : memref<1x80x128xi32, #tpu.memory_space<hbm>> -> memref<80x128xi32, #tpu.memory_space<hbm>>
      tpu.enqueue_dma source(%dma_start3A_150 : memref<80x128xi32, #tpu.memory_space<hbm>>) target(%arg8 : memref<80x128xi32, #tpu.memory_space<vmem>>) target_semaphore(%run_scoped3A : memref<!tpu.dma_semaphore, #tpu.memory_space<semaphore_mem>>)
      %dma_wait3A = arith.constant 0 : i32
      %dma_wait3A_151 = tpu.memref_slice %arg3[%add3A_0, %mul3A_21, %dma_wait3A] : memref<4x1280x128xi32, #tpu.memory_space<hbm>> -> memref<1x80x128xi32, #tpu.memory_space<hbm>>
      %dma_wait3A_152 = tpu.memref_squeeze %dma_wait3A_151 : memref<1x80x128xi32, #tpu.memory_space<hbm>> -> memref<80x128xi32, #tpu.memory_space<hbm>>
      %dma_wait3A_153 = arith.constant 0 : i32
      %dma_wait3A_154 = tpu.memref_slice %arg3[%add3A_0, %mul3A_21, %dma_wait3A_153] : memref<4x1280x128xi32, #tpu.memory_space<hbm>> -> memref<1x80x128xi32, #tpu.memory_space<hbm>>
      %dma_wait3A_155 = tpu.memref_squeeze %dma_wait3A_154 : memref<1x80x128xi32, #tpu.memory_space<hbm>> -> memref<80x128xi32, #tpu.memory_space<hbm>>
      tpu.wait_dma2 semaphore(%run_scoped3A : memref<!tpu.dma_semaphore, #tpu.memory_space<semaphore_mem>>) src(%dma_wait3A_155 : memref<80x128xi32, #tpu.memory_space<hbm>>) dst(%arg8 : memref<80x128xi32, #tpu.memory_space<vmem>>)
      tpu.yield
    }) : () -> ()
    %mul3A_22 = arith.constant 80 : i32
    %mul3A_23 = arith.muli %arg1, %mul3A_22 : i32
    "tpu.region"() ({
      %run_scoped3A = tpu.sem_alloc : memref<!tpu.dma_semaphore, #tpu.memory_space<semaphore_mem>>
      %dma_start3A = arith.constant 0 : i32
      %dma_start3A_146 = tpu.memref_slice %arg4[%mul3A_23, %dma_start3A] : memref<1280x128xi32, #tpu.memory_space<hbm>> -> memref<80x128xi32, #tpu.memory_space<hbm>>
      %dma_start3A_147 = arith.constant 0 : i32
      %dma_start3A_148 = tpu.memref_slice %arg4[%mul3A_23, %dma_start3A_147] : memref<1280x128xi32, #tpu.memory_space<hbm>> -> memref<80x128xi32, #tpu.memory_space<hbm>>
      tpu.enqueue_dma source(%dma_start3A_148 : memref<80x128xi32, #tpu.memory_space<hbm>>) target(%arg9 : memref<80x128xi32, #tpu.memory_space<vmem>>) target_semaphore(%run_scoped3A : memref<!tpu.dma_semaphore, #tpu.memory_space<semaphore_mem>>)
      %dma_wait3A = arith.constant 0 : i32
      %dma_wait3A_149 = tpu.memref_slice %arg4[%mul3A_23, %dma_wait3A] : memref<1280x128xi32, #tpu.memory_space<hbm>> -> memref<80x128xi32, #tpu.memory_space<hbm>>
      %dma_wait3A_150 = arith.constant 0 : i32
      %dma_wait3A_151 = tpu.memref_slice %arg4[%mul3A_23, %dma_wait3A_150] : memref<1280x128xi32, #tpu.memory_space<hbm>> -> memref<80x128xi32, #tpu.memory_space<hbm>>
      tpu.wait_dma2 semaphore(%run_scoped3A : memref<!tpu.dma_semaphore, #tpu.memory_space<semaphore_mem>>) src(%dma_wait3A_151 : memref<80x128xi32, #tpu.memory_space<hbm>>) dst(%arg9 : memref<80x128xi32, #tpu.memory_space<vmem>>)
      tpu.yield
    }) : () -> ()
    %barrier3A = arith.constant 0 : index
    tpu.barrier barrier_id(%barrier3A)
    %scan3A = arith.constant 0 : i32
    %scan3A_24 = arith.constant 0 : i32
    %scan3A_25 = arith.constant 80 : i32
    %scan3A_26 = arith.addi %scan3A_24, %scan3A_25 : i32
    %scan3A_27 = arith.constant 1 : i32
    scf.for %scan3A_146 = %scan3A_24 to %scan3A_26 step %scan3A_27  : i32 {
      "tpu.region"() ({
        %run_scoped3A = tpu.sem_alloc : memref<!tpu.dma_semaphore, #tpu.memory_space<semaphore_mem>>
        %dma_start3A = arith.constant 0 : i32
        %dma_start3A_147 = tpu.memref_slice %arg8[%scan3A_146, %dma_start3A] : memref<80x128xi32, #tpu.memory_space<vmem>> -> memref<1x128xi32, #tpu.memory_space<vmem>>
        %dma_start3A_148 = tpu.memref_squeeze %dma_start3A_147 : memref<1x128xi32, #tpu.memory_space<vmem>> -> memref<128xi32, #tpu.memory_space<vmem>>
        %dma_start3A_149 = arith.constant 0 : i32
        %dma_start3A_150 = arith.constant 0 : i32
        %dma_start3A_151 = tpu.memref_slice %arg2[%dma_start3A_149, %dma_start3A_150] : memref<40000x128xf32, #tpu.memory_space<hbm>> -> memref<40000x128xf32, #tpu.memory_space<hbm>>
        tpu.enqueue_indirect_dma source(%dma_start3A_151 : memref<40000x128xf32, #tpu.memory_space<hbm>>) target(%arg10 : memref<128x128xf32, #tpu.memory_space<vmem>>) offsets(%dma_start3A_148 : memref<128xi32, #tpu.memory_space<vmem>>) semaphore(%run_scoped3A : memref<!tpu.dma_semaphore, #tpu.memory_space<semaphore_mem>>)
        %dma_wait3A = arith.constant 0 : i32
        %dma_wait3A_152 = tpu.memref_slice %arg8[%scan3A_146, %dma_wait3A] : memref<80x128xi32, #tpu.memory_space<vmem>> -> memref<1x128xi32, #tpu.memory_space<vmem>>
        %dma_wait3A_153 = tpu.memref_squeeze %dma_wait3A_152 : memref<1x128xi32, #tpu.memory_space<vmem>> -> memref<128xi32, #tpu.memory_space<vmem>>
        %dma_wait3A_154 = arith.constant 0 : i32
        %dma_wait3A_155 = arith.constant 0 : i32
        %dma_wait3A_156 = tpu.memref_slice %arg2[%dma_wait3A_154, %dma_wait3A_155] : memref<40000x128xf32, #tpu.memory_space<hbm>> -> memref<40000x128xf32, #tpu.memory_space<hbm>>
        tpu.wait_indirect_dma semaphore(%run_scoped3A : memref<!tpu.dma_semaphore, #tpu.memory_space<semaphore_mem>>) src(%dma_wait3A_156 : memref<40000x128xf32, #tpu.memory_space<hbm>>) dst(%arg10 : memref<128x128xf32, #tpu.memory_space<vmem>>)
        tpu.yield
      }) : () -> ()
      "tpu.region"() ({
        %run_scoped3A = tpu.sem_alloc : memref<!tpu.dma_semaphore, #tpu.memory_space<semaphore_mem>>
        %dma_start3A = arith.constant 0 : i32
        %dma_start3A_147 = tpu.memref_slice %arg9[%scan3A_146, %dma_start3A] : memref<80x128xi32, #tpu.memory_space<vmem>> -> memref<1x128xi32, #tpu.memory_space<vmem>>
        %dma_start3A_148 = tpu.memref_squeeze %dma_start3A_147 : memref<1x128xi32, #tpu.memory_space<vmem>> -> memref<128xi32, #tpu.memory_space<vmem>>
        %dma_start3A_149 = arith.constant 0 : i32
        %dma_start3A_150 = arith.constant 0 : i32
        %dma_start3A_151 = tpu.memref_slice %arg7[%dma_start3A_149, %dma_start3A_150] : memref<10112x128xf32, #tpu.memory_space<vmem_shared>> -> memref<10112x128xf32, #tpu.memory_space<vmem_shared>>
        tpu.enqueue_indirect_dma source(%arg10 : memref<128x128xf32, #tpu.memory_space<vmem>>) target(%dma_start3A_151 : memref<10112x128xf32, #tpu.memory_space<vmem_shared>>) offsets(%dma_start3A_148 : memref<128xi32, #tpu.memory_space<vmem>>) semaphore(%run_scoped3A : memref<!tpu.dma_semaphore, #tpu.memory_space<semaphore_mem>>) {add = true}
        %dma_wait3A = arith.constant 0 : i32
        %dma_wait3A_152 = tpu.memref_slice %arg9[%scan3A_146, %dma_wait3A] : memref<80x128xi32, #tpu.memory_space<vmem>> -> memref<1x128xi32, #tpu.memory_space<vmem>>
        %dma_wait3A_153 = tpu.memref_squeeze %dma_wait3A_152 : memref<1x128xi32, #tpu.memory_space<vmem>> -> memref<128xi32, #tpu.memory_space<vmem>>
        %dma_wait3A_154 = arith.constant 0 : i32
        %dma_wait3A_155 = arith.constant 0 : i32
        %dma_wait3A_156 = tpu.memref_slice %arg7[%dma_wait3A_154, %dma_wait3A_155] : memref<10112x128xf32, #tpu.memory_space<vmem_shared>> -> memref<10112x128xf32, #tpu.memory_space<vmem_shared>>
        tpu.wait_indirect_dma semaphore(%run_scoped3A : memref<!tpu.dma_semaphore, #tpu.memory_space<semaphore_mem>>) src(%arg10 : memref<128x128xf32, #tpu.memory_space<vmem>>) dst(%dma_wait3A_156 : memref<10112x128xf32, #tpu.memory_space<vmem_shared>>)
        tpu.yield
      }) : () -> ()
    }
    %scan3A_28 = arith.constant 80 : i32
    %barrier3A_29 = arith.constant 0 : index
    tpu.barrier barrier_id(%barrier3A_29)
    %mul3A_30 = arith.constant 632 : i32
    %mul3A_31 = arith.muli %arg1, %mul3A_30 : i32
    %add3A_32 = arith.constant 0 : i32
    %add3A_33 = arith.addi %mul3A_31, %add3A_32 : i32
    "tpu.region"() ({
      %run_scoped3A = tpu.sem_alloc : memref<!tpu.dma_semaphore, #tpu.memory_space<semaphore_mem>>
      %dma_start3A = arith.constant 0 : i32
      %dma_start3A_146 = arith.constant 0 : i32
      %dma_start3A_147 = tpu.memref_slice %arg10[%dma_start3A, %dma_start3A_146] : memref<128x128xf32, #tpu.memory_space<vmem>> -> memref<128x128xf32, #tpu.memory_space<vmem>>
      %dma_start3A_148 = arith.constant 0 : i32
      %dma_start3A_149 = tpu.memref_slice %arg7[%add3A_33, %dma_start3A_148] : memref<10112x128xf32, #tpu.memory_space<vmem_shared>> -> memref<128x128xf32, #tpu.memory_space<vmem_shared>>
      %dma_start3A_150 = arith.constant 0 : i32
      %dma_start3A_151 = arith.constant 0 : i32
      %dma_start3A_152 = tpu.memref_slice %arg10[%dma_start3A_150, %dma_start3A_151] : memref<128x128xf32, #tpu.memory_space<vmem>> -> memref<128x128xf32, #tpu.memory_space<vmem>>
      %dma_start3A_153 = arith.constant 0 : i32
      %dma_start3A_154 = tpu.memref_slice %arg7[%add3A_33, %dma_start3A_153] : memref<10112x128xf32, #tpu.memory_space<vmem_shared>> -> memref<128x128xf32, #tpu.memory_space<vmem_shared>>
      tpu.enqueue_dma source(%dma_start3A_154 : memref<128x128xf32, #tpu.memory_space<vmem_shared>>) target(%dma_start3A_152 : memref<128x128xf32, #tpu.memory_space<vmem>>) target_semaphore(%run_scoped3A : memref<!tpu.dma_semaphore, #tpu.memory_space<semaphore_mem>>)
      %dma_wait3A = arith.constant 0 : i32
      %dma_wait3A_155 = arith.constant 0 : i32
      %dma_wait3A_156 = tpu.memref_slice %arg10[%dma_wait3A, %dma_wait3A_155] : memref<128x128xf32, #tpu.memory_space<vmem>> -> memref<128x128xf32, #tpu.memory_space<vmem>>
      %dma_wait3A_157 = arith.constant 0 : i32
      %dma_wait3A_158 = tpu.memref_slice %arg7[%add3A_33, %dma_wait3A_157] : memref<10112x128xf32, #tpu.memory_space<vmem_shared>> -> memref<128x128xf32, #tpu.memory_space<vmem_shared>>
      %dma_wait3A_159 = arith.constant 0 : i32
      %dma_wait3A_160 = arith.constant 0 : i32
      %dma_wait3A_161 = tpu.memref_slice %arg10[%dma_wait3A_159, %dma_wait3A_160] : memref<128x128xf32, #tpu.memory_space<vmem>> -> memref<128x128xf32, #tpu.memory_space<vmem>>
      %dma_wait3A_162 = arith.constant 0 : i32
      %dma_wait3A_163 = tpu.memref_slice %arg7[%add3A_33, %dma_wait3A_162] : memref<10112x128xf32, #tpu.memory_space<vmem_shared>> -> memref<128x128xf32, #tpu.memory_space<vmem_shared>>
      tpu.wait_dma2 semaphore(%run_scoped3A : memref<!tpu.dma_semaphore, #tpu.memory_space<semaphore_mem>>) src(%dma_wait3A_163 : memref<128x128xf32, #tpu.memory_space<vmem_shared>>) dst(%dma_wait3A_161 : memref<128x128xf32, #tpu.memory_space<vmem>>)
      tpu.yield
    }) : () -> ()
    %mul3A_34 = arith.constant 632 : i32
    %mul3A_35 = arith.muli %arg1, %mul3A_34 : i32
    %add3A_36 = arith.constant 0 : i32
    %add3A_37 = arith.addi %mul3A_35, %add3A_36 : i32
    "tpu.region"() ({
      %run_scoped3A = tpu.sem_alloc : memref<!tpu.dma_semaphore, #tpu.memory_space<semaphore_mem>>
      %dma_start3A = arith.constant 0 : i32
      %dma_start3A_146 = arith.constant 0 : i32
      %dma_start3A_147 = tpu.memref_slice %arg10[%dma_start3A, %dma_start3A_146] : memref<128x128xf32, #tpu.memory_space<vmem>> -> memref<128x128xf32, #tpu.memory_space<vmem>>
      %dma_start3A_148 = arith.constant 0 : i32
      %dma_start3A_149 = tpu.memref_slice %arg6[%add3A_0, %add3A_37, %dma_start3A_148] : memref<4x10112x128xf32, #tpu.memory_space<hbm>> -> memref<1x128x128xf32, #tpu.memory_space<hbm>>
      %dma_start3A_150 = tpu.memref_squeeze %dma_start3A_149 : memref<1x128x128xf32, #tpu.memory_space<hbm>> -> memref<128x128xf32, #tpu.memory_space<hbm>>
      %dma_start3A_151 = arith.constant 0 : i32
      %dma_start3A_152 = tpu.memref_slice %arg6[%add3A_0, %add3A_37, %dma_start3A_151] : memref<4x10112x128xf32, #tpu.memory_space<hbm>> -> memref<1x128x128xf32, #tpu.memory_space<hbm>>
      %dma_start3A_153 = tpu.memref_squeeze %dma_start3A_152 : memref<1x128x128xf32, #tpu.memory_space<hbm>> -> memref<128x128xf32, #tpu.memory_space<hbm>>
      %dma_start3A_154 = arith.constant 0 : i32
      %dma_start3A_155 = arith.constant 0 : i32
      %dma_start3A_156 = tpu.memref_slice %arg10[%dma_start3A_154, %dma_start3A_155] : memref<128x128xf32, #tpu.memory_space<vmem>> -> memref<128x128xf32, #tpu.memory_space<vmem>>
      tpu.enqueue_dma source(%dma_start3A_156 : memref<128x128xf32, #tpu.memory_space<vmem>>) target(%dma_start3A_153 : memref<128x128xf32, #tpu.memory_space<hbm>>) target_semaphore(%run_scoped3A : memref<!tpu.dma_semaphore, #tpu.memory_space<semaphore_mem>>)
      %dma_wait3A = arith.constant 0 : i32
      %dma_wait3A_157 = arith.constant 0 : i32
      %dma_wait3A_158 = tpu.memref_slice %arg10[%dma_wait3A, %dma_wait3A_157] : memref<128x128xf32, #tpu.memory_space<vmem>> -> memref<128x128xf32, #tpu.memory_space<vmem>>
      %dma_wait3A_159 = arith.constant 0 : i32
      %dma_wait3A_160 = tpu.memref_slice %arg6[%add3A_0, %add3A_37, %dma_wait3A_159] : memref<4x10112x128xf32, #tpu.memory_space<hbm>> -> memref<1x128x128xf32, #tpu.memory_space<hbm>>
      %dma_wait3A_161 = tpu.memref_squeeze %dma_wait3A_160 : memref<1x128x128xf32, #tpu.memory_space<hbm>> -> memref<128x128xf32, #tpu.memory_space<hbm>>
      %dma_wait3A_162 = arith.constant 0 : i32
      %dma_wait3A_163 = tpu.memref_slice %arg6[%add3A_0, %add3A_37, %dma_wait3A_162] : memref<4x10112x128xf32, #tpu.memory_space<hbm>> -> memref<1x128x128xf32, #tpu.memory_space<hbm>>
      %dma_wait3A_164 = tpu.memref_squeeze %dma_wait3A_163 : memref<1x128x128xf32, #tpu.memory_space<hbm>> -> memref<128x128xf32, #tpu.memory_space<hbm>>
      %dma_wait3A_165 = arith.constant 0 : i32
      %dma_wait3A_166 = arith.constant 0 : i32
      %dma_wait3A_167 = tpu.memref_slice %arg10[%dma_wait3A_165, %dma_wait3A_166] : memref<128x128xf32, #tpu.memory_space<vmem>> -> memref<128x128xf32, #tpu.memory_space<vmem>>
      tpu.wait_dma2 semaphore(%run_scoped3A : memref<!tpu.dma_semaphore, #tpu.memory_space<semaphore_mem>>) src(%dma_wait3A_167 : memref<128x128xf32, #tpu.memory_space<vmem>>) dst(%dma_wait3A_164 : memref<128x128xf32, #tpu.memory_space<hbm>>)
      tpu.yield
    }) : () -> ()
    %mul3A_38 = arith.constant 632 : i32
    %mul3A_39 = arith.muli %arg1, %mul3A_38 : i32
    %add3A_40 = arith.constant 128 : i32
    %add3A_41 = arith.addi %mul3A_39, %add3A_40 : i32
    "tpu.region"() ({
      %run_scoped3A = tpu.sem_alloc : memref<!tpu.dma_semaphore, #tpu.memory_space<semaphore_mem>>
      %dma_start3A = arith.constant 0 : i32
      %dma_start3A_146 = arith.constant 0 : i32
      %dma_start3A_147 = tpu.memref_slice %arg10[%dma_start3A, %dma_start3A_146] : memref<128x128xf32, #tpu.memory_space<vmem>> -> memref<128x128xf32, #tpu.memory_space<vmem>>
      %dma_start3A_148 = arith.constant 0 : i32
      %dma_start3A_149 = tpu.memref_slice %arg7[%add3A_41, %dma_start3A_148] : memref<10112x128xf32, #tpu.memory_space<vmem_shared>> -> memref<128x128xf32, #tpu.memory_space<vmem_shared>>
      %dma_start3A_150 = arith.constant 0 : i32
      %dma_start3A_151 = arith.constant 0 : i32
      %dma_start3A_152 = tpu.memref_slice %arg10[%dma_start3A_150, %dma_start3A_151] : memref<128x128xf32, #tpu.memory_space<vmem>> -> memref<128x128xf32, #tpu.memory_space<vmem>>
      %dma_start3A_153 = arith.constant 0 : i32
      %dma_start3A_154 = tpu.memref_slice %arg7[%add3A_41, %dma_start3A_153] : memref<10112x128xf32, #tpu.memory_space<vmem_shared>> -> memref<128x128xf32, #tpu.memory_space<vmem_shared>>
      tpu.enqueue_dma source(%dma_start3A_154 : memref<128x128xf32, #tpu.memory_space<vmem_shared>>) target(%dma_start3A_152 : memref<128x128xf32, #tpu.memory_space<vmem>>) target_semaphore(%run_scoped3A : memref<!tpu.dma_semaphore, #tpu.memory_space<semaphore_mem>>)
      %dma_wait3A = arith.constant 0 : i32
      %dma_wait3A_155 = arith.constant 0 : i32
      %dma_wait3A_156 = tpu.memref_slice %arg10[%dma_wait3A, %dma_wait3A_155] : memref<128x128xf32, #tpu.memory_space<vmem>> -> memref<128x128xf32, #tpu.memory_space<vmem>>
      %dma_wait3A_157 = arith.constant 0 : i32
      %dma_wait3A_158 = tpu.memref_slice %arg7[%add3A_41, %dma_wait3A_157] : memref<10112x128xf32, #tpu.memory_space<vmem_shared>> -> memref<128x128xf32, #tpu.memory_space<vmem_shared>>
      %dma_wait3A_159 = arith.constant 0 : i32
      %dma_wait3A_160 = arith.constant 0 : i32
      %dma_wait3A_161 = tpu.memref_slice %arg10[%dma_wait3A_159, %dma_wait3A_160] : memref<128x128xf32, #tpu.memory_space<vmem>> -> memref<128x128xf32, #tpu.memory_space<vmem>>
      %dma_wait3A_162 = arith.constant 0 : i32
      %dma_wait3A_163 = tpu.memref_slice %arg7[%add3A_41, %dma_wait3A_162] : memref<10112x128xf32, #tpu.memory_space<vmem_shared>> -> memref<128x128xf32, #tpu.memory_space<vmem_shared>>
      tpu.wait_dma2 semaphore(%run_scoped3A : memref<!tpu.dma_semaphore, #tpu.memory_space<semaphore_mem>>) src(%dma_wait3A_163 : memref<128x128xf32, #tpu.memory_space<vmem_shared>>) dst(%dma_wait3A_161 : memref<128x128xf32, #tpu.memory_space<vmem>>)
      tpu.yield
    }) : () -> ()
    %mul3A_42 = arith.constant 632 : i32
    %mul3A_43 = arith.muli %arg1, %mul3A_42 : i32
    %add3A_44 = arith.constant 128 : i32
    %add3A_45 = arith.addi %mul3A_43, %add3A_44 : i32
    "tpu.region"() ({
      %run_scoped3A = tpu.sem_alloc : memref<!tpu.dma_semaphore, #tpu.memory_space<semaphore_mem>>
      %dma_start3A = arith.constant 0 : i32
      %dma_start3A_146 = arith.constant 0 : i32
      %dma_start3A_147 = tpu.memref_slice %arg10[%dma_start3A, %dma_start3A_146] : memref<128x128xf32, #tpu.memory_space<vmem>> -> memref<128x128xf32, #tpu.memory_space<vmem>>
      %dma_start3A_148 = arith.constant 0 : i32
      %dma_start3A_149 = tpu.memref_slice %arg6[%add3A_0, %add3A_45, %dma_start3A_148] : memref<4x10112x128xf32, #tpu.memory_space<hbm>> -> memref<1x128x128xf32, #tpu.memory_space<hbm>>
      %dma_start3A_150 = tpu.memref_squeeze %dma_start3A_149 : memref<1x128x128xf32, #tpu.memory_space<hbm>> -> memref<128x128xf32, #tpu.memory_space<hbm>>
      %dma_start3A_151 = arith.constant 0 : i32
      %dma_start3A_152 = tpu.memref_slice %arg6[%add3A_0, %add3A_45, %dma_start3A_151] : memref<4x10112x128xf32, #tpu.memory_space<hbm>> -> memref<1x128x128xf32, #tpu.memory_space<hbm>>
      %dma_start3A_153 = tpu.memref_squeeze %dma_start3A_152 : memref<1x128x128xf32, #tpu.memory_space<hbm>> -> memref<128x128xf32, #tpu.memory_space<hbm>>
      %dma_start3A_154 = arith.constant 0 : i32
      %dma_start3A_155 = arith.constant 0 : i32
      %dma_start3A_156 = tpu.memref_slice %arg10[%dma_start3A_154, %dma_start3A_155] : memref<128x128xf32, #tpu.memory_space<vmem>> -> memref<128x128xf32, #tpu.memory_space<vmem>>
      tpu.enqueue_dma source(%dma_start3A_156 : memref<128x128xf32, #tpu.memory_space<vmem>>) target(%dma_start3A_153 : memref<128x128xf32, #tpu.memory_space<hbm>>) target_semaphore(%run_scoped3A : memref<!tpu.dma_semaphore, #tpu.memory_space<semaphore_mem>>)
      %dma_wait3A = arith.constant 0 : i32
      %dma_wait3A_157 = arith.constant 0 : i32
      %dma_wait3A_158 = tpu.memref_slice %arg10[%dma_wait3A, %dma_wait3A_157] : memref<128x128xf32, #tpu.memory_space<vmem>> -> memref<128x128xf32, #tpu.memory_space<vmem>>
      %dma_wait3A_159 = arith.constant 0 : i32
      %dma_wait3A_160 = tpu.memref_slice %arg6[%add3A_0, %add3A_45, %dma_wait3A_159] : memref<4x10112x128xf32, #tpu.memory_space<hbm>> -> memref<1x128x128xf32, #tpu.memory_space<hbm>>
      %dma_wait3A_161 = tpu.memref_squeeze %dma_wait3A_160 : memref<1x128x128xf32, #tpu.memory_space<hbm>> -> memref<128x128xf32, #tpu.memory_space<hbm>>
      %dma_wait3A_162 = arith.constant 0 : i32
      %dma_wait3A_163 = tpu.memref_slice %arg6[%add3A_0, %add3A_45, %dma_wait3A_162] : memref<4x10112x128xf32, #tpu.memory_space<hbm>> -> memref<1x128x128xf32, #tpu.memory_space<hbm>>
      %dma_wait3A_164 = tpu.memref_squeeze %dma_wait3A_163 : memref<1x128x128xf32, #tpu.memory_space<hbm>> -> memref<128x128xf32, #tpu.memory_space<hbm>>
      %dma_wait3A_165 = arith.constant 0 : i32
      %dma_wait3A_166 = arith.constant 0 : i32
      %dma_wait3A_167 = tpu.memref_slice %arg10[%dma_wait3A_165, %dma_wait3A_166] : memref<128x128xf32, #tpu.memory_space<vmem>> -> memref<128x128xf32, #tpu.memory_space<vmem>>
      tpu.wait_dma2 semaphore(%run_scoped3A : memref<!tpu.dma_semaphore, #tpu.memory_space<semaphore_mem>>) src(%dma_wait3A_167 : memref<128x128xf32, #tpu.memory_space<vmem>>) dst(%dma_wait3A_164 : memref<128x128xf32, #tpu.memory_space<hbm>>)
      tpu.yield
    }) : () -> ()
    %mul3A_46 = arith.constant 632 : i32
    %mul3A_47 = arith.muli %arg1, %mul3A_46 : i32
    %add3A_48 = arith.constant 256 : i32
    %add3A_49 = arith.addi %mul3A_47, %add3A_48 : i32
    "tpu.region"() ({
      %run_scoped3A = tpu.sem_alloc : memref<!tpu.dma_semaphore, #tpu.memory_space<semaphore_mem>>
      %dma_start3A = arith.constant 0 : i32
      %dma_start3A_146 = arith.constant 0 : i32
      %dma_start3A_147 = tpu.memref_slice %arg10[%dma_start3A, %dma_start3A_146] : memref<128x128xf32, #tpu.memory_space<vmem>> -> memref<128x128xf32, #tpu.memory_space<vmem>>
      %dma_start3A_148 = arith.constant 0 : i32
      %dma_start3A_149 = tpu.memref_slice %arg7[%add3A_49, %dma_start3A_148] : memref<10112x128xf32, #tpu.memory_space<vmem_shared>> -> memref<128x128xf32, #tpu.memory_space<vmem_shared>>
      %dma_start3A_150 = arith.constant 0 : i32
      %dma_start3A_151 = arith.constant 0 : i32
      %dma_start3A_152 = tpu.memref_slice %arg10[%dma_start3A_150, %dma_start3A_151] : memref<128x128xf32, #tpu.memory_space<vmem>> -> memref<128x128xf32, #tpu.memory_space<vmem>>
      %dma_start3A_153 = arith.constant 0 : i32
      %dma_start3A_154 = tpu.memref_slice %arg7[%add3A_49, %dma_start3A_153] : memref<10112x128xf32, #tpu.memory_space<vmem_shared>> -> memref<128x128xf32, #tpu.memory_space<vmem_shared>>
      tpu.enqueue_dma source(%dma_start3A_154 : memref<128x128xf32, #tpu.memory_space<vmem_shared>>) target(%dma_start3A_152 : memref<128x128xf32, #tpu.memory_space<vmem>>) target_semaphore(%run_scoped3A : memref<!tpu.dma_semaphore, #tpu.memory_space<semaphore_mem>>)
      %dma_wait3A = arith.constant 0 : i32
      %dma_wait3A_155 = arith.constant 0 : i32
      %dma_wait3A_156 = tpu.memref_slice %arg10[%dma_wait3A, %dma_wait3A_155] : memref<128x128xf32, #tpu.memory_space<vmem>> -> memref<128x128xf32, #tpu.memory_space<vmem>>
      %dma_wait3A_157 = arith.constant 0 : i32
      %dma_wait3A_158 = tpu.memref_slice %arg7[%add3A_49, %dma_wait3A_157] : memref<10112x128xf32, #tpu.memory_space<vmem_shared>> -> memref<128x128xf32, #tpu.memory_space<vmem_shared>>
      %dma_wait3A_159 = arith.constant 0 : i32
      %dma_wait3A_160 = arith.constant 0 : i32
      %dma_wait3A_161 = tpu.memref_slice %arg10[%dma_wait3A_159, %dma_wait3A_160] : memref<128x128xf32, #tpu.memory_space<vmem>> -> memref<128x128xf32, #tpu.memory_space<vmem>>
      %dma_wait3A_162 = arith.constant 0 : i32
      %dma_wait3A_163 = tpu.memref_slice %arg7[%add3A_49, %dma_wait3A_162] : memref<10112x128xf32, #tpu.memory_space<vmem_shared>> -> memref<128x128xf32, #tpu.memory_space<vmem_shared>>
      tpu.wait_dma2 semaphore(%run_scoped3A : memref<!tpu.dma_semaphore, #tpu.memory_space<semaphore_mem>>) src(%dma_wait3A_163 : memref<128x128xf32, #tpu.memory_space<vmem_shared>>) dst(%dma_wait3A_161 : memref<128x128xf32, #tpu.memory_space<vmem>>)
      tpu.yield
    }) : () -> ()
    %mul3A_50 = arith.constant 632 : i32
    %mul3A_51 = arith.muli %arg1, %mul3A_50 : i32
    %add3A_52 = arith.constant 256 : i32
    %add3A_53 = arith.addi %mul3A_51, %add3A_52 : i32
    "tpu.region"() ({
      %run_scoped3A = tpu.sem_alloc : memref<!tpu.dma_semaphore, #tpu.memory_space<semaphore_mem>>
      %dma_start3A = arith.constant 0 : i32
      %dma_start3A_146 = arith.constant 0 : i32
      %dma_start3A_147 = tpu.memref_slice %arg10[%dma_start3A, %dma_start3A_146] : memref<128x128xf32, #tpu.memory_space<vmem>> -> memref<128x128xf32, #tpu.memory_space<vmem>>
      %dma_start3A_148 = arith.constant 0 : i32
      %dma_start3A_149 = tpu.memref_slice %arg6[%add3A_0, %add3A_53, %dma_start3A_148] : memref<4x10112x128xf32, #tpu.memory_space<hbm>> -> memref<1x128x128xf32, #tpu.memory_space<hbm>>
      %dma_start3A_150 = tpu.memref_squeeze %dma_start3A_149 : memref<1x128x128xf32, #tpu.memory_space<hbm>> -> memref<128x128xf32, #tpu.memory_space<hbm>>
      %dma_start3A_151 = arith.constant 0 : i32
      %dma_start3A_152 = tpu.memref_slice %arg6[%add3A_0, %add3A_53, %dma_start3A_151] : memref<4x10112x128xf32, #tpu.memory_space<hbm>> -> memref<1x128x128xf32, #tpu.memory_space<hbm>>
      %dma_start3A_153 = tpu.memref_squeeze %dma_start3A_152 : memref<1x128x128xf32, #tpu.memory_space<hbm>> -> memref<128x128xf32, #tpu.memory_space<hbm>>
      %dma_start3A_154 = arith.constant 0 : i32
      %dma_start3A_155 = arith.constant 0 : i32
      %dma_start3A_156 = tpu.memref_slice %arg10[%dma_start3A_154, %dma_start3A_155] : memref<128x128xf32, #tpu.memory_space<vmem>> -> memref<128x128xf32, #tpu.memory_space<vmem>>
      tpu.enqueue_dma source(%dma_start3A_156 : memref<128x128xf32, #tpu.memory_space<vmem>>) target(%dma_start3A_153 : memref<128x128xf32, #tpu.memory_space<hbm>>) target_semaphore(%run_scoped3A : memref<!tpu.dma_semaphore, #tpu.memory_space<semaphore_mem>>)
      %dma_wait3A = arith.constant 0 : i32
      %dma_wait3A_157 = arith.constant 0 : i32
      %dma_wait3A_158 = tpu.memref_slice %arg10[%dma_wait3A, %dma_wait3A_157] : memref<128x128xf32, #tpu.memory_space<vmem>> -> memref<128x128xf32, #tpu.memory_space<vmem>>
      %dma_wait3A_159 = arith.constant 0 : i32
      %dma_wait3A_160 = tpu.memref_slice %arg6[%add3A_0, %add3A_53, %dma_wait3A_159] : memref<4x10112x128xf32, #tpu.memory_space<hbm>> -> memref<1x128x128xf32, #tpu.memory_space<hbm>>
      %dma_wait3A_161 = tpu.memref_squeeze %dma_wait3A_160 : memref<1x128x128xf32, #tpu.memory_space<hbm>> -> memref<128x128xf32, #tpu.memory_space<hbm>>
      %dma_wait3A_162 = arith.constant 0 : i32
      %dma_wait3A_163 = tpu.memref_slice %arg6[%add3A_0, %add3A_53, %dma_wait3A_162] : memref<4x10112x128xf32, #tpu.memory_space<hbm>> -> memref<1x128x128xf32, #tpu.memory_space<hbm>>
      %dma_wait3A_164 = tpu.memref_squeeze %dma_wait3A_163 : memref<1x128x128xf32, #tpu.memory_space<hbm>> -> memref<128x128xf32, #tpu.memory_space<hbm>>
      %dma_wait3A_165 = arith.constant 0 : i32
      %dma_wait3A_166 = arith.constant 0 : i32
      %dma_wait3A_167 = tpu.memref_slice %arg10[%dma_wait3A_165, %dma_wait3A_166] : memref<128x128xf32, #tpu.memory_space<vmem>> -> memref<128x128xf32, #tpu.memory_space<vmem>>
      tpu.wait_dma2 semaphore(%run_scoped3A : memref<!tpu.dma_semaphore, #tpu.memory_space<semaphore_mem>>) src(%dma_wait3A_167 : memref<128x128xf32, #tpu.memory_space<vmem>>) dst(%dma_wait3A_164 : memref<128x128xf32, #tpu.memory_space<hbm>>)
      tpu.yield
    }) : () -> ()
    %mul3A_54 = arith.constant 632 : i32
    %mul3A_55 = arith.muli %arg1, %mul3A_54 : i32
    %add3A_56 = arith.constant 384 : i32
    %add3A_57 = arith.addi %mul3A_55, %add3A_56 : i32
    "tpu.region"() ({
      %run_scoped3A = tpu.sem_alloc : memref<!tpu.dma_semaphore, #tpu.memory_space<semaphore_mem>>
      %dma_start3A = arith.constant 0 : i32
      %dma_start3A_146 = arith.constant 0 : i32
      %dma_start3A_147 = tpu.memref_slice %arg10[%dma_start3A, %dma_start3A_146] : memref<128x128xf32, #tpu.memory_space<vmem>> -> memref<128x128xf32, #tpu.memory_space<vmem>>
      %dma_start3A_148 = arith.constant 0 : i32
      %dma_start3A_149 = tpu.memref_slice %arg7[%add3A_57, %dma_start3A_148] : memref<10112x128xf32, #tpu.memory_space<vmem_shared>> -> memref<128x128xf32, #tpu.memory_space<vmem_shared>>
      %dma_start3A_150 = arith.constant 0 : i32
      %dma_start3A_151 = arith.constant 0 : i32
      %dma_start3A_152 = tpu.memref_slice %arg10[%dma_start3A_150, %dma_start3A_151] : memref<128x128xf32, #tpu.memory_space<vmem>> -> memref<128x128xf32, #tpu.memory_space<vmem>>
      %dma_start3A_153 = arith.constant 0 : i32
      %dma_start3A_154 = tpu.memref_slice %arg7[%add3A_57, %dma_start3A_153] : memref<10112x128xf32, #tpu.memory_space<vmem_shared>> -> memref<128x128xf32, #tpu.memory_space<vmem_shared>>
      tpu.enqueue_dma source(%dma_start3A_154 : memref<128x128xf32, #tpu.memory_space<vmem_shared>>) target(%dma_start3A_152 : memref<128x128xf32, #tpu.memory_space<vmem>>) target_semaphore(%run_scoped3A : memref<!tpu.dma_semaphore, #tpu.memory_space<semaphore_mem>>)
      %dma_wait3A = arith.constant 0 : i32
      %dma_wait3A_155 = arith.constant 0 : i32
      %dma_wait3A_156 = tpu.memref_slice %arg10[%dma_wait3A, %dma_wait3A_155] : memref<128x128xf32, #tpu.memory_space<vmem>> -> memref<128x128xf32, #tpu.memory_space<vmem>>
      %dma_wait3A_157 = arith.constant 0 : i32
      %dma_wait3A_158 = tpu.memref_slice %arg7[%add3A_57, %dma_wait3A_157] : memref<10112x128xf32, #tpu.memory_space<vmem_shared>> -> memref<128x128xf32, #tpu.memory_space<vmem_shared>>
      %dma_wait3A_159 = arith.constant 0 : i32
      %dma_wait3A_160 = arith.constant 0 : i32
      %dma_wait3A_161 = tpu.memref_slice %arg10[%dma_wait3A_159, %dma_wait3A_160] : memref<128x128xf32, #tpu.memory_space<vmem>> -> memref<128x128xf32, #tpu.memory_space<vmem>>
      %dma_wait3A_162 = arith.constant 0 : i32
      %dma_wait3A_163 = tpu.memref_slice %arg7[%add3A_57, %dma_wait3A_162] : memref<10112x128xf32, #tpu.memory_space<vmem_shared>> -> memref<128x128xf32, #tpu.memory_space<vmem_shared>>
      tpu.wait_dma2 semaphore(%run_scoped3A : memref<!tpu.dma_semaphore, #tpu.memory_space<semaphore_mem>>) src(%dma_wait3A_163 : memref<128x128xf32, #tpu.memory_space<vmem_shared>>) dst(%dma_wait3A_161 : memref<128x128xf32, #tpu.memory_space<vmem>>)
      tpu.yield
    }) : () -> ()
    %mul3A_58 = arith.constant 632 : i32
    %mul3A_59 = arith.muli %arg1, %mul3A_58 : i32
    %add3A_60 = arith.constant 384 : i32
    %add3A_61 = arith.addi %mul3A_59, %add3A_60 : i32
    "tpu.region"() ({
      %run_scoped3A = tpu.sem_alloc : memref<!tpu.dma_semaphore, #tpu.memory_space<semaphore_mem>>
      %dma_start3A = arith.constant 0 : i32
      %dma_start3A_146 = arith.constant 0 : i32
      %dma_start3A_147 = tpu.memref_slice %arg10[%dma_start3A, %dma_start3A_146] : memref<128x128xf32, #tpu.memory_space<vmem>> -> memref<128x128xf32, #tpu.memory_space<vmem>>
      %dma_start3A_148 = arith.constant 0 : i32
      %dma_start3A_149 = tpu.memref_slice %arg6[%add3A_0, %add3A_61, %dma_start3A_148] : memref<4x10112x128xf32, #tpu.memory_space<hbm>> -> memref<1x128x128xf32, #tpu.memory_space<hbm>>
      %dma_start3A_150 = tpu.memref_squeeze %dma_start3A_149 : memref<1x128x128xf32, #tpu.memory_space<hbm>> -> memref<128x128xf32, #tpu.memory_space<hbm>>
      %dma_start3A_151 = arith.constant 0 : i32
      %dma_start3A_152 = tpu.memref_slice %arg6[%add3A_0, %add3A_61, %dma_start3A_151] : memref<4x10112x128xf32, #tpu.memory_space<hbm>> -> memref<1x128x128xf32, #tpu.memory_space<hbm>>
      %dma_start3A_153 = tpu.memref_squeeze %dma_start3A_152 : memref<1x128x128xf32, #tpu.memory_space<hbm>> -> memref<128x128xf32, #tpu.memory_space<hbm>>
      %dma_start3A_154 = arith.constant 0 : i32
      %dma_start3A_155 = arith.constant 0 : i32
      %dma_start3A_156 = tpu.memref_slice %arg10[%dma_start3A_154, %dma_start3A_155] : memref<128x128xf32, #tpu.memory_space<vmem>> -> memref<128x128xf32, #tpu.memory_space<vmem>>
      tpu.enqueue_dma source(%dma_start3A_156 : memref<128x128xf32, #tpu.memory_space<vmem>>) target(%dma_start3A_153 : memref<128x128xf32, #tpu.memory_space<hbm>>) target_semaphore(%run_scoped3A : memref<!tpu.dma_semaphore, #tpu.memory_space<semaphore_mem>>)
      %dma_wait3A = arith.constant 0 : i32
      %dma_wait3A_157 = arith.constant 0 : i32
      %dma_wait3A_158 = tpu.memref_slice %arg10[%dma_wait3A, %dma_wait3A_157] : memref<128x128xf32, #tpu.memory_space<vmem>> -> memref<128x128xf32, #tpu.memory_space<vmem>>
      %dma_wait3A_159 = arith.constant 0 : i32
      %dma_wait3A_160 = tpu.memref_slice %arg6[%add3A_0, %add3A_61, %dma_wait3A_159] : memref<4x10112x128xf32, #tpu.memory_space<hbm>> -> memref<1x128x128xf32, #tpu.memory_space<hbm>>
      %dma_wait3A_161 = tpu.memref_squeeze %dma_wait3A_160 : memref<1x128x128xf32, #tpu.memory_space<hbm>> -> memref<128x128xf32, #tpu.memory_space<hbm>>
      %dma_wait3A_162 = arith.constant 0 : i32
      %dma_wait3A_163 = tpu.memref_slice %arg6[%add3A_0, %add3A_61, %dma_wait3A_162] : memref<4x10112x128xf32, #tpu.memory_space<hbm>> -> memref<1x128x128xf32, #tpu.memory_space<hbm>>
      %dma_wait3A_164 = tpu.memref_squeeze %dma_wait3A_163 : memref<1x128x128xf32, #tpu.memory_space<hbm>> -> memref<128x128xf32, #tpu.memory_space<hbm>>
      %dma_wait3A_165 = arith.constant 0 : i32
      %dma_wait3A_166 = arith.constant 0 : i32
      %dma_wait3A_167 = tpu.memref_slice %arg10[%dma_wait3A_165, %dma_wait3A_166] : memref<128x128xf32, #tpu.memory_space<vmem>> -> memref<128x128xf32, #tpu.memory_space<vmem>>
      tpu.wait_dma2 semaphore(%run_scoped3A : memref<!tpu.dma_semaphore, #tpu.memory_space<semaphore_mem>>) src(%dma_wait3A_167 : memref<128x128xf32, #tpu.memory_space<vmem>>) dst(%dma_wait3A_164 : memref<128x128xf32, #tpu.memory_space<hbm>>)
      tpu.yield
    }) : () -> ()
    %mul3A_62 = arith.constant 632 : i32
    %mul3A_63 = arith.muli %arg1, %mul3A_62 : i32
    %add3A_64 = arith.constant 512 : i32
    %add3A_65 = arith.addi %mul3A_63, %add3A_64 : i32
    "tpu.region"() ({
      %run_scoped3A = tpu.sem_alloc : memref<!tpu.dma_semaphore, #tpu.memory_space<semaphore_mem>>
      %dma_start3A = arith.constant 0 : i32
      %dma_start3A_146 = arith.constant 0 : i32
      %dma_start3A_147 = tpu.memref_slice %arg10[%dma_start3A, %dma_start3A_146] : memref<128x128xf32, #tpu.memory_space<vmem>> -> memref<120x128xf32, #tpu.memory_space<vmem>>
      %dma_start3A_148 = arith.constant 0 : i32
      %dma_start3A_149 = tpu.memref_slice %arg7[%add3A_65, %dma_start3A_148] : memref<10112x128xf32, #tpu.memory_space<vmem_shared>> -> memref<120x128xf32, #tpu.memory_space<vmem_shared>>
      %dma_start3A_150 = arith.constant 0 : i32
      %dma_start3A_151 = arith.constant 0 : i32
      %dma_start3A_152 = tpu.memref_slice %arg10[%dma_start3A_150, %dma_start3A_151] : memref<128x128xf32, #tpu.memory_space<vmem>> -> memref<120x128xf32, #tpu.memory_space<vmem>>
      %dma_start3A_153 = arith.constant 0 : i32
      %dma_start3A_154 = tpu.memref_slice %arg7[%add3A_65, %dma_start3A_153] : memref<10112x128xf32, #tpu.memory_space<vmem_shared>> -> memref<120x128xf32, #tpu.memory_space<vmem_shared>>
      tpu.enqueue_dma source(%dma_start3A_154 : memref<120x128xf32, #tpu.memory_space<vmem_shared>>) target(%dma_start3A_152 : memref<120x128xf32, #tpu.memory_space<vmem>>) target_semaphore(%run_scoped3A : memref<!tpu.dma_semaphore, #tpu.memory_space<semaphore_mem>>)
      %dma_wait3A = arith.constant 0 : i32
      %dma_wait3A_155 = arith.constant 0 : i32
      %dma_wait3A_156 = tpu.memref_slice %arg10[%dma_wait3A, %dma_wait3A_155] : memref<128x128xf32, #tpu.memory_space<vmem>> -> memref<120x128xf32, #tpu.memory_space<vmem>>
      %dma_wait3A_157 = arith.constant 0 : i32
      %dma_wait3A_158 = tpu.memref_slice %arg7[%add3A_65, %dma_wait3A_157] : memref<10112x128xf32, #tpu.memory_space<vmem_shared>> -> memref<120x128xf32, #tpu.memory_space<vmem_shared>>
      %dma_wait3A_159 = arith.constant 0 : i32
      %dma_wait3A_160 = arith.constant 0 : i32
      %dma_wait3A_161 = tpu.memref_slice %arg10[%dma_wait3A_159, %dma_wait3A_160] : memref<128x128xf32, #tpu.memory_space<vmem>> -> memref<120x128xf32, #tpu.memory_space<vmem>>
      %dma_wait3A_162 = arith.constant 0 : i32
      %dma_wait3A_163 = tpu.memref_slice %arg7[%add3A_65, %dma_wait3A_162] : memref<10112x128xf32, #tpu.memory_space<vmem_shared>> -> memref<120x128xf32, #tpu.memory_space<vmem_shared>>
      tpu.wait_dma2 semaphore(%run_scoped3A : memref<!tpu.dma_semaphore, #tpu.memory_space<semaphore_mem>>) src(%dma_wait3A_163 : memref<120x128xf32, #tpu.memory_space<vmem_shared>>) dst(%dma_wait3A_161 : memref<120x128xf32, #tpu.memory_space<vmem>>)
      tpu.yield
    }) : () -> ()
    %mul3A_66 = arith.constant 632 : i32
    %mul3A_67 = arith.muli %arg1, %mul3A_66 : i32
    %add3A_68 = arith.constant 512 : i32
    %add3A_69 = arith.addi %mul3A_67, %add3A_68 : i32
    "tpu.region"() ({
      %run_scoped3A = tpu.sem_alloc : memref<!tpu.dma_semaphore, #tpu.memory_space<semaphore_mem>>
      %dma_start3A = arith.constant 0 : i32
      %dma_start3A_146 = arith.constant 0 : i32
      %dma_start3A_147 = tpu.memref_slice %arg10[%dma_start3A, %dma_start3A_146] : memref<128x128xf32, #tpu.memory_space<vmem>> -> memref<120x128xf32, #tpu.memory_space<vmem>>
      %dma_start3A_148 = arith.constant 0 : i32
      %dma_start3A_149 = tpu.memref_slice %arg6[%add3A_0, %add3A_69, %dma_start3A_148] : memref<4x10112x128xf32, #tpu.memory_space<hbm>> -> memref<1x120x128xf32, #tpu.memory_space<hbm>>
      %dma_start3A_150 = tpu.memref_squeeze %dma_start3A_149 : memref<1x120x128xf32, #tpu.memory_space<hbm>> -> memref<120x128xf32, #tpu.memory_space<hbm>>
      %dma_start3A_151 = arith.constant 0 : i32
      %dma_start3A_152 = tpu.memref_slice %arg6[%add3A_0, %add3A_69, %dma_start3A_151] : memref<4x10112x128xf32, #tpu.memory_space<hbm>> -> memref<1x120x128xf32, #tpu.memory_space<hbm>>
      %dma_start3A_153 = tpu.memref_squeeze %dma_start3A_152 : memref<1x120x128xf32, #tpu.memory_space<hbm>> -> memref<120x128xf32, #tpu.memory_space<hbm>>
      %dma_start3A_154 = arith.constant 0 : i32
      %dma_start3A_155 = arith.constant 0 : i32
      %dma_start3A_156 = tpu.memref_slice %arg10[%dma_start3A_154, %dma_start3A_155] : memref<128x128xf32, #tpu.memory_space<vmem>> -> memref<120x128xf32, #tpu.memory_space<vmem>>
      tpu.enqueue_dma source(%dma_start3A_156 : memref<120x128xf32, #tpu.memory_space<vmem>>) target(%dma_start3A_153 : memref<120x128xf32, #tpu.memory_space<hbm>>) target_semaphore(%run_scoped3A : memref<!tpu.dma_semaphore, #tpu.memory_space<semaphore_mem>>)
      %dma_wait3A = arith.constant 0 : i32
      %dma_wait3A_157 = arith.constant 0 : i32
      %dma_wait3A_158 = tpu.memref_slice %arg10[%dma_wait3A, %dma_wait3A_157] : memref<128x128xf32, #tpu.memory_space<vmem>> -> memref<120x128xf32, #tpu.memory_space<vmem>>
      %dma_wait3A_159 = arith.constant 0 : i32
      %dma_wait3A_160 = tpu.memref_slice %arg6[%add3A_0, %add3A_69, %dma_wait3A_159] : memref<4x10112x128xf32, #tpu.memory_space<hbm>> -> memref<1x120x128xf32, #tpu.memory_space<hbm>>
      %dma_wait3A_161 = tpu.memref_squeeze %dma_wait3A_160 : memref<1x120x128xf32, #tpu.memory_space<hbm>> -> memref<120x128xf32, #tpu.memory_space<hbm>>
      %dma_wait3A_162 = arith.constant 0 : i32
      %dma_wait3A_163 = tpu.memref_slice %arg6[%add3A_0, %add3A_69, %dma_wait3A_162] : memref<4x10112x128xf32, #tpu.memory_space<hbm>> -> memref<1x120x128xf32, #tpu.memory_space<hbm>>
      %dma_wait3A_164 = tpu.memref_squeeze %dma_wait3A_163 : memref<1x120x128xf32, #tpu.memory_space<hbm>> -> memref<120x128xf32, #tpu.memory_space<hbm>>
      %dma_wait3A_165 = arith.constant 0 : i32
      %dma_wait3A_166 = arith.constant 0 : i32
      %dma_wait3A_167 = tpu.memref_slice %arg10[%dma_wait3A_165, %dma_wait3A_166] : memref<128x128xf32, #tpu.memory_space<vmem>> -> memref<120x128xf32, #tpu.memory_space<vmem>>
      tpu.wait_dma2 semaphore(%run_scoped3A : memref<!tpu.dma_semaphore, #tpu.memory_space<semaphore_mem>>) src(%dma_wait3A_167 : memref<120x128xf32, #tpu.memory_space<vmem>>) dst(%dma_wait3A_164 : memref<120x128xf32, #tpu.memory_space<hbm>>)
      tpu.yield
    }) : () -> ()
    %barrier3A_70 = arith.constant 0 : index
    tpu.barrier barrier_id(%barrier3A_70)
    %add3A_71 = arith.constant 2 : i32
    %add3A_72 = arith.addi %arg0, %add3A_71 : i32
    "tpu.region"() ({
      %run_scoped3A = tpu.sem_alloc : memref<!tpu.dma_semaphore, #tpu.memory_space<semaphore_mem>>
      %dma_start3A = arith.constant 0 : i32
      %dma_start3A_146 = arith.constant 0 : i32
      %dma_start3A_147 = tpu.memref_slice %arg10[%dma_start3A, %dma_start3A_146] : memref<128x128xf32, #tpu.memory_space<vmem>> -> memref<128x128xf32, #tpu.memory_space<vmem>>
      %dma_start3A_148 = arith.constant 0 : i32
      %dma_start3A_149 = arith.constant 0 : i32
      %dma_start3A_150 = tpu.memref_slice %arg5[%dma_start3A_148, %dma_start3A_149] : memref<128x128xf32, #tpu.memory_space<hbm>> -> memref<128x128xf32, #tpu.memory_space<hbm>>
      %dma_start3A_151 = arith.constant 0 : i32
      %dma_start3A_152 = arith.constant 0 : i32
      %dma_start3A_153 = tpu.memref_slice %arg10[%dma_start3A_151, %dma_start3A_152] : memref<128x128xf32, #tpu.memory_space<vmem>> -> memref<128x128xf32, #tpu.memory_space<vmem>>
      %dma_start3A_154 = arith.constant 0 : i32
      %dma_start3A_155 = arith.constant 0 : i32
      %dma_start3A_156 = tpu.memref_slice %arg5[%dma_start3A_154, %dma_start3A_155] : memref<128x128xf32, #tpu.memory_space<hbm>> -> memref<128x128xf32, #tpu.memory_space<hbm>>
      tpu.enqueue_dma source(%dma_start3A_156 : memref<128x128xf32, #tpu.memory_space<hbm>>) target(%dma_start3A_153 : memref<128x128xf32, #tpu.memory_space<vmem>>) target_semaphore(%run_scoped3A : memref<!tpu.dma_semaphore, #tpu.memory_space<semaphore_mem>>)
      %dma_wait3A = arith.constant 0 : i32
      %dma_wait3A_157 = arith.constant 0 : i32
      %dma_wait3A_158 = tpu.memref_slice %arg10[%dma_wait3A, %dma_wait3A_157] : memref<128x128xf32, #tpu.memory_space<vmem>> -> memref<128x128xf32, #tpu.memory_space<vmem>>
      %dma_wait3A_159 = arith.constant 0 : i32
      %dma_wait3A_160 = arith.constant 0 : i32
      %dma_wait3A_161 = tpu.memref_slice %arg5[%dma_wait3A_159, %dma_wait3A_160] : memref<128x128xf32, #tpu.memory_space<hbm>> -> memref<128x128xf32, #tpu.memory_space<hbm>>
      %dma_wait3A_162 = arith.constant 0 : i32
      %dma_wait3A_163 = arith.constant 0 : i32
      %dma_wait3A_164 = tpu.memref_slice %arg10[%dma_wait3A_162, %dma_wait3A_163] : memref<128x128xf32, #tpu.memory_space<vmem>> -> memref<128x128xf32, #tpu.memory_space<vmem>>
      %dma_wait3A_165 = arith.constant 0 : i32
      %dma_wait3A_166 = arith.constant 0 : i32
      %dma_wait3A_167 = tpu.memref_slice %arg5[%dma_wait3A_165, %dma_wait3A_166] : memref<128x128xf32, #tpu.memory_space<hbm>> -> memref<128x128xf32, #tpu.memory_space<hbm>>
      tpu.wait_dma2 semaphore(%run_scoped3A : memref<!tpu.dma_semaphore, #tpu.memory_space<semaphore_mem>>) src(%dma_wait3A_167 : memref<128x128xf32, #tpu.memory_space<hbm>>) dst(%dma_wait3A_164 : memref<128x128xf32, #tpu.memory_space<vmem>>)
      tpu.yield
    }) : () -> ()
    %mul3A_73 = arith.constant 632 : i32
    %mul3A_74 = arith.muli %arg1, %mul3A_73 : i32
    %add3A_75 = arith.constant 0 : i32
    %add3A_76 = arith.addi %mul3A_74, %add3A_75 : i32
    "tpu.region"() ({
      %run_scoped3A = tpu.sem_alloc : memref<!tpu.dma_semaphore, #tpu.memory_space<semaphore_mem>>
      %dma_start3A = arith.constant 0 : i32
      %dma_start3A_146 = arith.constant 0 : i32
      %dma_start3A_147 = tpu.memref_slice %arg10[%dma_start3A, %dma_start3A_146] : memref<128x128xf32, #tpu.memory_space<vmem>> -> memref<128x128xf32, #tpu.memory_space<vmem>>
      %dma_start3A_148 = arith.constant 0 : i32
      %dma_start3A_149 = tpu.memref_slice %arg7[%add3A_76, %dma_start3A_148] : memref<10112x128xf32, #tpu.memory_space<vmem_shared>> -> memref<128x128xf32, #tpu.memory_space<vmem_shared>>
      %dma_start3A_150 = arith.constant 0 : i32
      %dma_start3A_151 = tpu.memref_slice %arg7[%add3A_76, %dma_start3A_150] : memref<10112x128xf32, #tpu.memory_space<vmem_shared>> -> memref<128x128xf32, #tpu.memory_space<vmem_shared>>
      %dma_start3A_152 = arith.constant 0 : i32
      %dma_start3A_153 = arith.constant 0 : i32
      %dma_start3A_154 = tpu.memref_slice %arg10[%dma_start3A_152, %dma_start3A_153] : memref<128x128xf32, #tpu.memory_space<vmem>> -> memref<128x128xf32, #tpu.memory_space<vmem>>
      tpu.enqueue_dma source(%dma_start3A_154 : memref<128x128xf32, #tpu.memory_space<vmem>>) target(%dma_start3A_151 : memref<128x128xf32, #tpu.memory_space<vmem_shared>>) target_semaphore(%run_scoped3A : memref<!tpu.dma_semaphore, #tpu.memory_space<semaphore_mem>>)
      %dma_wait3A = arith.constant 0 : i32
      %dma_wait3A_155 = arith.constant 0 : i32
      %dma_wait3A_156 = tpu.memref_slice %arg10[%dma_wait3A, %dma_wait3A_155] : memref<128x128xf32, #tpu.memory_space<vmem>> -> memref<128x128xf32, #tpu.memory_space<vmem>>
      %dma_wait3A_157 = arith.constant 0 : i32
      %dma_wait3A_158 = tpu.memref_slice %arg7[%add3A_76, %dma_wait3A_157] : memref<10112x128xf32, #tpu.memory_space<vmem_shared>> -> memref<128x128xf32, #tpu.memory_space<vmem_shared>>
      %dma_wait3A_159 = arith.constant 0 : i32
      %dma_wait3A_160 = tpu.memref_slice %arg7[%add3A_76, %dma_wait3A_159] : memref<10112x128xf32, #tpu.memory_space<vmem_shared>> -> memref<128x128xf32, #tpu.memory_space<vmem_shared>>
      %dma_wait3A_161 = arith.constant 0 : i32
      %dma_wait3A_162 = arith.constant 0 : i32
      %dma_wait3A_163 = tpu.memref_slice %arg10[%dma_wait3A_161, %dma_wait3A_162] : memref<128x128xf32, #tpu.memory_space<vmem>> -> memref<128x128xf32, #tpu.memory_space<vmem>>
      tpu.wait_dma2 semaphore(%run_scoped3A : memref<!tpu.dma_semaphore, #tpu.memory_space<semaphore_mem>>) src(%dma_wait3A_163 : memref<128x128xf32, #tpu.memory_space<vmem>>) dst(%dma_wait3A_160 : memref<128x128xf32, #tpu.memory_space<vmem_shared>>)
      tpu.yield
    }) : () -> ()
    "tpu.region"() ({
      %run_scoped3A = tpu.sem_alloc : memref<!tpu.dma_semaphore, #tpu.memory_space<semaphore_mem>>
      %dma_start3A = arith.constant 0 : i32
      %dma_start3A_146 = arith.constant 0 : i32
      %dma_start3A_147 = tpu.memref_slice %arg10[%dma_start3A, %dma_start3A_146] : memref<128x128xf32, #tpu.memory_space<vmem>> -> memref<128x128xf32, #tpu.memory_space<vmem>>
      %dma_start3A_148 = arith.constant 0 : i32
      %dma_start3A_149 = arith.constant 0 : i32
      %dma_start3A_150 = tpu.memref_slice %arg5[%dma_start3A_148, %dma_start3A_149] : memref<128x128xf32, #tpu.memory_space<hbm>> -> memref<128x128xf32, #tpu.memory_space<hbm>>
      %dma_start3A_151 = arith.constant 0 : i32
      %dma_start3A_152 = arith.constant 0 : i32
      %dma_start3A_153 = tpu.memref_slice %arg10[%dma_start3A_151, %dma_start3A_152] : memref<128x128xf32, #tpu.memory_space<vmem>> -> memref<128x128xf32, #tpu.memory_space<vmem>>
      %dma_start3A_154 = arith.constant 0 : i32
      %dma_start3A_155 = arith.constant 0 : i32
      %dma_start3A_156 = tpu.memref_slice %arg5[%dma_start3A_154, %dma_start3A_155] : memref<128x128xf32, #tpu.memory_space<hbm>> -> memref<128x128xf32, #tpu.memory_space<hbm>>
      tpu.enqueue_dma source(%dma_start3A_156 : memref<128x128xf32, #tpu.memory_space<hbm>>) target(%dma_start3A_153 : memref<128x128xf32, #tpu.memory_space<vmem>>) target_semaphore(%run_scoped3A : memref<!tpu.dma_semaphore, #tpu.memory_space<semaphore_mem>>)
      %dma_wait3A = arith.constant 0 : i32
      %dma_wait3A_157 = arith.constant 0 : i32
      %dma_wait3A_158 = tpu.memref_slice %arg10[%dma_wait3A, %dma_wait3A_157] : memref<128x128xf32, #tpu.memory_space<vmem>> -> memref<128x128xf32, #tpu.memory_space<vmem>>
      %dma_wait3A_159 = arith.constant 0 : i32
      %dma_wait3A_160 = arith.constant 0 : i32
      %dma_wait3A_161 = tpu.memref_slice %arg5[%dma_wait3A_159, %dma_wait3A_160] : memref<128x128xf32, #tpu.memory_space<hbm>> -> memref<128x128xf32, #tpu.memory_space<hbm>>
      %dma_wait3A_162 = arith.constant 0 : i32
      %dma_wait3A_163 = arith.constant 0 : i32
      %dma_wait3A_164 = tpu.memref_slice %arg10[%dma_wait3A_162, %dma_wait3A_163] : memref<128x128xf32, #tpu.memory_space<vmem>> -> memref<128x128xf32, #tpu.memory_space<vmem>>
      %dma_wait3A_165 = arith.constant 0 : i32
      %dma_wait3A_166 = arith.constant 0 : i32
      %dma_wait3A_167 = tpu.memref_slice %arg5[%dma_wait3A_165, %dma_wait3A_166] : memref<128x128xf32, #tpu.memory_space<hbm>> -> memref<128x128xf32, #tpu.memory_space<hbm>>
      tpu.wait_dma2 semaphore(%run_scoped3A : memref<!tpu.dma_semaphore, #tpu.memory_space<semaphore_mem>>) src(%dma_wait3A_167 : memref<128x128xf32, #tpu.memory_space<hbm>>) dst(%dma_wait3A_164 : memref<128x128xf32, #tpu.memory_space<vmem>>)
      tpu.yield
    }) : () -> ()
    %mul3A_77 = arith.constant 632 : i32
    %mul3A_78 = arith.muli %arg1, %mul3A_77 : i32
    %add3A_79 = arith.constant 128 : i32
    %add3A_80 = arith.addi %mul3A_78, %add3A_79 : i32
    "tpu.region"() ({
      %run_scoped3A = tpu.sem_alloc : memref<!tpu.dma_semaphore, #tpu.memory_space<semaphore_mem>>
      %dma_start3A = arith.constant 0 : i32
      %dma_start3A_146 = arith.constant 0 : i32
      %dma_start3A_147 = tpu.memref_slice %arg10[%dma_start3A, %dma_start3A_146] : memref<128x128xf32, #tpu.memory_space<vmem>> -> memref<128x128xf32, #tpu.memory_space<vmem>>
      %dma_start3A_148 = arith.constant 0 : i32
      %dma_start3A_149 = tpu.memref_slice %arg7[%add3A_80, %dma_start3A_148] : memref<10112x128xf32, #tpu.memory_space<vmem_shared>> -> memref<128x128xf32, #tpu.memory_space<vmem_shared>>
      %dma_start3A_150 = arith.constant 0 : i32
      %dma_start3A_151 = tpu.memref_slice %arg7[%add3A_80, %dma_start3A_150] : memref<10112x128xf32, #tpu.memory_space<vmem_shared>> -> memref<128x128xf32, #tpu.memory_space<vmem_shared>>
      %dma_start3A_152 = arith.constant 0 : i32
      %dma_start3A_153 = arith.constant 0 : i32
      %dma_start3A_154 = tpu.memref_slice %arg10[%dma_start3A_152, %dma_start3A_153] : memref<128x128xf32, #tpu.memory_space<vmem>> -> memref<128x128xf32, #tpu.memory_space<vmem>>
      tpu.enqueue_dma source(%dma_start3A_154 : memref<128x128xf32, #tpu.memory_space<vmem>>) target(%dma_start3A_151 : memref<128x128xf32, #tpu.memory_space<vmem_shared>>) target_semaphore(%run_scoped3A : memref<!tpu.dma_semaphore, #tpu.memory_space<semaphore_mem>>)
      %dma_wait3A = arith.constant 0 : i32
      %dma_wait3A_155 = arith.constant 0 : i32
      %dma_wait3A_156 = tpu.memref_slice %arg10[%dma_wait3A, %dma_wait3A_155] : memref<128x128xf32, #tpu.memory_space<vmem>> -> memref<128x128xf32, #tpu.memory_space<vmem>>
      %dma_wait3A_157 = arith.constant 0 : i32
      %dma_wait3A_158 = tpu.memref_slice %arg7[%add3A_80, %dma_wait3A_157] : memref<10112x128xf32, #tpu.memory_space<vmem_shared>> -> memref<128x128xf32, #tpu.memory_space<vmem_shared>>
      %dma_wait3A_159 = arith.constant 0 : i32
      %dma_wait3A_160 = tpu.memref_slice %arg7[%add3A_80, %dma_wait3A_159] : memref<10112x128xf32, #tpu.memory_space<vmem_shared>> -> memref<128x128xf32, #tpu.memory_space<vmem_shared>>
      %dma_wait3A_161 = arith.constant 0 : i32
      %dma_wait3A_162 = arith.constant 0 : i32
      %dma_wait3A_163 = tpu.memref_slice %arg10[%dma_wait3A_161, %dma_wait3A_162] : memref<128x128xf32, #tpu.memory_space<vmem>> -> memref<128x128xf32, #tpu.memory_space<vmem>>
      tpu.wait_dma2 semaphore(%run_scoped3A : memref<!tpu.dma_semaphore, #tpu.memory_space<semaphore_mem>>) src(%dma_wait3A_163 : memref<128x128xf32, #tpu.memory_space<vmem>>) dst(%dma_wait3A_160 : memref<128x128xf32, #tpu.memory_space<vmem_shared>>)
      tpu.yield
    }) : () -> ()
    "tpu.region"() ({
      %run_scoped3A = tpu.sem_alloc : memref<!tpu.dma_semaphore, #tpu.memory_space<semaphore_mem>>
      %dma_start3A = arith.constant 0 : i32
      %dma_start3A_146 = arith.constant 0 : i32
      %dma_start3A_147 = tpu.memref_slice %arg10[%dma_start3A, %dma_start3A_146] : memref<128x128xf32, #tpu.memory_space<vmem>> -> memref<128x128xf32, #tpu.memory_space<vmem>>
      %dma_start3A_148 = arith.constant 0 : i32
      %dma_start3A_149 = arith.constant 0 : i32
      %dma_start3A_150 = tpu.memref_slice %arg5[%dma_start3A_148, %dma_start3A_149] : memref<128x128xf32, #tpu.memory_space<hbm>> -> memref<128x128xf32, #tpu.memory_space<hbm>>
      %dma_start3A_151 = arith.constant 0 : i32
      %dma_start3A_152 = arith.constant 0 : i32
      %dma_start3A_153 = tpu.memref_slice %arg10[%dma_start3A_151, %dma_start3A_152] : memref<128x128xf32, #tpu.memory_space<vmem>> -> memref<128x128xf32, #tpu.memory_space<vmem>>
      %dma_start3A_154 = arith.constant 0 : i32
      %dma_start3A_155 = arith.constant 0 : i32
      %dma_start3A_156 = tpu.memref_slice %arg5[%dma_start3A_154, %dma_start3A_155] : memref<128x128xf32, #tpu.memory_space<hbm>> -> memref<128x128xf32, #tpu.memory_space<hbm>>
      tpu.enqueue_dma source(%dma_start3A_156 : memref<128x128xf32, #tpu.memory_space<hbm>>) target(%dma_start3A_153 : memref<128x128xf32, #tpu.memory_space<vmem>>) target_semaphore(%run_scoped3A : memref<!tpu.dma_semaphore, #tpu.memory_space<semaphore_mem>>)
      %dma_wait3A = arith.constant 0 : i32
      %dma_wait3A_157 = arith.constant 0 : i32
      %dma_wait3A_158 = tpu.memref_slice %arg10[%dma_wait3A, %dma_wait3A_157] : memref<128x128xf32, #tpu.memory_space<vmem>> -> memref<128x128xf32, #tpu.memory_space<vmem>>
      %dma_wait3A_159 = arith.constant 0 : i32
      %dma_wait3A_160 = arith.constant 0 : i32
      %dma_wait3A_161 = tpu.memref_slice %arg5[%dma_wait3A_159, %dma_wait3A_160] : memref<128x128xf32, #tpu.memory_space<hbm>> -> memref<128x128xf32, #tpu.memory_space<hbm>>
      %dma_wait3A_162 = arith.constant 0 : i32
      %dma_wait3A_163 = arith.constant 0 : i32
      %dma_wait3A_164 = tpu.memref_slice %arg10[%dma_wait3A_162, %dma_wait3A_163] : memref<128x128xf32, #tpu.memory_space<vmem>> -> memref<128x128xf32, #tpu.memory_space<vmem>>
      %dma_wait3A_165 = arith.constant 0 : i32
      %dma_wait3A_166 = arith.constant 0 : i32
      %dma_wait3A_167 = tpu.memref_slice %arg5[%dma_wait3A_165, %dma_wait3A_166] : memref<128x128xf32, #tpu.memory_space<hbm>> -> memref<128x128xf32, #tpu.memory_space<hbm>>
      tpu.wait_dma2 semaphore(%run_scoped3A : memref<!tpu.dma_semaphore, #tpu.memory_space<semaphore_mem>>) src(%dma_wait3A_167 : memref<128x128xf32, #tpu.memory_space<hbm>>) dst(%dma_wait3A_164 : memref<128x128xf32, #tpu.memory_space<vmem>>)
      tpu.yield
    }) : () -> ()
    %mul3A_81 = arith.constant 632 : i32
    %mul3A_82 = arith.muli %arg1, %mul3A_81 : i32
    %add3A_83 = arith.constant 256 : i32
    %add3A_84 = arith.addi %mul3A_82, %add3A_83 : i32
    "tpu.region"() ({
      %run_scoped3A = tpu.sem_alloc : memref<!tpu.dma_semaphore, #tpu.memory_space<semaphore_mem>>
      %dma_start3A = arith.constant 0 : i32
      %dma_start3A_146 = arith.constant 0 : i32
      %dma_start3A_147 = tpu.memref_slice %arg10[%dma_start3A, %dma_start3A_146] : memref<128x128xf32, #tpu.memory_space<vmem>> -> memref<128x128xf32, #tpu.memory_space<vmem>>
      %dma_start3A_148 = arith.constant 0 : i32
      %dma_start3A_149 = tpu.memref_slice %arg7[%add3A_84, %dma_start3A_148] : memref<10112x128xf32, #tpu.memory_space<vmem_shared>> -> memref<128x128xf32, #tpu.memory_space<vmem_shared>>
      %dma_start3A_150 = arith.constant 0 : i32
      %dma_start3A_151 = tpu.memref_slice %arg7[%add3A_84, %dma_start3A_150] : memref<10112x128xf32, #tpu.memory_space<vmem_shared>> -> memref<128x128xf32, #tpu.memory_space<vmem_shared>>
      %dma_start3A_152 = arith.constant 0 : i32
      %dma_start3A_153 = arith.constant 0 : i32
      %dma_start3A_154 = tpu.memref_slice %arg10[%dma_start3A_152, %dma_start3A_153] : memref<128x128xf32, #tpu.memory_space<vmem>> -> memref<128x128xf32, #tpu.memory_space<vmem>>
      tpu.enqueue_dma source(%dma_start3A_154 : memref<128x128xf32, #tpu.memory_space<vmem>>) target(%dma_start3A_151 : memref<128x128xf32, #tpu.memory_space<vmem_shared>>) target_semaphore(%run_scoped3A : memref<!tpu.dma_semaphore, #tpu.memory_space<semaphore_mem>>)
      %dma_wait3A = arith.constant 0 : i32
      %dma_wait3A_155 = arith.constant 0 : i32
      %dma_wait3A_156 = tpu.memref_slice %arg10[%dma_wait3A, %dma_wait3A_155] : memref<128x128xf32, #tpu.memory_space<vmem>> -> memref<128x128xf32, #tpu.memory_space<vmem>>
      %dma_wait3A_157 = arith.constant 0 : i32
      %dma_wait3A_158 = tpu.memref_slice %arg7[%add3A_84, %dma_wait3A_157] : memref<10112x128xf32, #tpu.memory_space<vmem_shared>> -> memref<128x128xf32, #tpu.memory_space<vmem_shared>>
      %dma_wait3A_159 = arith.constant 0 : i32
      %dma_wait3A_160 = tpu.memref_slice %arg7[%add3A_84, %dma_wait3A_159] : memref<10112x128xf32, #tpu.memory_space<vmem_shared>> -> memref<128x128xf32, #tpu.memory_space<vmem_shared>>
      %dma_wait3A_161 = arith.constant 0 : i32
      %dma_wait3A_162 = arith.constant 0 : i32
      %dma_wait3A_163 = tpu.memref_slice %arg10[%dma_wait3A_161, %dma_wait3A_162] : memref<128x128xf32, #tpu.memory_space<vmem>> -> memref<128x128xf32, #tpu.memory_space<vmem>>
      tpu.wait_dma2 semaphore(%run_scoped3A : memref<!tpu.dma_semaphore, #tpu.memory_space<semaphore_mem>>) src(%dma_wait3A_163 : memref<128x128xf32, #tpu.memory_space<vmem>>) dst(%dma_wait3A_160 : memref<128x128xf32, #tpu.memory_space<vmem_shared>>)
      tpu.yield
    }) : () -> ()
    "tpu.region"() ({
      %run_scoped3A = tpu.sem_alloc : memref<!tpu.dma_semaphore, #tpu.memory_space<semaphore_mem>>
      %dma_start3A = arith.constant 0 : i32
      %dma_start3A_146 = arith.constant 0 : i32
      %dma_start3A_147 = tpu.memref_slice %arg10[%dma_start3A, %dma_start3A_146] : memref<128x128xf32, #tpu.memory_space<vmem>> -> memref<128x128xf32, #tpu.memory_space<vmem>>
      %dma_start3A_148 = arith.constant 0 : i32
      %dma_start3A_149 = arith.constant 0 : i32
      %dma_start3A_150 = tpu.memref_slice %arg5[%dma_start3A_148, %dma_start3A_149] : memref<128x128xf32, #tpu.memory_space<hbm>> -> memref<128x128xf32, #tpu.memory_space<hbm>>
      %dma_start3A_151 = arith.constant 0 : i32
      %dma_start3A_152 = arith.constant 0 : i32
      %dma_start3A_153 = tpu.memref_slice %arg10[%dma_start3A_151, %dma_start3A_152] : memref<128x128xf32, #tpu.memory_space<vmem>> -> memref<128x128xf32, #tpu.memory_space<vmem>>
      %dma_start3A_154 = arith.constant 0 : i32
      %dma_start3A_155 = arith.constant 0 : i32
      %dma_start3A_156 = tpu.memref_slice %arg5[%dma_start3A_154, %dma_start3A_155] : memref<128x128xf32, #tpu.memory_space<hbm>> -> memref<128x128xf32, #tpu.memory_space<hbm>>
      tpu.enqueue_dma source(%dma_start3A_156 : memref<128x128xf32, #tpu.memory_space<hbm>>) target(%dma_start3A_153 : memref<128x128xf32, #tpu.memory_space<vmem>>) target_semaphore(%run_scoped3A : memref<!tpu.dma_semaphore, #tpu.memory_space<semaphore_mem>>)
      %dma_wait3A = arith.constant 0 : i32
      %dma_wait3A_157 = arith.constant 0 : i32
      %dma_wait3A_158 = tpu.memref_slice %arg10[%dma_wait3A, %dma_wait3A_157] : memref<128x128xf32, #tpu.memory_space<vmem>> -> memref<128x128xf32, #tpu.memory_space<vmem>>
      %dma_wait3A_159 = arith.constant 0 : i32
      %dma_wait3A_160 = arith.constant 0 : i32
      %dma_wait3A_161 = tpu.memref_slice %arg5[%dma_wait3A_159, %dma_wait3A_160] : memref<128x128xf32, #tpu.memory_space<hbm>> -> memref<128x128xf32, #tpu.memory_space<hbm>>
      %dma_wait3A_162 = arith.constant 0 : i32
      %dma_wait3A_163 = arith.constant 0 : i32
      %dma_wait3A_164 = tpu.memref_slice %arg10[%dma_wait3A_162, %dma_wait3A_163] : memref<128x128xf32, #tpu.memory_space<vmem>> -> memref<128x128xf32, #tpu.memory_space<vmem>>
      %dma_wait3A_165 = arith.constant 0 : i32
      %dma_wait3A_166 = arith.constant 0 : i32
      %dma_wait3A_167 = tpu.memref_slice %arg5[%dma_wait3A_165, %dma_wait3A_166] : memref<128x128xf32, #tpu.memory_space<hbm>> -> memref<128x128xf32, #tpu.memory_space<hbm>>
      tpu.wait_dma2 semaphore(%run_scoped3A : memref<!tpu.dma_semaphore, #tpu.memory_space<semaphore_mem>>) src(%dma_wait3A_167 : memref<128x128xf32, #tpu.memory_space<hbm>>) dst(%dma_wait3A_164 : memref<128x128xf32, #tpu.memory_space<vmem>>)
      tpu.yield
    }) : () -> ()
    %mul3A_85 = arith.constant 632 : i32
    %mul3A_86 = arith.muli %arg1, %mul3A_85 : i32
    %add3A_87 = arith.constant 384 : i32
    %add3A_88 = arith.addi %mul3A_86, %add3A_87 : i32
    "tpu.region"() ({
      %run_scoped3A = tpu.sem_alloc : memref<!tpu.dma_semaphore, #tpu.memory_space<semaphore_mem>>
      %dma_start3A = arith.constant 0 : i32
      %dma_start3A_146 = arith.constant 0 : i32
      %dma_start3A_147 = tpu.memref_slice %arg10[%dma_start3A, %dma_start3A_146] : memref<128x128xf32, #tpu.memory_space<vmem>> -> memref<128x128xf32, #tpu.memory_space<vmem>>
      %dma_start3A_148 = arith.constant 0 : i32
      %dma_start3A_149 = tpu.memref_slice %arg7[%add3A_88, %dma_start3A_148] : memref<10112x128xf32, #tpu.memory_space<vmem_shared>> -> memref<128x128xf32, #tpu.memory_space<vmem_shared>>
      %dma_start3A_150 = arith.constant 0 : i32
      %dma_start3A_151 = tpu.memref_slice %arg7[%add3A_88, %dma_start3A_150] : memref<10112x128xf32, #tpu.memory_space<vmem_shared>> -> memref<128x128xf32, #tpu.memory_space<vmem_shared>>
      %dma_start3A_152 = arith.constant 0 : i32
      %dma_start3A_153 = arith.constant 0 : i32
      %dma_start3A_154 = tpu.memref_slice %arg10[%dma_start3A_152, %dma_start3A_153] : memref<128x128xf32, #tpu.memory_space<vmem>> -> memref<128x128xf32, #tpu.memory_space<vmem>>
      tpu.enqueue_dma source(%dma_start3A_154 : memref<128x128xf32, #tpu.memory_space<vmem>>) target(%dma_start3A_151 : memref<128x128xf32, #tpu.memory_space<vmem_shared>>) target_semaphore(%run_scoped3A : memref<!tpu.dma_semaphore, #tpu.memory_space<semaphore_mem>>)
      %dma_wait3A = arith.constant 0 : i32
      %dma_wait3A_155 = arith.constant 0 : i32
      %dma_wait3A_156 = tpu.memref_slice %arg10[%dma_wait3A, %dma_wait3A_155] : memref<128x128xf32, #tpu.memory_space<vmem>> -> memref<128x128xf32, #tpu.memory_space<vmem>>
      %dma_wait3A_157 = arith.constant 0 : i32
      %dma_wait3A_158 = tpu.memref_slice %arg7[%add3A_88, %dma_wait3A_157] : memref<10112x128xf32, #tpu.memory_space<vmem_shared>> -> memref<128x128xf32, #tpu.memory_space<vmem_shared>>
      %dma_wait3A_159 = arith.constant 0 : i32
      %dma_wait3A_160 = tpu.memref_slice %arg7[%add3A_88, %dma_wait3A_159] : memref<10112x128xf32, #tpu.memory_space<vmem_shared>> -> memref<128x128xf32, #tpu.memory_space<vmem_shared>>
      %dma_wait3A_161 = arith.constant 0 : i32
      %dma_wait3A_162 = arith.constant 0 : i32
      %dma_wait3A_163 = tpu.memref_slice %arg10[%dma_wait3A_161, %dma_wait3A_162] : memref<128x128xf32, #tpu.memory_space<vmem>> -> memref<128x128xf32, #tpu.memory_space<vmem>>
      tpu.wait_dma2 semaphore(%run_scoped3A : memref<!tpu.dma_semaphore, #tpu.memory_space<semaphore_mem>>) src(%dma_wait3A_163 : memref<128x128xf32, #tpu.memory_space<vmem>>) dst(%dma_wait3A_160 : memref<128x128xf32, #tpu.memory_space<vmem_shared>>)
      tpu.yield
    }) : () -> ()
    "tpu.region"() ({
      %run_scoped3A = tpu.sem_alloc : memref<!tpu.dma_semaphore, #tpu.memory_space<semaphore_mem>>
      %dma_start3A = arith.constant 0 : i32
      %dma_start3A_146 = arith.constant 0 : i32
      %dma_start3A_147 = tpu.memref_slice %arg10[%dma_start3A, %dma_start3A_146] : memref<128x128xf32, #tpu.memory_space<vmem>> -> memref<120x128xf32, #tpu.memory_space<vmem>>
      %dma_start3A_148 = arith.constant 0 : i32
      %dma_start3A_149 = arith.constant 0 : i32
      %dma_start3A_150 = tpu.memref_slice %arg5[%dma_start3A_148, %dma_start3A_149] : memref<128x128xf32, #tpu.memory_space<hbm>> -> memref<120x128xf32, #tpu.memory_space<hbm>>
      %dma_start3A_151 = arith.constant 0 : i32
      %dma_start3A_152 = arith.constant 0 : i32
      %dma_start3A_153 = tpu.memref_slice %arg10[%dma_start3A_151, %dma_start3A_152] : memref<128x128xf32, #tpu.memory_space<vmem>> -> memref<120x128xf32, #tpu.memory_space<vmem>>
      %dma_start3A_154 = arith.constant 0 : i32
      %dma_start3A_155 = arith.constant 0 : i32
      %dma_start3A_156 = tpu.memref_slice %arg5[%dma_start3A_154, %dma_start3A_155] : memref<128x128xf32, #tpu.memory_space<hbm>> -> memref<120x128xf32, #tpu.memory_space<hbm>>
      tpu.enqueue_dma source(%dma_start3A_156 : memref<120x128xf32, #tpu.memory_space<hbm>>) target(%dma_start3A_153 : memref<120x128xf32, #tpu.memory_space<vmem>>) target_semaphore(%run_scoped3A : memref<!tpu.dma_semaphore, #tpu.memory_space<semaphore_mem>>)
      %dma_wait3A = arith.constant 0 : i32
      %dma_wait3A_157 = arith.constant 0 : i32
      %dma_wait3A_158 = tpu.memref_slice %arg10[%dma_wait3A, %dma_wait3A_157] : memref<128x128xf32, #tpu.memory_space<vmem>> -> memref<120x128xf32, #tpu.memory_space<vmem>>
      %dma_wait3A_159 = arith.constant 0 : i32
      %dma_wait3A_160 = arith.constant 0 : i32
      %dma_wait3A_161 = tpu.memref_slice %arg5[%dma_wait3A_159, %dma_wait3A_160] : memref<128x128xf32, #tpu.memory_space<hbm>> -> memref<120x128xf32, #tpu.memory_space<hbm>>
      %dma_wait3A_162 = arith.constant 0 : i32
      %dma_wait3A_163 = arith.constant 0 : i32
      %dma_wait3A_164 = tpu.memref_slice %arg10[%dma_wait3A_162, %dma_wait3A_163] : memref<128x128xf32, #tpu.memory_space<vmem>> -> memref<120x128xf32, #tpu.memory_space<vmem>>
      %dma_wait3A_165 = arith.constant 0 : i32
      %dma_wait3A_166 = arith.constant 0 : i32
      %dma_wait3A_167 = tpu.memref_slice %arg5[%dma_wait3A_165, %dma_wait3A_166] : memref<128x128xf32, #tpu.memory_space<hbm>> -> memref<120x128xf32, #tpu.memory_space<hbm>>
      tpu.wait_dma2 semaphore(%run_scoped3A : memref<!tpu.dma_semaphore, #tpu.memory_space<semaphore_mem>>) src(%dma_wait3A_167 : memref<120x128xf32, #tpu.memory_space<hbm>>) dst(%dma_wait3A_164 : memref<120x128xf32, #tpu.memory_space<vmem>>)
      tpu.yield
    }) : () -> ()
    %mul3A_89 = arith.constant 632 : i32
    %mul3A_90 = arith.muli %arg1, %mul3A_89 : i32
    %add3A_91 = arith.constant 512 : i32
    %add3A_92 = arith.addi %mul3A_90, %add3A_91 : i32
    "tpu.region"() ({
      %run_scoped3A = tpu.sem_alloc : memref<!tpu.dma_semaphore, #tpu.memory_space<semaphore_mem>>
      %dma_start3A = arith.constant 0 : i32
      %dma_start3A_146 = arith.constant 0 : i32
      %dma_start3A_147 = tpu.memref_slice %arg10[%dma_start3A, %dma_start3A_146] : memref<128x128xf32, #tpu.memory_space<vmem>> -> memref<120x128xf32, #tpu.memory_space<vmem>>
      %dma_start3A_148 = arith.constant 0 : i32
      %dma_start3A_149 = tpu.memref_slice %arg7[%add3A_92, %dma_start3A_148] : memref<10112x128xf32, #tpu.memory_space<vmem_shared>> -> memref<120x128xf32, #tpu.memory_space<vmem_shared>>
      %dma_start3A_150 = arith.constant 0 : i32
      %dma_start3A_151 = tpu.memref_slice %arg7[%add3A_92, %dma_start3A_150] : memref<10112x128xf32, #tpu.memory_space<vmem_shared>> -> memref<120x128xf32, #tpu.memory_space<vmem_shared>>
      %dma_start3A_152 = arith.constant 0 : i32
      %dma_start3A_153 = arith.constant 0 : i32
      %dma_start3A_154 = tpu.memref_slice %arg10[%dma_start3A_152, %dma_start3A_153] : memref<128x128xf32, #tpu.memory_space<vmem>> -> memref<120x128xf32, #tpu.memory_space<vmem>>
      tpu.enqueue_dma source(%dma_start3A_154 : memref<120x128xf32, #tpu.memory_space<vmem>>) target(%dma_start3A_151 : memref<120x128xf32, #tpu.memory_space<vmem_shared>>) target_semaphore(%run_scoped3A : memref<!tpu.dma_semaphore, #tpu.memory_space<semaphore_mem>>)
      %dma_wait3A = arith.constant 0 : i32
      %dma_wait3A_155 = arith.constant 0 : i32
      %dma_wait3A_156 = tpu.memref_slice %arg10[%dma_wait3A, %dma_wait3A_155] : memref<128x128xf32, #tpu.memory_space<vmem>> -> memref<120x128xf32, #tpu.memory_space<vmem>>
      %dma_wait3A_157 = arith.constant 0 : i32
      %dma_wait3A_158 = tpu.memref_slice %arg7[%add3A_92, %dma_wait3A_157] : memref<10112x128xf32, #tpu.memory_space<vmem_shared>> -> memref<120x128xf32, #tpu.memory_space<vmem_shared>>
      %dma_wait3A_159 = arith.constant 0 : i32
      %dma_wait3A_160 = tpu.memref_slice %arg7[%add3A_92, %dma_wait3A_159] : memref<10112x128xf32, #tpu.memory_space<vmem_shared>> -> memref<120x128xf32, #tpu.memory_space<vmem_shared>>
      %dma_wait3A_161 = arith.constant 0 : i32
      %dma_wait3A_162 = arith.constant 0 : i32
      %dma_wait3A_163 = tpu.memref_slice %arg10[%dma_wait3A_161, %dma_wait3A_162] : memref<128x128xf32, #tpu.memory_space<vmem>> -> memref<120x128xf32, #tpu.memory_space<vmem>>
      tpu.wait_dma2 semaphore(%run_scoped3A : memref<!tpu.dma_semaphore, #tpu.memory_space<semaphore_mem>>) src(%dma_wait3A_163 : memref<120x128xf32, #tpu.memory_space<vmem>>) dst(%dma_wait3A_160 : memref<120x128xf32, #tpu.memory_space<vmem_shared>>)
      tpu.yield
    }) : () -> ()
    %mul3A_93 = arith.constant 80 : i32
    %mul3A_94 = arith.muli %arg1, %mul3A_93 : i32
    "tpu.region"() ({
      %run_scoped3A = tpu.sem_alloc : memref<!tpu.dma_semaphore, #tpu.memory_space<semaphore_mem>>
      %dma_start3A = arith.constant 0 : i32
      %dma_start3A_146 = tpu.memref_slice %arg3[%add3A_72, %mul3A_94, %dma_start3A] : memref<4x1280x128xi32, #tpu.memory_space<hbm>> -> memref<1x80x128xi32, #tpu.memory_space<hbm>>
      %dma_start3A_147 = tpu.memref_squeeze %dma_start3A_146 : memref<1x80x128xi32, #tpu.memory_space<hbm>> -> memref<80x128xi32, #tpu.memory_space<hbm>>
      %dma_start3A_148 = arith.constant 0 : i32
      %dma_start3A_149 = tpu.memref_slice %arg3[%add3A_72, %mul3A_94, %dma_start3A_148] : memref<4x1280x128xi32, #tpu.memory_space<hbm>> -> memref<1x80x128xi32, #tpu.memory_space<hbm>>
      %dma_start3A_150 = tpu.memref_squeeze %dma_start3A_149 : memref<1x80x128xi32, #tpu.memory_space<hbm>> -> memref<80x128xi32, #tpu.memory_space<hbm>>
      tpu.enqueue_dma source(%dma_start3A_150 : memref<80x128xi32, #tpu.memory_space<hbm>>) target(%arg8 : memref<80x128xi32, #tpu.memory_space<vmem>>) target_semaphore(%run_scoped3A : memref<!tpu.dma_semaphore, #tpu.memory_space<semaphore_mem>>)
      %dma_wait3A = arith.constant 0 : i32
      %dma_wait3A_151 = tpu.memref_slice %arg3[%add3A_72, %mul3A_94, %dma_wait3A] : memref<4x1280x128xi32, #tpu.memory_space<hbm>> -> memref<1x80x128xi32, #tpu.memory_space<hbm>>
      %dma_wait3A_152 = tpu.memref_squeeze %dma_wait3A_151 : memref<1x80x128xi32, #tpu.memory_space<hbm>> -> memref<80x128xi32, #tpu.memory_space<hbm>>
      %dma_wait3A_153 = arith.constant 0 : i32
      %dma_wait3A_154 = tpu.memref_slice %arg3[%add3A_72, %mul3A_94, %dma_wait3A_153] : memref<4x1280x128xi32, #tpu.memory_space<hbm>> -> memref<1x80x128xi32, #tpu.memory_space<hbm>>
      %dma_wait3A_155 = tpu.memref_squeeze %dma_wait3A_154 : memref<1x80x128xi32, #tpu.memory_space<hbm>> -> memref<80x128xi32, #tpu.memory_space<hbm>>
      tpu.wait_dma2 semaphore(%run_scoped3A : memref<!tpu.dma_semaphore, #tpu.memory_space<semaphore_mem>>) src(%dma_wait3A_155 : memref<80x128xi32, #tpu.memory_space<hbm>>) dst(%arg8 : memref<80x128xi32, #tpu.memory_space<vmem>>)
      tpu.yield
    }) : () -> ()
    %mul3A_95 = arith.constant 80 : i32
    %mul3A_96 = arith.muli %arg1, %mul3A_95 : i32
    "tpu.region"() ({
      %run_scoped3A = tpu.sem_alloc : memref<!tpu.dma_semaphore, #tpu.memory_space<semaphore_mem>>
      %dma_start3A = arith.constant 0 : i32
      %dma_start3A_146 = tpu.memref_slice %arg4[%mul3A_96, %dma_start3A] : memref<1280x128xi32, #tpu.memory_space<hbm>> -> memref<80x128xi32, #tpu.memory_space<hbm>>
      %dma_start3A_147 = arith.constant 0 : i32
      %dma_start3A_148 = tpu.memref_slice %arg4[%mul3A_96, %dma_start3A_147] : memref<1280x128xi32, #tpu.memory_space<hbm>> -> memref<80x128xi32, #tpu.memory_space<hbm>>
      tpu.enqueue_dma source(%dma_start3A_148 : memref<80x128xi32, #tpu.memory_space<hbm>>) target(%arg9 : memref<80x128xi32, #tpu.memory_space<vmem>>) target_semaphore(%run_scoped3A : memref<!tpu.dma_semaphore, #tpu.memory_space<semaphore_mem>>)
      %dma_wait3A = arith.constant 0 : i32
      %dma_wait3A_149 = tpu.memref_slice %arg4[%mul3A_96, %dma_wait3A] : memref<1280x128xi32, #tpu.memory_space<hbm>> -> memref<80x128xi32, #tpu.memory_space<hbm>>
      %dma_wait3A_150 = arith.constant 0 : i32
      %dma_wait3A_151 = tpu.memref_slice %arg4[%mul3A_96, %dma_wait3A_150] : memref<1280x128xi32, #tpu.memory_space<hbm>> -> memref<80x128xi32, #tpu.memory_space<hbm>>
      tpu.wait_dma2 semaphore(%run_scoped3A : memref<!tpu.dma_semaphore, #tpu.memory_space<semaphore_mem>>) src(%dma_wait3A_151 : memref<80x128xi32, #tpu.memory_space<hbm>>) dst(%arg9 : memref<80x128xi32, #tpu.memory_space<vmem>>)
      tpu.yield
    }) : () -> ()
    %barrier3A_97 = arith.constant 0 : index
    tpu.barrier barrier_id(%barrier3A_97)
    %scan3A_98 = arith.constant 0 : i32
    %scan3A_99 = arith.constant 0 : i32
    %scan3A_100 = arith.constant 80 : i32
    %scan3A_101 = arith.addi %scan3A_99, %scan3A_100 : i32
    %scan3A_102 = arith.constant 1 : i32
    scf.for %scan3A_146 = %scan3A_99 to %scan3A_101 step %scan3A_102  : i32 {
      "tpu.region"() ({
        %run_scoped3A = tpu.sem_alloc : memref<!tpu.dma_semaphore, #tpu.memory_space<semaphore_mem>>
        %dma_start3A = arith.constant 0 : i32
        %dma_start3A_147 = tpu.memref_slice %arg8[%scan3A_146, %dma_start3A] : memref<80x128xi32, #tpu.memory_space<vmem>> -> memref<1x128xi32, #tpu.memory_space<vmem>>
        %dma_start3A_148 = tpu.memref_squeeze %dma_start3A_147 : memref<1x128xi32, #tpu.memory_space<vmem>> -> memref<128xi32, #tpu.memory_space<vmem>>
        %dma_start3A_149 = arith.constant 0 : i32
        %dma_start3A_150 = arith.constant 0 : i32
        %dma_start3A_151 = tpu.memref_slice %arg2[%dma_start3A_149, %dma_start3A_150] : memref<40000x128xf32, #tpu.memory_space<hbm>> -> memref<40000x128xf32, #tpu.memory_space<hbm>>
        tpu.enqueue_indirect_dma source(%dma_start3A_151 : memref<40000x128xf32, #tpu.memory_space<hbm>>) target(%arg10 : memref<128x128xf32, #tpu.memory_space<vmem>>) offsets(%dma_start3A_148 : memref<128xi32, #tpu.memory_space<vmem>>) semaphore(%run_scoped3A : memref<!tpu.dma_semaphore, #tpu.memory_space<semaphore_mem>>)
        %dma_wait3A = arith.constant 0 : i32
        %dma_wait3A_152 = tpu.memref_slice %arg8[%scan3A_146, %dma_wait3A] : memref<80x128xi32, #tpu.memory_space<vmem>> -> memref<1x128xi32, #tpu.memory_space<vmem>>
        %dma_wait3A_153 = tpu.memref_squeeze %dma_wait3A_152 : memref<1x128xi32, #tpu.memory_space<vmem>> -> memref<128xi32, #tpu.memory_space<vmem>>
        %dma_wait3A_154 = arith.constant 0 : i32
        %dma_wait3A_155 = arith.constant 0 : i32
        %dma_wait3A_156 = tpu.memref_slice %arg2[%dma_wait3A_154, %dma_wait3A_155] : memref<40000x128xf32, #tpu.memory_space<hbm>> -> memref<40000x128xf32, #tpu.memory_space<hbm>>
        tpu.wait_indirect_dma semaphore(%run_scoped3A : memref<!tpu.dma_semaphore, #tpu.memory_space<semaphore_mem>>) src(%dma_wait3A_156 : memref<40000x128xf32, #tpu.memory_space<hbm>>) dst(%arg10 : memref<128x128xf32, #tpu.memory_space<vmem>>)
        tpu.yield
      }) : () -> ()
      "tpu.region"() ({
        %run_scoped3A = tpu.sem_alloc : memref<!tpu.dma_semaphore, #tpu.memory_space<semaphore_mem>>
        %dma_start3A = arith.constant 0 : i32
        %dma_start3A_147 = tpu.memref_slice %arg9[%scan3A_146, %dma_start3A] : memref<80x128xi32, #tpu.memory_space<vmem>> -> memref<1x128xi32, #tpu.memory_space<vmem>>
        %dma_start3A_148 = tpu.memref_squeeze %dma_start3A_147 : memref<1x128xi32, #tpu.memory_space<vmem>> -> memref<128xi32, #tpu.memory_space<vmem>>
        %dma_start3A_149 = arith.constant 0 : i32
        %dma_start3A_150 = arith.constant 0 : i32
        %dma_start3A_151 = tpu.memref_slice %arg7[%dma_start3A_149, %dma_start3A_150] : memref<10112x128xf32, #tpu.memory_space<vmem_shared>> -> memref<10112x128xf32, #tpu.memory_space<vmem_shared>>
        tpu.enqueue_indirect_dma source(%arg10 : memref<128x128xf32, #tpu.memory_space<vmem>>) target(%dma_start3A_151 : memref<10112x128xf32, #tpu.memory_space<vmem_shared>>) offsets(%dma_start3A_148 : memref<128xi32, #tpu.memory_space<vmem>>) semaphore(%run_scoped3A : memref<!tpu.dma_semaphore, #tpu.memory_space<semaphore_mem>>) {add = true}
        %dma_wait3A = arith.constant 0 : i32
        %dma_wait3A_152 = tpu.memref_slice %arg9[%scan3A_146, %dma_wait3A] : memref<80x128xi32, #tpu.memory_space<vmem>> -> memref<1x128xi32, #tpu.memory_space<vmem>>
        %dma_wait3A_153 = tpu.memref_squeeze %dma_wait3A_152 : memref<1x128xi32, #tpu.memory_space<vmem>> -> memref<128xi32, #tpu.memory_space<vmem>>
        %dma_wait3A_154 = arith.constant 0 : i32
        %dma_wait3A_155 = arith.constant 0 : i32
        %dma_wait3A_156 = tpu.memref_slice %arg7[%dma_wait3A_154, %dma_wait3A_155] : memref<10112x128xf32, #tpu.memory_space<vmem_shared>> -> memref<10112x128xf32, #tpu.memory_space<vmem_shared>>
        tpu.wait_indirect_dma semaphore(%run_scoped3A : memref<!tpu.dma_semaphore, #tpu.memory_space<semaphore_mem>>) src(%arg10 : memref<128x128xf32, #tpu.memory_space<vmem>>) dst(%dma_wait3A_156 : memref<10112x128xf32, #tpu.memory_space<vmem_shared>>)
        tpu.yield
      }) : () -> ()
    }
    %scan3A_103 = arith.constant 80 : i32
    %barrier3A_104 = arith.constant 0 : index
    tpu.barrier barrier_id(%barrier3A_104)
    %mul3A_105 = arith.constant 632 : i32
    %mul3A_106 = arith.muli %arg1, %mul3A_105 : i32
    %add3A_107 = arith.constant 0 : i32
    %add3A_108 = arith.addi %mul3A_106, %add3A_107 : i32
    "tpu.region"() ({
      %run_scoped3A = tpu.sem_alloc : memref<!tpu.dma_semaphore, #tpu.memory_space<semaphore_mem>>
      %dma_start3A = arith.constant 0 : i32
      %dma_start3A_146 = arith.constant 0 : i32
      %dma_start3A_147 = tpu.memref_slice %arg10[%dma_start3A, %dma_start3A_146] : memref<128x128xf32, #tpu.memory_space<vmem>> -> memref<128x128xf32, #tpu.memory_space<vmem>>
      %dma_start3A_148 = arith.constant 0 : i32
      %dma_start3A_149 = tpu.memref_slice %arg7[%add3A_108, %dma_start3A_148] : memref<10112x128xf32, #tpu.memory_space<vmem_shared>> -> memref<128x128xf32, #tpu.memory_space<vmem_shared>>
      %dma_start3A_150 = arith.constant 0 : i32
      %dma_start3A_151 = arith.constant 0 : i32
      %dma_start3A_152 = tpu.memref_slice %arg10[%dma_start3A_150, %dma_start3A_151] : memref<128x128xf32, #tpu.memory_space<vmem>> -> memref<128x128xf32, #tpu.memory_space<vmem>>
      %dma_start3A_153 = arith.constant 0 : i32
      %dma_start3A_154 = tpu.memref_slice %arg7[%add3A_108, %dma_start3A_153] : memref<10112x128xf32, #tpu.memory_space<vmem_shared>> -> memref<128x128xf32, #tpu.memory_space<vmem_shared>>
      tpu.enqueue_dma source(%dma_start3A_154 : memref<128x128xf32, #tpu.memory_space<vmem_shared>>) target(%dma_start3A_152 : memref<128x128xf32, #tpu.memory_space<vmem>>) target_semaphore(%run_scoped3A : memref<!tpu.dma_semaphore, #tpu.memory_space<semaphore_mem>>)
      %dma_wait3A = arith.constant 0 : i32
      %dma_wait3A_155 = arith.constant 0 : i32
      %dma_wait3A_156 = tpu.memref_slice %arg10[%dma_wait3A, %dma_wait3A_155] : memref<128x128xf32, #tpu.memory_space<vmem>> -> memref<128x128xf32, #tpu.memory_space<vmem>>
      %dma_wait3A_157 = arith.constant 0 : i32
      %dma_wait3A_158 = tpu.memref_slice %arg7[%add3A_108, %dma_wait3A_157] : memref<10112x128xf32, #tpu.memory_space<vmem_shared>> -> memref<128x128xf32, #tpu.memory_space<vmem_shared>>
      %dma_wait3A_159 = arith.constant 0 : i32
      %dma_wait3A_160 = arith.constant 0 : i32
      %dma_wait3A_161 = tpu.memref_slice %arg10[%dma_wait3A_159, %dma_wait3A_160] : memref<128x128xf32, #tpu.memory_space<vmem>> -> memref<128x128xf32, #tpu.memory_space<vmem>>
      %dma_wait3A_162 = arith.constant 0 : i32
      %dma_wait3A_163 = tpu.memref_slice %arg7[%add3A_108, %dma_wait3A_162] : memref<10112x128xf32, #tpu.memory_space<vmem_shared>> -> memref<128x128xf32, #tpu.memory_space<vmem_shared>>
      tpu.wait_dma2 semaphore(%run_scoped3A : memref<!tpu.dma_semaphore, #tpu.memory_space<semaphore_mem>>) src(%dma_wait3A_163 : memref<128x128xf32, #tpu.memory_space<vmem_shared>>) dst(%dma_wait3A_161 : memref<128x128xf32, #tpu.memory_space<vmem>>)
      tpu.yield
    }) : () -> ()
    %mul3A_109 = arith.constant 632 : i32
    %mul3A_110 = arith.muli %arg1, %mul3A_109 : i32
    %add3A_111 = arith.constant 0 : i32
    %add3A_112 = arith.addi %mul3A_110, %add3A_111 : i32
    "tpu.region"() ({
      %run_scoped3A = tpu.sem_alloc : memref<!tpu.dma_semaphore, #tpu.memory_space<semaphore_mem>>
      %dma_start3A = arith.constant 0 : i32
      %dma_start3A_146 = arith.constant 0 : i32
      %dma_start3A_147 = tpu.memref_slice %arg10[%dma_start3A, %dma_start3A_146] : memref<128x128xf32, #tpu.memory_space<vmem>> -> memref<128x128xf32, #tpu.memory_space<vmem>>
      %dma_start3A_148 = arith.constant 0 : i32
      %dma_start3A_149 = tpu.memref_slice %arg6[%add3A_72, %add3A_112, %dma_start3A_148] : memref<4x10112x128xf32, #tpu.memory_space<hbm>> -> memref<1x128x128xf32, #tpu.memory_space<hbm>>
      %dma_start3A_150 = tpu.memref_squeeze %dma_start3A_149 : memref<1x128x128xf32, #tpu.memory_space<hbm>> -> memref<128x128xf32, #tpu.memory_space<hbm>>
      %dma_start3A_151 = arith.constant 0 : i32
      %dma_start3A_152 = tpu.memref_slice %arg6[%add3A_72, %add3A_112, %dma_start3A_151] : memref<4x10112x128xf32, #tpu.memory_space<hbm>> -> memref<1x128x128xf32, #tpu.memory_space<hbm>>
      %dma_start3A_153 = tpu.memref_squeeze %dma_start3A_152 : memref<1x128x128xf32, #tpu.memory_space<hbm>> -> memref<128x128xf32, #tpu.memory_space<hbm>>
      %dma_start3A_154 = arith.constant 0 : i32
      %dma_start3A_155 = arith.constant 0 : i32
      %dma_start3A_156 = tpu.memref_slice %arg10[%dma_start3A_154, %dma_start3A_155] : memref<128x128xf32, #tpu.memory_space<vmem>> -> memref<128x128xf32, #tpu.memory_space<vmem>>
      tpu.enqueue_dma source(%dma_start3A_156 : memref<128x128xf32, #tpu.memory_space<vmem>>) target(%dma_start3A_153 : memref<128x128xf32, #tpu.memory_space<hbm>>) target_semaphore(%run_scoped3A : memref<!tpu.dma_semaphore, #tpu.memory_space<semaphore_mem>>)
      %dma_wait3A = arith.constant 0 : i32
      %dma_wait3A_157 = arith.constant 0 : i32
      %dma_wait3A_158 = tpu.memref_slice %arg10[%dma_wait3A, %dma_wait3A_157] : memref<128x128xf32, #tpu.memory_space<vmem>> -> memref<128x128xf32, #tpu.memory_space<vmem>>
      %dma_wait3A_159 = arith.constant 0 : i32
      %dma_wait3A_160 = tpu.memref_slice %arg6[%add3A_72, %add3A_112, %dma_wait3A_159] : memref<4x10112x128xf32, #tpu.memory_space<hbm>> -> memref<1x128x128xf32, #tpu.memory_space<hbm>>
      %dma_wait3A_161 = tpu.memref_squeeze %dma_wait3A_160 : memref<1x128x128xf32, #tpu.memory_space<hbm>> -> memref<128x128xf32, #tpu.memory_space<hbm>>
      %dma_wait3A_162 = arith.constant 0 : i32
      %dma_wait3A_163 = tpu.memref_slice %arg6[%add3A_72, %add3A_112, %dma_wait3A_162] : memref<4x10112x128xf32, #tpu.memory_space<hbm>> -> memref<1x128x128xf32, #tpu.memory_space<hbm>>
      %dma_wait3A_164 = tpu.memref_squeeze %dma_wait3A_163 : memref<1x128x128xf32, #tpu.memory_space<hbm>> -> memref<128x128xf32, #tpu.memory_space<hbm>>
      %dma_wait3A_165 = arith.constant 0 : i32
      %dma_wait3A_166 = arith.constant 0 : i32
      %dma_wait3A_167 = tpu.memref_slice %arg10[%dma_wait3A_165, %dma_wait3A_166] : memref<128x128xf32, #tpu.memory_space<vmem>> -> memref<128x128xf32, #tpu.memory_space<vmem>>
      tpu.wait_dma2 semaphore(%run_scoped3A : memref<!tpu.dma_semaphore, #tpu.memory_space<semaphore_mem>>) src(%dma_wait3A_167 : memref<128x128xf32, #tpu.memory_space<vmem>>) dst(%dma_wait3A_164 : memref<128x128xf32, #tpu.memory_space<hbm>>)
      tpu.yield
    }) : () -> ()
    %mul3A_113 = arith.constant 632 : i32
    %mul3A_114 = arith.muli %arg1, %mul3A_113 : i32
    %add3A_115 = arith.constant 128 : i32
    %add3A_116 = arith.addi %mul3A_114, %add3A_115 : i32
    "tpu.region"() ({
      %run_scoped3A = tpu.sem_alloc : memref<!tpu.dma_semaphore, #tpu.memory_space<semaphore_mem>>
      %dma_start3A = arith.constant 0 : i32
      %dma_start3A_146 = arith.constant 0 : i32
      %dma_start3A_147 = tpu.memref_slice %arg10[%dma_start3A, %dma_start3A_146] : memref<128x128xf32, #tpu.memory_space<vmem>> -> memref<128x128xf32, #tpu.memory_space<vmem>>
      %dma_start3A_148 = arith.constant 0 : i32
      %dma_start3A_149 = tpu.memref_slice %arg7[%add3A_116, %dma_start3A_148] : memref<10112x128xf32, #tpu.memory_space<vmem_shared>> -> memref<128x128xf32, #tpu.memory_space<vmem_shared>>
      %dma_start3A_150 = arith.constant 0 : i32
      %dma_start3A_151 = arith.constant 0 : i32
      %dma_start3A_152 = tpu.memref_slice %arg10[%dma_start3A_150, %dma_start3A_151] : memref<128x128xf32, #tpu.memory_space<vmem>> -> memref<128x128xf32, #tpu.memory_space<vmem>>
      %dma_start3A_153 = arith.constant 0 : i32
      %dma_start3A_154 = tpu.memref_slice %arg7[%add3A_116, %dma_start3A_153] : memref<10112x128xf32, #tpu.memory_space<vmem_shared>> -> memref<128x128xf32, #tpu.memory_space<vmem_shared>>
      tpu.enqueue_dma source(%dma_start3A_154 : memref<128x128xf32, #tpu.memory_space<vmem_shared>>) target(%dma_start3A_152 : memref<128x128xf32, #tpu.memory_space<vmem>>) target_semaphore(%run_scoped3A : memref<!tpu.dma_semaphore, #tpu.memory_space<semaphore_mem>>)
      %dma_wait3A = arith.constant 0 : i32
      %dma_wait3A_155 = arith.constant 0 : i32
      %dma_wait3A_156 = tpu.memref_slice %arg10[%dma_wait3A, %dma_wait3A_155] : memref<128x128xf32, #tpu.memory_space<vmem>> -> memref<128x128xf32, #tpu.memory_space<vmem>>
      %dma_wait3A_157 = arith.constant 0 : i32
      %dma_wait3A_158 = tpu.memref_slice %arg7[%add3A_116, %dma_wait3A_157] : memref<10112x128xf32, #tpu.memory_space<vmem_shared>> -> memref<128x128xf32, #tpu.memory_space<vmem_shared>>
      %dma_wait3A_159 = arith.constant 0 : i32
      %dma_wait3A_160 = arith.constant 0 : i32
      %dma_wait3A_161 = tpu.memref_slice %arg10[%dma_wait3A_159, %dma_wait3A_160] : memref<128x128xf32, #tpu.memory_space<vmem>> -> memref<128x128xf32, #tpu.memory_space<vmem>>
      %dma_wait3A_162 = arith.constant 0 : i32
      %dma_wait3A_163 = tpu.memref_slice %arg7[%add3A_116, %dma_wait3A_162] : memref<10112x128xf32, #tpu.memory_space<vmem_shared>> -> memref<128x128xf32, #tpu.memory_space<vmem_shared>>
      tpu.wait_dma2 semaphore(%run_scoped3A : memref<!tpu.dma_semaphore, #tpu.memory_space<semaphore_mem>>) src(%dma_wait3A_163 : memref<128x128xf32, #tpu.memory_space<vmem_shared>>) dst(%dma_wait3A_161 : memref<128x128xf32, #tpu.memory_space<vmem>>)
      tpu.yield
    }) : () -> ()
    %mul3A_117 = arith.constant 632 : i32
    %mul3A_118 = arith.muli %arg1, %mul3A_117 : i32
    %add3A_119 = arith.constant 128 : i32
    %add3A_120 = arith.addi %mul3A_118, %add3A_119 : i32
    "tpu.region"() ({
      %run_scoped3A = tpu.sem_alloc : memref<!tpu.dma_semaphore, #tpu.memory_space<semaphore_mem>>
      %dma_start3A = arith.constant 0 : i32
      %dma_start3A_146 = arith.constant 0 : i32
      %dma_start3A_147 = tpu.memref_slice %arg10[%dma_start3A, %dma_start3A_146] : memref<128x128xf32, #tpu.memory_space<vmem>> -> memref<128x128xf32, #tpu.memory_space<vmem>>
      %dma_start3A_148 = arith.constant 0 : i32
      %dma_start3A_149 = tpu.memref_slice %arg6[%add3A_72, %add3A_120, %dma_start3A_148] : memref<4x10112x128xf32, #tpu.memory_space<hbm>> -> memref<1x128x128xf32, #tpu.memory_space<hbm>>
      %dma_start3A_150 = tpu.memref_squeeze %dma_start3A_149 : memref<1x128x128xf32, #tpu.memory_space<hbm>> -> memref<128x128xf32, #tpu.memory_space<hbm>>
      %dma_start3A_151 = arith.constant 0 : i32
      %dma_start3A_152 = tpu.memref_slice %arg6[%add3A_72, %add3A_120, %dma_start3A_151] : memref<4x10112x128xf32, #tpu.memory_space<hbm>> -> memref<1x128x128xf32, #tpu.memory_space<hbm>>
      %dma_start3A_153 = tpu.memref_squeeze %dma_start3A_152 : memref<1x128x128xf32, #tpu.memory_space<hbm>> -> memref<128x128xf32, #tpu.memory_space<hbm>>
      %dma_start3A_154 = arith.constant 0 : i32
      %dma_start3A_155 = arith.constant 0 : i32
      %dma_start3A_156 = tpu.memref_slice %arg10[%dma_start3A_154, %dma_start3A_155] : memref<128x128xf32, #tpu.memory_space<vmem>> -> memref<128x128xf32, #tpu.memory_space<vmem>>
      tpu.enqueue_dma source(%dma_start3A_156 : memref<128x128xf32, #tpu.memory_space<vmem>>) target(%dma_start3A_153 : memref<128x128xf32, #tpu.memory_space<hbm>>) target_semaphore(%run_scoped3A : memref<!tpu.dma_semaphore, #tpu.memory_space<semaphore_mem>>)
      %dma_wait3A = arith.constant 0 : i32
      %dma_wait3A_157 = arith.constant 0 : i32
      %dma_wait3A_158 = tpu.memref_slice %arg10[%dma_wait3A, %dma_wait3A_157] : memref<128x128xf32, #tpu.memory_space<vmem>> -> memref<128x128xf32, #tpu.memory_space<vmem>>
      %dma_wait3A_159 = arith.constant 0 : i32
      %dma_wait3A_160 = tpu.memref_slice %arg6[%add3A_72, %add3A_120, %dma_wait3A_159] : memref<4x10112x128xf32, #tpu.memory_space<hbm>> -> memref<1x128x128xf32, #tpu.memory_space<hbm>>
      %dma_wait3A_161 = tpu.memref_squeeze %dma_wait3A_160 : memref<1x128x128xf32, #tpu.memory_space<hbm>> -> memref<128x128xf32, #tpu.memory_space<hbm>>
      %dma_wait3A_162 = arith.constant 0 : i32
      %dma_wait3A_163 = tpu.memref_slice %arg6[%add3A_72, %add3A_120, %dma_wait3A_162] : memref<4x10112x128xf32, #tpu.memory_space<hbm>> -> memref<1x128x128xf32, #tpu.memory_space<hbm>>
      %dma_wait3A_164 = tpu.memref_squeeze %dma_wait3A_163 : memref<1x128x128xf32, #tpu.memory_space<hbm>> -> memref<128x128xf32, #tpu.memory_space<hbm>>
      %dma_wait3A_165 = arith.constant 0 : i32
      %dma_wait3A_166 = arith.constant 0 : i32
      %dma_wait3A_167 = tpu.memref_slice %arg10[%dma_wait3A_165, %dma_wait3A_166] : memref<128x128xf32, #tpu.memory_space<vmem>> -> memref<128x128xf32, #tpu.memory_space<vmem>>
      tpu.wait_dma2 semaphore(%run_scoped3A : memref<!tpu.dma_semaphore, #tpu.memory_space<semaphore_mem>>) src(%dma_wait3A_167 : memref<128x128xf32, #tpu.memory_space<vmem>>) dst(%dma_wait3A_164 : memref<128x128xf32, #tpu.memory_space<hbm>>)
      tpu.yield
    }) : () -> ()
    %mul3A_121 = arith.constant 632 : i32
    %mul3A_122 = arith.muli %arg1, %mul3A_121 : i32
    %add3A_123 = arith.constant 256 : i32
    %add3A_124 = arith.addi %mul3A_122, %add3A_123 : i32
    "tpu.region"() ({
      %run_scoped3A = tpu.sem_alloc : memref<!tpu.dma_semaphore, #tpu.memory_space<semaphore_mem>>
      %dma_start3A = arith.constant 0 : i32
      %dma_start3A_146 = arith.constant 0 : i32
      %dma_start3A_147 = tpu.memref_slice %arg10[%dma_start3A, %dma_start3A_146] : memref<128x128xf32, #tpu.memory_space<vmem>> -> memref<128x128xf32, #tpu.memory_space<vmem>>
      %dma_start3A_148 = arith.constant 0 : i32
      %dma_start3A_149 = tpu.memref_slice %arg7[%add3A_124, %dma_start3A_148] : memref<10112x128xf32, #tpu.memory_space<vmem_shared>> -> memref<128x128xf32, #tpu.memory_space<vmem_shared>>
      %dma_start3A_150 = arith.constant 0 : i32
      %dma_start3A_151 = arith.constant 0 : i32
      %dma_start3A_152 = tpu.memref_slice %arg10[%dma_start3A_150, %dma_start3A_151] : memref<128x128xf32, #tpu.memory_space<vmem>> -> memref<128x128xf32, #tpu.memory_space<vmem>>
      %dma_start3A_153 = arith.constant 0 : i32
      %dma_start3A_154 = tpu.memref_slice %arg7[%add3A_124, %dma_start3A_153] : memref<10112x128xf32, #tpu.memory_space<vmem_shared>> -> memref<128x128xf32, #tpu.memory_space<vmem_shared>>
      tpu.enqueue_dma source(%dma_start3A_154 : memref<128x128xf32, #tpu.memory_space<vmem_shared>>) target(%dma_start3A_152 : memref<128x128xf32, #tpu.memory_space<vmem>>) target_semaphore(%run_scoped3A : memref<!tpu.dma_semaphore, #tpu.memory_space<semaphore_mem>>)
      %dma_wait3A = arith.constant 0 : i32
      %dma_wait3A_155 = arith.constant 0 : i32
      %dma_wait3A_156 = tpu.memref_slice %arg10[%dma_wait3A, %dma_wait3A_155] : memref<128x128xf32, #tpu.memory_space<vmem>> -> memref<128x128xf32, #tpu.memory_space<vmem>>
      %dma_wait3A_157 = arith.constant 0 : i32
      %dma_wait3A_158 = tpu.memref_slice %arg7[%add3A_124, %dma_wait3A_157] : memref<10112x128xf32, #tpu.memory_space<vmem_shared>> -> memref<128x128xf32, #tpu.memory_space<vmem_shared>>
      %dma_wait3A_159 = arith.constant 0 : i32
      %dma_wait3A_160 = arith.constant 0 : i32
      %dma_wait3A_161 = tpu.memref_slice %arg10[%dma_wait3A_159, %dma_wait3A_160] : memref<128x128xf32, #tpu.memory_space<vmem>> -> memref<128x128xf32, #tpu.memory_space<vmem>>
      %dma_wait3A_162 = arith.constant 0 : i32
      %dma_wait3A_163 = tpu.memref_slice %arg7[%add3A_124, %dma_wait3A_162] : memref<10112x128xf32, #tpu.memory_space<vmem_shared>> -> memref<128x128xf32, #tpu.memory_space<vmem_shared>>
      tpu.wait_dma2 semaphore(%run_scoped3A : memref<!tpu.dma_semaphore, #tpu.memory_space<semaphore_mem>>) src(%dma_wait3A_163 : memref<128x128xf32, #tpu.memory_space<vmem_shared>>) dst(%dma_wait3A_161 : memref<128x128xf32, #tpu.memory_space<vmem>>)
      tpu.yield
    }) : () -> ()
    %mul3A_125 = arith.constant 632 : i32
    %mul3A_126 = arith.muli %arg1, %mul3A_125 : i32
    %add3A_127 = arith.constant 256 : i32
    %add3A_128 = arith.addi %mul3A_126, %add3A_127 : i32
    "tpu.region"() ({
      %run_scoped3A = tpu.sem_alloc : memref<!tpu.dma_semaphore, #tpu.memory_space<semaphore_mem>>
      %dma_start3A = arith.constant 0 : i32
      %dma_start3A_146 = arith.constant 0 : i32
      %dma_start3A_147 = tpu.memref_slice %arg10[%dma_start3A, %dma_start3A_146] : memref<128x128xf32, #tpu.memory_space<vmem>> -> memref<128x128xf32, #tpu.memory_space<vmem>>
      %dma_start3A_148 = arith.constant 0 : i32
      %dma_start3A_149 = tpu.memref_slice %arg6[%add3A_72, %add3A_128, %dma_start3A_148] : memref<4x10112x128xf32, #tpu.memory_space<hbm>> -> memref<1x128x128xf32, #tpu.memory_space<hbm>>
      %dma_start3A_150 = tpu.memref_squeeze %dma_start3A_149 : memref<1x128x128xf32, #tpu.memory_space<hbm>> -> memref<128x128xf32, #tpu.memory_space<hbm>>
      %dma_start3A_151 = arith.constant 0 : i32
      %dma_start3A_152 = tpu.memref_slice %arg6[%add3A_72, %add3A_128, %dma_start3A_151] : memref<4x10112x128xf32, #tpu.memory_space<hbm>> -> memref<1x128x128xf32, #tpu.memory_space<hbm>>
      %dma_start3A_153 = tpu.memref_squeeze %dma_start3A_152 : memref<1x128x128xf32, #tpu.memory_space<hbm>> -> memref<128x128xf32, #tpu.memory_space<hbm>>
      %dma_start3A_154 = arith.constant 0 : i32
      %dma_start3A_155 = arith.constant 0 : i32
      %dma_start3A_156 = tpu.memref_slice %arg10[%dma_start3A_154, %dma_start3A_155] : memref<128x128xf32, #tpu.memory_space<vmem>> -> memref<128x128xf32, #tpu.memory_space<vmem>>
      tpu.enqueue_dma source(%dma_start3A_156 : memref<128x128xf32, #tpu.memory_space<vmem>>) target(%dma_start3A_153 : memref<128x128xf32, #tpu.memory_space<hbm>>) target_semaphore(%run_scoped3A : memref<!tpu.dma_semaphore, #tpu.memory_space<semaphore_mem>>)
      %dma_wait3A = arith.constant 0 : i32
      %dma_wait3A_157 = arith.constant 0 : i32
      %dma_wait3A_158 = tpu.memref_slice %arg10[%dma_wait3A, %dma_wait3A_157] : memref<128x128xf32, #tpu.memory_space<vmem>> -> memref<128x128xf32, #tpu.memory_space<vmem>>
      %dma_wait3A_159 = arith.constant 0 : i32
      %dma_wait3A_160 = tpu.memref_slice %arg6[%add3A_72, %add3A_128, %dma_wait3A_159] : memref<4x10112x128xf32, #tpu.memory_space<hbm>> -> memref<1x128x128xf32, #tpu.memory_space<hbm>>
      %dma_wait3A_161 = tpu.memref_squeeze %dma_wait3A_160 : memref<1x128x128xf32, #tpu.memory_space<hbm>> -> memref<128x128xf32, #tpu.memory_space<hbm>>
      %dma_wait3A_162 = arith.constant 0 : i32
      %dma_wait3A_163 = tpu.memref_slice %arg6[%add3A_72, %add3A_128, %dma_wait3A_162] : memref<4x10112x128xf32, #tpu.memory_space<hbm>> -> memref<1x128x128xf32, #tpu.memory_space<hbm>>
      %dma_wait3A_164 = tpu.memref_squeeze %dma_wait3A_163 : memref<1x128x128xf32, #tpu.memory_space<hbm>> -> memref<128x128xf32, #tpu.memory_space<hbm>>
      %dma_wait3A_165 = arith.constant 0 : i32
      %dma_wait3A_166 = arith.constant 0 : i32
      %dma_wait3A_167 = tpu.memref_slice %arg10[%dma_wait3A_165, %dma_wait3A_166] : memref<128x128xf32, #tpu.memory_space<vmem>> -> memref<128x128xf32, #tpu.memory_space<vmem>>
      tpu.wait_dma2 semaphore(%run_scoped3A : memref<!tpu.dma_semaphore, #tpu.memory_space<semaphore_mem>>) src(%dma_wait3A_167 : memref<128x128xf32, #tpu.memory_space<vmem>>) dst(%dma_wait3A_164 : memref<128x128xf32, #tpu.memory_space<hbm>>)
      tpu.yield
    }) : () -> ()
    %mul3A_129 = arith.constant 632 : i32
    %mul3A_130 = arith.muli %arg1, %mul3A_129 : i32
    %add3A_131 = arith.constant 384 : i32
    %add3A_132 = arith.addi %mul3A_130, %add3A_131 : i32
    "tpu.region"() ({
      %run_scoped3A = tpu.sem_alloc : memref<!tpu.dma_semaphore, #tpu.memory_space<semaphore_mem>>
      %dma_start3A = arith.constant 0 : i32
      %dma_start3A_146 = arith.constant 0 : i32
      %dma_start3A_147 = tpu.memref_slice %arg10[%dma_start3A, %dma_start3A_146] : memref<128x128xf32, #tpu.memory_space<vmem>> -> memref<128x128xf32, #tpu.memory_space<vmem>>
      %dma_start3A_148 = arith.constant 0 : i32
      %dma_start3A_149 = tpu.memref_slice %arg7[%add3A_132, %dma_start3A_148] : memref<10112x128xf32, #tpu.memory_space<vmem_shared>> -> memref<128x128xf32, #tpu.memory_space<vmem_shared>>
      %dma_start3A_150 = arith.constant 0 : i32
      %dma_start3A_151 = arith.constant 0 : i32
      %dma_start3A_152 = tpu.memref_slice %arg10[%dma_start3A_150, %dma_start3A_151] : memref<128x128xf32, #tpu.memory_space<vmem>> -> memref<128x128xf32, #tpu.memory_space<vmem>>
      %dma_start3A_153 = arith.constant 0 : i32
      %dma_start3A_154 = tpu.memref_slice %arg7[%add3A_132, %dma_start3A_153] : memref<10112x128xf32, #tpu.memory_space<vmem_shared>> -> memref<128x128xf32, #tpu.memory_space<vmem_shared>>
      tpu.enqueue_dma source(%dma_start3A_154 : memref<128x128xf32, #tpu.memory_space<vmem_shared>>) target(%dma_start3A_152 : memref<128x128xf32, #tpu.memory_space<vmem>>) target_semaphore(%run_scoped3A : memref<!tpu.dma_semaphore, #tpu.memory_space<semaphore_mem>>)
      %dma_wait3A = arith.constant 0 : i32
      %dma_wait3A_155 = arith.constant 0 : i32
      %dma_wait3A_156 = tpu.memref_slice %arg10[%dma_wait3A, %dma_wait3A_155] : memref<128x128xf32, #tpu.memory_space<vmem>> -> memref<128x128xf32, #tpu.memory_space<vmem>>
      %dma_wait3A_157 = arith.constant 0 : i32
      %dma_wait3A_158 = tpu.memref_slice %arg7[%add3A_132, %dma_wait3A_157] : memref<10112x128xf32, #tpu.memory_space<vmem_shared>> -> memref<128x128xf32, #tpu.memory_space<vmem_shared>>
      %dma_wait3A_159 = arith.constant 0 : i32
      %dma_wait3A_160 = arith.constant 0 : i32
      %dma_wait3A_161 = tpu.memref_slice %arg10[%dma_wait3A_159, %dma_wait3A_160] : memref<128x128xf32, #tpu.memory_space<vmem>> -> memref<128x128xf32, #tpu.memory_space<vmem>>
      %dma_wait3A_162 = arith.constant 0 : i32
      %dma_wait3A_163 = tpu.memref_slice %arg7[%add3A_132, %dma_wait3A_162] : memref<10112x128xf32, #tpu.memory_space<vmem_shared>> -> memref<128x128xf32, #tpu.memory_space<vmem_shared>>
      tpu.wait_dma2 semaphore(%run_scoped3A : memref<!tpu.dma_semaphore, #tpu.memory_space<semaphore_mem>>) src(%dma_wait3A_163 : memref<128x128xf32, #tpu.memory_space<vmem_shared>>) dst(%dma_wait3A_161 : memref<128x128xf32, #tpu.memory_space<vmem>>)
      tpu.yield
    }) : () -> ()
    %mul3A_133 = arith.constant 632 : i32
    %mul3A_134 = arith.muli %arg1, %mul3A_133 : i32
    %add3A_135 = arith.constant 384 : i32
    %add3A_136 = arith.addi %mul3A_134, %add3A_135 : i32
    "tpu.region"() ({
      %run_scoped3A = tpu.sem_alloc : memref<!tpu.dma_semaphore, #tpu.memory_space<semaphore_mem>>
      %dma_start3A = arith.constant 0 : i32
      %dma_start3A_146 = arith.constant 0 : i32
      %dma_start3A_147 = tpu.memref_slice %arg10[%dma_start3A, %dma_start3A_146] : memref<128x128xf32, #tpu.memory_space<vmem>> -> memref<128x128xf32, #tpu.memory_space<vmem>>
      %dma_start3A_148 = arith.constant 0 : i32
      %dma_start3A_149 = tpu.memref_slice %arg6[%add3A_72, %add3A_136, %dma_start3A_148] : memref<4x10112x128xf32, #tpu.memory_space<hbm>> -> memref<1x128x128xf32, #tpu.memory_space<hbm>>
      %dma_start3A_150 = tpu.memref_squeeze %dma_start3A_149 : memref<1x128x128xf32, #tpu.memory_space<hbm>> -> memref<128x128xf32, #tpu.memory_space<hbm>>
      %dma_start3A_151 = arith.constant 0 : i32
      %dma_start3A_152 = tpu.memref_slice %arg6[%add3A_72, %add3A_136, %dma_start3A_151] : memref<4x10112x128xf32, #tpu.memory_space<hbm>> -> memref<1x128x128xf32, #tpu.memory_space<hbm>>
      %dma_start3A_153 = tpu.memref_squeeze %dma_start3A_152 : memref<1x128x128xf32, #tpu.memory_space<hbm>> -> memref<128x128xf32, #tpu.memory_space<hbm>>
      %dma_start3A_154 = arith.constant 0 : i32
      %dma_start3A_155 = arith.constant 0 : i32
      %dma_start3A_156 = tpu.memref_slice %arg10[%dma_start3A_154, %dma_start3A_155] : memref<128x128xf32, #tpu.memory_space<vmem>> -> memref<128x128xf32, #tpu.memory_space<vmem>>
      tpu.enqueue_dma source(%dma_start3A_156 : memref<128x128xf32, #tpu.memory_space<vmem>>) target(%dma_start3A_153 : memref<128x128xf32, #tpu.memory_space<hbm>>) target_semaphore(%run_scoped3A : memref<!tpu.dma_semaphore, #tpu.memory_space<semaphore_mem>>)
      %dma_wait3A = arith.constant 0 : i32
      %dma_wait3A_157 = arith.constant 0 : i32
      %dma_wait3A_158 = tpu.memref_slice %arg10[%dma_wait3A, %dma_wait3A_157] : memref<128x128xf32, #tpu.memory_space<vmem>> -> memref<128x128xf32, #tpu.memory_space<vmem>>
      %dma_wait3A_159 = arith.constant 0 : i32
      %dma_wait3A_160 = tpu.memref_slice %arg6[%add3A_72, %add3A_136, %dma_wait3A_159] : memref<4x10112x128xf32, #tpu.memory_space<hbm>> -> memref<1x128x128xf32, #tpu.memory_space<hbm>>
      %dma_wait3A_161 = tpu.memref_squeeze %dma_wait3A_160 : memref<1x128x128xf32, #tpu.memory_space<hbm>> -> memref<128x128xf32, #tpu.memory_space<hbm>>
      %dma_wait3A_162 = arith.constant 0 : i32
      %dma_wait3A_163 = tpu.memref_slice %arg6[%add3A_72, %add3A_136, %dma_wait3A_162] : memref<4x10112x128xf32, #tpu.memory_space<hbm>> -> memref<1x128x128xf32, #tpu.memory_space<hbm>>
      %dma_wait3A_164 = tpu.memref_squeeze %dma_wait3A_163 : memref<1x128x128xf32, #tpu.memory_space<hbm>> -> memref<128x128xf32, #tpu.memory_space<hbm>>
      %dma_wait3A_165 = arith.constant 0 : i32
      %dma_wait3A_166 = arith.constant 0 : i32
      %dma_wait3A_167 = tpu.memref_slice %arg10[%dma_wait3A_165, %dma_wait3A_166] : memref<128x128xf32, #tpu.memory_space<vmem>> -> memref<128x128xf32, #tpu.memory_space<vmem>>
      tpu.wait_dma2 semaphore(%run_scoped3A : memref<!tpu.dma_semaphore, #tpu.memory_space<semaphore_mem>>) src(%dma_wait3A_167 : memref<128x128xf32, #tpu.memory_space<vmem>>) dst(%dma_wait3A_164 : memref<128x128xf32, #tpu.memory_space<hbm>>)
      tpu.yield
    }) : () -> ()
    %mul3A_137 = arith.constant 632 : i32
    %mul3A_138 = arith.muli %arg1, %mul3A_137 : i32
    %add3A_139 = arith.constant 512 : i32
    %add3A_140 = arith.addi %mul3A_138, %add3A_139 : i32
    "tpu.region"() ({
      %run_scoped3A = tpu.sem_alloc : memref<!tpu.dma_semaphore, #tpu.memory_space<semaphore_mem>>
      %dma_start3A = arith.constant 0 : i32
      %dma_start3A_146 = arith.constant 0 : i32
      %dma_start3A_147 = tpu.memref_slice %arg10[%dma_start3A, %dma_start3A_146] : memref<128x128xf32, #tpu.memory_space<vmem>> -> memref<120x128xf32, #tpu.memory_space<vmem>>
      %dma_start3A_148 = arith.constant 0 : i32
      %dma_start3A_149 = tpu.memref_slice %arg7[%add3A_140, %dma_start3A_148] : memref<10112x128xf32, #tpu.memory_space<vmem_shared>> -> memref<120x128xf32, #tpu.memory_space<vmem_shared>>
      %dma_start3A_150 = arith.constant 0 : i32
      %dma_start3A_151 = arith.constant 0 : i32
      %dma_start3A_152 = tpu.memref_slice %arg10[%dma_start3A_150, %dma_start3A_151] : memref<128x128xf32, #tpu.memory_space<vmem>> -> memref<120x128xf32, #tpu.memory_space<vmem>>
      %dma_start3A_153 = arith.constant 0 : i32
      %dma_start3A_154 = tpu.memref_slice %arg7[%add3A_140, %dma_start3A_153] : memref<10112x128xf32, #tpu.memory_space<vmem_shared>> -> memref<120x128xf32, #tpu.memory_space<vmem_shared>>
      tpu.enqueue_dma source(%dma_start3A_154 : memref<120x128xf32, #tpu.memory_space<vmem_shared>>) target(%dma_start3A_152 : memref<120x128xf32, #tpu.memory_space<vmem>>) target_semaphore(%run_scoped3A : memref<!tpu.dma_semaphore, #tpu.memory_space<semaphore_mem>>)
      %dma_wait3A = arith.constant 0 : i32
      %dma_wait3A_155 = arith.constant 0 : i32
      %dma_wait3A_156 = tpu.memref_slice %arg10[%dma_wait3A, %dma_wait3A_155] : memref<128x128xf32, #tpu.memory_space<vmem>> -> memref<120x128xf32, #tpu.memory_space<vmem>>
      %dma_wait3A_157 = arith.constant 0 : i32
      %dma_wait3A_158 = tpu.memref_slice %arg7[%add3A_140, %dma_wait3A_157] : memref<10112x128xf32, #tpu.memory_space<vmem_shared>> -> memref<120x128xf32, #tpu.memory_space<vmem_shared>>
      %dma_wait3A_159 = arith.constant 0 : i32
      %dma_wait3A_160 = arith.constant 0 : i32
      %dma_wait3A_161 = tpu.memref_slice %arg10[%dma_wait3A_159, %dma_wait3A_160] : memref<128x128xf32, #tpu.memory_space<vmem>> -> memref<120x128xf32, #tpu.memory_space<vmem>>
      %dma_wait3A_162 = arith.constant 0 : i32
      %dma_wait3A_163 = tpu.memref_slice %arg7[%add3A_140, %dma_wait3A_162] : memref<10112x128xf32, #tpu.memory_space<vmem_shared>> -> memref<120x128xf32, #tpu.memory_space<vmem_shared>>
      tpu.wait_dma2 semaphore(%run_scoped3A : memref<!tpu.dma_semaphore, #tpu.memory_space<semaphore_mem>>) src(%dma_wait3A_163 : memref<120x128xf32, #tpu.memory_space<vmem_shared>>) dst(%dma_wait3A_161 : memref<120x128xf32, #tpu.memory_space<vmem>>)
      tpu.yield
    }) : () -> ()
    %mul3A_141 = arith.constant 632 : i32
    %mul3A_142 = arith.muli %arg1, %mul3A_141 : i32
    %add3A_143 = arith.constant 512 : i32
    %add3A_144 = arith.addi %mul3A_142, %add3A_143 : i32
    "tpu.region"() ({
      %run_scoped3A = tpu.sem_alloc : memref<!tpu.dma_semaphore, #tpu.memory_space<semaphore_mem>>
      %dma_start3A = arith.constant 0 : i32
      %dma_start3A_146 = arith.constant 0 : i32
      %dma_start3A_147 = tpu.memref_slice %arg10[%dma_start3A, %dma_start3A_146] : memref<128x128xf32, #tpu.memory_space<vmem>> -> memref<120x128xf32, #tpu.memory_space<vmem>>
      %dma_start3A_148 = arith.constant 0 : i32
      %dma_start3A_149 = tpu.memref_slice %arg6[%add3A_72, %add3A_144, %dma_start3A_148] : memref<4x10112x128xf32, #tpu.memory_space<hbm>> -> memref<1x120x128xf32, #tpu.memory_space<hbm>>
      %dma_start3A_150 = tpu.memref_squeeze %dma_start3A_149 : memref<1x120x128xf32, #tpu.memory_space<hbm>> -> memref<120x128xf32, #tpu.memory_space<hbm>>
      %dma_start3A_151 = arith.constant 0 : i32
      %dma_start3A_152 = tpu.memref_slice %arg6[%add3A_72, %add3A_144, %dma_start3A_151] : memref<4x10112x128xf32, #tpu.memory_space<hbm>> -> memref<1x120x128xf32, #tpu.memory_space<hbm>>
      %dma_start3A_153 = tpu.memref_squeeze %dma_start3A_152 : memref<1x120x128xf32, #tpu.memory_space<hbm>> -> memref<120x128xf32, #tpu.memory_space<hbm>>
      %dma_start3A_154 = arith.constant 0 : i32
      %dma_start3A_155 = arith.constant 0 : i32
      %dma_start3A_156 = tpu.memref_slice %arg10[%dma_start3A_154, %dma_start3A_155] : memref<128x128xf32, #tpu.memory_space<vmem>> -> memref<120x128xf32, #tpu.memory_space<vmem>>
      tpu.enqueue_dma source(%dma_start3A_156 : memref<120x128xf32, #tpu.memory_space<vmem>>) target(%dma_start3A_153 : memref<120x128xf32, #tpu.memory_space<hbm>>) target_semaphore(%run_scoped3A : memref<!tpu.dma_semaphore, #tpu.memory_space<semaphore_mem>>)
      %dma_wait3A = arith.constant 0 : i32
      %dma_wait3A_157 = arith.constant 0 : i32
      %dma_wait3A_158 = tpu.memref_slice %arg10[%dma_wait3A, %dma_wait3A_157] : memref<128x128xf32, #tpu.memory_space<vmem>> -> memref<120x128xf32, #tpu.memory_space<vmem>>
      %dma_wait3A_159 = arith.constant 0 : i32
      %dma_wait3A_160 = tpu.memref_slice %arg6[%add3A_72, %add3A_144, %dma_wait3A_159] : memref<4x10112x128xf32, #tpu.memory_space<hbm>> -> memref<1x120x128xf32, #tpu.memory_space<hbm>>
      %dma_wait3A_161 = tpu.memref_squeeze %dma_wait3A_160 : memref<1x120x128xf32, #tpu.memory_space<hbm>> -> memref<120x128xf32, #tpu.memory_space<hbm>>
      %dma_wait3A_162 = arith.constant 0 : i32
      %dma_wait3A_163 = tpu.memref_slice %arg6[%add3A_72, %add3A_144, %dma_wait3A_162] : memref<4x10112x128xf32, #tpu.memory_space<hbm>> -> memref<1x120x128xf32, #tpu.memory_space<hbm>>
      %dma_wait3A_164 = tpu.memref_squeeze %dma_wait3A_163 : memref<1x120x128xf32, #tpu.memory_space<hbm>> -> memref<120x128xf32, #tpu.memory_space<hbm>>
      %dma_wait3A_165 = arith.constant 0 : i32
      %dma_wait3A_166 = arith.constant 0 : i32
      %dma_wait3A_167 = tpu.memref_slice %arg10[%dma_wait3A_165, %dma_wait3A_166] : memref<128x128xf32, #tpu.memory_space<vmem>> -> memref<120x128xf32, #tpu.memory_space<vmem>>
      tpu.wait_dma2 semaphore(%run_scoped3A : memref<!tpu.dma_semaphore, #tpu.memory_space<semaphore_mem>>) src(%dma_wait3A_167 : memref<120x128xf32, #tpu.memory_space<vmem>>) dst(%dma_wait3A_164 : memref<120x128xf32, #tpu.memory_space<hbm>>)
      tpu.yield
    }) : () -> ()
    %barrier3A_145 = arith.constant 0 : index
    tpu.barrier barrier_id(%barrier3A_145)
    return
  }
}

module attributes {stable_mosaic.version = 14 : i64} {
  func.func @_tc1_body(%arg0: i32, %arg1: i32, %arg2: memref<2000x2xf32, #tpu.memory_space<vmem>>, %arg3: memref<2000x256xf32, #tpu.memory_space<vmem>>, %arg4: memref<256x128xf32, #tpu.memory_space<vmem>>, %arg5: memref<1x2000x128xf32, #tpu.memory_space<vmem>>) attributes {dimension_semantics = [#tpu.dimension_semantics<arbitrary>, #tpu.dimension_semantics<arbitrary>], iteration_bounds = array<i64: 5, 4>, scalar_prefetch = 0 : i64, scratch_operands = 0 : i64, tpu.core_type = #tpu.core_type<tc>, window_params = [{transform_indices = @transform_0, window_bounds = array<i64: 2000, 2>}, {transform_indices = @transform_1, window_bounds = array<i64: 2000, 256>}, {transform_indices = @transform_2, window_bounds = array<i64: 256, 128>}, {transform_indices = @transform_3, window_bounds = array<i64: 1, 2000, 128>}]} {
    %get3A = arith.constant 0 : index
    %get3A_0 = arith.constant 0 : index
    %get3A_1 = vector.load %arg2[%get3A, %get3A_0] : memref<2000x2xf32, #tpu.memory_space<vmem>>, vector<2000x1xf32>
    %get3A_2 = arith.constant 0 : index
    %get3A_3 = arith.constant 1 : index
    %get3A_4 = vector.load %arg2[%get3A_2, %get3A_3] : memref<2000x2xf32, #tpu.memory_space<vmem>>, vector<2000x1xf32>
    %add3A = arith.addf %get3A_1, %get3A_4 : vector<2000x1xf32>
    %add3A_5 = arith.constant 1.000000e+00 : f32
    %add3A_6 = vector.broadcast %add3A_5 : f32 to vector<2000x1xf32>
    %add3A_7 = arith.addf %add3A, %add3A_6 : vector<2000x1xf32>
    %rsqrt3A = math.rsqrt %add3A_7 : vector<2000x1xf32>
    %get3A_8 = arith.constant 0 : index
    %get3A_9 = arith.constant 0 : index
    %get3A_10 = vector.load %arg3[%get3A_8, %get3A_9] : memref<2000x256xf32, #tpu.memory_space<vmem>>, vector<2000x256xf32>
    %get3A_11 = arith.constant 0 : index
    %get3A_12 = arith.constant 0 : index
    %get3A_13 = vector.load %arg4[%get3A_11, %get3A_12] : memref<256x128xf32, #tpu.memory_space<vmem>>, vector<256x128xf32>
    %dot_general3A = arith.constant dense<0.000000e+00> : vector<2000x128xf32>
    %dot_general3A_14 = tpu.matmul %get3A_10, %get3A_13, %dot_general3A {dimension_numbers = #tpu.dot_dimension_numbers<[1], [0], [0], [1], [0, 0, 1, 1], [], []>, transpose_lhs_hint = false} : vector<2000x256xf32>, vector<256x128xf32>, vector<2000x128xf32> -> vector<2000x128xf32>
    %mul3A = vector.broadcast %rsqrt3A : vector<2000x1xf32> to vector<2000x128xf32>
    %mul3A_15 = arith.mulf %mul3A, %dot_general3A_14 : vector<2000x128xf32>
    %swap3A = arith.constant 0 : index
    %swap3A_16 = arith.constant 0 : index
    %swap3A_17 = arith.constant 0 : index
    %swap3A_18 = vector.load %arg5[%swap3A, %swap3A_16, %swap3A_17] : memref<1x2000x128xf32, #tpu.memory_space<vmem>>, vector<1x2000x128xf32>
    %swap3A_19 = vector.shape_cast %swap3A_18 : vector<1x2000x128xf32> to vector<2000x128xf32>
    %swap3A_20 = vector.shape_cast %mul3A_15 : vector<2000x128xf32> to vector<1x2000x128xf32>
    tpu.vector_store %arg5[%swap3A, %swap3A_16, %swap3A_17], %swap3A_20 {strides = array<i32>} : memref<1x2000x128xf32, #tpu.memory_space<vmem>>, vector<1x2000x128xf32>,
    return
  }
  func.func @transform_0(%arg0: i32, %arg1: i32) -> (i32, i32) {
    %c0_i32 = arith.constant 0 : i32
    %c0_i32_0 = arith.constant 0 : i32
    return %arg0, %c0_i32 : i32, i32
  }
  func.func @transform_1(%arg0: i32, %arg1: i32) -> (i32, i32) {
    %c0_i32 = arith.constant 0 : i32
    %c0_i32_0 = arith.constant 0 : i32
    return %arg0, %c0_i32 : i32, i32
  }
  func.func @transform_2(%arg0: i32, %arg1: i32) -> (i32, i32) {
    %c0_i32 = arith.constant 0 : i32
    %c0_i32_0 = arith.constant 0 : i32
    return %c0_i32, %arg1 : i32, i32
  }
  func.func @transform_3(%arg0: i32, %arg1: i32) -> (i32, i32, i32) {
    %c0_i32 = arith.constant 0 : i32
    %c0_i32_0 = arith.constant 0 : i32
    return %arg1, %arg0, %c0_i32 : i32, i32, i32
  }
}

module attributes {stable_mosaic.version = 14 : i64} {
  func.func @_tc2_body(%arg0: i32, %arg1: i32, %arg2: memref<2000x2xf32, #tpu.memory_space<vmem>>, %arg3: memref<4x2000x128xf32, #tpu.memory_space<vmem>>, %arg4: memref<4x2000x128xf32, #tpu.memory_space<vmem>>, %arg5: memref<4x1x128xf32, #tpu.memory_space<vmem>>, %arg6: memref<4x128x128xf32, #tpu.memory_space<vmem>>, %arg7: memref<1x2000x128xf32, #tpu.memory_space<vmem>>) attributes {dimension_semantics = [#tpu.dimension_semantics<arbitrary>, #tpu.dimension_semantics<arbitrary>], iteration_bounds = array<i64: 5, 2>, scalar_prefetch = 0 : i64, scratch_operands = 0 : i64, tpu.core_type = #tpu.core_type<tc>, window_params = [{transform_indices = @transform_0, window_bounds = array<i64: 2000, 2>}, {transform_indices = @transform_1, window_bounds = array<i64: 4, 2000, 128>}, {transform_indices = @transform_2, window_bounds = array<i64: 4, 2000, 128>}, {pipeline_mode = #tpu.pipeline_mode<synchronous>, transform_indices = @transform_3, window_bounds = array<i64: 4, 1, 128>}, {transform_indices = @transform_4, window_bounds = array<i64: 4, 128, 128>}, {transform_indices = @transform_5, window_bounds = array<i64: 1, 2000, 128>}]} {
    %get3A = arith.constant 0 : index
    %get3A_0 = arith.constant 0 : index
    %get3A_1 = vector.load %arg2[%get3A, %get3A_0] : memref<2000x2xf32, #tpu.memory_space<vmem>>, vector<2000x1xf32>
    %get3A_2 = arith.constant 0 : index
    %get3A_3 = arith.constant 1 : index
    %get3A_4 = vector.load %arg2[%get3A_2, %get3A_3] : memref<2000x2xf32, #tpu.memory_space<vmem>>, vector<2000x1xf32>
    %add3A = arith.addf %get3A_1, %get3A_4 : vector<2000x1xf32>
    %add3A_5 = arith.constant 1.000000e+00 : f32
    %add3A_6 = vector.broadcast %add3A_5 : f32 to vector<2000x1xf32>
    %add3A_7 = arith.addf %add3A, %add3A_6 : vector<2000x1xf32>
    %rsqrt3A = math.rsqrt %add3A_7 : vector<2000x1xf32>
    %broadcast_in_dim3A = arith.constant 0.000000e+00 : f32
    %broadcast_in_dim3A_8 = vector.broadcast %broadcast_in_dim3A : f32 to vector<2000x128xf32>
    %get3A_9 = arith.constant 0 : index
    %get3A_10 = arith.constant 0 : index
    %get3A_11 = arith.constant 0 : index
    %get3A_12 = vector.load %arg3[%get3A_9, %get3A_10, %get3A_11] : memref<4x2000x128xf32, #tpu.memory_space<vmem>>, vector<1x2000x128xf32>
    %get3A_13 = vector.shape_cast %get3A_12 : vector<1x2000x128xf32> to vector<2000x128xf32>
    %get3A_14 = arith.constant 0 : index
    %get3A_15 = arith.constant 0 : index
    %get3A_16 = arith.constant 0 : index
    %get3A_17 = vector.load %arg4[%get3A_14, %get3A_15, %get3A_16] : memref<4x2000x128xf32, #tpu.memory_space<vmem>>, vector<1x2000x128xf32>
    %get3A_18 = vector.shape_cast %get3A_17 : vector<1x2000x128xf32> to vector<2000x128xf32>
    %add3A_19 = arith.addf %get3A_13, %get3A_18 : vector<2000x128xf32>
    %mul3A = vector.broadcast %rsqrt3A : vector<2000x1xf32> to vector<2000x128xf32>
    %mul3A_20 = arith.mulf %mul3A, %add3A_19 : vector<2000x128xf32>
    %get3A_21 = arith.constant 0 : index
    %get3A_22 = arith.constant 0 : index
    %get3A_23 = arith.constant 0 : index
    %get3A_24 = vector.load %arg5[%get3A_21, %get3A_22, %get3A_23] : memref<4x1x128xf32, #tpu.memory_space<vmem>>, vector<1x1x128xf32>
    %get3A_25 = vector.shape_cast %get3A_24 : vector<1x1x128xf32> to vector<1x128xf32>
    %add3A_26 = vector.broadcast %get3A_25 : vector<1x128xf32> to vector<2000x128xf32>
    %add3A_27 = arith.addf %mul3A_20, %add3A_26 : vector<2000x128xf32>
    %max3A = arith.constant 0.000000e+00 : f32
    %max3A_28 = vector.broadcast %max3A : f32 to vector<2000x128xf32>
    %max3A_29 = arith.maximumf %add3A_27, %max3A_28 : vector<2000x128xf32>
    %get3A_30 = arith.constant 0 : index
    %get3A_31 = arith.constant 0 : index
    %get3A_32 = arith.constant 0 : index
    %get3A_33 = vector.load %arg6[%get3A_30, %get3A_31, %get3A_32] : memref<4x128x128xf32, #tpu.memory_space<vmem>>, vector<1x128x128xf32>
    %get3A_34 = vector.shape_cast %get3A_33 : vector<1x128x128xf32> to vector<128x128xf32>
    %dot_general3A = arith.constant dense<0.000000e+00> : vector<2000x128xf32>
    %dot_general3A_35 = tpu.matmul %max3A_29, %get3A_34, %dot_general3A {dimension_numbers = #tpu.dot_dimension_numbers<[1], [0], [0], [1], [0, 0, 1, 1], [], []>, transpose_lhs_hint = false} : vector<2000x128xf32>, vector<128x128xf32>, vector<2000x128xf32> -> vector<2000x128xf32>
    %add3A_36 = arith.addf %broadcast_in_dim3A_8, %dot_general3A_35 : vector<2000x128xf32>
    %get3A_37 = arith.constant 1 : index
    %get3A_38 = arith.constant 0 : index
    %get3A_39 = arith.constant 0 : index
    %get3A_40 = vector.load %arg3[%get3A_37, %get3A_38, %get3A_39] : memref<4x2000x128xf32, #tpu.memory_space<vmem>>, vector<1x2000x128xf32>
    %get3A_41 = vector.shape_cast %get3A_40 : vector<1x2000x128xf32> to vector<2000x128xf32>
    %get3A_42 = arith.constant 1 : index
    %get3A_43 = arith.constant 0 : index
    %get3A_44 = arith.constant 0 : index
    %get3A_45 = vector.load %arg4[%get3A_42, %get3A_43, %get3A_44] : memref<4x2000x128xf32, #tpu.memory_space<vmem>>, vector<1x2000x128xf32>
    %get3A_46 = vector.shape_cast %get3A_45 : vector<1x2000x128xf32> to vector<2000x128xf32>
    %add3A_47 = arith.addf %get3A_41, %get3A_46 : vector<2000x128xf32>
    %mul3A_48 = vector.broadcast %rsqrt3A : vector<2000x1xf32> to vector<2000x128xf32>
    %mul3A_49 = arith.mulf %mul3A_48, %add3A_47 : vector<2000x128xf32>
    %get3A_50 = arith.constant 1 : index
    %get3A_51 = arith.constant 0 : index
    %get3A_52 = arith.constant 0 : index
    %get3A_53 = vector.load %arg5[%get3A_50, %get3A_51, %get3A_52] : memref<4x1x128xf32, #tpu.memory_space<vmem>>, vector<1x1x128xf32>
    %get3A_54 = vector.shape_cast %get3A_53 : vector<1x1x128xf32> to vector<1x128xf32>
    %add3A_55 = vector.broadcast %get3A_54 : vector<1x128xf32> to vector<2000x128xf32>
    %add3A_56 = arith.addf %mul3A_49, %add3A_55 : vector<2000x128xf32>
    %max3A_57 = arith.constant 0.000000e+00 : f32
    %max3A_58 = vector.broadcast %max3A_57 : f32 to vector<2000x128xf32>
    %max3A_59 = arith.maximumf %add3A_56, %max3A_58 : vector<2000x128xf32>
    %get3A_60 = arith.constant 1 : index
    %get3A_61 = arith.constant 0 : index
    %get3A_62 = arith.constant 0 : index
    %get3A_63 = vector.load %arg6[%get3A_60, %get3A_61, %get3A_62] : memref<4x128x128xf32, #tpu.memory_space<vmem>>, vector<1x128x128xf32>
    %get3A_64 = vector.shape_cast %get3A_63 : vector<1x128x128xf32> to vector<128x128xf32>
    %dot_general3A_65 = arith.constant dense<0.000000e+00> : vector<2000x128xf32>
    %dot_general3A_66 = tpu.matmul %max3A_59, %get3A_64, %dot_general3A_65 {dimension_numbers = #tpu.dot_dimension_numbers<[1], [0], [0], [1], [0, 0, 1, 1], [], []>, transpose_lhs_hint = false} : vector<2000x128xf32>, vector<128x128xf32>, vector<2000x128xf32> -> vector<2000x128xf32>
    %add3A_67 = arith.addf %add3A_36, %dot_general3A_66 : vector<2000x128xf32>
    %get3A_68 = arith.constant 2 : index
    %get3A_69 = arith.constant 0 : index
    %get3A_70 = arith.constant 0 : index
    %get3A_71 = vector.load %arg3[%get3A_68, %get3A_69, %get3A_70] : memref<4x2000x128xf32, #tpu.memory_space<vmem>>, vector<1x2000x128xf32>
    %get3A_72 = vector.shape_cast %get3A_71 : vector<1x2000x128xf32> to vector<2000x128xf32>
    %get3A_73 = arith.constant 2 : index
    %get3A_74 = arith.constant 0 : index
    %get3A_75 = arith.constant 0 : index
    %get3A_76 = vector.load %arg4[%get3A_73, %get3A_74, %get3A_75] : memref<4x2000x128xf32, #tpu.memory_space<vmem>>, vector<1x2000x128xf32>
    %get3A_77 = vector.shape_cast %get3A_76 : vector<1x2000x128xf32> to vector<2000x128xf32>
    %add3A_78 = arith.addf %get3A_72, %get3A_77 : vector<2000x128xf32>
    %mul3A_79 = vector.broadcast %rsqrt3A : vector<2000x1xf32> to vector<2000x128xf32>
    %mul3A_80 = arith.mulf %mul3A_79, %add3A_78 : vector<2000x128xf32>
    %get3A_81 = arith.constant 2 : index
    %get3A_82 = arith.constant 0 : index
    %get3A_83 = arith.constant 0 : index
    %get3A_84 = vector.load %arg5[%get3A_81, %get3A_82, %get3A_83] : memref<4x1x128xf32, #tpu.memory_space<vmem>>, vector<1x1x128xf32>
    %get3A_85 = vector.shape_cast %get3A_84 : vector<1x1x128xf32> to vector<1x128xf32>
    %add3A_86 = vector.broadcast %get3A_85 : vector<1x128xf32> to vector<2000x128xf32>
    %add3A_87 = arith.addf %mul3A_80, %add3A_86 : vector<2000x128xf32>
    %max3A_88 = arith.constant 0.000000e+00 : f32
    %max3A_89 = vector.broadcast %max3A_88 : f32 to vector<2000x128xf32>
    %max3A_90 = arith.maximumf %add3A_87, %max3A_89 : vector<2000x128xf32>
    %get3A_91 = arith.constant 2 : index
    %get3A_92 = arith.constant 0 : index
    %get3A_93 = arith.constant 0 : index
    %get3A_94 = vector.load %arg6[%get3A_91, %get3A_92, %get3A_93] : memref<4x128x128xf32, #tpu.memory_space<vmem>>, vector<1x128x128xf32>
    %get3A_95 = vector.shape_cast %get3A_94 : vector<1x128x128xf32> to vector<128x128xf32>
    %dot_general3A_96 = arith.constant dense<0.000000e+00> : vector<2000x128xf32>
    %dot_general3A_97 = tpu.matmul %max3A_90, %get3A_95, %dot_general3A_96 {dimension_numbers = #tpu.dot_dimension_numbers<[1], [0], [0], [1], [0, 0, 1, 1], [], []>, transpose_lhs_hint = false} : vector<2000x128xf32>, vector<128x128xf32>, vector<2000x128xf32> -> vector<2000x128xf32>
    %add3A_98 = arith.addf %add3A_67, %dot_general3A_97 : vector<2000x128xf32>
    %get3A_99 = arith.constant 3 : index
    %get3A_100 = arith.constant 0 : index
    %get3A_101 = arith.constant 0 : index
    %get3A_102 = vector.load %arg3[%get3A_99, %get3A_100, %get3A_101] : memref<4x2000x128xf32, #tpu.memory_space<vmem>>, vector<1x2000x128xf32>
    %get3A_103 = vector.shape_cast %get3A_102 : vector<1x2000x128xf32> to vector<2000x128xf32>
    %get3A_104 = arith.constant 3 : index
    %get3A_105 = arith.constant 0 : index
    %get3A_106 = arith.constant 0 : index
    %get3A_107 = vector.load %arg4[%get3A_104, %get3A_105, %get3A_106] : memref<4x2000x128xf32, #tpu.memory_space<vmem>>, vector<1x2000x128xf32>
    %get3A_108 = vector.shape_cast %get3A_107 : vector<1x2000x128xf32> to vector<2000x128xf32>
    %add3A_109 = arith.addf %get3A_103, %get3A_108 : vector<2000x128xf32>
    %mul3A_110 = vector.broadcast %rsqrt3A : vector<2000x1xf32> to vector<2000x128xf32>
    %mul3A_111 = arith.mulf %mul3A_110, %add3A_109 : vector<2000x128xf32>
    %get3A_112 = arith.constant 3 : index
    %get3A_113 = arith.constant 0 : index
    %get3A_114 = arith.constant 0 : index
    %get3A_115 = vector.load %arg5[%get3A_112, %get3A_113, %get3A_114] : memref<4x1x128xf32, #tpu.memory_space<vmem>>, vector<1x1x128xf32>
    %get3A_116 = vector.shape_cast %get3A_115 : vector<1x1x128xf32> to vector<1x128xf32>
    %add3A_117 = vector.broadcast %get3A_116 : vector<1x128xf32> to vector<2000x128xf32>
    %add3A_118 = arith.addf %mul3A_111, %add3A_117 : vector<2000x128xf32>
    %max3A_119 = arith.constant 0.000000e+00 : f32
    %max3A_120 = vector.broadcast %max3A_119 : f32 to vector<2000x128xf32>
    %max3A_121 = arith.maximumf %add3A_118, %max3A_120 : vector<2000x128xf32>
    %get3A_122 = arith.constant 3 : index
    %get3A_123 = arith.constant 0 : index
    %get3A_124 = arith.constant 0 : index
    %get3A_125 = vector.load %arg6[%get3A_122, %get3A_123, %get3A_124] : memref<4x128x128xf32, #tpu.memory_space<vmem>>, vector<1x128x128xf32>
    %get3A_126 = vector.shape_cast %get3A_125 : vector<1x128x128xf32> to vector<128x128xf32>
    %dot_general3A_127 = arith.constant dense<0.000000e+00> : vector<2000x128xf32>
    %dot_general3A_128 = tpu.matmul %max3A_121, %get3A_126, %dot_general3A_127 {dimension_numbers = #tpu.dot_dimension_numbers<[1], [0], [0], [1], [0, 0, 1, 1], [], []>, transpose_lhs_hint = false} : vector<2000x128xf32>, vector<128x128xf32>, vector<2000x128xf32> -> vector<2000x128xf32>
    %add3A_129 = arith.addf %add3A_98, %dot_general3A_128 : vector<2000x128xf32>
    %mul3A_130 = vector.broadcast %rsqrt3A : vector<2000x1xf32> to vector<2000x128xf32>
    %mul3A_131 = arith.mulf %mul3A_130, %add3A_129 : vector<2000x128xf32>
    %swap3A = arith.constant 0 : index
    %swap3A_132 = arith.constant 0 : index
    %swap3A_133 = arith.constant 0 : index
    %swap3A_134 = vector.load %arg7[%swap3A, %swap3A_132, %swap3A_133] : memref<1x2000x128xf32, #tpu.memory_space<vmem>>, vector<1x2000x128xf32>
    %swap3A_135 = vector.shape_cast %swap3A_134 : vector<1x2000x128xf32> to vector<2000x128xf32>
    %swap3A_136 = vector.shape_cast %mul3A_131 : vector<2000x128xf32> to vector<1x2000x128xf32>
    tpu.vector_store %arg7[%swap3A, %swap3A_132, %swap3A_133], %swap3A_136 {strides = array<i32>} : memref<1x2000x128xf32, #tpu.memory_space<vmem>>, vector<1x2000x128xf32>,
    return
  }
  func.func @transform_0(%arg0: i32, %arg1: i32) -> (i32, i32) {
    %c0_i32 = arith.constant 0 : i32
    %c0_i32_0 = arith.constant 0 : i32
    return %arg0, %c0_i32 : i32, i32
  }
  func.func @transform_1(%arg0: i32, %arg1: i32) -> (i32, i32, i32) {
    %c0_i32 = arith.constant 0 : i32
    %c0_i32_0 = arith.constant 0 : i32
    %c0_i32_1 = arith.constant 0 : i32
    return %c0_i32, %arg0, %c0_i32_0 : i32, i32, i32
  }
  func.func @transform_2(%arg0: i32, %arg1: i32) -> (i32, i32, i32) {
    %c0_i32 = arith.constant 0 : i32
    %c0_i32_0 = arith.constant 0 : i32
    %c0_i32_1 = arith.constant 0 : i32
    return %c0_i32, %arg0, %c0_i32_0 : i32, i32, i32
  }
  func.func @transform_3(%arg0: i32, %arg1: i32) -> (i32, i32, i32) {
    %c0_i32 = arith.constant 0 : i32
    %c0_i32_0 = arith.constant 0 : i32
    %c0_i32_1 = arith.constant 0 : i32
    %c0_i32_2 = arith.constant 0 : i32
    return %c0_i32, %c0_i32_0, %c0_i32_1 : i32, i32, i32
  }
  func.func @transform_4(%arg0: i32, %arg1: i32) -> (i32, i32, i32) {
    %c0_i32 = arith.constant 0 : i32
    %c0_i32_0 = arith.constant 0 : i32
    %c0_i32_1 = arith.constant 0 : i32
    return %c0_i32, %c0_i32_0, %arg1 : i32, i32, i32
  }
  func.func @transform_5(%arg0: i32, %arg1: i32) -> (i32, i32, i32) {
    %c0_i32 = arith.constant 0 : i32
    %c0_i32_0 = arith.constant 0 : i32
    return %arg1, %arg0, %c0_i32 : i32, i32, i32
  }
}

module attributes {stable_mosaic.version = 14 : i64} {
  func.func @_tc3_body(%arg0: i32, %arg1: memref<2000x2xf32, #tpu.memory_space<vmem>>, %arg2: memref<2x2000x128xf32, #tpu.memory_space<vmem>>, %arg3: memref<2x2000x128xf32, #tpu.memory_space<vmem>>, %arg4: memref<2x1x128xf32, #tpu.memory_space<vmem>>, %arg5: memref<2000x256xf32, #tpu.memory_space<vmem>>) attributes {dimension_semantics = [#tpu.dimension_semantics<arbitrary>], iteration_bounds = array<i64: 5>, scalar_prefetch = 0 : i64, scratch_operands = 0 : i64, tpu.core_type = #tpu.core_type<tc>, window_params = [{transform_indices = @transform_0, window_bounds = array<i64: 2000, 2>}, {transform_indices = @transform_1, window_bounds = array<i64: 2, 2000, 128>}, {transform_indices = @transform_2, window_bounds = array<i64: 2, 2000, 128>}, {pipeline_mode = #tpu.pipeline_mode<synchronous>, transform_indices = @transform_3, window_bounds = array<i64: 2, 1, 128>}, {transform_indices = @transform_4, window_bounds = array<i64: 2000, 256>}]} {
    %get3A = arith.constant 0 : index
    %get3A_0 = arith.constant 0 : index
    %get3A_1 = vector.load %arg1[%get3A, %get3A_0] : memref<2000x2xf32, #tpu.memory_space<vmem>>, vector<2000x1xf32>
    %get3A_2 = arith.constant 0 : index
    %get3A_3 = arith.constant 1 : index
    %get3A_4 = vector.load %arg1[%get3A_2, %get3A_3] : memref<2000x2xf32, #tpu.memory_space<vmem>>, vector<2000x1xf32>
    %add3A = arith.addf %get3A_1, %get3A_4 : vector<2000x1xf32>
    %add3A_5 = arith.constant 1.000000e+00 : f32
    %add3A_6 = vector.broadcast %add3A_5 : f32 to vector<2000x1xf32>
    %add3A_7 = arith.addf %add3A, %add3A_6 : vector<2000x1xf32>
    %rsqrt3A = math.rsqrt %add3A_7 : vector<2000x1xf32>
    %get3A_8 = arith.constant 0 : index
    %get3A_9 = arith.constant 0 : index
    %get3A_10 = arith.constant 0 : index
    %get3A_11 = vector.load %arg2[%get3A_8, %get3A_9, %get3A_10] : memref<2x2000x128xf32, #tpu.memory_space<vmem>>, vector<1x2000x128xf32>
    %get3A_12 = vector.shape_cast %get3A_11 : vector<1x2000x128xf32> to vector<2000x128xf32>
    %get3A_13 = arith.constant 0 : index
    %get3A_14 = arith.constant 0 : index
    %get3A_15 = arith.constant 0 : index
    %get3A_16 = vector.load %arg3[%get3A_13, %get3A_14, %get3A_15] : memref<2x2000x128xf32, #tpu.memory_space<vmem>>, vector<1x2000x128xf32>
    %get3A_17 = vector.shape_cast %get3A_16 : vector<1x2000x128xf32> to vector<2000x128xf32>
    %add3A_18 = arith.addf %get3A_12, %get3A_17 : vector<2000x128xf32>
    %mul3A = vector.broadcast %rsqrt3A : vector<2000x1xf32> to vector<2000x128xf32>
    %mul3A_19 = arith.mulf %mul3A, %add3A_18 : vector<2000x128xf32>
    %get3A_20 = arith.constant 0 : index
    %get3A_21 = arith.constant 0 : index
    %get3A_22 = arith.constant 0 : index
    %get3A_23 = vector.load %arg4[%get3A_20, %get3A_21, %get3A_22] : memref<2x1x128xf32, #tpu.memory_space<vmem>>, vector<1x1x128xf32>
    %get3A_24 = vector.shape_cast %get3A_23 : vector<1x1x128xf32> to vector<1x128xf32>
    %add3A_25 = vector.broadcast %get3A_24 : vector<1x128xf32> to vector<2000x128xf32>
    %add3A_26 = arith.addf %mul3A_19, %add3A_25 : vector<2000x128xf32>
    %get3A_27 = arith.constant 1 : index
    %get3A_28 = arith.constant 0 : index
    %get3A_29 = arith.constant 0 : index
    %get3A_30 = vector.load %arg2[%get3A_27, %get3A_28, %get3A_29] : memref<2x2000x128xf32, #tpu.memory_space<vmem>>, vector<1x2000x128xf32>
    %get3A_31 = vector.shape_cast %get3A_30 : vector<1x2000x128xf32> to vector<2000x128xf32>
    %get3A_32 = arith.constant 1 : index
    %get3A_33 = arith.constant 0 : index
    %get3A_34 = arith.constant 0 : index
    %get3A_35 = vector.load %arg3[%get3A_32, %get3A_33, %get3A_34] : memref<2x2000x128xf32, #tpu.memory_space<vmem>>, vector<1x2000x128xf32>
    %get3A_36 = vector.shape_cast %get3A_35 : vector<1x2000x128xf32> to vector<2000x128xf32>
    %add3A_37 = arith.addf %get3A_31, %get3A_36 : vector<2000x128xf32>
    %mul3A_38 = vector.broadcast %rsqrt3A : vector<2000x1xf32> to vector<2000x128xf32>
    %mul3A_39 = arith.mulf %mul3A_38, %add3A_37 : vector<2000x128xf32>
    %get3A_40 = arith.constant 1 : index
    %get3A_41 = arith.constant 0 : index
    %get3A_42 = arith.constant 0 : index
    %get3A_43 = vector.load %arg4[%get3A_40, %get3A_41, %get3A_42] : memref<2x1x128xf32, #tpu.memory_space<vmem>>, vector<1x1x128xf32>
    %get3A_44 = vector.shape_cast %get3A_43 : vector<1x1x128xf32> to vector<1x128xf32>
    %add3A_45 = vector.broadcast %get3A_44 : vector<1x128xf32> to vector<2000x128xf32>
    %add3A_46 = arith.addf %mul3A_39, %add3A_45 : vector<2000x128xf32>
    %concatenate3A = tpu.concatenate %add3A_26, %add3A_46 in 1 : vector<2000x128xf32>, vector<2000x128xf32> -> vector<2000x256xf32>
    %swap3A = arith.constant 0 : index
    %swap3A_47 = arith.constant 0 : index
    %swap3A_48 = vector.load %arg5[%swap3A, %swap3A_47] : memref<2000x256xf32, #tpu.memory_space<vmem>>, vector<2000x256xf32>
    tpu.vector_store %arg5[%swap3A, %swap3A_47], %concatenate3A {strides = array<i32>} : memref<2000x256xf32, #tpu.memory_space<vmem>>, vector<2000x256xf32>,
    return
  }
  func.func @transform_0(%arg0: i32) -> (i32, i32) {
    %c0_i32 = arith.constant 0 : i32
    %c0_i32_0 = arith.constant 0 : i32
    return %arg0, %c0_i32 : i32, i32
  }
  func.func @transform_1(%arg0: i32) -> (i32, i32, i32) {
    %c0_i32 = arith.constant 0 : i32
    %c0_i32_0 = arith.constant 0 : i32
    %c0_i32_1 = arith.constant 0 : i32
    return %c0_i32, %arg0, %c0_i32_0 : i32, i32, i32
  }
  func.func @transform_2(%arg0: i32) -> (i32, i32, i32) {
    %c0_i32 = arith.constant 0 : i32
    %c0_i32_0 = arith.constant 0 : i32
    %c0_i32_1 = arith.constant 0 : i32
    return %c0_i32, %arg0, %c0_i32_0 : i32, i32, i32
  }
  func.func @transform_3(%arg0: i32) -> (i32, i32, i32) {
    %c0_i32 = arith.constant 0 : i32
    %c0_i32_0 = arith.constant 0 : i32
    %c0_i32_1 = arith.constant 0 : i32
    %c0_i32_2 = arith.constant 0 : i32
    return %c0_i32, %c0_i32_0, %c0_i32_1 : i32, i32, i32
  }
  func.func @transform_4(%arg0: i32) -> (i32, i32) {
    %c0_i32 = arith.constant 0 : i32
    %c0_i32_0 = arith.constant 0 : i32
    return %arg0, %c0_i32 : i32, i32
  }
}

</mosaic_0001>

<sc_bundles>
// kernel: kernel.11.cloned.1.call-start
scs
__scs_entry_jumppad:
0x0: {  	(pc) =	sbr.rel $0x88, $3  }
0x1: {  	(tag) =	ssettag $0x0;
	lr =	simm.s32 $0x1  }
0x2: {  	[smem:$0x3F9B] =	sst lr;
	_ =	strace $0xD0000000  }
0x3: {  	_ = 	snop  }
0x4: {  	_ = 	snop  }
0x5: {  	_ = 	snop  }
0x6: {  	_ = 	snop  }
0x7: {  	_ = 	snop  }
__scs_overlays_trampoline_lowered:
0x8: {  	[smem:$0x3FAA] =	sst s0  }
0x9: {  	[smem:$0x3FAB] =	sst s1  }
0xa: {  	[smem:$0x3FAC] =	sst s2  }
0xb: {  	[smem:$0x3FAD] =	sst s3  }
0xc: {  	[smem:$0x3FAE] =	sst s4  }
0xd: {  	[smem:$0x3FAF] =	sst s5  }
0xe: {  	[smem:$0x3FB0] =	sst s6  }
0xf: {  	[smem:$0x3FB1] =	sst s7  }
0x10: {  	[smem:$0x3FB2] =	sst s8  }
0x11: {  	[smem:$0x3FB3] =	sst s9;
	s0 =	simm.s32 @!p0 $0x0  }
0x12: {  	s1 =	sld [smem:$0x3F99];
	s0 =	simm.s32 @p0 $0x1  }
0x13: {  	[smem:$0x3FB4] =	sst s0;
	s0 =	simm.s32 @!p1 $0x0  }
0x14: {  	s2 =	sld [smem:$0x3F98];
	s0 =	simm.s32 @p1 $0x1  }
0x15: {  	[smem:$0x3FB5] =	sst s0;
	s0 =	simm.s32 @!p2 $0x0  }
0x16: {  	s3 =	sld [smem:$0x3FDB];
	s0 =	simm.s32 @p2 $0x1  }
0x17: {  	s4 =	simm.s32 $0x1BF5;
	[smem:$0x3FB7] =	sst s0  }
0x18: {  	s0 =	sld [smem:$0x3F9A];
	_ =	swait.ge [sflag:s4], $0x0  }
0x19: {  	s7 =	sld [smem:$0x3F9B]  }
0x1a: {  	s8 =	sadd.s32 $0xFFFFE003, lr  }
0x1b: {  	s9 =	sadd.s32 $0xFFFFFEF7, lr;
	s5 =	simm.s32 $0xFFFFFFFF;
	p2 =	slt.u32 s8, $0xFFFFF086  }
0x1c: {  	p1 =	slt.u32 s9, $0xF7A;
	s5 =	simm.s32 @!p2 $0x0  }
0x1d: {  	s5 =	simm.s32 @p1 $0x1;
	p0 =	seq.s32 s7, s2  }
0x1e: {  	s7 =	smul.u32 @!p0 $0xF7A, s2;
	p2 =	seq.s32 @!p0 s5, $0x0  }
0x1f: {  	s9 =	smul.u32 $0xF7A, s1;
	s8 =	simm.s32 @!p0 $0x1BF5;
	p2 =	por !p2, p0  }
0x20: {  	[sflag:s8] =	ssyncset.s32 @!p0 $0xFFFFF086;
	s6 =	sadd.s32 @!p0 s3, s7;
	s7 =	simm.s32 @!p0 $0x108  }
0x21: {  	s3 =	sadd.s32 s3, s9;
	s6 =	sadd.s32 @!p0 $0x88, s6;
	s7 =	simm.s32 @p2 $0x1082  }
0x22: {  	[simem:s7], [sflag:s8] =	dma.local @!p0 [hbm:s6], $0xF7A  }
0x23: {  	s9 =	sor.u32 $0xD0000000, s2;
	s6 =	simm.s32 $0x108;
	_ =	swait.ge @!p0 [sflag:s8], $0x0  }
0x24: {  	s3 =	sadd.s32 $0x88, s3;
	s6 =	simm.s32 @!p1 $0x1082;
	[sflag:s4] =	ssyncset.s32 $0xFFFFF086  }
0x25: {  	[simem:s6], [sflag:s4] =	dma.local [hbm:s3], $0xF7A  }
0x26: {  	[smem:$0x3F9B] =	sst s1;
	(tag) =	ssettag s2;
	_ =	strace s9  }
0x27: {  	s1 =	sld [smem:$0x3FAB]  }
0x28: {  	s2 =	sld [smem:$0x3FAC]  }
0x29: {  	s4 =	sld [smem:$0x3FAE]  }
0x2a: {  	p0 =	seq.s32 s5, $0x0;
	s5 =	sld [smem:$0x3FAF]  }
0x2b: {  	s6 =	sld [smem:$0x3FB0]  }
0x2c: {  	s7 =	sld [smem:$0x3FB1]  }
0x2d: {  	s3 =	simm.s32 $0x108;
	s8 =	sld [smem:$0x3FB2]  }
0x2e: {  	s3 =	simm.s32 @!p0 $0x1082;
	s9 =	sld [smem:$0x3FB3]  }
0x2f: {  	lr =	sadd.s32 s0, s3;
	s0 =	sld [smem:$0x3FAA]  }
0x30: {  	s3 =	sld [smem:$0x3FAD]  }
0x31: {  	[smem:$0x3FB6] =	sst s10  }
0x32: {  	s10 =	sld [smem:$0x3FB4];
	_ =	sdelay $0x3  }
0x33: {  	p0 =	seq.s32 s10, $0x1;
	s10 =	sld [smem:$0x3FB6];
	_ =	sdelay $0x3  }
0x34: {  	[smem:$0x3FB6] =	sst s10  }
0x35: {  	s10 =	sld [smem:$0x3FB5];
	_ =	sdelay $0x3  }
0x36: {  	p1 =	seq.s32 s10, $0x1;
	s10 =	sld [smem:$0x3FB6];
	_ =	sdelay $0x3  }
0x37: {  	[smem:$0x3FB6] =	sst s10  }
0x38: {  	s10 =	sld [smem:$0x3FB7]  }
0x39: {  	_ = 	snop;
	(pc) =	sbr.ind lr, $3  }
0x3a: {  	_ = 	snop  }
0x3b: {  	_ = 	snop  }
0x3c: {  	p2 =	seq.s32 s10, $0x1;
	s10 =	sld [smem:$0x3FB6]  }
0x3d: {  	_ =	shalt  }
0x3e: {  	_ =	shalt  }
0x3f: {  	_ =	shalt  }
0x40: {  	_ =	shalt  }
0x41: {  	_ =	shalt  }
0x42: {  	_ =	shalt  }
0x43: {  	_ =	shalt  }
0x44: {  	_ =	shalt  }
0x45: {  	_ =	shalt  }
0x46: {  	_ =	shalt  }
0x47: {  	_ =	shalt  }
0x48: {  	_ =	shalt  }
0x49: {  	_ =	shalt  }
0x4a: {  	_ =	shalt  }
0x4b: {  	_ =	shalt  }
0x4c: {  	_ =	shalt  }
0x4d: {  	_ =	shalt  }
0x4e: {  	_ =	shalt  }
0x4f: {  	_ =	shalt  }
0x50: {  	_ =	shalt  }
0x51: {  	_ =	shalt  }
0x52: {  	_ =	shalt  }
0x53: {  	_ =	shalt  }
0x54: {  	_ =	shalt  }
0x55: {  	_ =	shalt  }
0x56: {  	_ =	shalt  }
0x57: {  	_ =	shalt  }
0x58: {  	_ =	shalt  }
0x59: {  	_ =	shalt  }
0x5a: {  	_ =	shalt  }
0x5b: {  	_ =	shalt  }
0x5c: {  	_ =	shalt  }
0x5d: {  	_ =	shalt  }
0x5e: {  	_ =	shalt  }
0x5f: {  	_ =	shalt  }
0x60: {  	_ =	shalt  }
0x61: {  	_ =	shalt  }
0x62: {  	_ =	shalt  }
0x63: {  	_ =	shalt  }
0x64: {  	_ =	shalt  }
0x65: {  	_ =	shalt  }
0x66: {  	_ =	shalt  }
0x67: {  	_ =	shalt  }
0x68: {  	_ =	shalt  }
0x69: {  	_ =	shalt  }
0x6a: {  	_ =	shalt  }
0x6b: {  	_ =	shalt  }
0x6c: {  	_ =	shalt  }
0x6d: {  	_ =	shalt  }
0x6e: {  	_ =	shalt  }
0x6f: {  	_ =	shalt  }
0x70: {  	_ =	shalt  }
0x71: {  	_ =	shalt  }
0x72: {  	_ =	shalt  }
0x73: {  	_ =	shalt  }
0x74: {  	_ =	shalt  }
0x75: {  	_ =	shalt  }
0x76: {  	_ =	shalt  }
0x77: {  	_ =	shalt  }
0x78: {  	_ =	shalt  }
0x79: {  	_ =	shalt  }
0x7a: {  	_ =	shalt  }
0x7b: {  	_ =	shalt  }
0x7c: {  	_ =	shalt  }
0x7d: {  	_ =	shalt  }
0x7e: {  	_ =	shalt  }
0x7f: {  	_ =	shalt  }
0x80: {  	_ =	shalt  }
0x81: {  	_ =	shalt  }
0x82: {  	_ =	shalt  }
0x83: {  	_ =	shalt  }
0x84: {  	_ =	shalt  }
0x85: {  	_ =	shalt  }
0x86: {  	_ =	shalt  }
0x87: {  	_ =	shalt  }
.Lfunc_end0:
.L_simem_size_0:
called_computation.1_lowered:
.L_overlay_start_0:
0x88: {  	s2 =	sld [smem:$0x3FD9]  }
0x89: {  	s3 =	sld [smem:$0x3FFE];
	_ =	sdelay $0x1  }
0x8a: {  	s1 =	srdreg.scid  }
0x8b: {  	s0 =	sand.u32 $0x1, s1  }
0x8c: {  	s17 =	sshll.u32 s0, $0xA;
	s2 =	sadd.s32 s3, s2  }
0x8d: {  	s2 =	sadd.s32 s2, s17  }
0x8e: {  	[smem:$0x3FC2] =	sst s2  }
0x8f: {  	_ = 	snop  }
0x90: {  	s2 =	sld [smem:$0x3FD0];
	(tm) =	ssettm $0x1  }
0x91: {  	s18 =	sld [smem:$0x3FFB];
	_ =	sdelay $0x3  }
0x92: {  	_ =	strace s18  }
0x93: {  	s3 =	sld [smem:$0x3FFC];
	_ =	sdelay $0x3  }
0x94: {  	_ =	strace s3  }
0x95: {  	s3 =	sld [smem:$0x3FFD];
	_ =	sdelay $0x3  }
0x96: {  	_ =	strace s3  }
0x97: {  	_ =	strace $0x8FFFFFFF  }
0x98: {  	s19 =	sld [smem:$0x3FDB];
	_ =	sdelay $0x1  }
0x99: {  	s4 =	simm.s32 $_scs_section_size  }
0x9a: {  	s5 =	simm.s32 $_size__tile_overlayer_lowered;
	s6 =	simm.s32 $_tile_overlayer_lowered  }
0x9b: {  	s22 =	simm.s32 $0x1BFF;
	s21 =	sshll.u32 s6, $0x1;
	s3 =	sadd.s32 s4, s19  }
0x9c: {  	s7 =	simm.s32 $0x0;
	s20 =	sshll.u32 s5, $0x1;
	s5 =	sadd.s32 s21, s3  }
0x9d: {  	[timem:s7], [sflag:s22] =	dma.local [hbm:s5], s20  }
0x9e: {  	_ =	swait.ge [sflag:s22], s20  }
0x9f: {  	s4 =	ssub.s32 $0x0, s20;
	[sflag:s22] =	ssyncset.done $0x0  }
0xa0: {  	[sflag:s22] =	ssyncadd.s32 s4;
	_ =	sdelay $0x1  }
0xa1: {  	s23 =	simm.s32 $0x1B8B  }
0xa2: {  	_ =	swait.ge [sflag:s23], $0x1  }
0xa3: {  	[sflag:s23] =	ssyncset.done $0x0  }
0xa4: {  	s25 =	simm.s32 $0x1B8E;
	s24 =	sld [smem:$0x3FFE];
	[sflag:s23] =	ssyncadd.s32 $0xFFFFFFFF  }
0xa5: {  	s26 =	simm.s32 $execute0_lowered;
	[smem:$0x3FD2] =	sst s25  }
0xa6: {  	s5 =	sshll.u32 s26, $0x1;
	_ =	strace $0x80000049;
	[dreg:$0x1] =	wrdreg $0xFFFFFFFF  }
0xa7: {  	s28 =	simm.s32 $_size_execute0_lowered;
	s3 =	sadd.s32 s3, s5;
	[dreg:$0x0] =	wrdreg $0x0  }
0xa8: {  	s5 =	sshll.u32 s28, $0x1;
	[dreg:$0x2] =	wrdreg s3  }
0xa9: {  	[dreg:$0x3] =	wrdreg s5  }
0xaa: {  	[dreg:$0x4] =	wrdreg $0xC0  }
0xab: {  	_ =	task [dreg:s7], $0x5FFFF  }
0xac: {  	[dreg:$0x1] =	wrdreg $0xFFFFFFFF  }
0xad: {  	[dreg:$0x0] =	wrdreg $0x60  }
0xae: {  	[dreg:$0x2] =	wrdreg s24  }
0xaf: {  	[dreg:$0x3] =	wrdreg s2  }
0xb0: {  	[dreg:$0x4] =	wrdreg $0x0  }
0xb1: {  	[dreg:$0x5] =	wrdreg $0x9  }
0xb2: {  	_ =	task.clear_ibuf [dreg:s7], $0x6FFFF;
	_ =	strace $0x90000049  }
0xb3: {  	s29 =	simm.s32 $0x9;
	_ =	strace $0x8000004B  }
0xb4: {  	_ =	swait.ge [sflag:s29], $0x1  }
0xb5: {  	[sflag:s29] =	ssyncadd.s32 $0xFFFFFFFF  }
0xb6: {  	_ =	strace $0x9000004B  }
0xb7: {  	_ =	sfence  }
0xb8: {  	s30 =	sld [smem:$0x0];
	_ =	sdelay $0x2  }
0xb9: {  	s31 =	sshll.u32 s1, $0xD;
	s1 =	sshrl.u32 s1, $0x2  }
0xba: {  	s3 =	sand.u32 $0x4000, s31;
	s1 =	sadd.s32 s1, s30  }
0xbb: {  	s0 =	sor.u32 s3, s0;
	s1 =	sshll.u32 s1, $0x11  }
0xbc: {  	s0 =	sor.u32 s1, s0  }
0xbd: {  	s0 =	sadd.s32 $0x8F2B, s0  }
0xbe: {  	[sflag:s0] =	ssyncadd.remote.s32 $0x1  }
0xbf: {  	_ =	sfence.sel $0xFFFF  }
0xc0: {  	[dreg:$0x0] =	wrdreg $0xFFFFFFFF;
	(pc) =	sbr.abs _section_cstart, $3  }
0xc1: {  	[dreg:$0x1] =	wrdreg $0xFFFFFFFF  }
0xc2: {  	_ =	task.clear_ibuf [dreg:s7], $0x2FFFF;
	_ =	strace $0x9FFFFFFF  }
0xc3: {  	(tm) =	ssettm $0x7FFFFFFF  }
tec
execute0_lowered:
.L_overlay_start_1:
0x0: {  	(tag) =	ssettag $0x1  }
0x1: {  	s0 =	rddreg [dreg:$0x0]  }
0x2: {  	s1 =	rddreg [dreg:$0x1]  }
0x3: {  	s2 =	rddreg [dreg:$0x2];
	s3 =	simm.s32 $0x0  }
0x4: {  	s9 =	stileid.u32;
	s5 =	srdreg.scid;
	s30 =	simm.s32 $0x80  }
0x5: {  	s31 =	simm.s32 $0x0;
	[smem:$0x7FF] =	sst s3;
	s11 =	smul.u32 $0x2800, s9  }
0x6: {  	s4 =	sadd.s32 $0x6E00, s0;
	s10 =	sand.u32 $0x1, s5;
	s7 =	smul.u32 $0x4F000, s9  }
0x7: {  	s5 =	sadd.s32 $0xA3200, s0;
	s12 =	smul.u32 $0x13C00, s9;
	_ =	strace $0x8000004A  }
0x8: {  	s24 =	ssub.s32 $0x2, s10;
	s25 =	smul.u32 $0x28000, s10;
	s16 =	sor.u32 $0x2, s10  }
0x9: {  	s20 =	smul.u32 $0x13C000, s10;
	s6 =	sshrl.u32 s11, $0x3;
	s8 =	sshrl.u32 s24, $0x1  }
0xa: {  	s7 =	sshrl.u32 s7, $0x2;
	s14 =	sadd.s32 $0x4000, s12;
	s15 =	sadd.s32 $0x8000, s12  }
0xb: {  	s17 =	sadd.s32 $0xC000, s12;
	s19 =	smul.u32 $0x28000, s16;
	s21 =	sadd.s32 $0x10000, s12  }
0xc: {  	s16 =	smul.u32 $0x13C000, s16;
	s13 =	sadd.s32 s6, s0;
	s0 =	sadd.s32 $0xA3A00, s0  }
0xd: {  	s24 =	ssub.s32 s24, s8;
	s6 =	sadd.s32 s7, s2;
	s7 =	sadd.s32 s14, s2  }
0xe: {  	s8 =	sadd.s32 s15, s2;
	s18 =	sadd.s32 s11, s25;
	s9 =	sadd.s32 s17, s2  }
0xf: {  	s10 =	sadd.s32 s12, s20;
	s22 =	sadd.s32 s20, s15;
	s18 =	sshrl.u32 s18, $0x3  }
0x10: {  	s11 =	sadd.s32 s11, s19;
	s19 =	sadd.s32 s20, s14;
	s23 =	sadd.s32 s12, s16  }
0x11: {  	s25 =	sadd.s32 s16, s14;
	s28 =	sadd.s32 s16, s17;
	s29 =	sadd.s32 s16, s21  }
0x12: {  	s12 =	sadd.s32 s21, s2;
	s13 =	sadd.s32 $0x1E00, s13;
	s24 =	smax.u32 s24, $0x1  }
0x13: {  	s26 =	sadd.s32 s1, s18;
	s11 =	sshrl.u32 s11, $0x3;
	s18 =	sshrl.u32 s19, $0x3  }
0x14: {  	s19 =	sshrl.u32 s22, $0x3;
	s22 =	sshrl.u32 s25, $0x3;
	s25 =	sshrl.u32 s28, $0x3  }
0x15: {  	s28 =	simm.s32 $0x13C00;
	[dreg:$0x4] =	wrdreg s26;
	s1 =	sadd.s32 s1, s11  }
0x16: {  	s11 =	sadd.s32 s20, s17;
	s20 =	sadd.s32 s20, s21;
	s26 =	sadd.s32 s16, s15  }
0x17: {  	s16 =	sshrl.u32 s10, $0x3;
	s15 =	sadd.s32 s0, s18;
	s21 =	sshrl.u32 s23, $0x3  }
0x18: {  	[dreg:$0x5] =	wrdreg s1;
	s17 =	sadd.s32 s0, s16;
	s1 =	sshrl.u32 s11, $0x3  }
0x19: {  	s16 =	sadd.s32 s0, s19;
	s20 =	sshrl.u32 s20, $0x3;
	s19 =	sadd.s32 s0, s21  }
0x1a: {  	s23 =	sshrl.u32 s26, $0x3;
	s26 =	sshrl.u32 s29, $0x3;
	s29 =	simm.s32 $0x16400  }
0x1b: {  	[dreg:$0x6] =	wrdreg s17;
	s17 =	sadd.s32 s0, s1;
	s18 =	sadd.s32 s0, s20  }
0x1c: {  	s20 =	sadd.s32 s0, s22;
	s21 =	sadd.s32 s0, s23;
	s22 =	sadd.s32 s0, s25  }
0x1d: {  	s23 =	sadd.s32 s0, s26;
	s25 =	simm.s32 $0x18C00;
	s26 =	simm.s32 $0x1  }
.LBB2_1:
0x1e: {  	[tilespmem:s25], [sflag:$0x1] =	stream.linear.gather [hbm4b:s5+s3], $0x4000, $0x38;
	[tilespmem:$0x1CC00] =	vst v63  }
0x1f: {  	_ =	swait.ge [sflag:s26], $0x4000  }
0x20: {  	[sflag:s26] =	ssyncset.done $0x0  }
0x21: {  	[sflag:s26] =	ssyncadd.s32 $0xFFFFC000  }
0x22: {  	[spmem:s6] =	stream.linear.scatter [tilespmem:s25], [sflag:$0x1], $0x4000, $0x38;
	[tilespmem:$0x1CC00] =	vst v63  }
0x23: {  	_ =	swait.ge [sflag:s26], $0x4000  }
0x24: {  	[sflag:s26] =	ssyncset.done $0x0  }
0x25: {  	[sflag:s26] =	ssyncadd.s32 $0xFFFFC000  }
0x26: {  	[tilespmem:s25], [sflag:$0x1] =	stream.linear.gather [hbm4b:s5+s3], $0x4000, $0x38;
	[tilespmem:$0x1CC00] =	vst v63  }
0x27: {  	_ =	swait.ge [sflag:s26], $0x4000  }
0x28: {  	[sflag:s26] =	ssyncset.done $0x0  }
0x29: {  	[sflag:s26] =	ssyncadd.s32 $0xFFFFC000  }
0x2a: {  	[spmem:s7] =	stream.linear.scatter [tilespmem:s25], [sflag:$0x1], $0x4000, $0x38;
	[tilespmem:$0x1CC00] =	vst v63  }
0x2b: {  	_ =	swait.ge [sflag:s26], $0x4000  }
0x2c: {  	[sflag:s26] =	ssyncset.done $0x0  }
0x2d: {  	[sflag:s26] =	ssyncadd.s32 $0xFFFFC000  }
0x2e: {  	[tilespmem:s25], [sflag:$0x1] =	stream.linear.gather [hbm4b:s5+s3], $0x4000, $0x38;
	[tilespmem:$0x1CC00] =	vst v63  }
0x2f: {  	_ =	swait.ge [sflag:s26], $0x4000  }
0x30: {  	[sflag:s26] =	ssyncset.done $0x0  }
0x31: {  	[sflag:s26] =	ssyncadd.s32 $0xFFFFC000  }
0x32: {  	[spmem:s8] =	stream.linear.scatter [tilespmem:s25], [sflag:$0x1], $0x4000, $0x38;
	[tilespmem:$0x1CC00] =	vst v63  }
0x33: {  	_ =	swait.ge [sflag:s26], $0x4000  }
0x34: {  	[sflag:s26] =	ssyncset.done $0x0  }
0x35: {  	[sflag:s26] =	ssyncadd.s32 $0xFFFFC000  }
0x36: {  	[tilespmem:s25], [sflag:$0x1] =	stream.linear.gather [hbm4b:s5+s3], $0x4000, $0x38;
	[tilespmem:$0x1CC00] =	vst v63  }
0x37: {  	_ =	swait.ge [sflag:s26], $0x4000  }
0x38: {  	[sflag:s26] =	ssyncset.done $0x0  }
0x39: {  	[sflag:s26] =	ssyncadd.s32 $0xFFFFC000  }
0x3a: {  	[spmem:s9] =	stream.linear.scatter [tilespmem:s25], [sflag:$0x1], $0x4000, $0x38;
	[tilespmem:$0x1CC00] =	vst v63  }
0x3b: {  	_ =	swait.ge [sflag:s26], $0x4000  }
0x3c: {  	[sflag:s26] =	ssyncset.done $0x0  }
0x3d: {  	[sflag:s26] =	ssyncadd.s32 $0xFFFFC000  }
0x3e: {  	[tilespmem:s25], [sflag:$0x1] =	stream.linear.gather [hbm4b:s5+s3], $0x3C00, $0x38;
	[tilespmem:$0x1CC00] =	vst v63  }
0x3f: {  	_ =	swait.ge [sflag:s26], $0x3C00  }
0x40: {  	[sflag:s26] =	ssyncset.done $0x0  }
0x41: {  	[sflag:s26] =	ssyncadd.s32 $0xFFFFC400  }
0x42: {  	[spmem:s12] =	stream.linear.scatter [tilespmem:s25], [sflag:$0x1], $0x3C00, $0x38;
	[tilespmem:$0x1CC00] =	vst v63  }
0x43: {  	_ =	swait.ge [sflag:s26], $0x3C00  }
0x44: {  	[sflag:s26] =	ssyncset.done $0x0  }
0x45: {  	s0 =	rddreg [dreg:$0x4];
	[sflag:s26] =	ssyncadd.s32 $0xFFFFC400  }
0x46: {  	[tilespmem:s28], [sflag:$0x1] =	stream.linear.gather [hbm4b:s0+s3], $0x2800, $0x38;
	[tilespmem:$0x1CC00] =	vst v63  }
0x47: {  	_ =	swait.ge [sflag:s26], $0x2800  }
0x48: {  	[sflag:s26] =	ssyncset.done $0x0  }
0x49: {  	[sflag:s26] =	ssyncadd.s32 $0xFFFFD800  }
0x4a: {  	[tilespmem:s29], [sflag:$0x1] =	stream.linear.gather [hbm4b:s13+s3], $0x2800, $0x38;
	[tilespmem:$0x1CC00] =	vst v63  }
0x4b: {  	_ =	swait.ge [sflag:s26], $0x2800  }
0x4c: {  	[sflag:s26] =	ssyncset.done $0x0  }
0x4d: {  	[sflag:s26] =	ssyncadd.s32 $0xFFFFD800  }
0x4e: {  	s11 =	simm.s32 $0x13C00;
	[bflag:$0x0] =	sbarrier.arrive $0xFFFF  }
0x4f: {  	[tilespmem:s25], [sflag:$0x1] =	stream.indirect.gather [hbm4b:s4+s30], $0x80, s11, s30, $0xb8;
	[tilespmem:$0x1CC00] =	vst v63  }
0x50: {  	_ =	swait.ge [sflag:s26], $0x4000  }
0x51: {  	[sflag:s26] =	ssyncset.done $0x0  }
0x52: {  	s14 =	simm.s32 $0x16400;
	[sflag:s26] =	ssyncadd.s32 $0xFFFFC000  }
0x53: {  	[spmem:s2] =	stream.indirect.scatter.add.f32 [tilespmem:s25], [sflag:$0x1], $0x80, s14, s30, $0xb8;
	[tilespmem:$0x1CC00] =	vst v63  }
0x54: {  	_ =	swait.ge [sflag:s26], $0x4000  }
0x55: {  	s1 =	simm.s32 $0x400;
	s0 =	simm.s32 $0x80;
	[sflag:s26] =	ssyncset.done $0x0  }
.LBB2_2:
0x56: {  	s10 =	sadd.s32 $0x13C00, s0  }
0x57: {  	[sflag:s26] =	ssyncadd.s32 $0xFFFFC000;
	s11 =	smov.u32 s1;
	s14 =	sadd.s32 $0x200, s1  }
0x58: {  	[tilespmem:s25], [sflag:$0x1] =	stream.indirect.gather [hbm4b:s4+s30], $0x80, s10, s30, $0xb8;
	[tilespmem:$0x1CC00] =	vst v63  }
0x59: {  	p0 =	sne.s32 s1, $0x9E00;
	_ =	swait.ge [sflag:s26], $0x4000  }
.Ltmp0:
0x5a: {  	[sflag:s26] =	ssyncset.done $0x0;
	(pc) =	sbr.rel @p0 .LBB2_2-.Ltmp0, $4  }
0x5b: {  	s0 =	sadd.s32 $0x16400, s0;
	[sflag:s26] =	ssyncadd.s32 $0xFFFFC000  }
0x5c: {  	[spmem:s2] =	stream.indirect.scatter.add.f32 [tilespmem:s25], [sflag:$0x1], $0x80, s0, s30, $0xb8;
	[tilespmem:$0x1CC00] =	vst v63  }
0x5d: {  	_ =	swait.ge [sflag:s26], $0x4000  }
0x5e: {  	s1 =	smov.u32 s14;
	s0 =	sshra.s32 s11, $0x2;
	[sflag:s26] =	ssyncset.done $0x0  }
0x5f: {  	s1 =	sadd.s32 $0x13C00, s0;
	[sflag:s26] =	ssyncadd.s32 $0xFFFFC000  }
0x60: {  	[tilespmem:s25], [sflag:$0x1] =	stream.indirect.gather [hbm4b:s4+s30], $0x80, s1, s30, $0xb8;
	[tilespmem:$0x1CC00] =	vst v63  }
0x61: {  	_ =	swait.ge [sflag:s26], $0x4000  }
0x62: {  	[sflag:s26] =	ssyncset.done $0x0  }
0x63: {  	s10 =	sadd.s32 $0x16400, s0;
	[sflag:s26] =	ssyncadd.s32 $0xFFFFC000  }
0x64: {  	[spmem:s2] =	stream.indirect.scatter.add.f32 [tilespmem:s25], [sflag:$0x1], $0x80, s10, s30, $0xb8;
	[tilespmem:$0x1CC00] =	vst v63  }
0x65: {  	_ =	swait.ge [sflag:s26], $0x4000  }
0x66: {  	[sflag:s26] =	ssyncset.done $0x0  }
0x67: {  	[sflag:s26] =	ssyncadd.s32 $0xFFFFC000  }
0x68: {  	[bflag:$0x0] =	sbarrier.arrive $0xFFFF  }
0x69: {  	[tilespmem:s25], [sflag:$0x1] =	stream.linear.gather [spmem:s6], $0x4000, $0x38;
	[tilespmem:$0x1CC00] =	vst v63  }
0x6a: {  	_ =	swait.ge [sflag:s26], $0x4000  }
0x6b: {  	[sflag:s26] =	ssyncset.done $0x0  }
0x6c: {  	s11 =	simm.s32 $0x0;
	s14 =	rddreg [dreg:$0x6];
	[sflag:s26] =	ssyncadd.s32 $0xFFFFC000  }
0x6d: {  	[hbm4b:s14+s11] =	stream.linear.scatter [tilespmem:s25], [sflag:$0x1], $0x4000, $0x38;
	[tilespmem:$0x1CC00] =	vst v63  }
0x6e: {  	_ =	swait.ge [sflag:s26], $0x4000  }
0x6f: {  	[sflag:s26] =	ssyncset.done $0x0  }
0x70: {  	[sflag:s26] =	ssyncadd.s32 $0xFFFFC000  }
0x71: {  	[tilespmem:s25], [sflag:$0x1] =	stream.linear.gather [spmem:s7], $0x4000, $0x38;
	[tilespmem:$0x1CC00] =	vst v63  }
0x72: {  	_ =	swait.ge [sflag:s26], $0x4000  }
0x73: {  	[sflag:s26] =	ssyncset.done $0x0  }
0x74: {  	[sflag:s26] =	ssyncadd.s32 $0xFFFFC000  }
0x75: {  	[hbm4b:s15+s11] =	stream.linear.scatter [tilespmem:s25], [sflag:$0x1], $0x4000, $0x38;
	[tilespmem:$0x1CC00] =	vst v63  }
0x76: {  	_ =	swait.ge [sflag:s26], $0x4000  }
0x77: {  	[sflag:s26] =	ssyncset.done $0x0  }
0x78: {  	[sflag:s26] =	ssyncadd.s32 $0xFFFFC000  }
0x79: {  	[tilespmem:s25], [sflag:$0x1] =	stream.linear.gather [spmem:s8], $0x4000, $0x38;
	[tilespmem:$0x1CC00] =	vst v63  }
0x7a: {  	_ =	swait.ge [sflag:s26], $0x4000  }
0x7b: {  	[sflag:s26] =	ssyncset.done $0x0  }
0x7c: {  	[sflag:s26] =	ssyncadd.s32 $0xFFFFC000  }
0x7d: {  	[hbm4b:s16+s11] =	stream.linear.scatter [tilespmem:s25], [sflag:$0x1], $0x4000, $0x38;
	[tilespmem:$0x1CC00] =	vst v63  }
0x7e: {  	_ =	swait.ge [sflag:s26], $0x4000  }
0x7f: {  	[sflag:s26] =	ssyncset.done $0x0  }
0x80: {  	[sflag:s26] =	ssyncadd.s32 $0xFFFFC000  }
0x81: {  	[tilespmem:s25], [sflag:$0x1] =	stream.linear.gather [spmem:s9], $0x4000, $0x38;
	[tilespmem:$0x1CC00] =	vst v63  }
0x82: {  	_ =	swait.ge [sflag:s26], $0x4000  }
0x83: {  	[sflag:s26] =	ssyncset.done $0x0  }
0x84: {  	[sflag:s26] =	ssyncadd.s32 $0xFFFFC000  }
0x85: {  	[hbm4b:s17+s11] =	stream.linear.scatter [tilespmem:s25], [sflag:$0x1], $0x4000, $0x38;
	[tilespmem:$0x1CC00] =	vst v63  }
0x86: {  	_ =	swait.ge [sflag:s26], $0x4000  }
0x87: {  	[sflag:s26] =	ssyncset.done $0x0  }
0x88: {  	[sflag:s26] =	ssyncadd.s32 $0xFFFFC000  }
0x89: {  	[tilespmem:s25], [sflag:$0x1] =	stream.linear.gather [spmem:s12], $0x3C00, $0x38;
	[tilespmem:$0x1CC00] =	vst v63  }
0x8a: {  	_ =	swait.ge [sflag:s26], $0x3C00  }
0x8b: {  	[sflag:s26] =	ssyncset.done $0x0  }
0x8c: {  	[sflag:s26] =	ssyncadd.s32 $0xFFFFC400  }
0x8d: {  	[hbm4b:s18+s11] =	stream.linear.scatter [tilespmem:s25], [sflag:$0x1], $0x3C00, $0x38;
	[tilespmem:$0x1CC00] =	vst v63  }
0x8e: {  	_ =	swait.ge [sflag:s26], $0x3C00  }
0x8f: {  	[sflag:s26] =	ssyncset.done $0x0  }
0x90: {  	[sflag:s26] =	ssyncadd.s32 $0xFFFFC400  }
0x91: {  	[bflag:$0x0] =	sbarrier.arrive $0xFFFF  }
0x92: {  	[tilespmem:s25], [sflag:$0x1] =	stream.linear.gather [hbm4b:s5+s11], $0x4000, $0x38;
	[tilespmem:$0x1CC00] =	vst v63  }
0x93: {  	_ =	swait.ge [sflag:s26], $0x4000  }
0x94: {  	[sflag:s26] =	ssyncset.done $0x0  }
0x95: {  	[sflag:s26] =	ssyncadd.s32 $0xFFFFC000  }
0x96: {  	[spmem:s6] =	stream.linear.scatter [tilespmem:s25], [sflag:$0x1], $0x4000, $0x38;
	[tilespmem:$0x1CC00] =	vst v63  }
0x97: {  	_ =	swait.ge [sflag:s26], $0x4000  }
0x98: {  	[sflag:s26] =	ssyncset.done $0x0  }
0x99: {  	[sflag:s26] =	ssyncadd.s32 $0xFFFFC000  }
0x9a: {  	[tilespmem:s25], [sflag:$0x1] =	stream.linear.gather [hbm4b:s5+s11], $0x4000, $0x38;
	[tilespmem:$0x1CC00] =	vst v63  }
0x9b: {  	_ =	swait.ge [sflag:s26], $0x4000  }
0x9c: {  	[sflag:s26] =	ssyncset.done $0x0  }
0x9d: {  	[sflag:s26] =	ssyncadd.s32 $0xFFFFC000  }
0x9e: {  	[spmem:s7] =	stream.linear.scatter [tilespmem:s25], [sflag:$0x1], $0x4000, $0x38;
	[tilespmem:$0x1CC00] =	vst v63  }
0x9f: {  	_ =	swait.ge [sflag:s26], $0x4000  }
0xa0: {  	[sflag:s26] =	ssyncset.done $0x0  }
0xa1: {  	[sflag:s26] =	ssyncadd.s32 $0xFFFFC000  }
0xa2: {  	[tilespmem:s25], [sflag:$0x1] =	stream.linear.gather [hbm4b:s5+s11], $0x4000, $0x38;
	[tilespmem:$0x1CC00] =	vst v63  }
0xa3: {  	_ =	swait.ge [sflag:s26], $0x4000  }
0xa4: {  	[sflag:s26] =	ssyncset.done $0x0  }
0xa5: {  	[sflag:s26] =	ssyncadd.s32 $0xFFFFC000  }
0xa6: {  	[spmem:s8] =	stream.linear.scatter [tilespmem:s25], [sflag:$0x1], $0x4000, $0x38;
	[tilespmem:$0x1CC00] =	vst v63  }
0xa7: {  	_ =	swait.ge [sflag:s26], $0x4000  }
0xa8: {  	[sflag:s26] =	ssyncset.done $0x0  }
0xa9: {  	[sflag:s26] =	ssyncadd.s32 $0xFFFFC000  }
0xaa: {  	[tilespmem:s25], [sflag:$0x1] =	stream.linear.gather [hbm4b:s5+s11], $0x4000, $0x38;
	[tilespmem:$0x1CC00] =	vst v63  }
0xab: {  	_ =	swait.ge [sflag:s26], $0x4000  }
0xac: {  	[sflag:s26] =	ssyncset.done $0x0  }
0xad: {  	[sflag:s26] =	ssyncadd.s32 $0xFFFFC000  }
0xae: {  	[spmem:s9] =	stream.linear.scatter [tilespmem:s25], [sflag:$0x1], $0x4000, $0x38;
	[tilespmem:$0x1CC00] =	vst v63  }
0xaf: {  	_ =	swait.ge [sflag:s26], $0x4000  }
0xb0: {  	[sflag:s26] =	ssyncset.done $0x0  }
0xb1: {  	[sflag:s26] =	ssyncadd.s32 $0xFFFFC000  }
0xb2: {  	[tilespmem:s25], [sflag:$0x1] =	stream.linear.gather [hbm4b:s5+s11], $0x3C00, $0x38;
	[tilespmem:$0x1CC00] =	vst v63  }
0xb3: {  	_ =	swait.ge [sflag:s26], $0x3C00  }
0xb4: {  	[sflag:s26] =	ssyncset.done $0x0  }
0xb5: {  	[sflag:s26] =	ssyncadd.s32 $0xFFFFC400  }
0xb6: {  	[spmem:s12] =	stream.linear.scatter [tilespmem:s25], [sflag:$0x1], $0x3C00, $0x38;
	[tilespmem:$0x1CC00] =	vst v63  }
0xb7: {  	_ =	swait.ge [sflag:s26], $0x3C00  }
0xb8: {  	[sflag:s26] =	ssyncset.done $0x0  }
0xb9: {  	s10 =	rddreg [dreg:$0x5];
	[sflag:s26] =	ssyncadd.s32 $0xFFFFC400  }
0xba: {  	[tilespmem:s28], [sflag:$0x1] =	stream.linear.gather [hbm4b:s10+s11], $0x2800, $0x38;
	[tilespmem:$0x1CC00] =	vst v63  }
0xbb: {  	_ =	swait.ge [sflag:s26], $0x2800  }
0xbc: {  	[sflag:s26] =	ssyncset.done $0x0  }
0xbd: {  	[sflag:s26] =	ssyncadd.s32 $0xFFFFD800  }
0xbe: {  	[tilespmem:s29], [sflag:$0x1] =	stream.linear.gather [hbm4b:s13+s11], $0x2800, $0x38;
	[tilespmem:$0x1CC00] =	vst v63  }
0xbf: {  	_ =	swait.ge [sflag:s26], $0x2800  }
0xc0: {  	[sflag:s26] =	ssyncset.done $0x0  }
0xc1: {  	[sflag:s26] =	ssyncadd.s32 $0xFFFFD800  }
0xc2: {  	s11 =	simm.s32 $0x13C00;
	[bflag:$0x0] =	sbarrier.arrive $0xFFFF  }
0xc3: {  	[tilespmem:s25], [sflag:$0x1] =	stream.indirect.gather [hbm4b:s4+s30], $0x80, s11, s30, $0xb8;
	[tilespmem:$0x1CC00] =	vst v63  }
0xc4: {  	_ =	swait.ge [sflag:s26], $0x4000  }
0xc5: {  	[sflag:s26] =	ssyncset.done $0x0  }
0xc6: {  	s14 =	simm.s32 $0x16400;
	[sflag:s26] =	ssyncadd.s32 $0xFFFFC000  }
0xc7: {  	[spmem:s2] =	stream.indirect.scatter.add.f32 [tilespmem:s25], [sflag:$0x1], $0x80, s14, s30, $0xb8;
	[tilespmem:$0x1CC00] =	vst v63  }
0xc8: {  	_ =	swait.ge [sflag:s26], $0x4000  }
0xc9: {  	s0 =	simm.s32 $0x80;
	s1 =	simm.s32 $0x400;
	[sflag:s26] =	ssyncset.done $0x0  }
.LBB2_4:
0xca: {  	s10 =	sadd.s32 $0x13C00, s0  }
0xcb: {  	[sflag:s26] =	ssyncadd.s32 $0xFFFFC000;
	s11 =	smov.u32 s1;
	s14 =	sadd.s32 $0x200, s1  }
0xcc: {  	[tilespmem:s25], [sflag:$0x1] =	stream.indirect.gather [hbm4b:s4+s30], $0x80, s10, s30, $0xb8;
	[tilespmem:$0x1CC00] =	vst v63  }
0xcd: {  	p0 =	sne.s32 s1, $0x9E00;
	_ =	swait.ge [sflag:s26], $0x4000  }
.Ltmp1:
0xce: {  	[sflag:s26] =	ssyncset.done $0x0;
	(pc) =	sbr.rel @p0 .LBB2_4-.Ltmp1, $4  }
0xcf: {  	s0 =	sadd.s32 $0x16400, s0;
	[sflag:s26] =	ssyncadd.s32 $0xFFFFC000  }
0xd0: {  	[spmem:s2] =	stream.indirect.scatter.add.f32 [tilespmem:s25], [sflag:$0x1], $0x80, s0, s30, $0xb8;
	[tilespmem:$0x1CC00] =	vst v63  }
0xd1: {  	_ =	swait.ge [sflag:s26], $0x4000  }
0xd2: {  	s1 =	smov.u32 s14;
	s0 =	sshra.s32 s11, $0x2;
	[sflag:s26] =	ssyncset.done $0x0  }
0xd3: {  	s1 =	sadd.s32 $0x13C00, s0;
	[sflag:s26] =	ssyncadd.s32 $0xFFFFC000  }
0xd4: {  	[tilespmem:s25], [sflag:$0x1] =	stream.indirect.gather [hbm4b:s4+s30], $0x80, s1, s30, $0xb8;
	[tilespmem:$0x1CC00] =	vst v63  }
0xd5: {  	_ =	swait.ge [sflag:s26], $0x4000  }
0xd6: {  	[sflag:s26] =	ssyncset.done $0x0  }
0xd7: {  	s14 =	sadd.s32 $0x16400, s0;
	[sflag:s26] =	ssyncadd.s32 $0xFFFFC000  }
0xd8: {  	[spmem:s2] =	stream.indirect.scatter.add.f32 [tilespmem:s25], [sflag:$0x1], $0x80, s14, s30, $0xb8;
	[tilespmem:$0x1CC00] =	vst v63  }
0xd9: {  	_ =	swait.ge [sflag:s26], $0x4000  }
0xda: {  	[sflag:s26] =	ssyncset.done $0x0  }
0xdb: {  	[sflag:s26] =	ssyncadd.s32 $0xFFFFC000  }
0xdc: {  	[bflag:$0x0] =	sbarrier.arrive $0xFFFF  }
0xdd: {  	[tilespmem:s25], [sflag:$0x1] =	stream.linear.gather [spmem:s6], $0x4000, $0x38;
	[tilespmem:$0x1CC00] =	vst v63  }
0xde: {  	_ =	swait.ge [sflag:s26], $0x4000  }
0xdf: {  	[sflag:s26] =	ssyncset.done $0x0  }
0xe0: {  	[sflag:s26] =	ssyncadd.s32 $0xFFFFC000  }
0xe1: {  	[hbm4b:s19+s3] =	stream.linear.scatter [tilespmem:s25], [sflag:$0x1], $0x4000, $0x38;
	[tilespmem:$0x1CC00] =	vst v63  }
0xe2: {  	_ =	swait.ge [sflag:s26], $0x4000  }
0xe3: {  	[sflag:s26] =	ssyncset.done $0x0  }
0xe4: {  	[sflag:s26] =	ssyncadd.s32 $0xFFFFC000  }
0xe5: {  	[tilespmem:s25], [sflag:$0x1] =	stream.linear.gather [spmem:s7], $0x4000, $0x38;
	[tilespmem:$0x1CC00] =	vst v63  }
0xe6: {  	_ =	swait.ge [sflag:s26], $0x4000  }
0xe7: {  	[sflag:s26] =	ssyncset.done $0x0  }
0xe8: {  	[sflag:s26] =	ssyncadd.s32 $0xFFFFC000  }
0xe9: {  	[hbm4b:s20+s3] =	stream.linear.scatter [tilespmem:s25], [sflag:$0x1], $0x4000, $0x38;
	[tilespmem:$0x1CC00] =	vst v63  }
0xea: {  	_ =	swait.ge [sflag:s26], $0x4000  }
0xeb: {  	[sflag:s26] =	ssyncset.done $0x0  }
0xec: {  	[sflag:s26] =	ssyncadd.s32 $0xFFFFC000  }
0xed: {  	[tilespmem:s25], [sflag:$0x1] =	stream.linear.gather [spmem:s8], $0x4000, $0x38;
	[tilespmem:$0x1CC00] =	vst v63  }
0xee: {  	_ =	swait.ge [sflag:s26], $0x4000  }
0xef: {  	[sflag:s26] =	ssyncset.done $0x0  }
0xf0: {  	[sflag:s26] =	ssyncadd.s32 $0xFFFFC000  }
0xf1: {  	[hbm4b:s21+s3] =	stream.linear.scatter [tilespmem:s25], [sflag:$0x1], $0x4000, $0x38;
	[tilespmem:$0x1CC00] =	vst v63  }
0xf2: {  	_ =	swait.ge [sflag:s26], $0x4000  }
0xf3: {  	[sflag:s26] =	ssyncset.done $0x0  }
0xf4: {  	[sflag:s26] =	ssyncadd.s32 $0xFFFFC000  }
0xf5: {  	[tilespmem:s25], [sflag:$0x1] =	stream.linear.gather [spmem:s9], $0x4000, $0x38;
	[tilespmem:$0x1CC00] =	vst v63  }
0xf6: {  	_ =	swait.ge [sflag:s26], $0x4000  }
0xf7: {  	[sflag:s26] =	ssyncset.done $0x0  }
0xf8: {  	[sflag:s26] =	ssyncadd.s32 $0xFFFFC000  }
0xf9: {  	[hbm4b:s22+s3] =	stream.linear.scatter [tilespmem:s25], [sflag:$0x1], $0x4000, $0x38;
	[tilespmem:$0x1CC00] =	vst v63  }
0xfa: {  	_ =	swait.ge [sflag:s26], $0x4000  }
0xfb: {  	[sflag:s26] =	ssyncset.done $0x0  }
0xfc: {  	[sflag:s26] =	ssyncadd.s32 $0xFFFFC000  }
0xfd: {  	[tilespmem:s25], [sflag:$0x1] =	stream.linear.gather [spmem:s12], $0x3C00, $0x38;
	[tilespmem:$0x1CC00] =	vst v63  }
0xfe: {  	_ =	swait.ge [sflag:s26], $0x3C00  }
0xff: {  	s31 =	sadd.s32 $0x1, s31;
	[sflag:s26] =	ssyncset.done $0x0  }
0x100: {  	p0 =	sne.s32 s31, s24;
	[sflag:s26] =	ssyncadd.s32 $0xFFFFC400  }
0x101: {  	[hbm4b:s23+s3] =	stream.linear.scatter [tilespmem:s25], [sflag:$0x1], $0x3C00, $0x38;
	[tilespmem:$0x1CC00] =	vst v63  }
.Ltmp2:
0x102: {  	_ =	swait.ge [sflag:s26], $0x3C00;
	(pc) =	sbr.rel @p0 .LBB2_1-.Ltmp2, $3  }
0x103: {  	[sflag:s26] =	ssyncset.done $0x0  }
0x104: {  	[sflag:s26] =	ssyncadd.s32 $0xFFFFC400  }
0x105: {  	[bflag:$0x0] =	sbarrier.arrive $0xFFFF;
	_ =	sdelay $0x1  }
0x106: {  	_ =	sfence.sel $0x180000  }
0x107: {  	[bflag:$0x0] =	sbarrier.arrive $0xFFFF  }
0x108: {  	_ =	strace $0x9000004A  }
0x109: {  	s0 =	stileid.u32;
	[bflag:$0x2] =	sbarrier.arrive $0xFFFF  }
0x10a: {  	p0 =	sne.s32 s0, $0x0;
	s0 =	rddreg [dreg:$0x3]  }
0x10b: {  	s0 =	sadd.s32 @!p0 $0x100000, s0  }
0x10c: {  	[sflag:s0] =	ssyncadd.tile.s32 @!p0 $0x1;
	_ =	shalt  }
.Lfunc_end2:
_tile_overlayer_lowered:
.L_overlay_start_2:
0x10d: {  	(tag) =	ssettag $0x2  }
0x10e: {  	s0 =	rddreg [dreg:$0x0];
	s2 =	stileid.u32  }
0x10f: {  	s1 =	rddreg [dreg:$0x1];
	p0 =	sne.s32 s2, $0x0  }
0x110: {  	s3 =	rddreg [dreg:$0x2];
	[bflag:$0x3] =	sbarrier.arrive $0xFFFF;
	s2 =	simm.s32 @!p0 $0x1C01  }
0x111: {  	[timem:s3], [sflag:s2] =	dma.local @!p0 [hbm:s0], s1  }
0x112: {  	s0 =	simm.s32 @!p0 $0x1  }
0x113: {  	_ =	swait.ge @!p0 [sflag:s0], s1  }
0x114: {  	s1 =	ssub.s32 @!p0 $0x0, s1;
	[sflag:s0] =	ssyncset.done @!p0 $0x0  }
0x115: {  	[sflag:s0] =	ssyncadd.s32 @!p0 s1  }
0x116: {  	[bflag:$0x3] =	sbarrier.arrive $0xFFFF  }
0x117: {  	_ =	shalt  }

// kernel: kernel.14.cloned.1.call-start
scs
__scs_entry_jumppad:
0x0: {  	(pc) =	sbr.rel $0x88, $3  }
0x1: {  	(tag) =	ssettag $0x0;
	lr =	simm.s32 $0x1  }
0x2: {  	[smem:$0x3F9B] =	sst lr;
	_ =	strace $0xD0000000  }
0x3: {  	_ = 	snop  }
0x4: {  	_ = 	snop  }
0x5: {  	_ = 	snop  }
0x6: {  	_ = 	snop  }
0x7: {  	_ = 	snop  }
__scs_overlays_trampoline_lowered:
0x8: {  	[smem:$0x3FAA] =	sst s0  }
0x9: {  	[smem:$0x3FAB] =	sst s1  }
0xa: {  	[smem:$0x3FAC] =	sst s2  }
0xb: {  	[smem:$0x3FAD] =	sst s3  }
0xc: {  	[smem:$0x3FAE] =	sst s4  }
0xd: {  	[smem:$0x3FAF] =	sst s5  }
0xe: {  	[smem:$0x3FB0] =	sst s6  }
0xf: {  	[smem:$0x3FB1] =	sst s7  }
0x10: {  	[smem:$0x3FB2] =	sst s8  }
0x11: {  	[smem:$0x3FB3] =	sst s9;
	s0 =	simm.s32 @!p0 $0x0  }
0x12: {  	s1 =	sld [smem:$0x3F99];
	s0 =	simm.s32 @p0 $0x1  }
0x13: {  	[smem:$0x3FB4] =	sst s0;
	s0 =	simm.s32 @!p1 $0x0  }
0x14: {  	s2 =	sld [smem:$0x3F98];
	s0 =	simm.s32 @p1 $0x1  }
0x15: {  	[smem:$0x3FB5] =	sst s0;
	s0 =	simm.s32 @!p2 $0x0  }
0x16: {  	s3 =	sld [smem:$0x3FDB];
	s0 =	simm.s32 @p2 $0x1  }
0x17: {  	s4 =	simm.s32 $0x1BF5;
	[smem:$0x3FB7] =	sst s0  }
0x18: {  	s0 =	sld [smem:$0x3F9A];
	_ =	swait.ge [sflag:s4], $0x0  }
0x19: {  	s7 =	sld [smem:$0x3F9B]  }
0x1a: {  	s8 =	sadd.s32 $0xFFFFE003, lr  }
0x1b: {  	s9 =	sadd.s32 $0xFFFFFEF7, lr;
	s5 =	simm.s32 $0xFFFFFFFF;
	p2 =	slt.u32 s8, $0xFFFFF086  }
0x1c: {  	p1 =	slt.u32 s9, $0xF7A;
	s5 =	simm.s32 @!p2 $0x0  }
0x1d: {  	s5 =	simm.s32 @p1 $0x1;
	p0 =	seq.s32 s7, s2  }
0x1e: {  	s7 =	smul.u32 @!p0 $0xF7A, s2;
	p2 =	seq.s32 @!p0 s5, $0x0  }
0x1f: {  	s9 =	smul.u32 $0xF7A, s1;
	s8 =	simm.s32 @!p0 $0x1BF5;
	p2 =	por !p2, p0  }
0x20: {  	[sflag:s8] =	ssyncset.s32 @!p0 $0xFFFFF086;
	s6 =	sadd.s32 @!p0 s3, s7;
	s7 =	simm.s32 @!p0 $0x108  }
0x21: {  	s3 =	sadd.s32 s3, s9;
	s6 =	sadd.s32 @!p0 $0x88, s6;
	s7 =	simm.s32 @p2 $0x1082  }
0x22: {  	[simem:s7], [sflag:s8] =	dma.local @!p0 [hbm:s6], $0xF7A  }
0x23: {  	s9 =	sor.u32 $0xD0000000, s2;
	s6 =	simm.s32 $0x108;
	_ =	swait.ge @!p0 [sflag:s8], $0x0  }
0x24: {  	s3 =	sadd.s32 $0x88, s3;
	s6 =	simm.s32 @!p1 $0x1082;
	[sflag:s4] =	ssyncset.s32 $0xFFFFF086  }
0x25: {  	[simem:s6], [sflag:s4] =	dma.local [hbm:s3], $0xF7A  }
0x26: {  	[smem:$0x3F9B] =	sst s1;
	(tag) =	ssettag s2;
	_ =	strace s9  }
0x27: {  	s1 =	sld [smem:$0x3FAB]  }
0x28: {  	s2 =	sld [smem:$0x3FAC]  }
0x29: {  	s4 =	sld [smem:$0x3FAE]  }
0x2a: {  	p0 =	seq.s32 s5, $0x0;
	s5 =	sld [smem:$0x3FAF]  }
0x2b: {  	s6 =	sld [smem:$0x3FB0]  }
0x2c: {  	s7 =	sld [smem:$0x3FB1]  }
0x2d: {  	s3 =	simm.s32 $0x108;
	s8 =	sld [smem:$0x3FB2]  }
0x2e: {  	s3 =	simm.s32 @!p0 $0x1082;
	s9 =	sld [smem:$0x3FB3]  }
0x2f: {  	lr =	sadd.s32 s0, s3;
	s0 =	sld [smem:$0x3FAA]  }
0x30: {  	s3 =	sld [smem:$0x3FAD]  }
0x31: {  	[smem:$0x3FB6] =	sst s10  }
0x32: {  	s10 =	sld [smem:$0x3FB4];
	_ =	sdelay $0x3  }
0x33: {  	p0 =	seq.s32 s10, $0x1;
	s10 =	sld [smem:$0x3FB6];
	_ =	sdelay $0x3  }
0x34: {  	[smem:$0x3FB6] =	sst s10  }
0x35: {  	s10 =	sld [smem:$0x3FB5];
	_ =	sdelay $0x3  }
0x36: {  	p1 =	seq.s32 s10, $0x1;
	s10 =	sld [smem:$0x3FB6];
	_ =	sdelay $0x3  }
0x37: {  	[smem:$0x3FB6] =	sst s10  }
0x38: {  	s10 =	sld [smem:$0x3FB7]  }
0x39: {  	_ = 	snop;
	(pc) =	sbr.ind lr, $3  }
0x3a: {  	_ = 	snop  }
0x3b: {  	_ = 	snop  }
0x3c: {  	p2 =	seq.s32 s10, $0x1;
	s10 =	sld [smem:$0x3FB6]  }
0x3d: {  	_ =	shalt  }
0x3e: {  	_ =	shalt  }
0x3f: {  	_ =	shalt  }
0x40: {  	_ =	shalt  }
0x41: {  	_ =	shalt  }
0x42: {  	_ =	shalt  }
0x43: {  	_ =	shalt  }
0x44: {  	_ =	shalt  }
0x45: {  	_ =	shalt  }
0x46: {  	_ =	shalt  }
0x47: {  	_ =	shalt  }
0x48: {  	_ =	shalt  }
0x49: {  	_ =	shalt  }
0x4a: {  	_ =	shalt  }
0x4b: {  	_ =	shalt  }
0x4c: {  	_ =	shalt  }
0x4d: {  	_ =	shalt  }
0x4e: {  	_ =	shalt  }
0x4f: {  	_ =	shalt  }
0x50: {  	_ =	shalt  }
0x51: {  	_ =	shalt  }
0x52: {  	_ =	shalt  }
0x53: {  	_ =	shalt  }
0x54: {  	_ =	shalt  }
0x55: {  	_ =	shalt  }
0x56: {  	_ =	shalt  }
0x57: {  	_ =	shalt  }
0x58: {  	_ =	shalt  }
0x59: {  	_ =	shalt  }
0x5a: {  	_ =	shalt  }
0x5b: {  	_ =	shalt  }
0x5c: {  	_ =	shalt  }
0x5d: {  	_ =	shalt  }
0x5e: {  	_ =	shalt  }
0x5f: {  	_ =	shalt  }
0x60: {  	_ =	shalt  }
0x61: {  	_ =	shalt  }
0x62: {  	_ =	shalt  }
0x63: {  	_ =	shalt  }
0x64: {  	_ =	shalt  }
0x65: {  	_ =	shalt  }
0x66: {  	_ =	shalt  }
0x67: {  	_ =	shalt  }
0x68: {  	_ =	shalt  }
0x69: {  	_ =	shalt  }
0x6a: {  	_ =	shalt  }
0x6b: {  	_ =	shalt  }
0x6c: {  	_ =	shalt  }
0x6d: {  	_ =	shalt  }
0x6e: {  	_ =	shalt  }
0x6f: {  	_ =	shalt  }
0x70: {  	_ =	shalt  }
0x71: {  	_ =	shalt  }
0x72: {  	_ =	shalt  }
0x73: {  	_ =	shalt  }
0x74: {  	_ =	shalt  }
0x75: {  	_ =	shalt  }
0x76: {  	_ =	shalt  }
0x77: {  	_ =	shalt  }
0x78: {  	_ =	shalt  }
0x79: {  	_ =	shalt  }
0x7a: {  	_ =	shalt  }
0x7b: {  	_ =	shalt  }
0x7c: {  	_ =	shalt  }
0x7d: {  	_ =	shalt  }
0x7e: {  	_ =	shalt  }
0x7f: {  	_ =	shalt  }
0x80: {  	_ =	shalt  }
0x81: {  	_ =	shalt  }
0x82: {  	_ =	shalt  }
0x83: {  	_ =	shalt  }
0x84: {  	_ =	shalt  }
0x85: {  	_ =	shalt  }
0x86: {  	_ =	shalt  }
0x87: {  	_ =	shalt  }
.Lfunc_end0:
.L_simem_size_0:
called_computation.2_lowered:
.L_overlay_start_0:
0x88: {  	s2 =	sld [smem:$0x3FD9]  }
0x89: {  	s3 =	sld [smem:$0x3FFE];
	_ =	sdelay $0x1  }
0x8a: {  	s1 =	srdreg.scid  }
0x8b: {  	s0 =	sand.u32 $0x1, s1  }
0x8c: {  	s17 =	sshll.u32 s0, $0xA;
	s2 =	sadd.s32 s3, s2  }
0x8d: {  	s2 =	sadd.s32 s2, s17  }
0x8e: {  	[smem:$0x3FC2] =	sst s2  }
0x8f: {  	_ = 	snop  }
0x90: {  	s2 =	sld [smem:$0x3FD0];
	(tm) =	ssettm $0x1  }
0x91: {  	s18 =	sld [smem:$0x3FFB];
	_ =	sdelay $0x3  }
0x92: {  	_ =	strace s18  }
0x93: {  	s3 =	sld [smem:$0x3FFC];
	_ =	sdelay $0x3  }
0x94: {  	_ =	strace s3  }
0x95: {  	s3 =	sld [smem:$0x3FFD];
	_ =	sdelay $0x3  }
0x96: {  	_ =	strace s3  }
0x97: {  	_ =	strace $0x8FFFFFFF  }
0x98: {  	s19 =	sld [smem:$0x3FDB];
	_ =	sdelay $0x1  }
0x99: {  	s4 =	simm.s32 $_scs_section_size  }
0x9a: {  	s5 =	simm.s32 $_size__tile_overlayer_lowered;
	s6 =	simm.s32 $_tile_overlayer_lowered  }
0x9b: {  	s22 =	simm.s32 $0x1BFF;
	s21 =	sshll.u32 s6, $0x1;
	s3 =	sadd.s32 s4, s19  }
0x9c: {  	s7 =	simm.s32 $0x0;
	s20 =	sshll.u32 s5, $0x1;
	s5 =	sadd.s32 s21, s3  }
0x9d: {  	[timem:s7], [sflag:s22] =	dma.local [hbm:s5], s20  }
0x9e: {  	_ =	swait.ge [sflag:s22], s20  }
0x9f: {  	s4 =	ssub.s32 $0x0, s20;
	[sflag:s22] =	ssyncset.done $0x0  }
0xa0: {  	[sflag:s22] =	ssyncadd.s32 s4;
	_ =	sdelay $0x1  }
0xa1: {  	s23 =	simm.s32 $0x1B8B  }
0xa2: {  	_ =	swait.ge [sflag:s23], $0x1  }
0xa3: {  	[sflag:s23] =	ssyncset.done $0x0  }
0xa4: {  	s25 =	simm.s32 $0x1B8E;
	s24 =	sld [smem:$0x3FFE];
	[sflag:s23] =	ssyncadd.s32 $0xFFFFFFFF  }
0xa5: {  	s26 =	simm.s32 $execute0_lowered;
	[smem:$0x3FD2] =	sst s25  }
0xa6: {  	s5 =	sshll.u32 s26, $0x1;
	_ =	strace $0x8000004C;
	[dreg:$0x1] =	wrdreg $0xFFFFFFFF  }
0xa7: {  	s28 =	simm.s32 $_size_execute0_lowered;
	s3 =	sadd.s32 s3, s5;
	[dreg:$0x0] =	wrdreg $0x0  }
0xa8: {  	s5 =	sshll.u32 s28, $0x1;
	[dreg:$0x2] =	wrdreg s3  }
0xa9: {  	[dreg:$0x3] =	wrdreg s5  }
0xaa: {  	[dreg:$0x4] =	wrdreg $0xC0  }
0xab: {  	_ =	task [dreg:s7], $0x5FFFF  }
0xac: {  	[dreg:$0x1] =	wrdreg $0xFFFFFFFF  }
0xad: {  	[dreg:$0x0] =	wrdreg $0x60  }
0xae: {  	[dreg:$0x2] =	wrdreg s2  }
0xaf: {  	[dreg:$0x3] =	wrdreg s24  }
0xb0: {  	[dreg:$0x4] =	wrdreg $0x0  }
0xb1: {  	[dreg:$0x5] =	wrdreg $0x9  }
0xb2: {  	_ =	task.clear_ibuf [dreg:s7], $0x6FFFF;
	_ =	strace $0x9000004C  }
0xb3: {  	s29 =	simm.s32 $0x9;
	_ =	strace $0x8000004E  }
0xb4: {  	_ =	swait.ge [sflag:s29], $0x1  }
0xb5: {  	[sflag:s29] =	ssyncadd.s32 $0xFFFFFFFF  }
0xb6: {  	_ =	strace $0x9000004E  }
0xb7: {  	_ =	sfence  }
0xb8: {  	s30 =	sld [smem:$0x0];
	_ =	sdelay $0x2  }
0xb9: {  	s31 =	sshll.u32 s1, $0xD;
	s1 =	sshrl.u32 s1, $0x2  }
0xba: {  	s3 =	sand.u32 $0x4000, s31;
	s1 =	sadd.s32 s1, s30  }
0xbb: {  	s0 =	sor.u32 s3, s0;
	s1 =	sshll.u32 s1, $0x11  }
0xbc: {  	s0 =	sor.u32 s1, s0  }
0xbd: {  	s0 =	sadd.s32 $0x8F2B, s0  }
0xbe: {  	[sflag:s0] =	ssyncadd.remote.s32 $0x1  }
0xbf: {  	_ =	sfence.sel $0xFFFF  }
0xc0: {  	[dreg:$0x0] =	wrdreg $0xFFFFFFFF;
	(pc) =	sbr.abs _section_cstart, $3  }
0xc1: {  	[dreg:$0x1] =	wrdreg $0xFFFFFFFF  }
0xc2: {  	_ =	task.clear_ibuf [dreg:s7], $0x2FFFF;
	_ =	strace $0x9FFFFFFF  }
0xc3: {  	(tm) =	ssettm $0x7FFFFFFF  }
tec
execute0_lowered:
.L_overlay_start_1:
0x0: {  	(tag) =	ssettag $0x1  }
0x1: {  	s1 =	rddreg [dreg:$0x0]  }
0x2: {  	s2 =	srdreg.scid;
	s6 =	rddreg [dreg:$0x1]  }
0x3: {  	s0 =	stileid.u32;
	s3 =	rddreg [dreg:$0x2]  }
0x4: {  	s4 =	simm.s32 $0x0;
	s21 =	simm.s32 $0x13C00;
	s22 =	simm.s32 $0x16400  }
0x5: {  	s23 =	simm.s32 $0x80;
	s24 =	simm.s32 $0x0;
	s5 =	smul.u32 $0x2800, s0  }
0x6: {  	s8 =	sand.u32 $0x1, s2;
	s2 =	rddreg [dreg:$0x3];
	s29 =	smul.u32 $0x4F000, s0  }
0x7: {  	[smem:$0x7FF] =	sst s4;
	s13 =	smul.u32 $0x13C00, s0;
	s17 =	sadd.s32 $0x6E00, s6  }
0x8: {  	s7 =	smul.u32 $0x28000, s8;
	_ =	strace $0x8000004D;
	s9 =	ssub.s32 $0x2, s8  }
0x9: {  	s20 =	smul.u32 $0x13C000, s8;
	s30 =	sshrl.u32 s9, $0x1;
	s31 =	sshrl.u32 s29, $0x2  }
0xa: {  	s14 =	sadd.s32 $0x4000, s13;
	s15 =	sadd.s32 $0x8000, s13;
	s16 =	sadd.s32 $0xC000, s13  }
0xb: {  	s19 =	sadd.s32 $0x10000, s13;
	s7 =	sadd.s32 s5, s7;
	s5 =	sshrl.u32 s5, $0x3  }
0xc: {  	s18 =	ssub.s32 s9, s30;
	s8 =	sadd.s32 s15, s3;
	s9 =	sadd.s32 s16, s3  }
0xd: {  	s10 =	sadd.s32 s19, s3;
	s13 =	sadd.s32 s13, s20;
	s15 =	sadd.s32 s20, s15  }
0xe: {  	s16 =	sadd.s32 s20, s16;
	s19 =	sadd.s32 s20, s19;
	s7 =	sshrl.u32 s7, $0x3  }
0xf: {  	s12 =	sadd.s32 s5, s6;
	s5 =	sadd.s32 $0xA3200, s6;
	s13 =	sshrl.u32 s13, $0x3  }
0x10: {  	s15 =	sshrl.u32 s15, $0x3;
	s16 =	sshrl.u32 s16, $0x3;
	s19 =	sshrl.u32 s19, $0x3  }
0x11: {  	s18 =	smax.u32 s18, $0x1;
	s11 =	sadd.s32 s7, s6;
	s6 =	sadd.s32 s31, s3  }
0x12: {  	s7 =	sadd.s32 s14, s3;
	s14 =	sadd.s32 s20, s14;
	s12 =	sadd.s32 $0x1E00, s12  }
0x13: {  	s13 =	sadd.s32 s17, s13;
	s15 =	sadd.s32 s17, s15;
	s16 =	sadd.s32 s17, s16  }
0x14: {  	s20 =	simm.s32 $0x1;
	s11 =	sadd.s32 $0x141A00, s11;
	s14 =	sshrl.u32 s14, $0x3  }
0x15: {  	s14 =	sadd.s32 s17, s14;
	s17 =	sadd.s32 s17, s19;
	s19 =	simm.s32 $0x18C00  }
.LBB2_1:
0x16: {  	[tilespmem:s19], [sflag:$0x1] =	stream.linear.gather [hbm4b:s5+s4], $0x4000, $0x38;
	[tilespmem:$0x1CC00] =	vst v63  }
0x17: {  	_ =	swait.ge [sflag:s20], $0x4000  }
0x18: {  	[sflag:s20] =	ssyncset.done $0x0  }
0x19: {  	[sflag:s20] =	ssyncadd.s32 $0xFFFFC000  }
0x1a: {  	[spmem:s6] =	stream.linear.scatter [tilespmem:s19], [sflag:$0x1], $0x4000, $0x38;
	[tilespmem:$0x1CC00] =	vst v63  }
0x1b: {  	_ =	swait.ge [sflag:s20], $0x4000  }
0x1c: {  	[sflag:s20] =	ssyncset.done $0x0  }
0x1d: {  	[sflag:s20] =	ssyncadd.s32 $0xFFFFC000  }
0x1e: {  	[tilespmem:s19], [sflag:$0x1] =	stream.linear.gather [hbm4b:s5+s4], $0x4000, $0x38;
	[tilespmem:$0x1CC00] =	vst v63  }
0x1f: {  	_ =	swait.ge [sflag:s20], $0x4000  }
0x20: {  	[sflag:s20] =	ssyncset.done $0x0  }
0x21: {  	[sflag:s20] =	ssyncadd.s32 $0xFFFFC000  }
0x22: {  	[spmem:s7] =	stream.linear.scatter [tilespmem:s19], [sflag:$0x1], $0x4000, $0x38;
	[tilespmem:$0x1CC00] =	vst v63  }
0x23: {  	_ =	swait.ge [sflag:s20], $0x4000  }
0x24: {  	[sflag:s20] =	ssyncset.done $0x0  }
0x25: {  	[sflag:s20] =	ssyncadd.s32 $0xFFFFC000  }
0x26: {  	[tilespmem:s19], [sflag:$0x1] =	stream.linear.gather [hbm4b:s5+s4], $0x4000, $0x38;
	[tilespmem:$0x1CC00] =	vst v63  }
0x27: {  	_ =	swait.ge [sflag:s20], $0x4000  }
0x28: {  	[sflag:s20] =	ssyncset.done $0x0  }
0x29: {  	[sflag:s20] =	ssyncadd.s32 $0xFFFFC000  }
0x2a: {  	[spmem:s8] =	stream.linear.scatter [tilespmem:s19], [sflag:$0x1], $0x4000, $0x38;
	[tilespmem:$0x1CC00] =	vst v63  }
0x2b: {  	_ =	swait.ge [sflag:s20], $0x4000  }
0x2c: {  	[sflag:s20] =	ssyncset.done $0x0  }
0x2d: {  	[sflag:s20] =	ssyncadd.s32 $0xFFFFC000  }
0x2e: {  	[tilespmem:s19], [sflag:$0x1] =	stream.linear.gather [hbm4b:s5+s4], $0x4000, $0x38;
	[tilespmem:$0x1CC00] =	vst v63  }
0x2f: {  	_ =	swait.ge [sflag:s20], $0x4000  }
0x30: {  	[sflag:s20] =	ssyncset.done $0x0  }
0x31: {  	[sflag:s20] =	ssyncadd.s32 $0xFFFFC000  }
0x32: {  	[spmem:s9] =	stream.linear.scatter [tilespmem:s19], [sflag:$0x1], $0x4000, $0x38;
	[tilespmem:$0x1CC00] =	vst v63  }
0x33: {  	_ =	swait.ge [sflag:s20], $0x4000  }
0x34: {  	[sflag:s20] =	ssyncset.done $0x0  }
0x35: {  	[sflag:s20] =	ssyncadd.s32 $0xFFFFC000  }
0x36: {  	[tilespmem:s19], [sflag:$0x1] =	stream.linear.gather [hbm4b:s5+s4], $0x3C00, $0x38;
	[tilespmem:$0x1CC00] =	vst v63  }
0x37: {  	_ =	swait.ge [sflag:s20], $0x3C00  }
0x38: {  	[sflag:s20] =	ssyncset.done $0x0  }
0x39: {  	[sflag:s20] =	ssyncadd.s32 $0xFFFFC400  }
0x3a: {  	[spmem:s10] =	stream.linear.scatter [tilespmem:s19], [sflag:$0x1], $0x3C00, $0x38;
	[tilespmem:$0x1CC00] =	vst v63  }
0x3b: {  	_ =	swait.ge [sflag:s20], $0x3C00  }
0x3c: {  	[sflag:s20] =	ssyncset.done $0x0  }
0x3d: {  	[sflag:s20] =	ssyncadd.s32 $0xFFFFC400  }
0x3e: {  	[tilespmem:s21], [sflag:$0x1] =	stream.linear.gather [hbm4b:s11+s4], $0x2800, $0x38;
	[tilespmem:$0x1CC00] =	vst v63  }
0x3f: {  	_ =	swait.ge [sflag:s20], $0x2800  }
0x40: {  	[sflag:s20] =	ssyncset.done $0x0  }
0x41: {  	[sflag:s20] =	ssyncadd.s32 $0xFFFFD800  }
0x42: {  	[tilespmem:s22], [sflag:$0x1] =	stream.linear.gather [hbm4b:s12+s4], $0x2800, $0x38;
	[tilespmem:$0x1CC00] =	vst v63  }
0x43: {  	_ =	swait.ge [sflag:s20], $0x2800  }
0x44: {  	[sflag:s20] =	ssyncset.done $0x0  }
0x45: {  	[sflag:s20] =	ssyncadd.s32 $0xFFFFD800  }
0x46: {  	s25 =	simm.s32 $0x13C00;
	[bflag:$0x0] =	sbarrier.arrive $0xFFFF  }
0x47: {  	[tilespmem:s19], [sflag:$0x1] =	stream.indirect.gather [hbm4b:s1+s23], $0x80, s25, s23, $0xb8;
	[tilespmem:$0x1CC00] =	vst v63  }
0x48: {  	_ =	swait.ge [sflag:s20], $0x4000  }
0x49: {  	[sflag:s20] =	ssyncset.done $0x0  }
0x4a: {  	s31 =	simm.s32 $0x16400;
	[sflag:s20] =	ssyncadd.s32 $0xFFFFC000  }
0x4b: {  	[spmem:s3] =	stream.indirect.scatter.add.f32 [tilespmem:s19], [sflag:$0x1], $0x80, s31, s23, $0xb8;
	[tilespmem:$0x1CC00] =	vst v63  }
0x4c: {  	_ =	swait.ge [sflag:s20], $0x4000  }
0x4d: {  	s26 =	simm.s32 $0x400;
	s25 =	simm.s32 $0x80;
	[sflag:s20] =	ssyncset.done $0x0  }
.LBB2_2:
0x4e: {  	s28 =	sadd.s32 $0x13C00, s25  }
0x4f: {  	[sflag:s20] =	ssyncadd.s32 $0xFFFFC000;
	s29 =	smov.u32 s26;
	s30 =	sadd.s32 $0x200, s26  }
0x50: {  	[tilespmem:s19], [sflag:$0x1] =	stream.indirect.gather [hbm4b:s1+s23], $0x80, s28, s23, $0xb8;
	[tilespmem:$0x1CC00] =	vst v63  }
0x51: {  	p0 =	sne.s32 s26, $0x9E00;
	_ =	swait.ge [sflag:s20], $0x4000  }
.Ltmp0:
0x52: {  	[sflag:s20] =	ssyncset.done $0x0;
	(pc) =	sbr.rel @p0 .LBB2_2-.Ltmp0, $4  }
0x53: {  	s25 =	sadd.s32 $0x16400, s25;
	[sflag:s20] =	ssyncadd.s32 $0xFFFFC000  }
0x54: {  	[spmem:s3] =	stream.indirect.scatter.add.f32 [tilespmem:s19], [sflag:$0x1], $0x80, s25, s23, $0xb8;
	[tilespmem:$0x1CC00] =	vst v63  }
0x55: {  	_ =	swait.ge [sflag:s20], $0x4000  }
0x56: {  	s26 =	smov.u32 s30;
	s25 =	sshra.s32 s29, $0x2;
	[sflag:s20] =	ssyncset.done $0x0  }
0x57: {  	s26 =	sadd.s32 $0x13C00, s25;
	[sflag:s20] =	ssyncadd.s32 $0xFFFFC000  }
0x58: {  	[tilespmem:s19], [sflag:$0x1] =	stream.indirect.gather [hbm4b:s1+s23], $0x80, s26, s23, $0xb8;
	[tilespmem:$0x1CC00] =	vst v63  }
0x59: {  	_ =	swait.ge [sflag:s20], $0x4000  }
0x5a: {  	[sflag:s20] =	ssyncset.done $0x0  }
0x5b: {  	s31 =	sadd.s32 $0x16400, s25;
	[sflag:s20] =	ssyncadd.s32 $0xFFFFC000  }
0x5c: {  	[spmem:s3] =	stream.indirect.scatter.add.f32 [tilespmem:s19], [sflag:$0x1], $0x80, s31, s23, $0xb8;
	[tilespmem:$0x1CC00] =	vst v63  }
0x5d: {  	_ =	swait.ge [sflag:s20], $0x4000  }
0x5e: {  	[sflag:s20] =	ssyncset.done $0x0  }
0x5f: {  	[sflag:s20] =	ssyncadd.s32 $0xFFFFC000  }
0x60: {  	[bflag:$0x0] =	sbarrier.arrive $0xFFFF  }
0x61: {  	[tilespmem:s19], [sflag:$0x1] =	stream.linear.gather [spmem:s6], $0x4000, $0x38;
	[tilespmem:$0x1CC00] =	vst v63  }
0x62: {  	_ =	swait.ge [sflag:s20], $0x4000  }
0x63: {  	[sflag:s20] =	ssyncset.done $0x0  }
0x64: {  	[sflag:s20] =	ssyncadd.s32 $0xFFFFC000  }
0x65: {  	[hbm4b:s13+s4] =	stream.linear.scatter [tilespmem:s19], [sflag:$0x1], $0x4000, $0x38;
	[tilespmem:$0x1CC00] =	vst v63  }
0x66: {  	_ =	swait.ge [sflag:s20], $0x4000  }
0x67: {  	[sflag:s20] =	ssyncset.done $0x0  }
0x68: {  	[sflag:s20] =	ssyncadd.s32 $0xFFFFC000  }
0x69: {  	[tilespmem:s19], [sflag:$0x1] =	stream.linear.gather [spmem:s7], $0x4000, $0x38;
	[tilespmem:$0x1CC00] =	vst v63  }
0x6a: {  	_ =	swait.ge [sflag:s20], $0x4000  }
0x6b: {  	[sflag:s20] =	ssyncset.done $0x0  }
0x6c: {  	[sflag:s20] =	ssyncadd.s32 $0xFFFFC000  }
0x6d: {  	[hbm4b:s14+s4] =	stream.linear.scatter [tilespmem:s19], [sflag:$0x1], $0x4000, $0x38;
	[tilespmem:$0x1CC00] =	vst v63  }
0x6e: {  	_ =	swait.ge [sflag:s20], $0x4000  }
0x6f: {  	[sflag:s20] =	ssyncset.done $0x0  }
0x70: {  	[sflag:s20] =	ssyncadd.s32 $0xFFFFC000  }
0x71: {  	[tilespmem:s19], [sflag:$0x1] =	stream.linear.gather [spmem:s8], $0x4000, $0x38;
	[tilespmem:$0x1CC00] =	vst v63  }
0x72: {  	_ =	swait.ge [sflag:s20], $0x4000  }
0x73: {  	[sflag:s20] =	ssyncset.done $0x0  }
0x74: {  	[sflag:s20] =	ssyncadd.s32 $0xFFFFC000  }
0x75: {  	[hbm4b:s15+s4] =	stream.linear.scatter [tilespmem:s19], [sflag:$0x1], $0x4000, $0x38;
	[tilespmem:$0x1CC00] =	vst v63  }
0x76: {  	_ =	swait.ge [sflag:s20], $0x4000  }
0x77: {  	[sflag:s20] =	ssyncset.done $0x0  }
0x78: {  	[sflag:s20] =	ssyncadd.s32 $0xFFFFC000  }
0x79: {  	[tilespmem:s19], [sflag:$0x1] =	stream.linear.gather [spmem:s9], $0x4000, $0x38;
	[tilespmem:$0x1CC00] =	vst v63  }
0x7a: {  	_ =	swait.ge [sflag:s20], $0x4000  }
0x7b: {  	[sflag:s20] =	ssyncset.done $0x0  }
0x7c: {  	[sflag:s20] =	ssyncadd.s32 $0xFFFFC000  }
0x7d: {  	[hbm4b:s16+s4] =	stream.linear.scatter [tilespmem:s19], [sflag:$0x1], $0x4000, $0x38;
	[tilespmem:$0x1CC00] =	vst v63  }
0x7e: {  	_ =	swait.ge [sflag:s20], $0x4000  }
0x7f: {  	[sflag:s20] =	ssyncset.done $0x0  }
0x80: {  	[sflag:s20] =	ssyncadd.s32 $0xFFFFC000  }
0x81: {  	[tilespmem:s19], [sflag:$0x1] =	stream.linear.gather [spmem:s10], $0x3C00, $0x38;
	[tilespmem:$0x1CC00] =	vst v63  }
0x82: {  	_ =	swait.ge [sflag:s20], $0x3C00  }
0x83: {  	s24 =	sadd.s32 $0x1, s24;
	[sflag:s20] =	ssyncset.done $0x0  }
0x84: {  	p0 =	sne.s32 s24, s18;
	[sflag:s20] =	ssyncadd.s32 $0xFFFFC400  }
0x85: {  	[hbm4b:s17+s4] =	stream.linear.scatter [tilespmem:s19], [sflag:$0x1], $0x3C00, $0x38;
	[tilespmem:$0x1CC00] =	vst v63  }
.Ltmp1:
0x86: {  	_ =	swait.ge [sflag:s20], $0x3C00;
	(pc) =	sbr.rel @p0 .LBB2_1-.Ltmp1, $3  }
0x87: {  	[sflag:s20] =	ssyncset.done $0x0  }
0x88: {  	[sflag:s20] =	ssyncadd.s32 $0xFFFFC400  }
0x89: {  	[bflag:$0x0] =	sbarrier.arrive $0xFFFF;
	_ =	sdelay $0x1  }
0x8a: {  	_ =	sfence.sel $0x180000  }
0x8b: {  	[bflag:$0x0] =	sbarrier.arrive $0xFFFF  }
0x8c: {  	p0 =	sne.s32 s0, $0x0;
	_ =	strace $0x9000004D  }
0x8d: {  	s0 =	sadd.s32 @!p0 $0x100000, s2;
	[bflag:$0x2] =	sbarrier.arrive $0xFFFF  }
0x8e: {  	[sflag:s0] =	ssyncadd.tile.s32 @!p0 $0x1;
	_ =	shalt  }
.Lfunc_end2:
_tile_overlayer_lowered:
.L_overlay_start_2:
0x8f: {  	(tag) =	ssettag $0x2  }
0x90: {  	s0 =	rddreg [dreg:$0x0];
	s2 =	stileid.u32  }
0x91: {  	s1 =	rddreg [dreg:$0x1];
	p0 =	sne.s32 s2, $0x0  }
0x92: {  	s3 =	rddreg [dreg:$0x2];
	[bflag:$0x3] =	sbarrier.arrive $0xFFFF;
	s2 =	simm.s32 @!p0 $0x1C01  }
0x93: {  	[timem:s3], [sflag:s2] =	dma.local @!p0 [hbm:s0], s1  }
0x94: {  	s0 =	simm.s32 @!p0 $0x1  }
0x95: {  	_ =	swait.ge @!p0 [sflag:s0], s1  }
0x96: {  	s1 =	ssub.s32 @!p0 $0x0, s1;
	[sflag:s0] =	ssyncset.done @!p0 $0x0  }
0x97: {  	[sflag:s0] =	ssyncadd.s32 @!p0 s1  }
0x98: {  	[bflag:$0x3] =	sbarrier.arrive $0xFFFF  }
0x99: {  	_ =	shalt  }

// kernel: kernel.8.cloned.1.call-start
scs
__scs_entry_jumppad:
0x0: {  	(pc) =	sbr.rel $0x88, $3  }
0x1: {  	(tag) =	ssettag $0x0;
	lr =	simm.s32 $0x1  }
0x2: {  	[smem:$0x3F9B] =	sst lr;
	_ =	strace $0xD0000000  }
0x3: {  	_ = 	snop  }
0x4: {  	_ = 	snop  }
0x5: {  	_ = 	snop  }
0x6: {  	_ = 	snop  }
0x7: {  	_ = 	snop  }
__scs_overlays_trampoline_lowered:
0x8: {  	[smem:$0x3FAA] =	sst s0  }
0x9: {  	[smem:$0x3FAB] =	sst s1  }
0xa: {  	[smem:$0x3FAC] =	sst s2  }
0xb: {  	[smem:$0x3FAD] =	sst s3  }
0xc: {  	[smem:$0x3FAE] =	sst s4  }
0xd: {  	[smem:$0x3FAF] =	sst s5  }
0xe: {  	[smem:$0x3FB0] =	sst s6  }
0xf: {  	[smem:$0x3FB1] =	sst s7  }
0x10: {  	[smem:$0x3FB2] =	sst s8  }
0x11: {  	[smem:$0x3FB3] =	sst s9;
	s0 =	simm.s32 @!p0 $0x0  }
0x12: {  	s1 =	sld [smem:$0x3F99];
	s0 =	simm.s32 @p0 $0x1  }
0x13: {  	[smem:$0x3FB4] =	sst s0;
	s0 =	simm.s32 @!p1 $0x0  }
0x14: {  	s2 =	sld [smem:$0x3F98];
	s0 =	simm.s32 @p1 $0x1  }
0x15: {  	[smem:$0x3FB5] =	sst s0;
	s0 =	simm.s32 @!p2 $0x0  }
0x16: {  	s3 =	sld [smem:$0x3FDB];
	s0 =	simm.s32 @p2 $0x1  }
0x17: {  	s4 =	simm.s32 $0x1BF5;
	[smem:$0x3FB7] =	sst s0  }
0x18: {  	s0 =	sld [smem:$0x3F9A];
	_ =	swait.ge [sflag:s4], $0x0  }
0x19: {  	s7 =	sld [smem:$0x3F9B]  }
0x1a: {  	s8 =	sadd.s32 $0xFFFFE003, lr  }
0x1b: {  	s9 =	sadd.s32 $0xFFFFFEF7, lr;
	s5 =	simm.s32 $0xFFFFFFFF;
	p2 =	slt.u32 s8, $0xFFFFF086  }
0x1c: {  	p1 =	slt.u32 s9, $0xF7A;
	s5 =	simm.s32 @!p2 $0x0  }
0x1d: {  	s5 =	simm.s32 @p1 $0x1;
	p0 =	seq.s32 s7, s2  }
0x1e: {  	s7 =	smul.u32 @!p0 $0xF7A, s2;
	p2 =	seq.s32 @!p0 s5, $0x0  }
0x1f: {  	s9 =	smul.u32 $0xF7A, s1;
	s8 =	simm.s32 @!p0 $0x1BF5;
	p2 =	por !p2, p0  }
0x20: {  	[sflag:s8] =	ssyncset.s32 @!p0 $0xFFFFF086;
	s6 =	sadd.s32 @!p0 s3, s7;
	s7 =	simm.s32 @!p0 $0x108  }
0x21: {  	s3 =	sadd.s32 s3, s9;
	s6 =	sadd.s32 @!p0 $0x88, s6;
	s7 =	simm.s32 @p2 $0x1082  }
0x22: {  	[simem:s7], [sflag:s8] =	dma.local @!p0 [hbm:s6], $0xF7A  }
0x23: {  	s9 =	sor.u32 $0xD0000000, s2;
	s6 =	simm.s32 $0x108;
	_ =	swait.ge @!p0 [sflag:s8], $0x0  }
0x24: {  	s3 =	sadd.s32 $0x88, s3;
	s6 =	simm.s32 @!p1 $0x1082;
	[sflag:s4] =	ssyncset.s32 $0xFFFFF086  }
0x25: {  	[simem:s6], [sflag:s4] =	dma.local [hbm:s3], $0xF7A  }
0x26: {  	[smem:$0x3F9B] =	sst s1;
	(tag) =	ssettag s2;
	_ =	strace s9  }
0x27: {  	s1 =	sld [smem:$0x3FAB]  }
0x28: {  	s2 =	sld [smem:$0x3FAC]  }
0x29: {  	s4 =	sld [smem:$0x3FAE]  }
0x2a: {  	p0 =	seq.s32 s5, $0x0;
	s5 =	sld [smem:$0x3FAF]  }
0x2b: {  	s6 =	sld [smem:$0x3FB0]  }
0x2c: {  	s7 =	sld [smem:$0x3FB1]  }
0x2d: {  	s3 =	simm.s32 $0x108;
	s8 =	sld [smem:$0x3FB2]  }
0x2e: {  	s3 =	simm.s32 @!p0 $0x1082;
	s9 =	sld [smem:$0x3FB3]  }
0x2f: {  	lr =	sadd.s32 s0, s3;
	s0 =	sld [smem:$0x3FAA]  }
0x30: {  	s3 =	sld [smem:$0x3FAD]  }
0x31: {  	[smem:$0x3FB6] =	sst s10  }
0x32: {  	s10 =	sld [smem:$0x3FB4];
	_ =	sdelay $0x3  }
0x33: {  	p0 =	seq.s32 s10, $0x1;
	s10 =	sld [smem:$0x3FB6];
	_ =	sdelay $0x3  }
0x34: {  	[smem:$0x3FB6] =	sst s10  }
0x35: {  	s10 =	sld [smem:$0x3FB5];
	_ =	sdelay $0x3  }
0x36: {  	p1 =	seq.s32 s10, $0x1;
	s10 =	sld [smem:$0x3FB6];
	_ =	sdelay $0x3  }
0x37: {  	[smem:$0x3FB6] =	sst s10  }
0x38: {  	s10 =	sld [smem:$0x3FB7]  }
0x39: {  	_ = 	snop;
	(pc) =	sbr.ind lr, $3  }
0x3a: {  	_ = 	snop  }
0x3b: {  	_ = 	snop  }
0x3c: {  	p2 =	seq.s32 s10, $0x1;
	s10 =	sld [smem:$0x3FB6]  }
0x3d: {  	_ =	shalt  }
0x3e: {  	_ =	shalt  }
0x3f: {  	_ =	shalt  }
0x40: {  	_ =	shalt  }
0x41: {  	_ =	shalt  }
0x42: {  	_ =	shalt  }
0x43: {  	_ =	shalt  }
0x44: {  	_ =	shalt  }
0x45: {  	_ =	shalt  }
0x46: {  	_ =	shalt  }
0x47: {  	_ =	shalt  }
0x48: {  	_ =	shalt  }
0x49: {  	_ =	shalt  }
0x4a: {  	_ =	shalt  }
0x4b: {  	_ =	shalt  }
0x4c: {  	_ =	shalt  }
0x4d: {  	_ =	shalt  }
0x4e: {  	_ =	shalt  }
0x4f: {  	_ =	shalt  }
0x50: {  	_ =	shalt  }
0x51: {  	_ =	shalt  }
0x52: {  	_ =	shalt  }
0x53: {  	_ =	shalt  }
0x54: {  	_ =	shalt  }
0x55: {  	_ =	shalt  }
0x56: {  	_ =	shalt  }
0x57: {  	_ =	shalt  }
0x58: {  	_ =	shalt  }
0x59: {  	_ =	shalt  }
0x5a: {  	_ =	shalt  }
0x5b: {  	_ =	shalt  }
0x5c: {  	_ =	shalt  }
0x5d: {  	_ =	shalt  }
0x5e: {  	_ =	shalt  }
0x5f: {  	_ =	shalt  }
0x60: {  	_ =	shalt  }
0x61: {  	_ =	shalt  }
0x62: {  	_ =	shalt  }
0x63: {  	_ =	shalt  }
0x64: {  	_ =	shalt  }
0x65: {  	_ =	shalt  }
0x66: {  	_ =	shalt  }
0x67: {  	_ =	shalt  }
0x68: {  	_ =	shalt  }
0x69: {  	_ =	shalt  }
0x6a: {  	_ =	shalt  }
0x6b: {  	_ =	shalt  }
0x6c: {  	_ =	shalt  }
0x6d: {  	_ =	shalt  }
0x6e: {  	_ =	shalt  }
0x6f: {  	_ =	shalt  }
0x70: {  	_ =	shalt  }
0x71: {  	_ =	shalt  }
0x72: {  	_ =	shalt  }
0x73: {  	_ =	shalt  }
0x74: {  	_ =	shalt  }
0x75: {  	_ =	shalt  }
0x76: {  	_ =	shalt  }
0x77: {  	_ =	shalt  }
0x78: {  	_ =	shalt  }
0x79: {  	_ =	shalt  }
0x7a: {  	_ =	shalt  }
0x7b: {  	_ =	shalt  }
0x7c: {  	_ =	shalt  }
0x7d: {  	_ =	shalt  }
0x7e: {  	_ =	shalt  }
0x7f: {  	_ =	shalt  }
0x80: {  	_ =	shalt  }
0x81: {  	_ =	shalt  }
0x82: {  	_ =	shalt  }
0x83: {  	_ =	shalt  }
0x84: {  	_ =	shalt  }
0x85: {  	_ =	shalt  }
0x86: {  	_ =	shalt  }
0x87: {  	_ =	shalt  }
.Lfunc_end0:
.L_simem_size_0:
called_computation_lowered:
.L_overlay_start_0:
0x88: {  	s2 =	sld [smem:$0x3FD9]  }
0x89: {  	s3 =	sld [smem:$0x3FFE];
	_ =	sdelay $0x1  }
0x8a: {  	s1 =	srdreg.scid  }
0x8b: {  	s0 =	sand.u32 $0x1, s1  }
0x8c: {  	s16 =	sshll.u32 s0, $0xA;
	s2 =	sadd.s32 s3, s2  }
0x8d: {  	s2 =	sadd.s32 s2, s16  }
0x8e: {  	[smem:$0x3FC2] =	sst s2  }
0x8f: {  	_ = 	snop  }
0x90: {  	(tm) =	ssettm $0x1  }
0x91: {  	s17 =	sld [smem:$0x3FFB];
	_ =	sdelay $0x3  }
0x92: {  	_ =	strace s17  }
0x93: {  	s2 =	sld [smem:$0x3FFC];
	_ =	sdelay $0x3  }
0x94: {  	_ =	strace s2  }
0x95: {  	s2 =	sld [smem:$0x3FFD];
	_ =	sdelay $0x3  }
0x96: {  	_ =	strace s2  }
0x97: {  	_ =	strace $0x8FFFFFFF  }
0x98: {  	s18 =	sld [smem:$0x3FDB];
	_ =	sdelay $0x1  }
0x99: {  	s19 =	simm.s32 $_scs_section_size  }
0x9a: {  	s4 =	simm.s32 $_size__tile_overlayer_lowered;
	s5 =	simm.s32 $_tile_overlayer_lowered  }
0x9b: {  	s22 =	simm.s32 $0x1BFF;
	s21 =	sshll.u32 s5, $0x1;
	s2 =	sadd.s32 s19, s18  }
0x9c: {  	s6 =	simm.s32 $0x0;
	s20 =	sshll.u32 s4, $0x1;
	s4 =	sadd.s32 s21, s2  }
0x9d: {  	[timem:s6], [sflag:s22] =	dma.local [hbm:s4], s20  }
0x9e: {  	_ =	swait.ge [sflag:s22], s20  }
0x9f: {  	s3 =	ssub.s32 $0x0, s20;
	[sflag:s22] =	ssyncset.done $0x0  }
0xa0: {  	[sflag:s22] =	ssyncadd.s32 s3;
	_ =	sdelay $0x1  }
0xa1: {  	s23 =	simm.s32 $0x1B8B  }
0xa2: {  	_ =	swait.ge [sflag:s23], $0x1  }
0xa3: {  	[sflag:s23] =	ssyncset.done $0x0  }
0xa4: {  	s25 =	simm.s32 $0x1B8E;
	s24 =	sld [smem:$0x3FFE];
	[sflag:s23] =	ssyncadd.s32 $0xFFFFFFFF  }
0xa5: {  	s26 =	simm.s32 $execute0_lowered;
	[smem:$0x3FD2] =	sst s25  }
0xa6: {  	s4 =	sshll.u32 s26, $0x1;
	_ =	strace $0x80000046;
	[dreg:$0x1] =	wrdreg $0xFFFFFFFF  }
0xa7: {  	s28 =	simm.s32 $_size_execute0_lowered;
	s2 =	sadd.s32 s2, s4;
	[dreg:$0x0] =	wrdreg $0x0  }
0xa8: {  	s4 =	sshll.u32 s28, $0x1;
	[dreg:$0x2] =	wrdreg s2  }
0xa9: {  	[dreg:$0x3] =	wrdreg s4  }
0xaa: {  	[dreg:$0x4] =	wrdreg $0xC0  }
0xab: {  	_ =	task [dreg:s6], $0x5FFFF  }
0xac: {  	[dreg:$0x1] =	wrdreg $0xFFFFFFFF  }
0xad: {  	[dreg:$0x0] =	wrdreg $0x60  }
0xae: {  	[dreg:$0x2] =	wrdreg s24  }
0xaf: {  	[dreg:$0x3] =	wrdreg $0x0  }
0xb0: {  	[dreg:$0x4] =	wrdreg $0x9  }
0xb1: {  	_ =	task.clear_ibuf [dreg:s6], $0x5FFFF;
	_ =	strace $0x90000046  }
0xb2: {  	s29 =	simm.s32 $0x9;
	_ =	strace $0x80000048  }
0xb3: {  	_ =	swait.ge [sflag:s29], $0x1  }
0xb4: {  	[sflag:s29] =	ssyncadd.s32 $0xFFFFFFFF  }
0xb5: {  	_ =	strace $0x90000048  }
0xb6: {  	_ =	sfence  }
0xb7: {  	s30 =	sld [smem:$0x0];
	_ =	sdelay $0x2  }
0xb8: {  	s31 =	sshll.u32 s1, $0xD;
	s1 =	sshrl.u32 s1, $0x2  }
0xb9: {  	s3 =	sand.u32 $0x4000, s31;
	s1 =	sadd.s32 s1, s30  }
0xba: {  	s0 =	sor.u32 s3, s0;
	s1 =	sshll.u32 s1, $0x11  }
0xbb: {  	s0 =	sor.u32 s1, s0  }
0xbc: {  	s0 =	sadd.s32 $0x8F2B, s0  }
0xbd: {  	[sflag:s0] =	ssyncadd.remote.s32 $0x1  }
0xbe: {  	_ =	sfence.sel $0xFFFF  }
0xbf: {  	[dreg:$0x0] =	wrdreg $0xFFFFFFFF;
	(pc) =	sbr.abs _section_cstart, $3  }
0xc0: {  	[dreg:$0x1] =	wrdreg $0xFFFFFFFF  }
0xc1: {  	_ =	task.clear_ibuf [dreg:s6], $0x2FFFF;
	_ =	strace $0x9FFFFFFF  }
0xc2: {  	(tm) =	ssettm $0x7FFFFFFF  }
0xc3: {  	_ =	shalt  }
tec
execute0_lowered:
.L_overlay_start_1:
0x0: {  	(tag) =	ssettag $0x1  }
0x1: {  	s5 =	rddreg [dreg:$0x0]  }
0x2: {  	s0 =	srdreg.scid;
	s2 =	rddreg [dreg:$0x1];
	s3 =	simm.s32 $0x0  }
0x3: {  	s11 =	simm.s32 $0x278;
	s12 =	simm.s32 $0x80;
	s13 =	simm.s32 $0x1678  }
0x4: {  	s14 =	simm.s32 $0x0;
	s4 =	sand.u32 $0x1, s0;
	s0 =	stileid.u32  }
0x5: {  	[smem:$0x7FF] =	sst s3;
	s1 =	sshll.u32 s4, $0x4;
	s7 =	smul.u32 $0x278, s0  }
0x6: {  	s8 =	smul.u32 $0x2780, s4;
	s4 =	ssub.s32 $0x2, s4;
	s1 =	sor.u32 s0, s1  }
0x7: {  	s31 =	sshrl.u32 s4, $0x1;
	s6 =	smul.u32 $0x280, s1;
	s1 =	rddreg [dreg:$0x2]  }
0x8: {  	_ =	strace $0x80000047;
	s8 =	sadd.s32 s7, s8;
	s9 =	sshrl.u32 s7, $0x3  }
0x9: {  	s10 =	ssub.s32 s4, s31;
	s8 =	sshrl.u32 s8, $0x3;
	s9 =	sadd.s32 s9, s5  }
0xa: {  	s6 =	sadd.s32 s6, s5;
	s8 =	sadd.s32 s8, s5;
	s4 =	sadd.s32 $0x6E00, s9  }
0xb: {  	s5 =	sadd.s32 s7, s2;
	s9 =	simm.s32 $0x16F8;
	s6 =	sadd.s32 $0x1E00, s6  }
0xc: {  	v0 =	vimm.f32 $1.000000000e+00;
	s7 =	sadd.s32 $0x7400, s8;
	s8 =	smax.u32 s10, $0x1;
	s10 =	simm.s32 $0x1  }
.LBB2_1:
0xd: {  	[tilespmem:s9], [sflag:$0x1] =	stream.linear.gather [hbm4b:s4+s3], $0x278, $0x38;
	[tilespmem:$0x1978] =	vst v63  }
0xe: {  	_ =	swait.ge [sflag:s10], $0x278  }
0xf: {  	[sflag:s10] =	ssyncset.done $0x0  }
0x10: {  	[sflag:s10] =	ssyncadd.s32 $0xFFFFFD88  }
0x11: {  	[spmem:s5] =	stream.linear.scatter [tilespmem:s9], [sflag:$0x1], $0x278, $0x38;
	[tilespmem:$0x1978] =	vst v63  }
0x12: {  	_ =	swait.ge [sflag:s10], $0x278  }
0x13: {  	[sflag:s10] =	ssyncset.done $0x0  }
0x14: {  	[sflag:s10] =	ssyncadd.s32 $0xFFFFFD88  }
0x15: {  	[tilespmem:$0x1678] =	vst v0  }
0x16: {  	[tilespmem:$0x1688] =	vst v0  }
0x17: {  	[tilespmem:$0x1698] =	vst v0  }
0x18: {  	[tilespmem:$0x16A8] =	vst v0  }
0x19: {  	[tilespmem:$0x16B8] =	vst v0  }
0x1a: {  	[tilespmem:$0x16C8] =	vst v0  }
0x1b: {  	[tilespmem:$0x16D8] =	vst v0  }
0x1c: {  	[tilespmem:$0x16E8] =	vst v0  }
0x1d: {  	[tilespmem:s11], [sflag:$0x1] =	stream.linear.gather [hbm4b:s6+s3], $0x1400, $0x38;
	[tilespmem:$0x1978] =	vst v63  }
0x1e: {  	_ =	swait.ge [sflag:s10], $0x1400  }
0x1f: {  	[sflag:s10] =	ssyncset.done $0x0  }
0x20: {  	[sflag:s10] =	ssyncadd.s32 $0xFFFFEC00  }
0x21: {  	s15 =	simm.s32 $0x278;
	[bflag:$0x0] =	sbarrier.arrive $0xFFFF  }
0x22: {  	[spmem:s2] =	stream.indirect.scatter.add.f32 [tilespmem:s13], [sflag:$0x1], $0x1, s15, s12, $0xb8;
	[tilespmem:$0x1978] =	vst v63  }
0x23: {  	s15 =	simm.s32 $0x200;
	_ =	swait.ge [sflag:s10], $0x80  }
.LBB2_2:
0x24: {  	s16 =	sshra.s32 s15, $0x2;
	[sflag:s10] =	ssyncset.done $0x0;
	p0 =	sne.s32 s15, $0x4E00  }
.Ltmp0:
0x25: {  	s16 =	sadd.s32 $0x278, s16;
	[sflag:s10] =	ssyncadd.s32 $0xFFFFFF80;
	(pc) =	sbr.rel @p0 .LBB2_2-.Ltmp0, $3  }
0x26: {  	[spmem:s2] =	stream.indirect.scatter.add.f32 [tilespmem:s13], [sflag:$0x1], $0x1, s16, s12, $0xb8;
	[tilespmem:$0x1978] =	vst v63  }
0x27: {  	s15 =	sadd.s32 $0x200, s15;
	_ =	sdelay $0x1  }
0x28: {  	_ =	swait.ge [sflag:s10], $0x80  }
0x29: {  	[sflag:s10] =	ssyncset.done $0x0  }
0x2a: {  	[sflag:s10] =	ssyncadd.s32 $0xFFFFFF80  }
0x2b: {  	[bflag:$0x0] =	sbarrier.arrive $0xFFFF  }
0x2c: {  	[tilespmem:s9], [sflag:$0x1] =	stream.linear.gather [spmem:s5], $0x278, $0x38;
	[tilespmem:$0x1978] =	vst v63  }
0x2d: {  	s14 =	sadd.s32 $0x1, s14;
	_ =	swait.ge [sflag:s10], $0x278  }
0x2e: {  	p0 =	sne.s32 s14, s8;
	[sflag:s10] =	ssyncset.done $0x0  }
.Ltmp1:
0x2f: {  	[sflag:s10] =	ssyncadd.s32 $0xFFFFFD88;
	(pc) =	sbr.rel @p0 .LBB2_1-.Ltmp1, $4  }
0x30: {  	[hbm4b:s7+s3] =	stream.linear.scatter [tilespmem:s9], [sflag:$0x1], $0x278, $0x38;
	[tilespmem:$0x1978] =	vst v63  }
0x31: {  	_ =	swait.ge [sflag:s10], $0x278  }
0x32: {  	[sflag:s10] =	ssyncset.done $0x0  }
0x33: {  	[sflag:s10] =	ssyncadd.s32 $0xFFFFFD88  }
0x34: {  	_ =	sfence.sel $0x180000  }
0x35: {  	[bflag:$0x0] =	sbarrier.arrive $0xFFFF  }
0x36: {  	p0 =	sne.s32 s0, $0x0;
	_ =	strace $0x90000047  }
0x37: {  	s0 =	sadd.s32 @!p0 $0x100000, s1;
	[bflag:$0x2] =	sbarrier.arrive $0xFFFF  }
0x38: {  	[sflag:s0] =	ssyncadd.tile.s32 @!p0 $0x1;
	_ =	shalt  }
.Lfunc_end2:
_tile_overlayer_lowered:
.L_overlay_start_2:
0x39: {  	(tag) =	ssettag $0x2  }
0x3a: {  	s0 =	rddreg [dreg:$0x0];
	s2 =	stileid.u32  }
0x3b: {  	s1 =	rddreg [dreg:$0x1];
	p0 =	sne.s32 s2, $0x0  }
0x3c: {  	s3 =	rddreg [dreg:$0x2];
	[bflag:$0x3] =	sbarrier.arrive $0xFFFF;
	s2 =	simm.s32 @!p0 $0x1C01  }
0x3d: {  	[timem:s3], [sflag:s2] =	dma.local @!p0 [hbm:s0], s1  }
0x3e: {  	s0 =	simm.s32 @!p0 $0x1  }
0x3f: {  	_ =	swait.ge @!p0 [sflag:s0], s1  }
0x40: {  	s1 =	ssub.s32 @!p0 $0x0, s1;
	[sflag:s0] =	ssyncset.done @!p0 $0x0  }
0x41: {  	[sflag:s0] =	ssyncadd.s32 @!p0 s1  }
0x42: {  	[bflag:$0x3] =	sbarrier.arrive $0xFFFF  }
0x43: {  	_ =	shalt  }

</sc_bundles>
